<compile_context>
chip_gen: v7x
topology: tpu7x:2x2x1
jax: 0.10.2.dev20260603
libtpu: 0.0.44.dev20260713+nightly
codegen_flags: <defaults>
</compile_context>

<pallas_src>
import dataclasses
import functools

import jax
import jax.numpy as jnp
from jax import lax
from jax.experimental import pallas as pl
from jax.experimental.pallas import tpu as pltpu
from jax.experimental.pallas import tpu_sc as plsc

NC = 2
NS = 16
NW = NC * NS
LANES = 16
CHUNK = 128
SCH = 64
RING = 4
PAD_ROWS = 16


def _mesh():
    return plsc.VectorSubcoreMesh(core_axis_name="c", subcore_axis_name="s")


def _sc_compiler_params():
    cp = pltpu.CompilerParams()
    if "needs_layout_passes" in pltpu.CompilerParams.__dataclass_fields__:
        cp = dataclasses.replace(cp, needs_layout_passes=False)
    return cp


def _make_deg_kernel(NP, T):
    q, r = divmod(T, NW)
    NPH = NP // 2
    G = 13
    ngroups, grem = divmod(q, G)

    @functools.partial(
        pl.kernel,
        out_type=jax.ShapeDtypeStruct((NW * NP,), jnp.float32),
        mesh=_mesh(),
        scratch_types=[
            pltpu.VMEM((G, 2, CHUNK), jnp.int32),
            pltpu.VMEM((NPH,), jnp.float32),
        ],
        compiler_params=_sc_compiler_params(),
    )
    def deg_kernel(sdx_hbm, out_hbm, stg_v, hist_v):
        cid = lax.axis_index("c")
        sid = lax.axis_index("s")
        wid = sid * NC + cid
        base = q * wid + jnp.minimum(wid, r)
        ones = jnp.full((LANES,), 1.0, jnp.float32)

        def count_row(j, lo):
            for k in range(CHUNK // LANES):
                idx = stg_v[j, 1, pl.ds(k * LANES, LANES)]
                sh = idx - lo
                m = (sh >= 0) & (sh < NPH)
                plsc.addupdate_scatter(hist_v, [sh], ones, mask=m)

        for p in range(2):
            lo = p * NPH

            @pl.loop(0, NPH // LANES)
            def _(i):
                hist_v[pl.ds(i * LANES, LANES)] = jnp.zeros((LANES,),
                                                            jnp.float32)

            for g in range(ngroups):
                pltpu.sync_copy(sdx_hbm.at[pl.ds(base + g * G, G)], stg_v)

                @pl.loop(0, G)
                def _(j):
                    count_row(j, lo)

            if grem:
                pltpu.sync_copy(sdx_hbm.at[pl.ds(base + ngroups * G, grem)],
                                stg_v.at[pl.ds(0, grem)])

                @pl.loop(0, grem)
                def _(j):
                    count_row(j, lo)

            if r:
                @pl.when(wid < r)
                def _():
                    pltpu.sync_copy(sdx_hbm.at[pl.ds(base + q, 1)],
                                    stg_v.at[pl.ds(0, 1)])
                    count_row(0, lo)

            pltpu.sync_copy(hist_v, out_hbm.at[pl.ds(wid * NP + lo, NPH)])

    return deg_kernel


def _make_scatter_kernel(NP, T, D):
    nz = NP // NS
    q, r = divmod(T, NW)
    assert q % 2 == 0 and q >= 4

    NCH = 2 * q

    @functools.partial(
        pl.kernel,
        out_type=jax.ShapeDtypeStruct((NC, NP, D), jnp.float32),
        mesh=_mesh(),
        scratch_types=[
            pltpu.VMEM((2 * RING, SCH), jnp.int32),
            pltpu.VMEM((SCH, D), jnp.float32),
            pltpu.VMEM((SCH, D), jnp.float32),
            pltpu.VMEM((SCH, D), jnp.float32),
            pltpu.VMEM((SCH, D), jnp.float32),
            pltpu.VMEM_SHARED((NP, D), jnp.float32),
        ] + [pltpu.SemaphoreType.DMA] * 8,
    )
    def scat_kernel(h_hbm, sdx_hbm, zeros_hbm, out_hbm,
                    idx_v, rows0, rows1, rows2, rows3, acc_sh,
                    g0, g1, g2, g3, s0, s1, s2, s3):
        cid = lax.axis_index("c")
        sid = lax.axis_index("s")
        wid = sid * NC + cid
        ld = tuple(idx_v.at[pl.ds(2 * b, 2)] for b in range(4))
        srci = tuple(idx_v.at[2 * b] for b in range(4))
        dsti = tuple(idx_v.at[2 * b + 1] for b in range(4))
        rows = (rows0, rows1, rows2, rows3)
        gsem = (g0, g1, g2, g3)
        ssem = (s0, s1, s2, s3)
        base = NCH * wid + 2 * jnp.minimum(wid, r)

        def load_gather(cc, b):
            pltpu.sync_copy(sdx_hbm.at[base + cc], ld[b])
            pltpu.async_copy(h_hbm.at[srci[b]], rows[b], gsem[b])

        def wait_gather_scatter(cc, b):
            pltpu.make_async_copy(h_hbm.at[srci[b]], rows[b], gsem[b]).wait()
            pltpu.async_copy(rows[b], acc_sh.at[dsti[b]], ssem[b], add=True)

        def wait_scatter(b):
            pltpu.make_async_copy(rows[b], acc_sh.at[dsti[b]], ssem[b]).wait()

        for b in range(2):
            load_gather(b, b)

        pltpu.sync_copy(zeros_hbm.at[pl.ds(sid * nz, nz)],
                        acc_sh.at[pl.ds(sid * nz, nz)])
        plsc.subcore_barrier()

        for cc in range(2):
            load_gather(cc + 2, cc + 2)
            wait_gather_scatter(cc, cc)

        @pl.loop(0, (NCH - 4) // 4)
        def _(i):
            c = 2 + i * 4
            for db in range(4):
                cc = c + db
                b = (2 + db) % 4
                bL = db
                wait_scatter(bL)
                load_gather(cc + 2, bL)
                wait_gather_scatter(cc, b)

        for db in range(2):
            wait_gather_scatter(NCH - 2 + db, 2 + db)
        for b in range(4):
            wait_scatter(b)

        if r:
            @pl.when(wid < r)
            def _():
                for b in range(2):
                    pltpu.sync_copy(sdx_hbm.at[base + NCH + b], ld[b])
                    pltpu.async_copy(h_hbm.at[srci[b]], rows[b],
                                     gsem[b]).wait()
                    pltpu.sync_copy(rows[b], acc_sh.at[dsti[b]], add=True)

        plsc.subcore_barrier()
        pltpu.sync_copy(acc_sh.at[pl.ds(sid * nz, nz)],
                        out_hbm.at[cid, pl.ds(sid * nz, nz)])

    return scat_kernel


def _matmul(x, W):
    NP, D = x.shape
    B = NP // 8

    def body(x_ref, w_ref, o_ref):
        o_ref[...] = jnp.dot(x_ref[...], w_ref[...],
                             preferred_element_type=jnp.float32)

    return pl.pallas_call(
        body,
        grid=(8,),
        in_specs=[pl.BlockSpec((B, D), lambda i: (i, 0)),
                  pl.BlockSpec((D, D), lambda i: (0, 0))],
        out_specs=pl.BlockSpec((B, D), lambda i: (i, 0)),
        out_shape=jax.ShapeDtypeStruct((NP, D), jnp.float32),
    )(x, W)


def _prep(degf, g1):
    NTILES, NPL, _ = degf.shape
    NP, D = g1.shape
    B = NP // 10
    BL = NPL // 10

    def body(d_ref, g_ref, di_ref, h_ref):
        d = jnp.sum(d_ref[...], axis=0)
        di = lax.rsqrt(d + 1.0)
        dit = di.T
        dib = jnp.concatenate(
            [jnp.broadcast_to(dit[:, a:a + 1], (128, D)) for a in range(BL)],
            axis=0)
        di_ref[...] = dib
        h_ref[...] = dib * g_ref[...]

    return pl.pallas_call(
        body,
        grid=(10,),
        in_specs=[pl.BlockSpec((NTILES, BL, 128), lambda i: (0, i, 0)),
                  pl.BlockSpec((B, D), lambda i: (i, 0))],
        out_specs=[pl.BlockSpec((B, D), lambda i: (i, 0)),
                   pl.BlockSpec((B, D), lambda i: (i, 0))],
        out_shape=[jax.ShapeDtypeStruct((NP, D), jnp.float32),
                   jax.ShapeDtypeStruct((NP, D), jnp.float32)],
    )(degf, g1)


def _mid(y, ht, dinvb, b, W):
    _, NP, D = y.shape
    B = NP // 8

    def body(y_ref, h_ref, di_ref, b_ref, w_ref, o_ref):
        s = y_ref[0] + y_ref[1] + h_ref[...]
        z = jnp.maximum(di_ref[...] * s + b_ref[...], 0.0)
        o_ref[...] = di_ref[...] * jnp.dot(z, w_ref[...],
                                           preferred_element_type=jnp.float32)

    return pl.pallas_call(
        body,
        grid=(8,),
        in_specs=[pl.BlockSpec((2, B, D), lambda i: (0, i, 0)),
                  pl.BlockSpec((B, D), lambda i: (i, 0)),
                  pl.BlockSpec((B, D), lambda i: (i, 0)),
                  pl.BlockSpec((1, D), lambda i: (0, 0)),
                  pl.BlockSpec((D, D), lambda i: (0, 0))],
        out_specs=pl.BlockSpec((B, D), lambda i: (i, 0)),
        out_shape=jax.ShapeDtypeStruct((NP, D), jnp.float32),
    )(y, ht, dinvb, b, W)


def _final(y, ht, dinvb, b, N):
    _, NP, D = y.shape
    B = N // 10

    def body(y_ref, h_ref, di_ref, b_ref, o_ref):
        s = y_ref[0] + y_ref[1] + h_ref[...]
        o_ref[...] = di_ref[...] * s + b_ref[...]

    return pl.pallas_call(
        body,
        grid=(10,),
        in_specs=[pl.BlockSpec((2, B, D), lambda i: (0, i, 0)),
                  pl.BlockSpec((B, D), lambda i: (i, 0)),
                  pl.BlockSpec((B, D), lambda i: (i, 0)),
                  pl.BlockSpec((1, D), lambda i: (0, 0))],
        out_specs=pl.BlockSpec((B, D), lambda i: (i, 0)),
        out_shape=jax.ShapeDtypeStruct((N, D), jnp.float32),
    )(y, ht, dinvb, b)


def kernel(x, edge_index, W1, b1, W2, b2):
    N, D = x.shape
    E = edge_index.shape[1]
    NP = -(-(N + PAD_ROWS) // 1024) * 1024
    T = E // CHUNK

    ei = edge_index.astype(jnp.int32)
    sdx = ei.reshape(2, T, CHUNK).transpose(1, 0, 2)
    sdx64 = (sdx.reshape(T, 2, 2, SCH).transpose(0, 2, 1, 3)
             .reshape(2 * T, 2, SCH))

    xp = jnp.pad(x, ((0, NP - N), (0, 0)))
    zeros2 = jnp.zeros((NP, D), jnp.float32)

    deg_k = _make_deg_kernel(NP, T)
    scat_k = _make_scatter_kernel(NP, T, D)

    degf = deg_k(sdx).reshape(NW, NP // 128, 128)
    g1 = _matmul(xp, W1)
    dinvb, h1t = _prep(degf, g1)
    y1 = scat_k(h1t, sdx64, zeros2)
    h2t = _mid(y1, h1t, dinvb, b1.reshape(1, D), W2)
    y2 = scat_k(h2t, sdx64, zeros2)
    return _final(y2, h2t, dinvb, b2.reshape(1, D), N)

# --- scband reference (transcript-rebuilt; emitter-appended) ---
"""Pipeline reference for scband-gcn-37477884625100 (READ-ONLY COPY).

The authoritative reference and input builder live on the scoring server;
editing this copy changes nothing except your own understanding.
"""

import jax, jax.numpy as jnp
import numpy as np

N_NODES = 10000
N_EDGES = 320000
D = 128


def gcn_conv(x, edge_index, W, b):
    n = x.shape[0]
    src = edge_index[0]
    dst = edge_index[1]
    # add self loops
    loop = jnp.arange(n, dtype=edge_index.dtype)
    src = jnp.concatenate([src, loop])
    dst = jnp.concatenate([dst, loop])
    # symmetric normalization deg^{-1/2} A deg^{-1/2} (edge weights = 1)
    deg = jnp.zeros((n,), dtype=x.dtype).at[dst].add(1.0)
    deg_inv_sqrt = jnp.where(deg > 0, jax.lax.rsqrt(jnp.maximum(deg, 1e-12)), 0.0)
    norm = deg_inv_sqrt[src] * deg_inv_sqrt[dst]
    h = x @ W
    msg = h[src] * norm[:, None]
    out = jnp.zeros((n, W.shape[1]), dtype=x.dtype).at[dst].add(msg)
    return out + b


def setup_inputs(seed: int = 0) -> dict:
    key = jax.random.key(seed)
    k1, k2, k3, k4, k5, k6 = jax.random.split(key, 6)
    x = jax.random.normal(k1, (N_NODES, D), dtype=jnp.float32)
    edge_index = jax.random.randint(k2, (2, N_EDGES), 0, N_NODES, dtype=jnp.int64)
    s = 1.0 / np.sqrt(D)
    W1 = jax.random.uniform(k3, (D, D), dtype=jnp.float32, minval=-s, maxval=s)
    b1 = jax.random.uniform(k4, (D,), dtype=jnp.float32, minval=-s, maxval=s)
    W2 = jax.random.uniform(k5, (D, D), dtype=jnp.float32, minval=-s, maxval=s)
    b2 = jax.random.uniform(k6, (D,), dtype=jnp.float32, minval=-s, maxval=s)
    return {"x": x, "edge_index": edge_index, "W1": W1, "b1": b1, "W2": W2, "b2": b2}


def reference(x, edge_index, W1, b1, W2, b2):
    # GCN forward (n_layers=2, input_layer=False, output_layer=False,
    # no norm, act=F.relu, dropout=0.0 / eval mode):
    # conv1 -> relu -> conv2 (final conv is the projection)
    h = gcn_conv(x, edge_index, W1, b1)
    h = jax.nn.relu(h)
    out = gcn_conv(h, edge_index, W2, b2)
    return out

if __name__ == "__main__":
    import jax
    _d = setup_inputs()
    print(jax.jit(kernel)(*tuple(_d.values())))

</pallas_src>

<mosaic_0001>
#map = affine_map<(d0, d1) -> (0, 0, 0)>
#map1 = affine_map<(d0, d1) -> (0)>
module attributes {stable_mosaic.version = 14 : i64} {
  func.func @deg_kernel(%arg0: i32, %arg1: i32, %arg2: memref<2500x2x128xi32, #tpu.memory_space<hbm>>, %arg3: memref<327680xf32, #tpu.memory_space<hbm>>, %arg4: memref<13x2x128xi32, #tpu.memory_space<vmem>>, %arg5: memref<5120xf32, #tpu.memory_space<vmem>>) attributes {dimension_semantics = [#tpu.dimension_semantics<core_parallel>, #tpu.dimension_semantics<subcore_parallel>], iteration_bounds = array<i64: 2, 16>, scalar_prefetch = 0 : i64, scratch_operands = 2 : i64, tpu.core_type = #tpu.core_type<sc_vector_subcore>, window_params = [{transform_indices = #map}, {transform_indices = #map1}]} {
    %mul3A = arith.constant 2 : i32
    %mul3A_0 = arith.muli %arg1, %mul3A : i32
    %add3A = arith.addi %mul3A_0, %arg0 : i32
    %mul3A_1 = arith.constant 78 : i32
    %mul3A_2 = arith.muli %mul3A_1, %add3A : i32
    %min3A = arith.constant 4 : i32
    %min3A_3 = arith.minsi %add3A, %min3A : i32
    %add3A_4 = arith.addi %mul3A_2, %min3A_3 : i32
    %broadcast_in_dim3A = arith.constant 1.000000e+00 : f32
    %broadcast_in_dim3A_5 = vector.broadcast %broadcast_in_dim3A : f32 to vector<16xf32>
    %scan3A = arith.constant 0 : i32
    %scan3A_6 = arith.constant 320 : i32
    %scan3A_7 = arith.addi %scan3A, %scan3A_6 : i32
    %scan3A_8 = arith.constant 1 : i32
    scf.for %scan3A_114 = %scan3A to %scan3A_7 step %scan3A_8  : i32 {
      %mul3A_115 = arith.constant 1 : i32
      %mul3A_116 = arith.muli %scan3A_114, %mul3A_115 : i32
      %add3A_117 = arith.constant 0 : i32
      %add3A_118 = arith.addi %add3A_117, %mul3A_116 : i32
      %broadcast_in_dim3A_119 = arith.constant 0.000000e+00 : f32
      %broadcast_in_dim3A_120 = vector.broadcast %broadcast_in_dim3A_119 : f32 to vector<16xf32>
      %mul3A_121 = arith.constant 16 : i32
      %mul3A_122 = arith.muli %add3A_118, %mul3A_121 : i32
      %swap3A = arith.index_cast %mul3A_122 : i32 to index
      %swap3A_123 = tpu.vector_load %arg5[%swap3A] {strides = array<i32>} : memref<5120xf32, #tpu.memory_space<vmem>>, vector<16xf32>,
      tpu.vector_store %arg5[%swap3A], %broadcast_in_dim3A_120 {strides = array<i32>} : memref<5120xf32, #tpu.memory_space<vmem>>, vector<16xf32>,
    }
    %scan3A_9 = arith.constant 320 : i32
    %add3A_10 = arith.constant 0 : i32
    %add3A_11 = arith.addi %add3A_4, %add3A_10 : i32
    "tpu.region"() ({
      %run_scoped3A = tpu.sem_alloc : memref<!tpu.dma_semaphore, #tpu.memory_space<semaphore_mem>>
      %dma_start3A = arith.constant 0 : i32
      %dma_start3A_114 = arith.constant 0 : i32
      %dma_start3A_115 = tpu.memref_slice %arg2[%add3A_11, %dma_start3A, %dma_start3A_114] : memref<2500x2x128xi32, #tpu.memory_space<hbm>> -> memref<13x2x128xi32, #tpu.memory_space<hbm>>
      %dma_start3A_116 = arith.constant 0 : i32
      %dma_start3A_117 = arith.constant 0 : i32
      %dma_start3A_118 = tpu.memref_slice %arg2[%add3A_11, %dma_start3A_116, %dma_start3A_117] : memref<2500x2x128xi32, #tpu.memory_space<hbm>> -> memref<13x2x128xi32, #tpu.memory_space<hbm>>
      tpu.enqueue_dma source(%dma_start3A_118 : memref<13x2x128xi32, #tpu.memory_space<hbm>>) target(%arg4 : memref<13x2x128xi32, #tpu.memory_space<vmem>>) target_semaphore(%run_scoped3A : memref<!tpu.dma_semaphore, #tpu.memory_space<semaphore_mem>>)
      %dma_wait3A = arith.constant 0 : i32
      %dma_wait3A_119 = arith.constant 0 : i32
      %dma_wait3A_120 = tpu.memref_slice %arg2[%add3A_11, %dma_wait3A, %dma_wait3A_119] : memref<2500x2x128xi32, #tpu.memory_space<hbm>> -> memref<13x2x128xi32, #tpu.memory_space<hbm>>
      %dma_wait3A_121 = arith.constant 0 : i32
      %dma_wait3A_122 = arith.constant 0 : i32
      %dma_wait3A_123 = tpu.memref_slice %arg2[%add3A_11, %dma_wait3A_121, %dma_wait3A_122] : memref<2500x2x128xi32, #tpu.memory_space<hbm>> -> memref<13x2x128xi32, #tpu.memory_space<hbm>>
      tpu.wait_dma2 semaphore(%run_scoped3A : memref<!tpu.dma_semaphore, #tpu.memory_space<semaphore_mem>>) src(%dma_wait3A_123 : memref<13x2x128xi32, #tpu.memory_space<hbm>>) dst(%arg4 : memref<13x2x128xi32, #tpu.memory_space<vmem>>)
      tpu.yield
    }) : () -> ()
    %scan3A_12 = arith.constant 0 : i32
    %scan3A_13 = arith.constant 13 : i32
    %scan3A_14 = arith.addi %scan3A_12, %scan3A_13 : i32
    %scan3A_15 = arith.constant 1 : i32
    scf.for %scan3A_114 = %scan3A_12 to %scan3A_14 step %scan3A_15  : i32 {
      %mul3A_115 = arith.constant 1 : i32
      %mul3A_116 = arith.muli %scan3A_114, %mul3A_115 : i32
      %add3A_117 = arith.constant 0 : i32
      %add3A_118 = arith.addi %add3A_117, %mul3A_116 : i32
      %get3A = arith.constant 1 : i32
      %get3A_119 = arith.index_cast %add3A_118 : i32 to index
      %get3A_120 = arith.index_cast %get3A : i32 to index
      %get3A_121 = arith.constant 0 : index
      %get3A_122 = tpu.vector_load %arg4[%get3A_119, %get3A_120, %get3A_121] {strides = array<i32>} : memref<13x2x128xi32, #tpu.memory_space<vmem>>, vector<16xi32>,
      %sub3A = arith.constant 0 : i32
      %sub3A_123 = vector.broadcast %sub3A : i32 to vector<16xi32>
      %sub3A_124 = arith.subi %get3A_122, %sub3A_123 : vector<16xi32>
      %ge3A = arith.constant 0 : i32
      %ge3A_125 = vector.broadcast %ge3A : i32 to vector<16xi32>
      %ge3A_126 = arith.cmpi sge, %sub3A_124, %ge3A_125 : vector<16xi32>
      %lt3A_127 = arith.constant 5120 : i32
      %lt3A_128 = vector.broadcast %lt3A_127 : i32 to vector<16xi32>
      %lt3A_129 = arith.cmpi slt, %sub3A_124, %lt3A_128 : vector<16xi32>
      %and3A = arith.andi %ge3A_126, %lt3A_129 : vector<16xi1>
      tpu.vector_store_idx %arg5[%sub3A_124], %broadcast_in_dim3A_5 masked %and3A {add = true} : memref<5120xf32, #tpu.memory_space<vmem>>[vector<16xi32>], vector<16xf32>, vector<16xi1>
      %get3A_130 = arith.constant 1 : i32
      %get3A_131 = arith.index_cast %add3A_118 : i32 to index
      %get3A_132 = arith.index_cast %get3A_130 : i32 to index
      %get3A_133 = arith.constant 16 : index
      %get3A_134 = tpu.vector_load %arg4[%get3A_131, %get3A_132, %get3A_133] {strides = array<i32>} : memref<13x2x128xi32, #tpu.memory_space<vmem>>, vector<16xi32>,
      %sub3A_135 = arith.constant 0 : i32
      %sub3A_136 = vector.broadcast %sub3A_135 : i32 to vector<16xi32>
      %sub3A_137 = arith.subi %get3A_134, %sub3A_136 : vector<16xi32>
      %ge3A_138 = arith.constant 0 : i32
      %ge3A_139 = vector.broadcast %ge3A_138 : i32 to vector<16xi32>
      %ge3A_140 = arith.cmpi sge, %sub3A_137, %ge3A_139 : vector<16xi32>
      %lt3A_141 = arith.constant 5120 : i32
      %lt3A_142 = vector.broadcast %lt3A_141 : i32 to vector<16xi32>
      %lt3A_143 = arith.cmpi slt, %sub3A_137, %lt3A_142 : vector<16xi32>
      %and3A_144 = arith.andi %ge3A_140, %lt3A_143 : vector<16xi1>
      tpu.vector_store_idx %arg5[%sub3A_137], %broadcast_in_dim3A_5 masked %and3A_144 {add = true} : memref<5120xf32, #tpu.memory_space<vmem>>[vector<16xi32>], vector<16xf32>, vector<16xi1>
      %get3A_145 = arith.constant 1 : i32
      %get3A_146 = arith.index_cast %add3A_118 : i32 to index
      %get3A_147 = arith.index_cast %get3A_145 : i32 to index
      %get3A_148 = arith.constant 32 : index
      %get3A_149 = tpu.vector_load %arg4[%get3A_146, %get3A_147, %get3A_148] {strides = array<i32>} : memref<13x2x128xi32, #tpu.memory_space<vmem>>, vector<16xi32>,
      %sub3A_150 = arith.constant 0 : i32
      %sub3A_151 = vector.broadcast %sub3A_150 : i32 to vector<16xi32>
      %sub3A_152 = arith.subi %get3A_149, %sub3A_151 : vector<16xi32>
      %ge3A_153 = arith.constant 0 : i32
      %ge3A_154 = vector.broadcast %ge3A_153 : i32 to vector<16xi32>
      %ge3A_155 = arith.cmpi sge, %sub3A_152, %ge3A_154 : vector<16xi32>
      %lt3A_156 = arith.constant 5120 : i32
      %lt3A_157 = vector.broadcast %lt3A_156 : i32 to vector<16xi32>
      %lt3A_158 = arith.cmpi slt, %sub3A_152, %lt3A_157 : vector<16xi32>
      %and3A_159 = arith.andi %ge3A_155, %lt3A_158 : vector<16xi1>
      tpu.vector_store_idx %arg5[%sub3A_152], %broadcast_in_dim3A_5 masked %and3A_159 {add = true} : memref<5120xf32, #tpu.memory_space<vmem>>[vector<16xi32>], vector<16xf32>, vector<16xi1>
      %get3A_160 = arith.constant 1 : i32
      %get3A_161 = arith.index_cast %add3A_118 : i32 to index
      %get3A_162 = arith.index_cast %get3A_160 : i32 to index
      %get3A_163 = arith.constant 48 : index
      %get3A_164 = tpu.vector_load %arg4[%get3A_161, %get3A_162, %get3A_163] {strides = array<i32>} : memref<13x2x128xi32, #tpu.memory_space<vmem>>, vector<16xi32>,
      %sub3A_165 = arith.constant 0 : i32
      %sub3A_166 = vector.broadcast %sub3A_165 : i32 to vector<16xi32>
      %sub3A_167 = arith.subi %get3A_164, %sub3A_166 : vector<16xi32>
      %ge3A_168 = arith.constant 0 : i32
      %ge3A_169 = vector.broadcast %ge3A_168 : i32 to vector<16xi32>
      %ge3A_170 = arith.cmpi sge, %sub3A_167, %ge3A_169 : vector<16xi32>
      %lt3A_171 = arith.constant 5120 : i32
      %lt3A_172 = vector.broadcast %lt3A_171 : i32 to vector<16xi32>
      %lt3A_173 = arith.cmpi slt, %sub3A_167, %lt3A_172 : vector<16xi32>
      %and3A_174 = arith.andi %ge3A_170, %lt3A_173 : vector<16xi1>
      tpu.vector_store_idx %arg5[%sub3A_167], %broadcast_in_dim3A_5 masked %and3A_174 {add = true} : memref<5120xf32, #tpu.memory_space<vmem>>[vector<16xi32>], vector<16xf32>, vector<16xi1>
      %get3A_175 = arith.constant 1 : i32
      %get3A_176 = arith.index_cast %add3A_118 : i32 to index
      %get3A_177 = arith.index_cast %get3A_175 : i32 to index
      %get3A_178 = arith.constant 64 : index
      %get3A_179 = tpu.vector_load %arg4[%get3A_176, %get3A_177, %get3A_178] {strides = array<i32>} : memref<13x2x128xi32, #tpu.memory_space<vmem>>, vector<16xi32>,
      %sub3A_180 = arith.constant 0 : i32
      %sub3A_181 = vector.broadcast %sub3A_180 : i32 to vector<16xi32>
      %sub3A_182 = arith.subi %get3A_179, %sub3A_181 : vector<16xi32>
      %ge3A_183 = arith.constant 0 : i32
      %ge3A_184 = vector.broadcast %ge3A_183 : i32 to vector<16xi32>
      %ge3A_185 = arith.cmpi sge, %sub3A_182, %ge3A_184 : vector<16xi32>
      %lt3A_186 = arith.constant 5120 : i32
      %lt3A_187 = vector.broadcast %lt3A_186 : i32 to vector<16xi32>
      %lt3A_188 = arith.cmpi slt, %sub3A_182, %lt3A_187 : vector<16xi32>
      %and3A_189 = arith.andi %ge3A_185, %lt3A_188 : vector<16xi1>
      tpu.vector_store_idx %arg5[%sub3A_182], %broadcast_in_dim3A_5 masked %and3A_189 {add = true} : memref<5120xf32, #tpu.memory_space<vmem>>[vector<16xi32>], vector<16xf32>, vector<16xi1>
      %get3A_190 = arith.constant 1 : i32
      %get3A_191 = arith.index_cast %add3A_118 : i32 to index
      %get3A_192 = arith.index_cast %get3A_190 : i32 to index
      %get3A_193 = arith.constant 80 : index
      %get3A_194 = tpu.vector_load %arg4[%get3A_191, %get3A_192, %get3A_193] {strides = array<i32>} : memref<13x2x128xi32, #tpu.memory_space<vmem>>, vector<16xi32>,
      %sub3A_195 = arith.constant 0 : i32
      %sub3A_196 = vector.broadcast %sub3A_195 : i32 to vector<16xi32>
      %sub3A_197 = arith.subi %get3A_194, %sub3A_196 : vector<16xi32>
      %ge3A_198 = arith.constant 0 : i32
      %ge3A_199 = vector.broadcast %ge3A_198 : i32 to vector<16xi32>
      %ge3A_200 = arith.cmpi sge, %sub3A_197, %ge3A_199 : vector<16xi32>
      %lt3A_201 = arith.constant 5120 : i32
      %lt3A_202 = vector.broadcast %lt3A_201 : i32 to vector<16xi32>
      %lt3A_203 = arith.cmpi slt, %sub3A_197, %lt3A_202 : vector<16xi32>
      %and3A_204 = arith.andi %ge3A_200, %lt3A_203 : vector<16xi1>
      tpu.vector_store_idx %arg5[%sub3A_197], %broadcast_in_dim3A_5 masked %and3A_204 {add = true} : memref<5120xf32, #tpu.memory_space<vmem>>[vector<16xi32>], vector<16xf32>, vector<16xi1>
      %get3A_205 = arith.constant 1 : i32
      %get3A_206 = arith.index_cast %add3A_118 : i32 to index
      %get3A_207 = arith.index_cast %get3A_205 : i32 to index
      %get3A_208 = arith.constant 96 : index
      %get3A_209 = tpu.vector_load %arg4[%get3A_206, %get3A_207, %get3A_208] {strides = array<i32>} : memref<13x2x128xi32, #tpu.memory_space<vmem>>, vector<16xi32>,
      %sub3A_210 = arith.constant 0 : i32
      %sub3A_211 = vector.broadcast %sub3A_210 : i32 to vector<16xi32>
      %sub3A_212 = arith.subi %get3A_209, %sub3A_211 : vector<16xi32>
      %ge3A_213 = arith.constant 0 : i32
      %ge3A_214 = vector.broadcast %ge3A_213 : i32 to vector<16xi32>
      %ge3A_215 = arith.cmpi sge, %sub3A_212, %ge3A_214 : vector<16xi32>
      %lt3A_216 = arith.constant 5120 : i32
      %lt3A_217 = vector.broadcast %lt3A_216 : i32 to vector<16xi32>
      %lt3A_218 = arith.cmpi slt, %sub3A_212, %lt3A_217 : vector<16xi32>
      %and3A_219 = arith.andi %ge3A_215, %lt3A_218 : vector<16xi1>
      tpu.vector_store_idx %arg5[%sub3A_212], %broadcast_in_dim3A_5 masked %and3A_219 {add = true} : memref<5120xf32, #tpu.memory_space<vmem>>[vector<16xi32>], vector<16xf32>, vector<16xi1>
      %get3A_220 = arith.constant 1 : i32
      %get3A_221 = arith.index_cast %add3A_118 : i32 to index
      %get3A_222 = arith.index_cast %get3A_220 : i32 to index
      %get3A_223 = arith.constant 112 : index
      %get3A_224 = tpu.vector_load %arg4[%get3A_221, %get3A_222, %get3A_223] {strides = array<i32>} : memref<13x2x128xi32, #tpu.memory_space<vmem>>, vector<16xi32>,
      %sub3A_225 = arith.constant 0 : i32
      %sub3A_226 = vector.broadcast %sub3A_225 : i32 to vector<16xi32>
      %sub3A_227 = arith.subi %get3A_224, %sub3A_226 : vector<16xi32>
      %ge3A_228 = arith.constant 0 : i32
      %ge3A_229 = vector.broadcast %ge3A_228 : i32 to vector<16xi32>
      %ge3A_230 = arith.cmpi sge, %sub3A_227, %ge3A_229 : vector<16xi32>
      %lt3A_231 = arith.constant 5120 : i32
      %lt3A_232 = vector.broadcast %lt3A_231 : i32 to vector<16xi32>
      %lt3A_233 = arith.cmpi slt, %sub3A_227, %lt3A_232 : vector<16xi32>
      %and3A_234 = arith.andi %ge3A_230, %lt3A_233 : vector<16xi1>
      tpu.vector_store_idx %arg5[%sub3A_227], %broadcast_in_dim3A_5 masked %and3A_234 {add = true} : memref<5120xf32, #tpu.memory_space<vmem>>[vector<16xi32>], vector<16xf32>, vector<16xi1>
    }
    %scan3A_16 = arith.constant 13 : i32
    %add3A_17 = arith.constant 13 : i32
    %add3A_18 = arith.addi %add3A_4, %add3A_17 : i32
    "tpu.region"() ({
      %run_scoped3A = tpu.sem_alloc : memref<!tpu.dma_semaphore, #tpu.memory_space<semaphore_mem>>
      %dma_start3A = arith.constant 0 : i32
      %dma_start3A_114 = arith.constant 0 : i32
      %dma_start3A_115 = tpu.memref_slice %arg2[%add3A_18, %dma_start3A, %dma_start3A_114] : memref<2500x2x128xi32, #tpu.memory_space<hbm>> -> memref<13x2x128xi32, #tpu.memory_space<hbm>>
      %dma_start3A_116 = arith.constant 0 : i32
      %dma_start3A_117 = arith.constant 0 : i32
      %dma_start3A_118 = tpu.memref_slice %arg2[%add3A_18, %dma_start3A_116, %dma_start3A_117] : memref<2500x2x128xi32, #tpu.memory_space<hbm>> -> memref<13x2x128xi32, #tpu.memory_space<hbm>>
      tpu.enqueue_dma source(%dma_start3A_118 : memref<13x2x128xi32, #tpu.memory_space<hbm>>) target(%arg4 : memref<13x2x128xi32, #tpu.memory_space<vmem>>) target_semaphore(%run_scoped3A : memref<!tpu.dma_semaphore, #tpu.memory_space<semaphore_mem>>)
      %dma_wait3A = arith.constant 0 : i32
      %dma_wait3A_119 = arith.constant 0 : i32
      %dma_wait3A_120 = tpu.memref_slice %arg2[%add3A_18, %dma_wait3A, %dma_wait3A_119] : memref<2500x2x128xi32, #tpu.memory_space<hbm>> -> memref<13x2x128xi32, #tpu.memory_space<hbm>>
      %dma_wait3A_121 = arith.constant 0 : i32
      %dma_wait3A_122 = arith.constant 0 : i32
      %dma_wait3A_123 = tpu.memref_slice %arg2[%add3A_18, %dma_wait3A_121, %dma_wait3A_122] : memref<2500x2x128xi32, #tpu.memory_space<hbm>> -> memref<13x2x128xi32, #tpu.memory_space<hbm>>
      tpu.wait_dma2 semaphore(%run_scoped3A : memref<!tpu.dma_semaphore, #tpu.memory_space<semaphore_mem>>) src(%dma_wait3A_123 : memref<13x2x128xi32, #tpu.memory_space<hbm>>) dst(%arg4 : memref<13x2x128xi32, #tpu.memory_space<vmem>>)
      tpu.yield
    }) : () -> ()
    %scan3A_19 = arith.constant 0 : i32
    %scan3A_20 = arith.constant 13 : i32
    %scan3A_21 = arith.addi %scan3A_19, %scan3A_20 : i32
    %scan3A_22 = arith.constant 1 : i32
    scf.for %scan3A_114 = %scan3A_19 to %scan3A_21 step %scan3A_22  : i32 {
      %mul3A_115 = arith.constant 1 : i32
      %mul3A_116 = arith.muli %scan3A_114, %mul3A_115 : i32
      %add3A_117 = arith.constant 0 : i32
      %add3A_118 = arith.addi %add3A_117, %mul3A_116 : i32
      %get3A = arith.constant 1 : i32
      %get3A_119 = arith.index_cast %add3A_118 : i32 to index
      %get3A_120 = arith.index_cast %get3A : i32 to index
      %get3A_121 = arith.constant 0 : index
      %get3A_122 = tpu.vector_load %arg4[%get3A_119, %get3A_120, %get3A_121] {strides = array<i32>} : memref<13x2x128xi32, #tpu.memory_space<vmem>>, vector<16xi32>,
      %sub3A = arith.constant 0 : i32
      %sub3A_123 = vector.broadcast %sub3A : i32 to vector<16xi32>
      %sub3A_124 = arith.subi %get3A_122, %sub3A_123 : vector<16xi32>
      %ge3A = arith.constant 0 : i32
      %ge3A_125 = vector.broadcast %ge3A : i32 to vector<16xi32>
      %ge3A_126 = arith.cmpi sge, %sub3A_124, %ge3A_125 : vector<16xi32>
      %lt3A_127 = arith.constant 5120 : i32
      %lt3A_128 = vector.broadcast %lt3A_127 : i32 to vector<16xi32>
      %lt3A_129 = arith.cmpi slt, %sub3A_124, %lt3A_128 : vector<16xi32>
      %and3A = arith.andi %ge3A_126, %lt3A_129 : vector<16xi1>
      tpu.vector_store_idx %arg5[%sub3A_124], %broadcast_in_dim3A_5 masked %and3A {add = true} : memref<5120xf32, #tpu.memory_space<vmem>>[vector<16xi32>], vector<16xf32>, vector<16xi1>
      %get3A_130 = arith.constant 1 : i32
      %get3A_131 = arith.index_cast %add3A_118 : i32 to index
      %get3A_132 = arith.index_cast %get3A_130 : i32 to index
      %get3A_133 = arith.constant 16 : index
      %get3A_134 = tpu.vector_load %arg4[%get3A_131, %get3A_132, %get3A_133] {strides = array<i32>} : memref<13x2x128xi32, #tpu.memory_space<vmem>>, vector<16xi32>,
      %sub3A_135 = arith.constant 0 : i32
      %sub3A_136 = vector.broadcast %sub3A_135 : i32 to vector<16xi32>
      %sub3A_137 = arith.subi %get3A_134, %sub3A_136 : vector<16xi32>
      %ge3A_138 = arith.constant 0 : i32
      %ge3A_139 = vector.broadcast %ge3A_138 : i32 to vector<16xi32>
      %ge3A_140 = arith.cmpi sge, %sub3A_137, %ge3A_139 : vector<16xi32>
      %lt3A_141 = arith.constant 5120 : i32
      %lt3A_142 = vector.broadcast %lt3A_141 : i32 to vector<16xi32>
      %lt3A_143 = arith.cmpi slt, %sub3A_137, %lt3A_142 : vector<16xi32>
      %and3A_144 = arith.andi %ge3A_140, %lt3A_143 : vector<16xi1>
      tpu.vector_store_idx %arg5[%sub3A_137], %broadcast_in_dim3A_5 masked %and3A_144 {add = true} : memref<5120xf32, #tpu.memory_space<vmem>>[vector<16xi32>], vector<16xf32>, vector<16xi1>
      %get3A_145 = arith.constant 1 : i32
      %get3A_146 = arith.index_cast %add3A_118 : i32 to index
      %get3A_147 = arith.index_cast %get3A_145 : i32 to index
      %get3A_148 = arith.constant 32 : index
      %get3A_149 = tpu.vector_load %arg4[%get3A_146, %get3A_147, %get3A_148] {strides = array<i32>} : memref<13x2x128xi32, #tpu.memory_space<vmem>>, vector<16xi32>,
      %sub3A_150 = arith.constant 0 : i32
      %sub3A_151 = vector.broadcast %sub3A_150 : i32 to vector<16xi32>
      %sub3A_152 = arith.subi %get3A_149, %sub3A_151 : vector<16xi32>
      %ge3A_153 = arith.constant 0 : i32
      %ge3A_154 = vector.broadcast %ge3A_153 : i32 to vector<16xi32>
      %ge3A_155 = arith.cmpi sge, %sub3A_152, %ge3A_154 : vector<16xi32>
      %lt3A_156 = arith.constant 5120 : i32
      %lt3A_157 = vector.broadcast %lt3A_156 : i32 to vector<16xi32>
      %lt3A_158 = arith.cmpi slt, %sub3A_152, %lt3A_157 : vector<16xi32>
      %and3A_159 = arith.andi %ge3A_155, %lt3A_158 : vector<16xi1>
      tpu.vector_store_idx %arg5[%sub3A_152], %broadcast_in_dim3A_5 masked %and3A_159 {add = true} : memref<5120xf32, #tpu.memory_space<vmem>>[vector<16xi32>], vector<16xf32>, vector<16xi1>
      %get3A_160 = arith.constant 1 : i32
      %get3A_161 = arith.index_cast %add3A_118 : i32 to index
      %get3A_162 = arith.index_cast %get3A_160 : i32 to index
      %get3A_163 = arith.constant 48 : index
      %get3A_164 = tpu.vector_load %arg4[%get3A_161, %get3A_162, %get3A_163] {strides = array<i32>} : memref<13x2x128xi32, #tpu.memory_space<vmem>>, vector<16xi32>,
      %sub3A_165 = arith.constant 0 : i32
      %sub3A_166 = vector.broadcast %sub3A_165 : i32 to vector<16xi32>
      %sub3A_167 = arith.subi %get3A_164, %sub3A_166 : vector<16xi32>
      %ge3A_168 = arith.constant 0 : i32
      %ge3A_169 = vector.broadcast %ge3A_168 : i32 to vector<16xi32>
      %ge3A_170 = arith.cmpi sge, %sub3A_167, %ge3A_169 : vector<16xi32>
      %lt3A_171 = arith.constant 5120 : i32
      %lt3A_172 = vector.broadcast %lt3A_171 : i32 to vector<16xi32>
      %lt3A_173 = arith.cmpi slt, %sub3A_167, %lt3A_172 : vector<16xi32>
      %and3A_174 = arith.andi %ge3A_170, %lt3A_173 : vector<16xi1>
      tpu.vector_store_idx %arg5[%sub3A_167], %broadcast_in_dim3A_5 masked %and3A_174 {add = true} : memref<5120xf32, #tpu.memory_space<vmem>>[vector<16xi32>], vector<16xf32>, vector<16xi1>
      %get3A_175 = arith.constant 1 : i32
      %get3A_176 = arith.index_cast %add3A_118 : i32 to index
      %get3A_177 = arith.index_cast %get3A_175 : i32 to index
      %get3A_178 = arith.constant 64 : index
      %get3A_179 = tpu.vector_load %arg4[%get3A_176, %get3A_177, %get3A_178] {strides = array<i32>} : memref<13x2x128xi32, #tpu.memory_space<vmem>>, vector<16xi32>,
      %sub3A_180 = arith.constant 0 : i32
      %sub3A_181 = vector.broadcast %sub3A_180 : i32 to vector<16xi32>
      %sub3A_182 = arith.subi %get3A_179, %sub3A_181 : vector<16xi32>
      %ge3A_183 = arith.constant 0 : i32
      %ge3A_184 = vector.broadcast %ge3A_183 : i32 to vector<16xi32>
      %ge3A_185 = arith.cmpi sge, %sub3A_182, %ge3A_184 : vector<16xi32>
      %lt3A_186 = arith.constant 5120 : i32
      %lt3A_187 = vector.broadcast %lt3A_186 : i32 to vector<16xi32>
      %lt3A_188 = arith.cmpi slt, %sub3A_182, %lt3A_187 : vector<16xi32>
      %and3A_189 = arith.andi %ge3A_185, %lt3A_188 : vector<16xi1>
      tpu.vector_store_idx %arg5[%sub3A_182], %broadcast_in_dim3A_5 masked %and3A_189 {add = true} : memref<5120xf32, #tpu.memory_space<vmem>>[vector<16xi32>], vector<16xf32>, vector<16xi1>
      %get3A_190 = arith.constant 1 : i32
      %get3A_191 = arith.index_cast %add3A_118 : i32 to index
      %get3A_192 = arith.index_cast %get3A_190 : i32 to index
      %get3A_193 = arith.constant 80 : index
      %get3A_194 = tpu.vector_load %arg4[%get3A_191, %get3A_192, %get3A_193] {strides = array<i32>} : memref<13x2x128xi32, #tpu.memory_space<vmem>>, vector<16xi32>,
      %sub3A_195 = arith.constant 0 : i32
      %sub3A_196 = vector.broadcast %sub3A_195 : i32 to vector<16xi32>
      %sub3A_197 = arith.subi %get3A_194, %sub3A_196 : vector<16xi32>
      %ge3A_198 = arith.constant 0 : i32
      %ge3A_199 = vector.broadcast %ge3A_198 : i32 to vector<16xi32>
      %ge3A_200 = arith.cmpi sge, %sub3A_197, %ge3A_199 : vector<16xi32>
      %lt3A_201 = arith.constant 5120 : i32
      %lt3A_202 = vector.broadcast %lt3A_201 : i32 to vector<16xi32>
      %lt3A_203 = arith.cmpi slt, %sub3A_197, %lt3A_202 : vector<16xi32>
      %and3A_204 = arith.andi %ge3A_200, %lt3A_203 : vector<16xi1>
      tpu.vector_store_idx %arg5[%sub3A_197], %broadcast_in_dim3A_5 masked %and3A_204 {add = true} : memref<5120xf32, #tpu.memory_space<vmem>>[vector<16xi32>], vector<16xf32>, vector<16xi1>
      %get3A_205 = arith.constant 1 : i32
      %get3A_206 = arith.index_cast %add3A_118 : i32 to index
      %get3A_207 = arith.index_cast %get3A_205 : i32 to index
      %get3A_208 = arith.constant 96 : index
      %get3A_209 = tpu.vector_load %arg4[%get3A_206, %get3A_207, %get3A_208] {strides = array<i32>} : memref<13x2x128xi32, #tpu.memory_space<vmem>>, vector<16xi32>,
      %sub3A_210 = arith.constant 0 : i32
      %sub3A_211 = vector.broadcast %sub3A_210 : i32 to vector<16xi32>
      %sub3A_212 = arith.subi %get3A_209, %sub3A_211 : vector<16xi32>
      %ge3A_213 = arith.constant 0 : i32
      %ge3A_214 = vector.broadcast %ge3A_213 : i32 to vector<16xi32>
      %ge3A_215 = arith.cmpi sge, %sub3A_212, %ge3A_214 : vector<16xi32>
      %lt3A_216 = arith.constant 5120 : i32
      %lt3A_217 = vector.broadcast %lt3A_216 : i32 to vector<16xi32>
      %lt3A_218 = arith.cmpi slt, %sub3A_212, %lt3A_217 : vector<16xi32>
      %and3A_219 = arith.andi %ge3A_215, %lt3A_218 : vector<16xi1>
      tpu.vector_store_idx %arg5[%sub3A_212], %broadcast_in_dim3A_5 masked %and3A_219 {add = true} : memref<5120xf32, #tpu.memory_space<vmem>>[vector<16xi32>], vector<16xf32>, vector<16xi1>
      %get3A_220 = arith.constant 1 : i32
      %get3A_221 = arith.index_cast %add3A_118 : i32 to index
      %get3A_222 = arith.index_cast %get3A_220 : i32 to index
      %get3A_223 = arith.constant 112 : index
      %get3A_224 = tpu.vector_load %arg4[%get3A_221, %get3A_222, %get3A_223] {strides = array<i32>} : memref<13x2x128xi32, #tpu.memory_space<vmem>>, vector<16xi32>,
      %sub3A_225 = arith.constant 0 : i32
      %sub3A_226 = vector.broadcast %sub3A_225 : i32 to vector<16xi32>
      %sub3A_227 = arith.subi %get3A_224, %sub3A_226 : vector<16xi32>
      %ge3A_228 = arith.constant 0 : i32
      %ge3A_229 = vector.broadcast %ge3A_228 : i32 to vector<16xi32>
      %ge3A_230 = arith.cmpi sge, %sub3A_227, %ge3A_229 : vector<16xi32>
      %lt3A_231 = arith.constant 5120 : i32
      %lt3A_232 = vector.broadcast %lt3A_231 : i32 to vector<16xi32>
      %lt3A_233 = arith.cmpi slt, %sub3A_227, %lt3A_232 : vector<16xi32>
      %and3A_234 = arith.andi %ge3A_230, %lt3A_233 : vector<16xi1>
      tpu.vector_store_idx %arg5[%sub3A_227], %broadcast_in_dim3A_5 masked %and3A_234 {add = true} : memref<5120xf32, #tpu.memory_space<vmem>>[vector<16xi32>], vector<16xf32>, vector<16xi1>
    }
    %scan3A_23 = arith.constant 13 : i32
    %add3A_24 = arith.constant 26 : i32
    %add3A_25 = arith.addi %add3A_4, %add3A_24 : i32
    "tpu.region"() ({
      %run_scoped3A = tpu.sem_alloc : memref<!tpu.dma_semaphore, #tpu.memory_space<semaphore_mem>>
      %dma_start3A = arith.constant 0 : i32
      %dma_start3A_114 = arith.constant 0 : i32
      %dma_start3A_115 = tpu.memref_slice %arg2[%add3A_25, %dma_start3A, %dma_start3A_114] : memref<2500x2x128xi32, #tpu.memory_space<hbm>> -> memref<13x2x128xi32, #tpu.memory_space<hbm>>
      %dma_start3A_116 = arith.constant 0 : i32
      %dma_start3A_117 = arith.constant 0 : i32
      %dma_start3A_118 = tpu.memref_slice %arg2[%add3A_25, %dma_start3A_116, %dma_start3A_117] : memref<2500x2x128xi32, #tpu.memory_space<hbm>> -> memref<13x2x128xi32, #tpu.memory_space<hbm>>
      tpu.enqueue_dma source(%dma_start3A_118 : memref<13x2x128xi32, #tpu.memory_space<hbm>>) target(%arg4 : memref<13x2x128xi32, #tpu.memory_space<vmem>>) target_semaphore(%run_scoped3A : memref<!tpu.dma_semaphore, #tpu.memory_space<semaphore_mem>>)
      %dma_wait3A = arith.constant 0 : i32
      %dma_wait3A_119 = arith.constant 0 : i32
      %dma_wait3A_120 = tpu.memref_slice %arg2[%add3A_25, %dma_wait3A, %dma_wait3A_119] : memref<2500x2x128xi32, #tpu.memory_space<hbm>> -> memref<13x2x128xi32, #tpu.memory_space<hbm>>
      %dma_wait3A_121 = arith.constant 0 : i32
      %dma_wait3A_122 = arith.constant 0 : i32
      %dma_wait3A_123 = tpu.memref_slice %arg2[%add3A_25, %dma_wait3A_121, %dma_wait3A_122] : memref<2500x2x128xi32, #tpu.memory_space<hbm>> -> memref<13x2x128xi32, #tpu.memory_space<hbm>>
      tpu.wait_dma2 semaphore(%run_scoped3A : memref<!tpu.dma_semaphore, #tpu.memory_space<semaphore_mem>>) src(%dma_wait3A_123 : memref<13x2x128xi32, #tpu.memory_space<hbm>>) dst(%arg4 : memref<13x2x128xi32, #tpu.memory_space<vmem>>)
      tpu.yield
    }) : () -> ()
    %scan3A_26 = arith.constant 0 : i32
    %scan3A_27 = arith.constant 13 : i32
    %scan3A_28 = arith.addi %scan3A_26, %scan3A_27 : i32
    %scan3A_29 = arith.constant 1 : i32
    scf.for %scan3A_114 = %scan3A_26 to %scan3A_28 step %scan3A_29  : i32 {
      %mul3A_115 = arith.constant 1 : i32
      %mul3A_116 = arith.muli %scan3A_114, %mul3A_115 : i32
      %add3A_117 = arith.constant 0 : i32
      %add3A_118 = arith.addi %add3A_117, %mul3A_116 : i32
      %get3A = arith.constant 1 : i32
      %get3A_119 = arith.index_cast %add3A_118 : i32 to index
      %get3A_120 = arith.index_cast %get3A : i32 to index
      %get3A_121 = arith.constant 0 : index
      %get3A_122 = tpu.vector_load %arg4[%get3A_119, %get3A_120, %get3A_121] {strides = array<i32>} : memref<13x2x128xi32, #tpu.memory_space<vmem>>, vector<16xi32>,
      %sub3A = arith.constant 0 : i32
      %sub3A_123 = vector.broadcast %sub3A : i32 to vector<16xi32>
      %sub3A_124 = arith.subi %get3A_122, %sub3A_123 : vector<16xi32>
      %ge3A = arith.constant 0 : i32
      %ge3A_125 = vector.broadcast %ge3A : i32 to vector<16xi32>
      %ge3A_126 = arith.cmpi sge, %sub3A_124, %ge3A_125 : vector<16xi32>
      %lt3A_127 = arith.constant 5120 : i32
      %lt3A_128 = vector.broadcast %lt3A_127 : i32 to vector<16xi32>
      %lt3A_129 = arith.cmpi slt, %sub3A_124, %lt3A_128 : vector<16xi32>
      %and3A = arith.andi %ge3A_126, %lt3A_129 : vector<16xi1>
      tpu.vector_store_idx %arg5[%sub3A_124], %broadcast_in_dim3A_5 masked %and3A {add = true} : memref<5120xf32, #tpu.memory_space<vmem>>[vector<16xi32>], vector<16xf32>, vector<16xi1>
      %get3A_130 = arith.constant 1 : i32
      %get3A_131 = arith.index_cast %add3A_118 : i32 to index
      %get3A_132 = arith.index_cast %get3A_130 : i32 to index
      %get3A_133 = arith.constant 16 : index
      %get3A_134 = tpu.vector_load %arg4[%get3A_131, %get3A_132, %get3A_133] {strides = array<i32>} : memref<13x2x128xi32, #tpu.memory_space<vmem>>, vector<16xi32>,
      %sub3A_135 = arith.constant 0 : i32
      %sub3A_136 = vector.broadcast %sub3A_135 : i32 to vector<16xi32>
      %sub3A_137 = arith.subi %get3A_134, %sub3A_136 : vector<16xi32>
      %ge3A_138 = arith.constant 0 : i32
      %ge3A_139 = vector.broadcast %ge3A_138 : i32 to vector<16xi32>
      %ge3A_140 = arith.cmpi sge, %sub3A_137, %ge3A_139 : vector<16xi32>
      %lt3A_141 = arith.constant 5120 : i32
      %lt3A_142 = vector.broadcast %lt3A_141 : i32 to vector<16xi32>
      %lt3A_143 = arith.cmpi slt, %sub3A_137, %lt3A_142 : vector<16xi32>
      %and3A_144 = arith.andi %ge3A_140, %lt3A_143 : vector<16xi1>
      tpu.vector_store_idx %arg5[%sub3A_137], %broadcast_in_dim3A_5 masked %and3A_144 {add = true} : memref<5120xf32, #tpu.memory_space<vmem>>[vector<16xi32>], vector<16xf32>, vector<16xi1>
      %get3A_145 = arith.constant 1 : i32
      %get3A_146 = arith.index_cast %add3A_118 : i32 to index
      %get3A_147 = arith.index_cast %get3A_145 : i32 to index
      %get3A_148 = arith.constant 32 : index
      %get3A_149 = tpu.vector_load %arg4[%get3A_146, %get3A_147, %get3A_148] {strides = array<i32>} : memref<13x2x128xi32, #tpu.memory_space<vmem>>, vector<16xi32>,
      %sub3A_150 = arith.constant 0 : i32
      %sub3A_151 = vector.broadcast %sub3A_150 : i32 to vector<16xi32>
      %sub3A_152 = arith.subi %get3A_149, %sub3A_151 : vector<16xi32>
      %ge3A_153 = arith.constant 0 : i32
      %ge3A_154 = vector.broadcast %ge3A_153 : i32 to vector<16xi32>
      %ge3A_155 = arith.cmpi sge, %sub3A_152, %ge3A_154 : vector<16xi32>
      %lt3A_156 = arith.constant 5120 : i32
      %lt3A_157 = vector.broadcast %lt3A_156 : i32 to vector<16xi32>
      %lt3A_158 = arith.cmpi slt, %sub3A_152, %lt3A_157 : vector<16xi32>
      %and3A_159 = arith.andi %ge3A_155, %lt3A_158 : vector<16xi1>
      tpu.vector_store_idx %arg5[%sub3A_152], %broadcast_in_dim3A_5 masked %and3A_159 {add = true} : memref<5120xf32, #tpu.memory_space<vmem>>[vector<16xi32>], vector<16xf32>, vector<16xi1>
      %get3A_160 = arith.constant 1 : i32
      %get3A_161 = arith.index_cast %add3A_118 : i32 to index
      %get3A_162 = arith.index_cast %get3A_160 : i32 to index
      %get3A_163 = arith.constant 48 : index
      %get3A_164 = tpu.vector_load %arg4[%get3A_161, %get3A_162, %get3A_163] {strides = array<i32>} : memref<13x2x128xi32, #tpu.memory_space<vmem>>, vector<16xi32>,
      %sub3A_165 = arith.constant 0 : i32
      %sub3A_166 = vector.broadcast %sub3A_165 : i32 to vector<16xi32>
      %sub3A_167 = arith.subi %get3A_164, %sub3A_166 : vector<16xi32>
      %ge3A_168 = arith.constant 0 : i32
      %ge3A_169 = vector.broadcast %ge3A_168 : i32 to vector<16xi32>
      %ge3A_170 = arith.cmpi sge, %sub3A_167, %ge3A_169 : vector<16xi32>
      %lt3A_171 = arith.constant 5120 : i32
      %lt3A_172 = vector.broadcast %lt3A_171 : i32 to vector<16xi32>
      %lt3A_173 = arith.cmpi slt, %sub3A_167, %lt3A_172 : vector<16xi32>
      %and3A_174 = arith.andi %ge3A_170, %lt3A_173 : vector<16xi1>
      tpu.vector_store_idx %arg5[%sub3A_167], %broadcast_in_dim3A_5 masked %and3A_174 {add = true} : memref<5120xf32, #tpu.memory_space<vmem>>[vector<16xi32>], vector<16xf32>, vector<16xi1>
      %get3A_175 = arith.constant 1 : i32
      %get3A_176 = arith.index_cast %add3A_118 : i32 to index
      %get3A_177 = arith.index_cast %get3A_175 : i32 to index
      %get3A_178 = arith.constant 64 : index
      %get3A_179 = tpu.vector_load %arg4[%get3A_176, %get3A_177, %get3A_178] {strides = array<i32>} : memref<13x2x128xi32, #tpu.memory_space<vmem>>, vector<16xi32>,
      %sub3A_180 = arith.constant 0 : i32
      %sub3A_181 = vector.broadcast %sub3A_180 : i32 to vector<16xi32>
      %sub3A_182 = arith.subi %get3A_179, %sub3A_181 : vector<16xi32>
      %ge3A_183 = arith.constant 0 : i32
      %ge3A_184 = vector.broadcast %ge3A_183 : i32 to vector<16xi32>
      %ge3A_185 = arith.cmpi sge, %sub3A_182, %ge3A_184 : vector<16xi32>
      %lt3A_186 = arith.constant 5120 : i32
      %lt3A_187 = vector.broadcast %lt3A_186 : i32 to vector<16xi32>
      %lt3A_188 = arith.cmpi slt, %sub3A_182, %lt3A_187 : vector<16xi32>
      %and3A_189 = arith.andi %ge3A_185, %lt3A_188 : vector<16xi1>
      tpu.vector_store_idx %arg5[%sub3A_182], %broadcast_in_dim3A_5 masked %and3A_189 {add = true} : memref<5120xf32, #tpu.memory_space<vmem>>[vector<16xi32>], vector<16xf32>, vector<16xi1>
      %get3A_190 = arith.constant 1 : i32
      %get3A_191 = arith.index_cast %add3A_118 : i32 to index
      %get3A_192 = arith.index_cast %get3A_190 : i32 to index
      %get3A_193 = arith.constant 80 : index
      %get3A_194 = tpu.vector_load %arg4[%get3A_191, %get3A_192, %get3A_193] {strides = array<i32>} : memref<13x2x128xi32, #tpu.memory_space<vmem>>, vector<16xi32>,
      %sub3A_195 = arith.constant 0 : i32
      %sub3A_196 = vector.broadcast %sub3A_195 : i32 to vector<16xi32>
      %sub3A_197 = arith.subi %get3A_194, %sub3A_196 : vector<16xi32>
      %ge3A_198 = arith.constant 0 : i32
      %ge3A_199 = vector.broadcast %ge3A_198 : i32 to vector<16xi32>
      %ge3A_200 = arith.cmpi sge, %sub3A_197, %ge3A_199 : vector<16xi32>
      %lt3A_201 = arith.constant 5120 : i32
      %lt3A_202 = vector.broadcast %lt3A_201 : i32 to vector<16xi32>
      %lt3A_203 = arith.cmpi slt, %sub3A_197, %lt3A_202 : vector<16xi32>
      %and3A_204 = arith.andi %ge3A_200, %lt3A_203 : vector<16xi1>
      tpu.vector_store_idx %arg5[%sub3A_197], %broadcast_in_dim3A_5 masked %and3A_204 {add = true} : memref<5120xf32, #tpu.memory_space<vmem>>[vector<16xi32>], vector<16xf32>, vector<16xi1>
      %get3A_205 = arith.constant 1 : i32
      %get3A_206 = arith.index_cast %add3A_118 : i32 to index
      %get3A_207 = arith.index_cast %get3A_205 : i32 to index
      %get3A_208 = arith.constant 96 : index
      %get3A_209 = tpu.vector_load %arg4[%get3A_206, %get3A_207, %get3A_208] {strides = array<i32>} : memref<13x2x128xi32, #tpu.memory_space<vmem>>, vector<16xi32>,
      %sub3A_210 = arith.constant 0 : i32
      %sub3A_211 = vector.broadcast %sub3A_210 : i32 to vector<16xi32>
      %sub3A_212 = arith.subi %get3A_209, %sub3A_211 : vector<16xi32>
      %ge3A_213 = arith.constant 0 : i32
      %ge3A_214 = vector.broadcast %ge3A_213 : i32 to vector<16xi32>
      %ge3A_215 = arith.cmpi sge, %sub3A_212, %ge3A_214 : vector<16xi32>
      %lt3A_216 = arith.constant 5120 : i32
      %lt3A_217 = vector.broadcast %lt3A_216 : i32 to vector<16xi32>
      %lt3A_218 = arith.cmpi slt, %sub3A_212, %lt3A_217 : vector<16xi32>
      %and3A_219 = arith.andi %ge3A_215, %lt3A_218 : vector<16xi1>
      tpu.vector_store_idx %arg5[%sub3A_212], %broadcast_in_dim3A_5 masked %and3A_219 {add = true} : memref<5120xf32, #tpu.memory_space<vmem>>[vector<16xi32>], vector<16xf32>, vector<16xi1>
      %get3A_220 = arith.constant 1 : i32
      %get3A_221 = arith.index_cast %add3A_118 : i32 to index
      %get3A_222 = arith.index_cast %get3A_220 : i32 to index
      %get3A_223 = arith.constant 112 : index
      %get3A_224 = tpu.vector_load %arg4[%get3A_221, %get3A_222, %get3A_223] {strides = array<i32>} : memref<13x2x128xi32, #tpu.memory_space<vmem>>, vector<16xi32>,
      %sub3A_225 = arith.constant 0 : i32
      %sub3A_226 = vector.broadcast %sub3A_225 : i32 to vector<16xi32>
      %sub3A_227 = arith.subi %get3A_224, %sub3A_226 : vector<16xi32>
      %ge3A_228 = arith.constant 0 : i32
      %ge3A_229 = vector.broadcast %ge3A_228 : i32 to vector<16xi32>
      %ge3A_230 = arith.cmpi sge, %sub3A_227, %ge3A_229 : vector<16xi32>
      %lt3A_231 = arith.constant 5120 : i32
      %lt3A_232 = vector.broadcast %lt3A_231 : i32 to vector<16xi32>
      %lt3A_233 = arith.cmpi slt, %sub3A_227, %lt3A_232 : vector<16xi32>
      %and3A_234 = arith.andi %ge3A_230, %lt3A_233 : vector<16xi1>
      tpu.vector_store_idx %arg5[%sub3A_227], %broadcast_in_dim3A_5 masked %and3A_234 {add = true} : memref<5120xf32, #tpu.memory_space<vmem>>[vector<16xi32>], vector<16xf32>, vector<16xi1>
    }
    %scan3A_30 = arith.constant 13 : i32
    %add3A_31 = arith.constant 39 : i32
    %add3A_32 = arith.addi %add3A_4, %add3A_31 : i32
    "tpu.region"() ({
      %run_scoped3A = tpu.sem_alloc : memref<!tpu.dma_semaphore, #tpu.memory_space<semaphore_mem>>
      %dma_start3A = arith.constant 0 : i32
      %dma_start3A_114 = arith.constant 0 : i32
      %dma_start3A_115 = tpu.memref_slice %arg2[%add3A_32, %dma_start3A, %dma_start3A_114] : memref<2500x2x128xi32, #tpu.memory_space<hbm>> -> memref<13x2x128xi32, #tpu.memory_space<hbm>>
      %dma_start3A_116 = arith.constant 0 : i32
      %dma_start3A_117 = arith.constant 0 : i32
      %dma_start3A_118 = tpu.memref_slice %arg2[%add3A_32, %dma_start3A_116, %dma_start3A_117] : memref<2500x2x128xi32, #tpu.memory_space<hbm>> -> memref<13x2x128xi32, #tpu.memory_space<hbm>>
      tpu.enqueue_dma source(%dma_start3A_118 : memref<13x2x128xi32, #tpu.memory_space<hbm>>) target(%arg4 : memref<13x2x128xi32, #tpu.memory_space<vmem>>) target_semaphore(%run_scoped3A : memref<!tpu.dma_semaphore, #tpu.memory_space<semaphore_mem>>)
      %dma_wait3A = arith.constant 0 : i32
      %dma_wait3A_119 = arith.constant 0 : i32
      %dma_wait3A_120 = tpu.memref_slice %arg2[%add3A_32, %dma_wait3A, %dma_wait3A_119] : memref<2500x2x128xi32, #tpu.memory_space<hbm>> -> memref<13x2x128xi32, #tpu.memory_space<hbm>>
      %dma_wait3A_121 = arith.constant 0 : i32
      %dma_wait3A_122 = arith.constant 0 : i32
      %dma_wait3A_123 = tpu.memref_slice %arg2[%add3A_32, %dma_wait3A_121, %dma_wait3A_122] : memref<2500x2x128xi32, #tpu.memory_space<hbm>> -> memref<13x2x128xi32, #tpu.memory_space<hbm>>
      tpu.wait_dma2 semaphore(%run_scoped3A : memref<!tpu.dma_semaphore, #tpu.memory_space<semaphore_mem>>) src(%dma_wait3A_123 : memref<13x2x128xi32, #tpu.memory_space<hbm>>) dst(%arg4 : memref<13x2x128xi32, #tpu.memory_space<vmem>>)
      tpu.yield
    }) : () -> ()
    %scan3A_33 = arith.constant 0 : i32
    %scan3A_34 = arith.constant 13 : i32
    %scan3A_35 = arith.addi %scan3A_33, %scan3A_34 : i32
    %scan3A_36 = arith.constant 1 : i32
    scf.for %scan3A_114 = %scan3A_33 to %scan3A_35 step %scan3A_36  : i32 {
      %mul3A_115 = arith.constant 1 : i32
      %mul3A_116 = arith.muli %scan3A_114, %mul3A_115 : i32
      %add3A_117 = arith.constant 0 : i32
      %add3A_118 = arith.addi %add3A_117, %mul3A_116 : i32
      %get3A = arith.constant 1 : i32
      %get3A_119 = arith.index_cast %add3A_118 : i32 to index
      %get3A_120 = arith.index_cast %get3A : i32 to index
      %get3A_121 = arith.constant 0 : index
      %get3A_122 = tpu.vector_load %arg4[%get3A_119, %get3A_120, %get3A_121] {strides = array<i32>} : memref<13x2x128xi32, #tpu.memory_space<vmem>>, vector<16xi32>,
      %sub3A = arith.constant 0 : i32
      %sub3A_123 = vector.broadcast %sub3A : i32 to vector<16xi32>
      %sub3A_124 = arith.subi %get3A_122, %sub3A_123 : vector<16xi32>
      %ge3A = arith.constant 0 : i32
      %ge3A_125 = vector.broadcast %ge3A : i32 to vector<16xi32>
      %ge3A_126 = arith.cmpi sge, %sub3A_124, %ge3A_125 : vector<16xi32>
      %lt3A_127 = arith.constant 5120 : i32
      %lt3A_128 = vector.broadcast %lt3A_127 : i32 to vector<16xi32>
      %lt3A_129 = arith.cmpi slt, %sub3A_124, %lt3A_128 : vector<16xi32>
      %and3A = arith.andi %ge3A_126, %lt3A_129 : vector<16xi1>
      tpu.vector_store_idx %arg5[%sub3A_124], %broadcast_in_dim3A_5 masked %and3A {add = true} : memref<5120xf32, #tpu.memory_space<vmem>>[vector<16xi32>], vector<16xf32>, vector<16xi1>
      %get3A_130 = arith.constant 1 : i32
      %get3A_131 = arith.index_cast %add3A_118 : i32 to index
      %get3A_132 = arith.index_cast %get3A_130 : i32 to index
      %get3A_133 = arith.constant 16 : index
      %get3A_134 = tpu.vector_load %arg4[%get3A_131, %get3A_132, %get3A_133] {strides = array<i32>} : memref<13x2x128xi32, #tpu.memory_space<vmem>>, vector<16xi32>,
      %sub3A_135 = arith.constant 0 : i32
      %sub3A_136 = vector.broadcast %sub3A_135 : i32 to vector<16xi32>
      %sub3A_137 = arith.subi %get3A_134, %sub3A_136 : vector<16xi32>
      %ge3A_138 = arith.constant 0 : i32
      %ge3A_139 = vector.broadcast %ge3A_138 : i32 to vector<16xi32>
      %ge3A_140 = arith.cmpi sge, %sub3A_137, %ge3A_139 : vector<16xi32>
      %lt3A_141 = arith.constant 5120 : i32
      %lt3A_142 = vector.broadcast %lt3A_141 : i32 to vector<16xi32>
      %lt3A_143 = arith.cmpi slt, %sub3A_137, %lt3A_142 : vector<16xi32>
      %and3A_144 = arith.andi %ge3A_140, %lt3A_143 : vector<16xi1>
      tpu.vector_store_idx %arg5[%sub3A_137], %broadcast_in_dim3A_5 masked %and3A_144 {add = true} : memref<5120xf32, #tpu.memory_space<vmem>>[vector<16xi32>], vector<16xf32>, vector<16xi1>
      %get3A_145 = arith.constant 1 : i32
      %get3A_146 = arith.index_cast %add3A_118 : i32 to index
      %get3A_147 = arith.index_cast %get3A_145 : i32 to index
      %get3A_148 = arith.constant 32 : index
      %get3A_149 = tpu.vector_load %arg4[%get3A_146, %get3A_147, %get3A_148] {strides = array<i32>} : memref<13x2x128xi32, #tpu.memory_space<vmem>>, vector<16xi32>,
      %sub3A_150 = arith.constant 0 : i32
      %sub3A_151 = vector.broadcast %sub3A_150 : i32 to vector<16xi32>
      %sub3A_152 = arith.subi %get3A_149, %sub3A_151 : vector<16xi32>
      %ge3A_153 = arith.constant 0 : i32
      %ge3A_154 = vector.broadcast %ge3A_153 : i32 to vector<16xi32>
      %ge3A_155 = arith.cmpi sge, %sub3A_152, %ge3A_154 : vector<16xi32>
      %lt3A_156 = arith.constant 5120 : i32
      %lt3A_157 = vector.broadcast %lt3A_156 : i32 to vector<16xi32>
      %lt3A_158 = arith.cmpi slt, %sub3A_152, %lt3A_157 : vector<16xi32>
      %and3A_159 = arith.andi %ge3A_155, %lt3A_158 : vector<16xi1>
      tpu.vector_store_idx %arg5[%sub3A_152], %broadcast_in_dim3A_5 masked %and3A_159 {add = true} : memref<5120xf32, #tpu.memory_space<vmem>>[vector<16xi32>], vector<16xf32>, vector<16xi1>
      %get3A_160 = arith.constant 1 : i32
      %get3A_161 = arith.index_cast %add3A_118 : i32 to index
      %get3A_162 = arith.index_cast %get3A_160 : i32 to index
      %get3A_163 = arith.constant 48 : index
      %get3A_164 = tpu.vector_load %arg4[%get3A_161, %get3A_162, %get3A_163] {strides = array<i32>} : memref<13x2x128xi32, #tpu.memory_space<vmem>>, vector<16xi32>,
      %sub3A_165 = arith.constant 0 : i32
      %sub3A_166 = vector.broadcast %sub3A_165 : i32 to vector<16xi32>
      %sub3A_167 = arith.subi %get3A_164, %sub3A_166 : vector<16xi32>
      %ge3A_168 = arith.constant 0 : i32
      %ge3A_169 = vector.broadcast %ge3A_168 : i32 to vector<16xi32>
      %ge3A_170 = arith.cmpi sge, %sub3A_167, %ge3A_169 : vector<16xi32>
      %lt3A_171 = arith.constant 5120 : i32
      %lt3A_172 = vector.broadcast %lt3A_171 : i32 to vector<16xi32>
      %lt3A_173 = arith.cmpi slt, %sub3A_167, %lt3A_172 : vector<16xi32>
      %and3A_174 = arith.andi %ge3A_170, %lt3A_173 : vector<16xi1>
      tpu.vector_store_idx %arg5[%sub3A_167], %broadcast_in_dim3A_5 masked %and3A_174 {add = true} : memref<5120xf32, #tpu.memory_space<vmem>>[vector<16xi32>], vector<16xf32>, vector<16xi1>
      %get3A_175 = arith.constant 1 : i32
      %get3A_176 = arith.index_cast %add3A_118 : i32 to index
      %get3A_177 = arith.index_cast %get3A_175 : i32 to index
      %get3A_178 = arith.constant 64 : index
      %get3A_179 = tpu.vector_load %arg4[%get3A_176, %get3A_177, %get3A_178] {strides = array<i32>} : memref<13x2x128xi32, #tpu.memory_space<vmem>>, vector<16xi32>,
      %sub3A_180 = arith.constant 0 : i32
      %sub3A_181 = vector.broadcast %sub3A_180 : i32 to vector<16xi32>
      %sub3A_182 = arith.subi %get3A_179, %sub3A_181 : vector<16xi32>
      %ge3A_183 = arith.constant 0 : i32
      %ge3A_184 = vector.broadcast %ge3A_183 : i32 to vector<16xi32>
      %ge3A_185 = arith.cmpi sge, %sub3A_182, %ge3A_184 : vector<16xi32>
      %lt3A_186 = arith.constant 5120 : i32
      %lt3A_187 = vector.broadcast %lt3A_186 : i32 to vector<16xi32>
      %lt3A_188 = arith.cmpi slt, %sub3A_182, %lt3A_187 : vector<16xi32>
      %and3A_189 = arith.andi %ge3A_185, %lt3A_188 : vector<16xi1>
      tpu.vector_store_idx %arg5[%sub3A_182], %broadcast_in_dim3A_5 masked %and3A_189 {add = true} : memref<5120xf32, #tpu.memory_space<vmem>>[vector<16xi32>], vector<16xf32>, vector<16xi1>
      %get3A_190 = arith.constant 1 : i32
      %get3A_191 = arith.index_cast %add3A_118 : i32 to index
      %get3A_192 = arith.index_cast %get3A_190 : i32 to index
      %get3A_193 = arith.constant 80 : index
      %get3A_194 = tpu.vector_load %arg4[%get3A_191, %get3A_192, %get3A_193] {strides = array<i32>} : memref<13x2x128xi32, #tpu.memory_space<vmem>>, vector<16xi32>,
      %sub3A_195 = arith.constant 0 : i32
      %sub3A_196 = vector.broadcast %sub3A_195 : i32 to vector<16xi32>
      %sub3A_197 = arith.subi %get3A_194, %sub3A_196 : vector<16xi32>
      %ge3A_198 = arith.constant 0 : i32
      %ge3A_199 = vector.broadcast %ge3A_198 : i32 to vector<16xi32>
      %ge3A_200 = arith.cmpi sge, %sub3A_197, %ge3A_199 : vector<16xi32>
      %lt3A_201 = arith.constant 5120 : i32
      %lt3A_202 = vector.broadcast %lt3A_201 : i32 to vector<16xi32>
      %lt3A_203 = arith.cmpi slt, %sub3A_197, %lt3A_202 : vector<16xi32>
      %and3A_204 = arith.andi %ge3A_200, %lt3A_203 : vector<16xi1>
      tpu.vector_store_idx %arg5[%sub3A_197], %broadcast_in_dim3A_5 masked %and3A_204 {add = true} : memref<5120xf32, #tpu.memory_space<vmem>>[vector<16xi32>], vector<16xf32>, vector<16xi1>
      %get3A_205 = arith.constant 1 : i32
      %get3A_206 = arith.index_cast %add3A_118 : i32 to index
      %get3A_207 = arith.index_cast %get3A_205 : i32 to index
      %get3A_208 = arith.constant 96 : index
      %get3A_209 = tpu.vector_load %arg4[%get3A_206, %get3A_207, %get3A_208] {strides = array<i32>} : memref<13x2x128xi32, #tpu.memory_space<vmem>>, vector<16xi32>,
      %sub3A_210 = arith.constant 0 : i32
      %sub3A_211 = vector.broadcast %sub3A_210 : i32 to vector<16xi32>
      %sub3A_212 = arith.subi %get3A_209, %sub3A_211 : vector<16xi32>
      %ge3A_213 = arith.constant 0 : i32
      %ge3A_214 = vector.broadcast %ge3A_213 : i32 to vector<16xi32>
      %ge3A_215 = arith.cmpi sge, %sub3A_212, %ge3A_214 : vector<16xi32>
      %lt3A_216 = arith.constant 5120 : i32
      %lt3A_217 = vector.broadcast %lt3A_216 : i32 to vector<16xi32>
      %lt3A_218 = arith.cmpi slt, %sub3A_212, %lt3A_217 : vector<16xi32>
      %and3A_219 = arith.andi %ge3A_215, %lt3A_218 : vector<16xi1>
      tpu.vector_store_idx %arg5[%sub3A_212], %broadcast_in_dim3A_5 masked %and3A_219 {add = true} : memref<5120xf32, #tpu.memory_space<vmem>>[vector<16xi32>], vector<16xf32>, vector<16xi1>
      %get3A_220 = arith.constant 1 : i32
      %get3A_221 = arith.index_cast %add3A_118 : i32 to index
      %get3A_222 = arith.index_cast %get3A_220 : i32 to index
      %get3A_223 = arith.constant 112 : index
      %get3A_224 = tpu.vector_load %arg4[%get3A_221, %get3A_222, %get3A_223] {strides = array<i32>} : memref<13x2x128xi32, #tpu.memory_space<vmem>>, vector<16xi32>,
      %sub3A_225 = arith.constant 0 : i32
      %sub3A_226 = vector.broadcast %sub3A_225 : i32 to vector<16xi32>
      %sub3A_227 = arith.subi %get3A_224, %sub3A_226 : vector<16xi32>
      %ge3A_228 = arith.constant 0 : i32
      %ge3A_229 = vector.broadcast %ge3A_228 : i32 to vector<16xi32>
      %ge3A_230 = arith.cmpi sge, %sub3A_227, %ge3A_229 : vector<16xi32>
      %lt3A_231 = arith.constant 5120 : i32
      %lt3A_232 = vector.broadcast %lt3A_231 : i32 to vector<16xi32>
      %lt3A_233 = arith.cmpi slt, %sub3A_227, %lt3A_232 : vector<16xi32>
      %and3A_234 = arith.andi %ge3A_230, %lt3A_233 : vector<16xi1>
      tpu.vector_store_idx %arg5[%sub3A_227], %broadcast_in_dim3A_5 masked %and3A_234 {add = true} : memref<5120xf32, #tpu.memory_space<vmem>>[vector<16xi32>], vector<16xf32>, vector<16xi1>
    }
    %scan3A_37 = arith.constant 13 : i32
    %add3A_38 = arith.constant 52 : i32
    %add3A_39 = arith.addi %add3A_4, %add3A_38 : i32
    "tpu.region"() ({
      %run_scoped3A = tpu.sem_alloc : memref<!tpu.dma_semaphore, #tpu.memory_space<semaphore_mem>>
      %dma_start3A = arith.constant 0 : i32
      %dma_start3A_114 = arith.constant 0 : i32
      %dma_start3A_115 = tpu.memref_slice %arg2[%add3A_39, %dma_start3A, %dma_start3A_114] : memref<2500x2x128xi32, #tpu.memory_space<hbm>> -> memref<13x2x128xi32, #tpu.memory_space<hbm>>
      %dma_start3A_116 = arith.constant 0 : i32
      %dma_start3A_117 = arith.constant 0 : i32
      %dma_start3A_118 = tpu.memref_slice %arg2[%add3A_39, %dma_start3A_116, %dma_start3A_117] : memref<2500x2x128xi32, #tpu.memory_space<hbm>> -> memref<13x2x128xi32, #tpu.memory_space<hbm>>
      tpu.enqueue_dma source(%dma_start3A_118 : memref<13x2x128xi32, #tpu.memory_space<hbm>>) target(%arg4 : memref<13x2x128xi32, #tpu.memory_space<vmem>>) target_semaphore(%run_scoped3A : memref<!tpu.dma_semaphore, #tpu.memory_space<semaphore_mem>>)
      %dma_wait3A = arith.constant 0 : i32
      %dma_wait3A_119 = arith.constant 0 : i32
      %dma_wait3A_120 = tpu.memref_slice %arg2[%add3A_39, %dma_wait3A, %dma_wait3A_119] : memref<2500x2x128xi32, #tpu.memory_space<hbm>> -> memref<13x2x128xi32, #tpu.memory_space<hbm>>
      %dma_wait3A_121 = arith.constant 0 : i32
      %dma_wait3A_122 = arith.constant 0 : i32
      %dma_wait3A_123 = tpu.memref_slice %arg2[%add3A_39, %dma_wait3A_121, %dma_wait3A_122] : memref<2500x2x128xi32, #tpu.memory_space<hbm>> -> memref<13x2x128xi32, #tpu.memory_space<hbm>>
      tpu.wait_dma2 semaphore(%run_scoped3A : memref<!tpu.dma_semaphore, #tpu.memory_space<semaphore_mem>>) src(%dma_wait3A_123 : memref<13x2x128xi32, #tpu.memory_space<hbm>>) dst(%arg4 : memref<13x2x128xi32, #tpu.memory_space<vmem>>)
      tpu.yield
    }) : () -> ()
    %scan3A_40 = arith.constant 0 : i32
    %scan3A_41 = arith.constant 13 : i32
    %scan3A_42 = arith.addi %scan3A_40, %scan3A_41 : i32
    %scan3A_43 = arith.constant 1 : i32
    scf.for %scan3A_114 = %scan3A_40 to %scan3A_42 step %scan3A_43  : i32 {
      %mul3A_115 = arith.constant 1 : i32
      %mul3A_116 = arith.muli %scan3A_114, %mul3A_115 : i32
      %add3A_117 = arith.constant 0 : i32
      %add3A_118 = arith.addi %add3A_117, %mul3A_116 : i32
      %get3A = arith.constant 1 : i32
      %get3A_119 = arith.index_cast %add3A_118 : i32 to index
      %get3A_120 = arith.index_cast %get3A : i32 to index
      %get3A_121 = arith.constant 0 : index
      %get3A_122 = tpu.vector_load %arg4[%get3A_119, %get3A_120, %get3A_121] {strides = array<i32>} : memref<13x2x128xi32, #tpu.memory_space<vmem>>, vector<16xi32>,
      %sub3A = arith.constant 0 : i32
      %sub3A_123 = vector.broadcast %sub3A : i32 to vector<16xi32>
      %sub3A_124 = arith.subi %get3A_122, %sub3A_123 : vector<16xi32>
      %ge3A = arith.constant 0 : i32
      %ge3A_125 = vector.broadcast %ge3A : i32 to vector<16xi32>
      %ge3A_126 = arith.cmpi sge, %sub3A_124, %ge3A_125 : vector<16xi32>
      %lt3A_127 = arith.constant 5120 : i32
      %lt3A_128 = vector.broadcast %lt3A_127 : i32 to vector<16xi32>
      %lt3A_129 = arith.cmpi slt, %sub3A_124, %lt3A_128 : vector<16xi32>
      %and3A = arith.andi %ge3A_126, %lt3A_129 : vector<16xi1>
      tpu.vector_store_idx %arg5[%sub3A_124], %broadcast_in_dim3A_5 masked %and3A {add = true} : memref<5120xf32, #tpu.memory_space<vmem>>[vector<16xi32>], vector<16xf32>, vector<16xi1>
      %get3A_130 = arith.constant 1 : i32
      %get3A_131 = arith.index_cast %add3A_118 : i32 to index
      %get3A_132 = arith.index_cast %get3A_130 : i32 to index
      %get3A_133 = arith.constant 16 : index
      %get3A_134 = tpu.vector_load %arg4[%get3A_131, %get3A_132, %get3A_133] {strides = array<i32>} : memref<13x2x128xi32, #tpu.memory_space<vmem>>, vector<16xi32>,
      %sub3A_135 = arith.constant 0 : i32
      %sub3A_136 = vector.broadcast %sub3A_135 : i32 to vector<16xi32>
      %sub3A_137 = arith.subi %get3A_134, %sub3A_136 : vector<16xi32>
      %ge3A_138 = arith.constant 0 : i32
      %ge3A_139 = vector.broadcast %ge3A_138 : i32 to vector<16xi32>
      %ge3A_140 = arith.cmpi sge, %sub3A_137, %ge3A_139 : vector<16xi32>
      %lt3A_141 = arith.constant 5120 : i32
      %lt3A_142 = vector.broadcast %lt3A_141 : i32 to vector<16xi32>
      %lt3A_143 = arith.cmpi slt, %sub3A_137, %lt3A_142 : vector<16xi32>
      %and3A_144 = arith.andi %ge3A_140, %lt3A_143 : vector<16xi1>
      tpu.vector_store_idx %arg5[%sub3A_137], %broadcast_in_dim3A_5 masked %and3A_144 {add = true} : memref<5120xf32, #tpu.memory_space<vmem>>[vector<16xi32>], vector<16xf32>, vector<16xi1>
      %get3A_145 = arith.constant 1 : i32
      %get3A_146 = arith.index_cast %add3A_118 : i32 to index
      %get3A_147 = arith.index_cast %get3A_145 : i32 to index
      %get3A_148 = arith.constant 32 : index
      %get3A_149 = tpu.vector_load %arg4[%get3A_146, %get3A_147, %get3A_148] {strides = array<i32>} : memref<13x2x128xi32, #tpu.memory_space<vmem>>, vector<16xi32>,
      %sub3A_150 = arith.constant 0 : i32
      %sub3A_151 = vector.broadcast %sub3A_150 : i32 to vector<16xi32>
      %sub3A_152 = arith.subi %get3A_149, %sub3A_151 : vector<16xi32>
      %ge3A_153 = arith.constant 0 : i32
      %ge3A_154 = vector.broadcast %ge3A_153 : i32 to vector<16xi32>
      %ge3A_155 = arith.cmpi sge, %sub3A_152, %ge3A_154 : vector<16xi32>
      %lt3A_156 = arith.constant 5120 : i32
      %lt3A_157 = vector.broadcast %lt3A_156 : i32 to vector<16xi32>
      %lt3A_158 = arith.cmpi slt, %sub3A_152, %lt3A_157 : vector<16xi32>
      %and3A_159 = arith.andi %ge3A_155, %lt3A_158 : vector<16xi1>
      tpu.vector_store_idx %arg5[%sub3A_152], %broadcast_in_dim3A_5 masked %and3A_159 {add = true} : memref<5120xf32, #tpu.memory_space<vmem>>[vector<16xi32>], vector<16xf32>, vector<16xi1>
      %get3A_160 = arith.constant 1 : i32
      %get3A_161 = arith.index_cast %add3A_118 : i32 to index
      %get3A_162 = arith.index_cast %get3A_160 : i32 to index
      %get3A_163 = arith.constant 48 : index
      %get3A_164 = tpu.vector_load %arg4[%get3A_161, %get3A_162, %get3A_163] {strides = array<i32>} : memref<13x2x128xi32, #tpu.memory_space<vmem>>, vector<16xi32>,
      %sub3A_165 = arith.constant 0 : i32
      %sub3A_166 = vector.broadcast %sub3A_165 : i32 to vector<16xi32>
      %sub3A_167 = arith.subi %get3A_164, %sub3A_166 : vector<16xi32>
      %ge3A_168 = arith.constant 0 : i32
      %ge3A_169 = vector.broadcast %ge3A_168 : i32 to vector<16xi32>
      %ge3A_170 = arith.cmpi sge, %sub3A_167, %ge3A_169 : vector<16xi32>
      %lt3A_171 = arith.constant 5120 : i32
      %lt3A_172 = vector.broadcast %lt3A_171 : i32 to vector<16xi32>
      %lt3A_173 = arith.cmpi slt, %sub3A_167, %lt3A_172 : vector<16xi32>
      %and3A_174 = arith.andi %ge3A_170, %lt3A_173 : vector<16xi1>
      tpu.vector_store_idx %arg5[%sub3A_167], %broadcast_in_dim3A_5 masked %and3A_174 {add = true} : memref<5120xf32, #tpu.memory_space<vmem>>[vector<16xi32>], vector<16xf32>, vector<16xi1>
      %get3A_175 = arith.constant 1 : i32
      %get3A_176 = arith.index_cast %add3A_118 : i32 to index
      %get3A_177 = arith.index_cast %get3A_175 : i32 to index
      %get3A_178 = arith.constant 64 : index
      %get3A_179 = tpu.vector_load %arg4[%get3A_176, %get3A_177, %get3A_178] {strides = array<i32>} : memref<13x2x128xi32, #tpu.memory_space<vmem>>, vector<16xi32>,
      %sub3A_180 = arith.constant 0 : i32
      %sub3A_181 = vector.broadcast %sub3A_180 : i32 to vector<16xi32>
      %sub3A_182 = arith.subi %get3A_179, %sub3A_181 : vector<16xi32>
      %ge3A_183 = arith.constant 0 : i32
      %ge3A_184 = vector.broadcast %ge3A_183 : i32 to vector<16xi32>
      %ge3A_185 = arith.cmpi sge, %sub3A_182, %ge3A_184 : vector<16xi32>
      %lt3A_186 = arith.constant 5120 : i32
      %lt3A_187 = vector.broadcast %lt3A_186 : i32 to vector<16xi32>
      %lt3A_188 = arith.cmpi slt, %sub3A_182, %lt3A_187 : vector<16xi32>
      %and3A_189 = arith.andi %ge3A_185, %lt3A_188 : vector<16xi1>
      tpu.vector_store_idx %arg5[%sub3A_182], %broadcast_in_dim3A_5 masked %and3A_189 {add = true} : memref<5120xf32, #tpu.memory_space<vmem>>[vector<16xi32>], vector<16xf32>, vector<16xi1>
      %get3A_190 = arith.constant 1 : i32
      %get3A_191 = arith.index_cast %add3A_118 : i32 to index
      %get3A_192 = arith.index_cast %get3A_190 : i32 to index
      %get3A_193 = arith.constant 80 : index
      %get3A_194 = tpu.vector_load %arg4[%get3A_191, %get3A_192, %get3A_193] {strides = array<i32>} : memref<13x2x128xi32, #tpu.memory_space<vmem>>, vector<16xi32>,
      %sub3A_195 = arith.constant 0 : i32
      %sub3A_196 = vector.broadcast %sub3A_195 : i32 to vector<16xi32>
      %sub3A_197 = arith.subi %get3A_194, %sub3A_196 : vector<16xi32>
      %ge3A_198 = arith.constant 0 : i32
      %ge3A_199 = vector.broadcast %ge3A_198 : i32 to vector<16xi32>
      %ge3A_200 = arith.cmpi sge, %sub3A_197, %ge3A_199 : vector<16xi32>
      %lt3A_201 = arith.constant 5120 : i32
      %lt3A_202 = vector.broadcast %lt3A_201 : i32 to vector<16xi32>
      %lt3A_203 = arith.cmpi slt, %sub3A_197, %lt3A_202 : vector<16xi32>
      %and3A_204 = arith.andi %ge3A_200, %lt3A_203 : vector<16xi1>
      tpu.vector_store_idx %arg5[%sub3A_197], %broadcast_in_dim3A_5 masked %and3A_204 {add = true} : memref<5120xf32, #tpu.memory_space<vmem>>[vector<16xi32>], vector<16xf32>, vector<16xi1>
      %get3A_205 = arith.constant 1 : i32
      %get3A_206 = arith.index_cast %add3A_118 : i32 to index
      %get3A_207 = arith.index_cast %get3A_205 : i32 to index
      %get3A_208 = arith.constant 96 : index
      %get3A_209 = tpu.vector_load %arg4[%get3A_206, %get3A_207, %get3A_208] {strides = array<i32>} : memref<13x2x128xi32, #tpu.memory_space<vmem>>, vector<16xi32>,
      %sub3A_210 = arith.constant 0 : i32
      %sub3A_211 = vector.broadcast %sub3A_210 : i32 to vector<16xi32>
      %sub3A_212 = arith.subi %get3A_209, %sub3A_211 : vector<16xi32>
      %ge3A_213 = arith.constant 0 : i32
      %ge3A_214 = vector.broadcast %ge3A_213 : i32 to vector<16xi32>
      %ge3A_215 = arith.cmpi sge, %sub3A_212, %ge3A_214 : vector<16xi32>
      %lt3A_216 = arith.constant 5120 : i32
      %lt3A_217 = vector.broadcast %lt3A_216 : i32 to vector<16xi32>
      %lt3A_218 = arith.cmpi slt, %sub3A_212, %lt3A_217 : vector<16xi32>
      %and3A_219 = arith.andi %ge3A_215, %lt3A_218 : vector<16xi1>
      tpu.vector_store_idx %arg5[%sub3A_212], %broadcast_in_dim3A_5 masked %and3A_219 {add = true} : memref<5120xf32, #tpu.memory_space<vmem>>[vector<16xi32>], vector<16xf32>, vector<16xi1>
      %get3A_220 = arith.constant 1 : i32
      %get3A_221 = arith.index_cast %add3A_118 : i32 to index
      %get3A_222 = arith.index_cast %get3A_220 : i32 to index
      %get3A_223 = arith.constant 112 : index
      %get3A_224 = tpu.vector_load %arg4[%get3A_221, %get3A_222, %get3A_223] {strides = array<i32>} : memref<13x2x128xi32, #tpu.memory_space<vmem>>, vector<16xi32>,
      %sub3A_225 = arith.constant 0 : i32
      %sub3A_226 = vector.broadcast %sub3A_225 : i32 to vector<16xi32>
      %sub3A_227 = arith.subi %get3A_224, %sub3A_226 : vector<16xi32>
      %ge3A_228 = arith.constant 0 : i32
      %ge3A_229 = vector.broadcast %ge3A_228 : i32 to vector<16xi32>
      %ge3A_230 = arith.cmpi sge, %sub3A_227, %ge3A_229 : vector<16xi32>
      %lt3A_231 = arith.constant 5120 : i32
      %lt3A_232 = vector.broadcast %lt3A_231 : i32 to vector<16xi32>
      %lt3A_233 = arith.cmpi slt, %sub3A_227, %lt3A_232 : vector<16xi32>
      %and3A_234 = arith.andi %ge3A_230, %lt3A_233 : vector<16xi1>
      tpu.vector_store_idx %arg5[%sub3A_227], %broadcast_in_dim3A_5 masked %and3A_234 {add = true} : memref<5120xf32, #tpu.memory_space<vmem>>[vector<16xi32>], vector<16xf32>, vector<16xi1>
    }
    %scan3A_44 = arith.constant 13 : i32
    %add3A_45 = arith.constant 65 : i32
    %add3A_46 = arith.addi %add3A_4, %add3A_45 : i32
    "tpu.region"() ({
      %run_scoped3A = tpu.sem_alloc : memref<!tpu.dma_semaphore, #tpu.memory_space<semaphore_mem>>
      %dma_start3A = arith.constant 0 : i32
      %dma_start3A_114 = arith.constant 0 : i32
      %dma_start3A_115 = tpu.memref_slice %arg2[%add3A_46, %dma_start3A, %dma_start3A_114] : memref<2500x2x128xi32, #tpu.memory_space<hbm>> -> memref<13x2x128xi32, #tpu.memory_space<hbm>>
      %dma_start3A_116 = arith.constant 0 : i32
      %dma_start3A_117 = arith.constant 0 : i32
      %dma_start3A_118 = tpu.memref_slice %arg2[%add3A_46, %dma_start3A_116, %dma_start3A_117] : memref<2500x2x128xi32, #tpu.memory_space<hbm>> -> memref<13x2x128xi32, #tpu.memory_space<hbm>>
      tpu.enqueue_dma source(%dma_start3A_118 : memref<13x2x128xi32, #tpu.memory_space<hbm>>) target(%arg4 : memref<13x2x128xi32, #tpu.memory_space<vmem>>) target_semaphore(%run_scoped3A : memref<!tpu.dma_semaphore, #tpu.memory_space<semaphore_mem>>)
      %dma_wait3A = arith.constant 0 : i32
      %dma_wait3A_119 = arith.constant 0 : i32
      %dma_wait3A_120 = tpu.memref_slice %arg2[%add3A_46, %dma_wait3A, %dma_wait3A_119] : memref<2500x2x128xi32, #tpu.memory_space<hbm>> -> memref<13x2x128xi32, #tpu.memory_space<hbm>>
      %dma_wait3A_121 = arith.constant 0 : i32
      %dma_wait3A_122 = arith.constant 0 : i32
      %dma_wait3A_123 = tpu.memref_slice %arg2[%add3A_46, %dma_wait3A_121, %dma_wait3A_122] : memref<2500x2x128xi32, #tpu.memory_space<hbm>> -> memref<13x2x128xi32, #tpu.memory_space<hbm>>
      tpu.wait_dma2 semaphore(%run_scoped3A : memref<!tpu.dma_semaphore, #tpu.memory_space<semaphore_mem>>) src(%dma_wait3A_123 : memref<13x2x128xi32, #tpu.memory_space<hbm>>) dst(%arg4 : memref<13x2x128xi32, #tpu.memory_space<vmem>>)
      tpu.yield
    }) : () -> ()
    %scan3A_47 = arith.constant 0 : i32
    %scan3A_48 = arith.constant 13 : i32
    %scan3A_49 = arith.addi %scan3A_47, %scan3A_48 : i32
    %scan3A_50 = arith.constant 1 : i32
    scf.for %scan3A_114 = %scan3A_47 to %scan3A_49 step %scan3A_50  : i32 {
      %mul3A_115 = arith.constant 1 : i32
      %mul3A_116 = arith.muli %scan3A_114, %mul3A_115 : i32
      %add3A_117 = arith.constant 0 : i32
      %add3A_118 = arith.addi %add3A_117, %mul3A_116 : i32
      %get3A = arith.constant 1 : i32
      %get3A_119 = arith.index_cast %add3A_118 : i32 to index
      %get3A_120 = arith.index_cast %get3A : i32 to index
      %get3A_121 = arith.constant 0 : index
      %get3A_122 = tpu.vector_load %arg4[%get3A_119, %get3A_120, %get3A_121] {strides = array<i32>} : memref<13x2x128xi32, #tpu.memory_space<vmem>>, vector<16xi32>,
      %sub3A = arith.constant 0 : i32
      %sub3A_123 = vector.broadcast %sub3A : i32 to vector<16xi32>
      %sub3A_124 = arith.subi %get3A_122, %sub3A_123 : vector<16xi32>
      %ge3A = arith.constant 0 : i32
      %ge3A_125 = vector.broadcast %ge3A : i32 to vector<16xi32>
      %ge3A_126 = arith.cmpi sge, %sub3A_124, %ge3A_125 : vector<16xi32>
      %lt3A_127 = arith.constant 5120 : i32
      %lt3A_128 = vector.broadcast %lt3A_127 : i32 to vector<16xi32>
      %lt3A_129 = arith.cmpi slt, %sub3A_124, %lt3A_128 : vector<16xi32>
      %and3A = arith.andi %ge3A_126, %lt3A_129 : vector<16xi1>
      tpu.vector_store_idx %arg5[%sub3A_124], %broadcast_in_dim3A_5 masked %and3A {add = true} : memref<5120xf32, #tpu.memory_space<vmem>>[vector<16xi32>], vector<16xf32>, vector<16xi1>
      %get3A_130 = arith.constant 1 : i32
      %get3A_131 = arith.index_cast %add3A_118 : i32 to index
      %get3A_132 = arith.index_cast %get3A_130 : i32 to index
      %get3A_133 = arith.constant 16 : index
      %get3A_134 = tpu.vector_load %arg4[%get3A_131, %get3A_132, %get3A_133] {strides = array<i32>} : memref<13x2x128xi32, #tpu.memory_space<vmem>>, vector<16xi32>,
      %sub3A_135 = arith.constant 0 : i32
      %sub3A_136 = vector.broadcast %sub3A_135 : i32 to vector<16xi32>
      %sub3A_137 = arith.subi %get3A_134, %sub3A_136 : vector<16xi32>
      %ge3A_138 = arith.constant 0 : i32
      %ge3A_139 = vector.broadcast %ge3A_138 : i32 to vector<16xi32>
      %ge3A_140 = arith.cmpi sge, %sub3A_137, %ge3A_139 : vector<16xi32>
      %lt3A_141 = arith.constant 5120 : i32
      %lt3A_142 = vector.broadcast %lt3A_141 : i32 to vector<16xi32>
      %lt3A_143 = arith.cmpi slt, %sub3A_137, %lt3A_142 : vector<16xi32>
      %and3A_144 = arith.andi %ge3A_140, %lt3A_143 : vector<16xi1>
      tpu.vector_store_idx %arg5[%sub3A_137], %broadcast_in_dim3A_5 masked %and3A_144 {add = true} : memref<5120xf32, #tpu.memory_space<vmem>>[vector<16xi32>], vector<16xf32>, vector<16xi1>
      %get3A_145 = arith.constant 1 : i32
      %get3A_146 = arith.index_cast %add3A_118 : i32 to index
      %get3A_147 = arith.index_cast %get3A_145 : i32 to index
      %get3A_148 = arith.constant 32 : index
      %get3A_149 = tpu.vector_load %arg4[%get3A_146, %get3A_147, %get3A_148] {strides = array<i32>} : memref<13x2x128xi32, #tpu.memory_space<vmem>>, vector<16xi32>,
      %sub3A_150 = arith.constant 0 : i32
      %sub3A_151 = vector.broadcast %sub3A_150 : i32 to vector<16xi32>
      %sub3A_152 = arith.subi %get3A_149, %sub3A_151 : vector<16xi32>
      %ge3A_153 = arith.constant 0 : i32
      %ge3A_154 = vector.broadcast %ge3A_153 : i32 to vector<16xi32>
      %ge3A_155 = arith.cmpi sge, %sub3A_152, %ge3A_154 : vector<16xi32>
      %lt3A_156 = arith.constant 5120 : i32
      %lt3A_157 = vector.broadcast %lt3A_156 : i32 to vector<16xi32>
      %lt3A_158 = arith.cmpi slt, %sub3A_152, %lt3A_157 : vector<16xi32>
      %and3A_159 = arith.andi %ge3A_155, %lt3A_158 : vector<16xi1>
      tpu.vector_store_idx %arg5[%sub3A_152], %broadcast_in_dim3A_5 masked %and3A_159 {add = true} : memref<5120xf32, #tpu.memory_space<vmem>>[vector<16xi32>], vector<16xf32>, vector<16xi1>
      %get3A_160 = arith.constant 1 : i32
      %get3A_161 = arith.index_cast %add3A_118 : i32 to index
      %get3A_162 = arith.index_cast %get3A_160 : i32 to index
      %get3A_163 = arith.constant 48 : index
      %get3A_164 = tpu.vector_load %arg4[%get3A_161, %get3A_162, %get3A_163] {strides = array<i32>} : memref<13x2x128xi32, #tpu.memory_space<vmem>>, vector<16xi32>,
      %sub3A_165 = arith.constant 0 : i32
      %sub3A_166 = vector.broadcast %sub3A_165 : i32 to vector<16xi32>
      %sub3A_167 = arith.subi %get3A_164, %sub3A_166 : vector<16xi32>
      %ge3A_168 = arith.constant 0 : i32
      %ge3A_169 = vector.broadcast %ge3A_168 : i32 to vector<16xi32>
      %ge3A_170 = arith.cmpi sge, %sub3A_167, %ge3A_169 : vector<16xi32>
      %lt3A_171 = arith.constant 5120 : i32
      %lt3A_172 = vector.broadcast %lt3A_171 : i32 to vector<16xi32>
      %lt3A_173 = arith.cmpi slt, %sub3A_167, %lt3A_172 : vector<16xi32>
      %and3A_174 = arith.andi %ge3A_170, %lt3A_173 : vector<16xi1>
      tpu.vector_store_idx %arg5[%sub3A_167], %broadcast_in_dim3A_5 masked %and3A_174 {add = true} : memref<5120xf32, #tpu.memory_space<vmem>>[vector<16xi32>], vector<16xf32>, vector<16xi1>
      %get3A_175 = arith.constant 1 : i32
      %get3A_176 = arith.index_cast %add3A_118 : i32 to index
      %get3A_177 = arith.index_cast %get3A_175 : i32 to index
      %get3A_178 = arith.constant 64 : index
      %get3A_179 = tpu.vector_load %arg4[%get3A_176, %get3A_177, %get3A_178] {strides = array<i32>} : memref<13x2x128xi32, #tpu.memory_space<vmem>>, vector<16xi32>,
      %sub3A_180 = arith.constant 0 : i32
      %sub3A_181 = vector.broadcast %sub3A_180 : i32 to vector<16xi32>
      %sub3A_182 = arith.subi %get3A_179, %sub3A_181 : vector<16xi32>
      %ge3A_183 = arith.constant 0 : i32
      %ge3A_184 = vector.broadcast %ge3A_183 : i32 to vector<16xi32>
      %ge3A_185 = arith.cmpi sge, %sub3A_182, %ge3A_184 : vector<16xi32>
      %lt3A_186 = arith.constant 5120 : i32
      %lt3A_187 = vector.broadcast %lt3A_186 : i32 to vector<16xi32>
      %lt3A_188 = arith.cmpi slt, %sub3A_182, %lt3A_187 : vector<16xi32>
      %and3A_189 = arith.andi %ge3A_185, %lt3A_188 : vector<16xi1>
      tpu.vector_store_idx %arg5[%sub3A_182], %broadcast_in_dim3A_5 masked %and3A_189 {add = true} : memref<5120xf32, #tpu.memory_space<vmem>>[vector<16xi32>], vector<16xf32>, vector<16xi1>
      %get3A_190 = arith.constant 1 : i32
      %get3A_191 = arith.index_cast %add3A_118 : i32 to index
      %get3A_192 = arith.index_cast %get3A_190 : i32 to index
      %get3A_193 = arith.constant 80 : index
      %get3A_194 = tpu.vector_load %arg4[%get3A_191, %get3A_192, %get3A_193] {strides = array<i32>} : memref<13x2x128xi32, #tpu.memory_space<vmem>>, vector<16xi32>,
      %sub3A_195 = arith.constant 0 : i32
      %sub3A_196 = vector.broadcast %sub3A_195 : i32 to vector<16xi32>
      %sub3A_197 = arith.subi %get3A_194, %sub3A_196 : vector<16xi32>
      %ge3A_198 = arith.constant 0 : i32
      %ge3A_199 = vector.broadcast %ge3A_198 : i32 to vector<16xi32>
      %ge3A_200 = arith.cmpi sge, %sub3A_197, %ge3A_199 : vector<16xi32>
      %lt3A_201 = arith.constant 5120 : i32
      %lt3A_202 = vector.broadcast %lt3A_201 : i32 to vector<16xi32>
      %lt3A_203 = arith.cmpi slt, %sub3A_197, %lt3A_202 : vector<16xi32>
      %and3A_204 = arith.andi %ge3A_200, %lt3A_203 : vector<16xi1>
      tpu.vector_store_idx %arg5[%sub3A_197], %broadcast_in_dim3A_5 masked %and3A_204 {add = true} : memref<5120xf32, #tpu.memory_space<vmem>>[vector<16xi32>], vector<16xf32>, vector<16xi1>
      %get3A_205 = arith.constant 1 : i32
      %get3A_206 = arith.index_cast %add3A_118 : i32 to index
      %get3A_207 = arith.index_cast %get3A_205 : i32 to index
      %get3A_208 = arith.constant 96 : index
      %get3A_209 = tpu.vector_load %arg4[%get3A_206, %get3A_207, %get3A_208] {strides = array<i32>} : memref<13x2x128xi32, #tpu.memory_space<vmem>>, vector<16xi32>,
      %sub3A_210 = arith.constant 0 : i32
      %sub3A_211 = vector.broadcast %sub3A_210 : i32 to vector<16xi32>
      %sub3A_212 = arith.subi %get3A_209, %sub3A_211 : vector<16xi32>
      %ge3A_213 = arith.constant 0 : i32
      %ge3A_214 = vector.broadcast %ge3A_213 : i32 to vector<16xi32>
      %ge3A_215 = arith.cmpi sge, %sub3A_212, %ge3A_214 : vector<16xi32>
      %lt3A_216 = arith.constant 5120 : i32
      %lt3A_217 = vector.broadcast %lt3A_216 : i32 to vector<16xi32>
      %lt3A_218 = arith.cmpi slt, %sub3A_212, %lt3A_217 : vector<16xi32>
      %and3A_219 = arith.andi %ge3A_215, %lt3A_218 : vector<16xi1>
      tpu.vector_store_idx %arg5[%sub3A_212], %broadcast_in_dim3A_5 masked %and3A_219 {add = true} : memref<5120xf32, #tpu.memory_space<vmem>>[vector<16xi32>], vector<16xf32>, vector<16xi1>
      %get3A_220 = arith.constant 1 : i32
      %get3A_221 = arith.index_cast %add3A_118 : i32 to index
      %get3A_222 = arith.index_cast %get3A_220 : i32 to index
      %get3A_223 = arith.constant 112 : index
      %get3A_224 = tpu.vector_load %arg4[%get3A_221, %get3A_222, %get3A_223] {strides = array<i32>} : memref<13x2x128xi32, #tpu.memory_space<vmem>>, vector<16xi32>,
      %sub3A_225 = arith.constant 0 : i32
      %sub3A_226 = vector.broadcast %sub3A_225 : i32 to vector<16xi32>
      %sub3A_227 = arith.subi %get3A_224, %sub3A_226 : vector<16xi32>
      %ge3A_228 = arith.constant 0 : i32
      %ge3A_229 = vector.broadcast %ge3A_228 : i32 to vector<16xi32>
      %ge3A_230 = arith.cmpi sge, %sub3A_227, %ge3A_229 : vector<16xi32>
      %lt3A_231 = arith.constant 5120 : i32
      %lt3A_232 = vector.broadcast %lt3A_231 : i32 to vector<16xi32>
      %lt3A_233 = arith.cmpi slt, %sub3A_227, %lt3A_232 : vector<16xi32>
      %and3A_234 = arith.andi %ge3A_230, %lt3A_233 : vector<16xi1>
      tpu.vector_store_idx %arg5[%sub3A_227], %broadcast_in_dim3A_5 masked %and3A_234 {add = true} : memref<5120xf32, #tpu.memory_space<vmem>>[vector<16xi32>], vector<16xf32>, vector<16xi1>
    }
    %scan3A_51 = arith.constant 13 : i32
    %lt3A = arith.constant 4 : i32
    %lt3A_52 = arith.cmpi slt, %add3A, %lt3A : i32
    %convert_element_type3A = arith.extui %lt3A_52 : i1 to i32
    %cond3A = arith.constant 0 : i32
    %cond3A_53 = arith.cmpi ne, %convert_element_type3A, %cond3A : i32
    scf.if %cond3A_53 {
      %add3A_114 = arith.constant 78 : i32
      %add3A_115 = arith.addi %add3A_4, %add3A_114 : i32
      "tpu.region"() ({
        %run_scoped3A = tpu.sem_alloc : memref<!tpu.dma_semaphore, #tpu.memory_space<semaphore_mem>>
        %dma_start3A = arith.constant 0 : i32
        %dma_start3A_240 = arith.constant 0 : i32
        %dma_start3A_241 = arith.constant 0 : i32
        %dma_start3A_242 = tpu.memref_slice %arg4[%dma_start3A, %dma_start3A_240, %dma_start3A_241] : memref<13x2x128xi32, #tpu.memory_space<vmem>> -> memref<1x2x128xi32, #tpu.memory_space<vmem>>
        %dma_start3A_243 = arith.constant 0 : i32
        %dma_start3A_244 = arith.constant 0 : i32
        %dma_start3A_245 = tpu.memref_slice %arg2[%add3A_115, %dma_start3A_243, %dma_start3A_244] : memref<2500x2x128xi32, #tpu.memory_space<hbm>> -> memref<1x2x128xi32, #tpu.memory_space<hbm>>
        %dma_start3A_246 = arith.constant 0 : i32
        %dma_start3A_247 = arith.constant 0 : i32
        %dma_start3A_248 = arith.constant 0 : i32
        %dma_start3A_249 = tpu.memref_slice %arg4[%dma_start3A_246, %dma_start3A_247, %dma_start3A_248] : memref<13x2x128xi32, #tpu.memory_space<vmem>> -> memref<1x2x128xi32, #tpu.memory_space<vmem>>
        %dma_start3A_250 = arith.constant 0 : i32
        %dma_start3A_251 = arith.constant 0 : i32
        %dma_start3A_252 = tpu.memref_slice %arg2[%add3A_115, %dma_start3A_250, %dma_start3A_251] : memref<2500x2x128xi32, #tpu.memory_space<hbm>> -> memref<1x2x128xi32, #tpu.memory_space<hbm>>
        tpu.enqueue_dma source(%dma_start3A_252 : memref<1x2x128xi32, #tpu.memory_space<hbm>>) target(%dma_start3A_249 : memref<1x2x128xi32, #tpu.memory_space<vmem>>) target_semaphore(%run_scoped3A : memref<!tpu.dma_semaphore, #tpu.memory_space<semaphore_mem>>)
        %dma_wait3A = arith.constant 0 : i32
        %dma_wait3A_253 = arith.constant 0 : i32
        %dma_wait3A_254 = arith.constant 0 : i32
        %dma_wait3A_255 = tpu.memref_slice %arg4[%dma_wait3A, %dma_wait3A_253, %dma_wait3A_254] : memref<13x2x128xi32, #tpu.memory_space<vmem>> -> memref<1x2x128xi32, #tpu.memory_space<vmem>>
        %dma_wait3A_256 = arith.constant 0 : i32
        %dma_wait3A_257 = arith.constant 0 : i32
        %dma_wait3A_258 = tpu.memref_slice %arg2[%add3A_115, %dma_wait3A_256, %dma_wait3A_257] : memref<2500x2x128xi32, #tpu.memory_space<hbm>> -> memref<1x2x128xi32, #tpu.memory_space<hbm>>
        %dma_wait3A_259 = arith.constant 0 : i32
        %dma_wait3A_260 = arith.constant 0 : i32
        %dma_wait3A_261 = arith.constant 0 : i32
        %dma_wait3A_262 = tpu.memref_slice %arg4[%dma_wait3A_259, %dma_wait3A_260, %dma_wait3A_261] : memref<13x2x128xi32, #tpu.memory_space<vmem>> -> memref<1x2x128xi32, #tpu.memory_space<vmem>>
        %dma_wait3A_263 = arith.constant 0 : i32
        %dma_wait3A_264 = arith.constant 0 : i32
        %dma_wait3A_265 = tpu.memref_slice %arg2[%add3A_115, %dma_wait3A_263, %dma_wait3A_264] : memref<2500x2x128xi32, #tpu.memory_space<hbm>> -> memref<1x2x128xi32, #tpu.memory_space<hbm>>
        tpu.wait_dma2 semaphore(%run_scoped3A : memref<!tpu.dma_semaphore, #tpu.memory_space<semaphore_mem>>) src(%dma_wait3A_265 : memref<1x2x128xi32, #tpu.memory_space<hbm>>) dst(%dma_wait3A_262 : memref<1x2x128xi32, #tpu.memory_space<vmem>>)
        tpu.yield
      }) : () -> ()
      %get3A = arith.constant 0 : i32
      %get3A_116 = arith.constant 1 : i32
      %get3A_117 = arith.index_cast %get3A : i32 to index
      %get3A_118 = arith.index_cast %get3A_116 : i32 to index
      %get3A_119 = arith.constant 0 : index
      %get3A_120 = tpu.vector_load %arg4[%get3A_117, %get3A_118, %get3A_119] {strides = array<i32>} : memref<13x2x128xi32, #tpu.memory_space<vmem>>, vector<16xi32>,
      %sub3A = arith.constant 0 : i32
      %sub3A_121 = vector.broadcast %sub3A : i32 to vector<16xi32>
      %sub3A_122 = arith.subi %get3A_120, %sub3A_121 : vector<16xi32>
      %ge3A = arith.constant 0 : i32
      %ge3A_123 = vector.broadcast %ge3A : i32 to vector<16xi32>
      %ge3A_124 = arith.cmpi sge, %sub3A_122, %ge3A_123 : vector<16xi32>
      %lt3A_125 = arith.constant 5120 : i32
      %lt3A_126 = vector.broadcast %lt3A_125 : i32 to vector<16xi32>
      %lt3A_127 = arith.cmpi slt, %sub3A_122, %lt3A_126 : vector<16xi32>
      %and3A = arith.andi %ge3A_124, %lt3A_127 : vector<16xi1>
      tpu.vector_store_idx %arg5[%sub3A_122], %broadcast_in_dim3A_5 masked %and3A {add = true} : memref<5120xf32, #tpu.memory_space<vmem>>[vector<16xi32>], vector<16xf32>, vector<16xi1>
      %get3A_128 = arith.constant 0 : i32
      %get3A_129 = arith.constant 1 : i32
      %get3A_130 = arith.index_cast %get3A_128 : i32 to index
      %get3A_131 = arith.index_cast %get3A_129 : i32 to index
      %get3A_132 = arith.constant 16 : index
      %get3A_133 = tpu.vector_load %arg4[%get3A_130, %get3A_131, %get3A_132] {strides = array<i32>} : memref<13x2x128xi32, #tpu.memory_space<vmem>>, vector<16xi32>,
      %sub3A_134 = arith.constant 0 : i32
      %sub3A_135 = vector.broadcast %sub3A_134 : i32 to vector<16xi32>
      %sub3A_136 = arith.subi %get3A_133, %sub3A_135 : vector<16xi32>
      %ge3A_137 = arith.constant 0 : i32
      %ge3A_138 = vector.broadcast %ge3A_137 : i32 to vector<16xi32>
      %ge3A_139 = arith.cmpi sge, %sub3A_136, %ge3A_138 : vector<16xi32>
      %lt3A_140 = arith.constant 5120 : i32
      %lt3A_141 = vector.broadcast %lt3A_140 : i32 to vector<16xi32>
      %lt3A_142 = arith.cmpi slt, %sub3A_136, %lt3A_141 : vector<16xi32>
      %and3A_143 = arith.andi %ge3A_139, %lt3A_142 : vector<16xi1>
      tpu.vector_store_idx %arg5[%sub3A_136], %broadcast_in_dim3A_5 masked %and3A_143 {add = true} : memref<5120xf32, #tpu.memory_space<vmem>>[vector<16xi32>], vector<16xf32>, vector<16xi1>
      %get3A_144 = arith.constant 0 : i32
      %get3A_145 = arith.constant 1 : i32
      %get3A_146 = arith.index_cast %get3A_144 : i32 to index
      %get3A_147 = arith.index_cast %get3A_145 : i32 to index
      %get3A_148 = arith.constant 32 : index
      %get3A_149 = tpu.vector_load %arg4[%get3A_146, %get3A_147, %get3A_148] {strides = array<i32>} : memref<13x2x128xi32, #tpu.memory_space<vmem>>, vector<16xi32>,
      %sub3A_150 = arith.constant 0 : i32
      %sub3A_151 = vector.broadcast %sub3A_150 : i32 to vector<16xi32>
      %sub3A_152 = arith.subi %get3A_149, %sub3A_151 : vector<16xi32>
      %ge3A_153 = arith.constant 0 : i32
      %ge3A_154 = vector.broadcast %ge3A_153 : i32 to vector<16xi32>
      %ge3A_155 = arith.cmpi sge, %sub3A_152, %ge3A_154 : vector<16xi32>
      %lt3A_156 = arith.constant 5120 : i32
      %lt3A_157 = vector.broadcast %lt3A_156 : i32 to vector<16xi32>
      %lt3A_158 = arith.cmpi slt, %sub3A_152, %lt3A_157 : vector<16xi32>
      %and3A_159 = arith.andi %ge3A_155, %lt3A_158 : vector<16xi1>
      tpu.vector_store_idx %arg5[%sub3A_152], %broadcast_in_dim3A_5 masked %and3A_159 {add = true} : memref<5120xf32, #tpu.memory_space<vmem>>[vector<16xi32>], vector<16xf32>, vector<16xi1>
      %get3A_160 = arith.constant 0 : i32
      %get3A_161 = arith.constant 1 : i32
      %get3A_162 = arith.index_cast %get3A_160 : i32 to index
      %get3A_163 = arith.index_cast %get3A_161 : i32 to index
      %get3A_164 = arith.constant 48 : index
      %get3A_165 = tpu.vector_load %arg4[%get3A_162, %get3A_163, %get3A_164] {strides = array<i32>} : memref<13x2x128xi32, #tpu.memory_space<vmem>>, vector<16xi32>,
      %sub3A_166 = arith.constant 0 : i32
      %sub3A_167 = vector.broadcast %sub3A_166 : i32 to vector<16xi32>
      %sub3A_168 = arith.subi %get3A_165, %sub3A_167 : vector<16xi32>
      %ge3A_169 = arith.constant 0 : i32
      %ge3A_170 = vector.broadcast %ge3A_169 : i32 to vector<16xi32>
      %ge3A_171 = arith.cmpi sge, %sub3A_168, %ge3A_170 : vector<16xi32>
      %lt3A_172 = arith.constant 5120 : i32
      %lt3A_173 = vector.broadcast %lt3A_172 : i32 to vector<16xi32>
      %lt3A_174 = arith.cmpi slt, %sub3A_168, %lt3A_173 : vector<16xi32>
      %and3A_175 = arith.andi %ge3A_171, %lt3A_174 : vector<16xi1>
      tpu.vector_store_idx %arg5[%sub3A_168], %broadcast_in_dim3A_5 masked %and3A_175 {add = true} : memref<5120xf32, #tpu.memory_space<vmem>>[vector<16xi32>], vector<16xf32>, vector<16xi1>
      %get3A_176 = arith.constant 0 : i32
      %get3A_177 = arith.constant 1 : i32
      %get3A_178 = arith.index_cast %get3A_176 : i32 to index
      %get3A_179 = arith.index_cast %get3A_177 : i32 to index
      %get3A_180 = arith.constant 64 : index
      %get3A_181 = tpu.vector_load %arg4[%get3A_178, %get3A_179, %get3A_180] {strides = array<i32>} : memref<13x2x128xi32, #tpu.memory_space<vmem>>, vector<16xi32>,
      %sub3A_182 = arith.constant 0 : i32
      %sub3A_183 = vector.broadcast %sub3A_182 : i32 to vector<16xi32>
      %sub3A_184 = arith.subi %get3A_181, %sub3A_183 : vector<16xi32>
      %ge3A_185 = arith.constant 0 : i32
      %ge3A_186 = vector.broadcast %ge3A_185 : i32 to vector<16xi32>
      %ge3A_187 = arith.cmpi sge, %sub3A_184, %ge3A_186 : vector<16xi32>
      %lt3A_188 = arith.constant 5120 : i32
      %lt3A_189 = vector.broadcast %lt3A_188 : i32 to vector<16xi32>
      %lt3A_190 = arith.cmpi slt, %sub3A_184, %lt3A_189 : vector<16xi32>
      %and3A_191 = arith.andi %ge3A_187, %lt3A_190 : vector<16xi1>
      tpu.vector_store_idx %arg5[%sub3A_184], %broadcast_in_dim3A_5 masked %and3A_191 {add = true} : memref<5120xf32, #tpu.memory_space<vmem>>[vector<16xi32>], vector<16xf32>, vector<16xi1>
      %get3A_192 = arith.constant 0 : i32
      %get3A_193 = arith.constant 1 : i32
      %get3A_194 = arith.index_cast %get3A_192 : i32 to index
      %get3A_195 = arith.index_cast %get3A_193 : i32 to index
      %get3A_196 = arith.constant 80 : index
      %get3A_197 = tpu.vector_load %arg4[%get3A_194, %get3A_195, %get3A_196] {strides = array<i32>} : memref<13x2x128xi32, #tpu.memory_space<vmem>>, vector<16xi32>,
      %sub3A_198 = arith.constant 0 : i32
      %sub3A_199 = vector.broadcast %sub3A_198 : i32 to vector<16xi32>
      %sub3A_200 = arith.subi %get3A_197, %sub3A_199 : vector<16xi32>
      %ge3A_201 = arith.constant 0 : i32
      %ge3A_202 = vector.broadcast %ge3A_201 : i32 to vector<16xi32>
      %ge3A_203 = arith.cmpi sge, %sub3A_200, %ge3A_202 : vector<16xi32>
      %lt3A_204 = arith.constant 5120 : i32
      %lt3A_205 = vector.broadcast %lt3A_204 : i32 to vector<16xi32>
      %lt3A_206 = arith.cmpi slt, %sub3A_200, %lt3A_205 : vector<16xi32>
      %and3A_207 = arith.andi %ge3A_203, %lt3A_206 : vector<16xi1>
      tpu.vector_store_idx %arg5[%sub3A_200], %broadcast_in_dim3A_5 masked %and3A_207 {add = true} : memref<5120xf32, #tpu.memory_space<vmem>>[vector<16xi32>], vector<16xf32>, vector<16xi1>
      %get3A_208 = arith.constant 0 : i32
      %get3A_209 = arith.constant 1 : i32
      %get3A_210 = arith.index_cast %get3A_208 : i32 to index
      %get3A_211 = arith.index_cast %get3A_209 : i32 to index
      %get3A_212 = arith.constant 96 : index
      %get3A_213 = tpu.vector_load %arg4[%get3A_210, %get3A_211, %get3A_212] {strides = array<i32>} : memref<13x2x128xi32, #tpu.memory_space<vmem>>, vector<16xi32>,
      %sub3A_214 = arith.constant 0 : i32
      %sub3A_215 = vector.broadcast %sub3A_214 : i32 to vector<16xi32>
      %sub3A_216 = arith.subi %get3A_213, %sub3A_215 : vector<16xi32>
      %ge3A_217 = arith.constant 0 : i32
      %ge3A_218 = vector.broadcast %ge3A_217 : i32 to vector<16xi32>
      %ge3A_219 = arith.cmpi sge, %sub3A_216, %ge3A_218 : vector<16xi32>
      %lt3A_220 = arith.constant 5120 : i32
      %lt3A_221 = vector.broadcast %lt3A_220 : i32 to vector<16xi32>
      %lt3A_222 = arith.cmpi slt, %sub3A_216, %lt3A_221 : vector<16xi32>
      %and3A_223 = arith.andi %ge3A_219, %lt3A_222 : vector<16xi1>
      tpu.vector_store_idx %arg5[%sub3A_216], %broadcast_in_dim3A_5 masked %and3A_223 {add = true} : memref<5120xf32, #tpu.memory_space<vmem>>[vector<16xi32>], vector<16xf32>, vector<16xi1>
      %get3A_224 = arith.constant 0 : i32
      %get3A_225 = arith.constant 1 : i32
      %get3A_226 = arith.index_cast %get3A_224 : i32 to index
      %get3A_227 = arith.index_cast %get3A_225 : i32 to index
      %get3A_228 = arith.constant 112 : index
      %get3A_229 = tpu.vector_load %arg4[%get3A_226, %get3A_227, %get3A_228] {strides = array<i32>} : memref<13x2x128xi32, #tpu.memory_space<vmem>>, vector<16xi32>,
      %sub3A_230 = arith.constant 0 : i32
      %sub3A_231 = vector.broadcast %sub3A_230 : i32 to vector<16xi32>
      %sub3A_232 = arith.subi %get3A_229, %sub3A_231 : vector<16xi32>
      %ge3A_233 = arith.constant 0 : i32
      %ge3A_234 = vector.broadcast %ge3A_233 : i32 to vector<16xi32>
      %ge3A_235 = arith.cmpi sge, %sub3A_232, %ge3A_234 : vector<16xi32>
      %lt3A_236 = arith.constant 5120 : i32
      %lt3A_237 = vector.broadcast %lt3A_236 : i32 to vector<16xi32>
      %lt3A_238 = arith.cmpi slt, %sub3A_232, %lt3A_237 : vector<16xi32>
      %and3A_239 = arith.andi %ge3A_235, %lt3A_238 : vector<16xi1>
      tpu.vector_store_idx %arg5[%sub3A_232], %broadcast_in_dim3A_5 masked %and3A_239 {add = true} : memref<5120xf32, #tpu.memory_space<vmem>>[vector<16xi32>], vector<16xf32>, vector<16xi1>
    } else {
    }
    %mul3A_54 = arith.constant 10240 : i32
    %mul3A_55 = arith.muli %add3A, %mul3A_54 : i32
    %add3A_56 = arith.constant 0 : i32
    %add3A_57 = arith.addi %mul3A_55, %add3A_56 : i32
    "tpu.region"() ({
      %run_scoped3A = tpu.sem_alloc : memref<!tpu.dma_semaphore, #tpu.memory_space<semaphore_mem>>
      %dma_start3A = tpu.memref_slice %arg3[%add3A_57] : memref<327680xf32, #tpu.memory_space<hbm>> -> memref<5120xf32, #tpu.memory_space<hbm>>
      %dma_start3A_114 = tpu.memref_slice %arg3[%add3A_57] : memref<327680xf32, #tpu.memory_space<hbm>> -> memref<5120xf32, #tpu.memory_space<hbm>>
      tpu.enqueue_dma source(%arg5 : memref<5120xf32, #tpu.memory_space<vmem>>) target(%dma_start3A_114 : memref<5120xf32, #tpu.memory_space<hbm>>) target_semaphore(%run_scoped3A : memref<!tpu.dma_semaphore, #tpu.memory_space<semaphore_mem>>)
      %dma_wait3A = tpu.memref_slice %arg3[%add3A_57] : memref<327680xf32, #tpu.memory_space<hbm>> -> memref<5120xf32, #tpu.memory_space<hbm>>
      %dma_wait3A_115 = tpu.memref_slice %arg3[%add3A_57] : memref<327680xf32, #tpu.memory_space<hbm>> -> memref<5120xf32, #tpu.memory_space<hbm>>
      tpu.wait_dma2 semaphore(%run_scoped3A : memref<!tpu.dma_semaphore, #tpu.memory_space<semaphore_mem>>) src(%arg5 : memref<5120xf32, #tpu.memory_space<vmem>>) dst(%dma_wait3A_115 : memref<5120xf32, #tpu.memory_space<hbm>>)
      tpu.yield
    }) : () -> ()
    %scan3A_58 = arith.constant 0 : i32
    %scan3A_59 = arith.constant 320 : i32
    %scan3A_60 = arith.addi %scan3A_58, %scan3A_59 : i32
    %scan3A_61 = arith.constant 1 : i32
    scf.for %scan3A_114 = %scan3A_58 to %scan3A_60 step %scan3A_61  : i32 {
      %mul3A_115 = arith.constant 1 : i32
      %mul3A_116 = arith.muli %scan3A_114, %mul3A_115 : i32
      %add3A_117 = arith.constant 0 : i32
      %add3A_118 = arith.addi %add3A_117, %mul3A_116 : i32
      %broadcast_in_dim3A_119 = arith.constant 0.000000e+00 : f32
      %broadcast_in_dim3A_120 = vector.broadcast %broadcast_in_dim3A_119 : f32 to vector<16xf32>
      %mul3A_121 = arith.constant 16 : i32
      %mul3A_122 = arith.muli %add3A_118, %mul3A_121 : i32
      %swap3A = arith.index_cast %mul3A_122 : i32 to index
      %swap3A_123 = tpu.vector_load %arg5[%swap3A] {strides = array<i32>} : memref<5120xf32, #tpu.memory_space<vmem>>, vector<16xf32>,
      tpu.vector_store %arg5[%swap3A], %broadcast_in_dim3A_120 {strides = array<i32>} : memref<5120xf32, #tpu.memory_space<vmem>>, vector<16xf32>,
    }
    %scan3A_62 = arith.constant 320 : i32
    %add3A_63 = arith.constant 0 : i32
    %add3A_64 = arith.addi %add3A_4, %add3A_63 : i32
    "tpu.region"() ({
      %run_scoped3A = tpu.sem_alloc : memref<!tpu.dma_semaphore, #tpu.memory_space<semaphore_mem>>
      %dma_start3A = arith.constant 0 : i32
      %dma_start3A_114 = arith.constant 0 : i32
      %dma_start3A_115 = tpu.memref_slice %arg2[%add3A_64, %dma_start3A, %dma_start3A_114] : memref<2500x2x128xi32, #tpu.memory_space<hbm>> -> memref<13x2x128xi32, #tpu.memory_space<hbm>>
      %dma_start3A_116 = arith.constant 0 : i32
      %dma_start3A_117 = arith.constant 0 : i32
      %dma_start3A_118 = tpu.memref_slice %arg2[%add3A_64, %dma_start3A_116, %dma_start3A_117] : memref<2500x2x128xi32, #tpu.memory_space<hbm>> -> memref<13x2x128xi32, #tpu.memory_space<hbm>>
      tpu.enqueue_dma source(%dma_start3A_118 : memref<13x2x128xi32, #tpu.memory_space<hbm>>) target(%arg4 : memref<13x2x128xi32, #tpu.memory_space<vmem>>) target_semaphore(%run_scoped3A : memref<!tpu.dma_semaphore, #tpu.memory_space<semaphore_mem>>)
      %dma_wait3A = arith.constant 0 : i32
      %dma_wait3A_119 = arith.constant 0 : i32
      %dma_wait3A_120 = tpu.memref_slice %arg2[%add3A_64, %dma_wait3A, %dma_wait3A_119] : memref<2500x2x128xi32, #tpu.memory_space<hbm>> -> memref<13x2x128xi32, #tpu.memory_space<hbm>>
      %dma_wait3A_121 = arith.constant 0 : i32
      %dma_wait3A_122 = arith.constant 0 : i32
      %dma_wait3A_123 = tpu.memref_slice %arg2[%add3A_64, %dma_wait3A_121, %dma_wait3A_122] : memref<2500x2x128xi32, #tpu.memory_space<hbm>> -> memref<13x2x128xi32, #tpu.memory_space<hbm>>
      tpu.wait_dma2 semaphore(%run_scoped3A : memref<!tpu.dma_semaphore, #tpu.memory_space<semaphore_mem>>) src(%dma_wait3A_123 : memref<13x2x128xi32, #tpu.memory_space<hbm>>) dst(%arg4 : memref<13x2x128xi32, #tpu.memory_space<vmem>>)
      tpu.yield
    }) : () -> ()
    %scan3A_65 = arith.constant 0 : i32
    %scan3A_66 = arith.constant 13 : i32
    %scan3A_67 = arith.addi %scan3A_65, %scan3A_66 : i32
    %scan3A_68 = arith.constant 1 : i32
    scf.for %scan3A_114 = %scan3A_65 to %scan3A_67 step %scan3A_68  : i32 {
      %mul3A_115 = arith.constant 1 : i32
      %mul3A_116 = arith.muli %scan3A_114, %mul3A_115 : i32
      %add3A_117 = arith.constant 0 : i32
      %add3A_118 = arith.addi %add3A_117, %mul3A_116 : i32
      %get3A = arith.constant 1 : i32
      %get3A_119 = arith.index_cast %add3A_118 : i32 to index
      %get3A_120 = arith.index_cast %get3A : i32 to index
      %get3A_121 = arith.constant 0 : index
      %get3A_122 = tpu.vector_load %arg4[%get3A_119, %get3A_120, %get3A_121] {strides = array<i32>} : memref<13x2x128xi32, #tpu.memory_space<vmem>>, vector<16xi32>,
      %sub3A = arith.constant 5120 : i32
      %sub3A_123 = vector.broadcast %sub3A : i32 to vector<16xi32>
      %sub3A_124 = arith.subi %get3A_122, %sub3A_123 : vector<16xi32>
      %ge3A = arith.constant 0 : i32
      %ge3A_125 = vector.broadcast %ge3A : i32 to vector<16xi32>
      %ge3A_126 = arith.cmpi sge, %sub3A_124, %ge3A_125 : vector<16xi32>
      %lt3A_127 = arith.constant 5120 : i32
      %lt3A_128 = vector.broadcast %lt3A_127 : i32 to vector<16xi32>
      %lt3A_129 = arith.cmpi slt, %sub3A_124, %lt3A_128 : vector<16xi32>
      %and3A = arith.andi %ge3A_126, %lt3A_129 : vector<16xi1>
      tpu.vector_store_idx %arg5[%sub3A_124], %broadcast_in_dim3A_5 masked %and3A {add = true} : memref<5120xf32, #tpu.memory_space<vmem>>[vector<16xi32>], vector<16xf32>, vector<16xi1>
      %get3A_130 = arith.constant 1 : i32
      %get3A_131 = arith.index_cast %add3A_118 : i32 to index
      %get3A_132 = arith.index_cast %get3A_130 : i32 to index
      %get3A_133 = arith.constant 16 : index
      %get3A_134 = tpu.vector_load %arg4[%get3A_131, %get3A_132, %get3A_133] {strides = array<i32>} : memref<13x2x128xi32, #tpu.memory_space<vmem>>, vector<16xi32>,
      %sub3A_135 = arith.constant 5120 : i32
      %sub3A_136 = vector.broadcast %sub3A_135 : i32 to vector<16xi32>
      %sub3A_137 = arith.subi %get3A_134, %sub3A_136 : vector<16xi32>
      %ge3A_138 = arith.constant 0 : i32
      %ge3A_139 = vector.broadcast %ge3A_138 : i32 to vector<16xi32>
      %ge3A_140 = arith.cmpi sge, %sub3A_137, %ge3A_139 : vector<16xi32>
      %lt3A_141 = arith.constant 5120 : i32
      %lt3A_142 = vector.broadcast %lt3A_141 : i32 to vector<16xi32>
      %lt3A_143 = arith.cmpi slt, %sub3A_137, %lt3A_142 : vector<16xi32>
      %and3A_144 = arith.andi %ge3A_140, %lt3A_143 : vector<16xi1>
      tpu.vector_store_idx %arg5[%sub3A_137], %broadcast_in_dim3A_5 masked %and3A_144 {add = true} : memref<5120xf32, #tpu.memory_space<vmem>>[vector<16xi32>], vector<16xf32>, vector<16xi1>
      %get3A_145 = arith.constant 1 : i32
      %get3A_146 = arith.index_cast %add3A_118 : i32 to index
      %get3A_147 = arith.index_cast %get3A_145 : i32 to index
      %get3A_148 = arith.constant 32 : index
      %get3A_149 = tpu.vector_load %arg4[%get3A_146, %get3A_147, %get3A_148] {strides = array<i32>} : memref<13x2x128xi32, #tpu.memory_space<vmem>>, vector<16xi32>,
      %sub3A_150 = arith.constant 5120 : i32
      %sub3A_151 = vector.broadcast %sub3A_150 : i32 to vector<16xi32>
      %sub3A_152 = arith.subi %get3A_149, %sub3A_151 : vector<16xi32>
      %ge3A_153 = arith.constant 0 : i32
      %ge3A_154 = vector.broadcast %ge3A_153 : i32 to vector<16xi32>
      %ge3A_155 = arith.cmpi sge, %sub3A_152, %ge3A_154 : vector<16xi32>
      %lt3A_156 = arith.constant 5120 : i32
      %lt3A_157 = vector.broadcast %lt3A_156 : i32 to vector<16xi32>
      %lt3A_158 = arith.cmpi slt, %sub3A_152, %lt3A_157 : vector<16xi32>
      %and3A_159 = arith.andi %ge3A_155, %lt3A_158 : vector<16xi1>
      tpu.vector_store_idx %arg5[%sub3A_152], %broadcast_in_dim3A_5 masked %and3A_159 {add = true} : memref<5120xf32, #tpu.memory_space<vmem>>[vector<16xi32>], vector<16xf32>, vector<16xi1>
      %get3A_160 = arith.constant 1 : i32
      %get3A_161 = arith.index_cast %add3A_118 : i32 to index
      %get3A_162 = arith.index_cast %get3A_160 : i32 to index
      %get3A_163 = arith.constant 48 : index
      %get3A_164 = tpu.vector_load %arg4[%get3A_161, %get3A_162, %get3A_163] {strides = array<i32>} : memref<13x2x128xi32, #tpu.memory_space<vmem>>, vector<16xi32>,
      %sub3A_165 = arith.constant 5120 : i32
      %sub3A_166 = vector.broadcast %sub3A_165 : i32 to vector<16xi32>
      %sub3A_167 = arith.subi %get3A_164, %sub3A_166 : vector<16xi32>
      %ge3A_168 = arith.constant 0 : i32
      %ge3A_169 = vector.broadcast %ge3A_168 : i32 to vector<16xi32>
      %ge3A_170 = arith.cmpi sge, %sub3A_167, %ge3A_169 : vector<16xi32>
      %lt3A_171 = arith.constant 5120 : i32
      %lt3A_172 = vector.broadcast %lt3A_171 : i32 to vector<16xi32>
      %lt3A_173 = arith.cmpi slt, %sub3A_167, %lt3A_172 : vector<16xi32>
      %and3A_174 = arith.andi %ge3A_170, %lt3A_173 : vector<16xi1>
      tpu.vector_store_idx %arg5[%sub3A_167], %broadcast_in_dim3A_5 masked %and3A_174 {add = true} : memref<5120xf32, #tpu.memory_space<vmem>>[vector<16xi32>], vector<16xf32>, vector<16xi1>
      %get3A_175 = arith.constant 1 : i32
      %get3A_176 = arith.index_cast %add3A_118 : i32 to index
      %get3A_177 = arith.index_cast %get3A_175 : i32 to index
      %get3A_178 = arith.constant 64 : index
      %get3A_179 = tpu.vector_load %arg4[%get3A_176, %get3A_177, %get3A_178] {strides = array<i32>} : memref<13x2x128xi32, #tpu.memory_space<vmem>>, vector<16xi32>,
      %sub3A_180 = arith.constant 5120 : i32
      %sub3A_181 = vector.broadcast %sub3A_180 : i32 to vector<16xi32>
      %sub3A_182 = arith.subi %get3A_179, %sub3A_181 : vector<16xi32>
      %ge3A_183 = arith.constant 0 : i32
      %ge3A_184 = vector.broadcast %ge3A_183 : i32 to vector<16xi32>
      %ge3A_185 = arith.cmpi sge, %sub3A_182, %ge3A_184 : vector<16xi32>
      %lt3A_186 = arith.constant 5120 : i32
      %lt3A_187 = vector.broadcast %lt3A_186 : i32 to vector<16xi32>
      %lt3A_188 = arith.cmpi slt, %sub3A_182, %lt3A_187 : vector<16xi32>
      %and3A_189 = arith.andi %ge3A_185, %lt3A_188 : vector<16xi1>
      tpu.vector_store_idx %arg5[%sub3A_182], %broadcast_in_dim3A_5 masked %and3A_189 {add = true} : memref<5120xf32, #tpu.memory_space<vmem>>[vector<16xi32>], vector<16xf32>, vector<16xi1>
      %get3A_190 = arith.constant 1 : i32
      %get3A_191 = arith.index_cast %add3A_118 : i32 to index
      %get3A_192 = arith.index_cast %get3A_190 : i32 to index
      %get3A_193 = arith.constant 80 : index
      %get3A_194 = tpu.vector_load %arg4[%get3A_191, %get3A_192, %get3A_193] {strides = array<i32>} : memref<13x2x128xi32, #tpu.memory_space<vmem>>, vector<16xi32>,
      %sub3A_195 = arith.constant 5120 : i32
      %sub3A_196 = vector.broadcast %sub3A_195 : i32 to vector<16xi32>
      %sub3A_197 = arith.subi %get3A_194, %sub3A_196 : vector<16xi32>
      %ge3A_198 = arith.constant 0 : i32
      %ge3A_199 = vector.broadcast %ge3A_198 : i32 to vector<16xi32>
      %ge3A_200 = arith.cmpi sge, %sub3A_197, %ge3A_199 : vector<16xi32>
      %lt3A_201 = arith.constant 5120 : i32
      %lt3A_202 = vector.broadcast %lt3A_201 : i32 to vector<16xi32>
      %lt3A_203 = arith.cmpi slt, %sub3A_197, %lt3A_202 : vector<16xi32>
      %and3A_204 = arith.andi %ge3A_200, %lt3A_203 : vector<16xi1>
      tpu.vector_store_idx %arg5[%sub3A_197], %broadcast_in_dim3A_5 masked %and3A_204 {add = true} : memref<5120xf32, #tpu.memory_space<vmem>>[vector<16xi32>], vector<16xf32>, vector<16xi1>
      %get3A_205 = arith.constant 1 : i32
      %get3A_206 = arith.index_cast %add3A_118 : i32 to index
      %get3A_207 = arith.index_cast %get3A_205 : i32 to index
      %get3A_208 = arith.constant 96 : index
      %get3A_209 = tpu.vector_load %arg4[%get3A_206, %get3A_207, %get3A_208] {strides = array<i32>} : memref<13x2x128xi32, #tpu.memory_space<vmem>>, vector<16xi32>,
      %sub3A_210 = arith.constant 5120 : i32
      %sub3A_211 = vector.broadcast %sub3A_210 : i32 to vector<16xi32>
      %sub3A_212 = arith.subi %get3A_209, %sub3A_211 : vector<16xi32>
      %ge3A_213 = arith.constant 0 : i32
      %ge3A_214 = vector.broadcast %ge3A_213 : i32 to vector<16xi32>
      %ge3A_215 = arith.cmpi sge, %sub3A_212, %ge3A_214 : vector<16xi32>
      %lt3A_216 = arith.constant 5120 : i32
      %lt3A_217 = vector.broadcast %lt3A_216 : i32 to vector<16xi32>
      %lt3A_218 = arith.cmpi slt, %sub3A_212, %lt3A_217 : vector<16xi32>
      %and3A_219 = arith.andi %ge3A_215, %lt3A_218 : vector<16xi1>
      tpu.vector_store_idx %arg5[%sub3A_212], %broadcast_in_dim3A_5 masked %and3A_219 {add = true} : memref<5120xf32, #tpu.memory_space<vmem>>[vector<16xi32>], vector<16xf32>, vector<16xi1>
      %get3A_220 = arith.constant 1 : i32
      %get3A_221 = arith.index_cast %add3A_118 : i32 to index
      %get3A_222 = arith.index_cast %get3A_220 : i32 to index
      %get3A_223 = arith.constant 112 : index
      %get3A_224 = tpu.vector_load %arg4[%get3A_221, %get3A_222, %get3A_223] {strides = array<i32>} : memref<13x2x128xi32, #tpu.memory_space<vmem>>, vector<16xi32>,
      %sub3A_225 = arith.constant 5120 : i32
      %sub3A_226 = vector.broadcast %sub3A_225 : i32 to vector<16xi32>
      %sub3A_227 = arith.subi %get3A_224, %sub3A_226 : vector<16xi32>
      %ge3A_228 = arith.constant 0 : i32
      %ge3A_229 = vector.broadcast %ge3A_228 : i32 to vector<16xi32>
      %ge3A_230 = arith.cmpi sge, %sub3A_227, %ge3A_229 : vector<16xi32>
      %lt3A_231 = arith.constant 5120 : i32
      %lt3A_232 = vector.broadcast %lt3A_231 : i32 to vector<16xi32>
      %lt3A_233 = arith.cmpi slt, %sub3A_227, %lt3A_232 : vector<16xi32>
      %and3A_234 = arith.andi %ge3A_230, %lt3A_233 : vector<16xi1>
      tpu.vector_store_idx %arg5[%sub3A_227], %broadcast_in_dim3A_5 masked %and3A_234 {add = true} : memref<5120xf32, #tpu.memory_space<vmem>>[vector<16xi32>], vector<16xf32>, vector<16xi1>
    }
    %scan3A_69 = arith.constant 13 : i32
    %add3A_70 = arith.constant 13 : i32
    %add3A_71 = arith.addi %add3A_4, %add3A_70 : i32
    "tpu.region"() ({
      %run_scoped3A = tpu.sem_alloc : memref<!tpu.dma_semaphore, #tpu.memory_space<semaphore_mem>>
      %dma_start3A = arith.constant 0 : i32
      %dma_start3A_114 = arith.constant 0 : i32
      %dma_start3A_115 = tpu.memref_slice %arg2[%add3A_71, %dma_start3A, %dma_start3A_114] : memref<2500x2x128xi32, #tpu.memory_space<hbm>> -> memref<13x2x128xi32, #tpu.memory_space<hbm>>
      %dma_start3A_116 = arith.constant 0 : i32
      %dma_start3A_117 = arith.constant 0 : i32
      %dma_start3A_118 = tpu.memref_slice %arg2[%add3A_71, %dma_start3A_116, %dma_start3A_117] : memref<2500x2x128xi32, #tpu.memory_space<hbm>> -> memref<13x2x128xi32, #tpu.memory_space<hbm>>
      tpu.enqueue_dma source(%dma_start3A_118 : memref<13x2x128xi32, #tpu.memory_space<hbm>>) target(%arg4 : memref<13x2x128xi32, #tpu.memory_space<vmem>>) target_semaphore(%run_scoped3A : memref<!tpu.dma_semaphore, #tpu.memory_space<semaphore_mem>>)
      %dma_wait3A = arith.constant 0 : i32
      %dma_wait3A_119 = arith.constant 0 : i32
      %dma_wait3A_120 = tpu.memref_slice %arg2[%add3A_71, %dma_wait3A, %dma_wait3A_119] : memref<2500x2x128xi32, #tpu.memory_space<hbm>> -> memref<13x2x128xi32, #tpu.memory_space<hbm>>
      %dma_wait3A_121 = arith.constant 0 : i32
      %dma_wait3A_122 = arith.constant 0 : i32
      %dma_wait3A_123 = tpu.memref_slice %arg2[%add3A_71, %dma_wait3A_121, %dma_wait3A_122] : memref<2500x2x128xi32, #tpu.memory_space<hbm>> -> memref<13x2x128xi32, #tpu.memory_space<hbm>>
      tpu.wait_dma2 semaphore(%run_scoped3A : memref<!tpu.dma_semaphore, #tpu.memory_space<semaphore_mem>>) src(%dma_wait3A_123 : memref<13x2x128xi32, #tpu.memory_space<hbm>>) dst(%arg4 : memref<13x2x128xi32, #tpu.memory_space<vmem>>)
      tpu.yield
    }) : () -> ()
    %scan3A_72 = arith.constant 0 : i32
    %scan3A_73 = arith.constant 13 : i32
    %scan3A_74 = arith.addi %scan3A_72, %scan3A_73 : i32
    %scan3A_75 = arith.constant 1 : i32
    scf.for %scan3A_114 = %scan3A_72 to %scan3A_74 step %scan3A_75  : i32 {
      %mul3A_115 = arith.constant 1 : i32
      %mul3A_116 = arith.muli %scan3A_114, %mul3A_115 : i32
      %add3A_117 = arith.constant 0 : i32
      %add3A_118 = arith.addi %add3A_117, %mul3A_116 : i32
      %get3A = arith.constant 1 : i32
      %get3A_119 = arith.index_cast %add3A_118 : i32 to index
      %get3A_120 = arith.index_cast %get3A : i32 to index
      %get3A_121 = arith.constant 0 : index
      %get3A_122 = tpu.vector_load %arg4[%get3A_119, %get3A_120, %get3A_121] {strides = array<i32>} : memref<13x2x128xi32, #tpu.memory_space<vmem>>, vector<16xi32>,
      %sub3A = arith.constant 5120 : i32
      %sub3A_123 = vector.broadcast %sub3A : i32 to vector<16xi32>
      %sub3A_124 = arith.subi %get3A_122, %sub3A_123 : vector<16xi32>
      %ge3A = arith.constant 0 : i32
      %ge3A_125 = vector.broadcast %ge3A : i32 to vector<16xi32>
      %ge3A_126 = arith.cmpi sge, %sub3A_124, %ge3A_125 : vector<16xi32>
      %lt3A_127 = arith.constant 5120 : i32
      %lt3A_128 = vector.broadcast %lt3A_127 : i32 to vector<16xi32>
      %lt3A_129 = arith.cmpi slt, %sub3A_124, %lt3A_128 : vector<16xi32>
      %and3A = arith.andi %ge3A_126, %lt3A_129 : vector<16xi1>
      tpu.vector_store_idx %arg5[%sub3A_124], %broadcast_in_dim3A_5 masked %and3A {add = true} : memref<5120xf32, #tpu.memory_space<vmem>>[vector<16xi32>], vector<16xf32>, vector<16xi1>
      %get3A_130 = arith.constant 1 : i32
      %get3A_131 = arith.index_cast %add3A_118 : i32 to index
      %get3A_132 = arith.index_cast %get3A_130 : i32 to index
      %get3A_133 = arith.constant 16 : index
      %get3A_134 = tpu.vector_load %arg4[%get3A_131, %get3A_132, %get3A_133] {strides = array<i32>} : memref<13x2x128xi32, #tpu.memory_space<vmem>>, vector<16xi32>,
      %sub3A_135 = arith.constant 5120 : i32
      %sub3A_136 = vector.broadcast %sub3A_135 : i32 to vector<16xi32>
      %sub3A_137 = arith.subi %get3A_134, %sub3A_136 : vector<16xi32>
      %ge3A_138 = arith.constant 0 : i32
      %ge3A_139 = vector.broadcast %ge3A_138 : i32 to vector<16xi32>
      %ge3A_140 = arith.cmpi sge, %sub3A_137, %ge3A_139 : vector<16xi32>
      %lt3A_141 = arith.constant 5120 : i32
      %lt3A_142 = vector.broadcast %lt3A_141 : i32 to vector<16xi32>
      %lt3A_143 = arith.cmpi slt, %sub3A_137, %lt3A_142 : vector<16xi32>
      %and3A_144 = arith.andi %ge3A_140, %lt3A_143 : vector<16xi1>
      tpu.vector_store_idx %arg5[%sub3A_137], %broadcast_in_dim3A_5 masked %and3A_144 {add = true} : memref<5120xf32, #tpu.memory_space<vmem>>[vector<16xi32>], vector<16xf32>, vector<16xi1>
      %get3A_145 = arith.constant 1 : i32
      %get3A_146 = arith.index_cast %add3A_118 : i32 to index
      %get3A_147 = arith.index_cast %get3A_145 : i32 to index
      %get3A_148 = arith.constant 32 : index
      %get3A_149 = tpu.vector_load %arg4[%get3A_146, %get3A_147, %get3A_148] {strides = array<i32>} : memref<13x2x128xi32, #tpu.memory_space<vmem>>, vector<16xi32>,
      %sub3A_150 = arith.constant 5120 : i32
      %sub3A_151 = vector.broadcast %sub3A_150 : i32 to vector<16xi32>
      %sub3A_152 = arith.subi %get3A_149, %sub3A_151 : vector<16xi32>
      %ge3A_153 = arith.constant 0 : i32
      %ge3A_154 = vector.broadcast %ge3A_153 : i32 to vector<16xi32>
      %ge3A_155 = arith.cmpi sge, %sub3A_152, %ge3A_154 : vector<16xi32>
      %lt3A_156 = arith.constant 5120 : i32
      %lt3A_157 = vector.broadcast %lt3A_156 : i32 to vector<16xi32>
      %lt3A_158 = arith.cmpi slt, %sub3A_152, %lt3A_157 : vector<16xi32>
      %and3A_159 = arith.andi %ge3A_155, %lt3A_158 : vector<16xi1>
      tpu.vector_store_idx %arg5[%sub3A_152], %broadcast_in_dim3A_5 masked %and3A_159 {add = true} : memref<5120xf32, #tpu.memory_space<vmem>>[vector<16xi32>], vector<16xf32>, vector<16xi1>
      %get3A_160 = arith.constant 1 : i32
      %get3A_161 = arith.index_cast %add3A_118 : i32 to index
      %get3A_162 = arith.index_cast %get3A_160 : i32 to index
      %get3A_163 = arith.constant 48 : index
      %get3A_164 = tpu.vector_load %arg4[%get3A_161, %get3A_162, %get3A_163] {strides = array<i32>} : memref<13x2x128xi32, #tpu.memory_space<vmem>>, vector<16xi32>,
      %sub3A_165 = arith.constant 5120 : i32
      %sub3A_166 = vector.broadcast %sub3A_165 : i32 to vector<16xi32>
      %sub3A_167 = arith.subi %get3A_164, %sub3A_166 : vector<16xi32>
      %ge3A_168 = arith.constant 0 : i32
      %ge3A_169 = vector.broadcast %ge3A_168 : i32 to vector<16xi32>
      %ge3A_170 = arith.cmpi sge, %sub3A_167, %ge3A_169 : vector<16xi32>
      %lt3A_171 = arith.constant 5120 : i32
      %lt3A_172 = vector.broadcast %lt3A_171 : i32 to vector<16xi32>
      %lt3A_173 = arith.cmpi slt, %sub3A_167, %lt3A_172 : vector<16xi32>
      %and3A_174 = arith.andi %ge3A_170, %lt3A_173 : vector<16xi1>
      tpu.vector_store_idx %arg5[%sub3A_167], %broadcast_in_dim3A_5 masked %and3A_174 {add = true} : memref<5120xf32, #tpu.memory_space<vmem>>[vector<16xi32>], vector<16xf32>, vector<16xi1>
      %get3A_175 = arith.constant 1 : i32
      %get3A_176 = arith.index_cast %add3A_118 : i32 to index
      %get3A_177 = arith.index_cast %get3A_175 : i32 to index
      %get3A_178 = arith.constant 64 : index
      %get3A_179 = tpu.vector_load %arg4[%get3A_176, %get3A_177, %get3A_178] {strides = array<i32>} : memref<13x2x128xi32, #tpu.memory_space<vmem>>, vector<16xi32>,
      %sub3A_180 = arith.constant 5120 : i32
      %sub3A_181 = vector.broadcast %sub3A_180 : i32 to vector<16xi32>
      %sub3A_182 = arith.subi %get3A_179, %sub3A_181 : vector<16xi32>
      %ge3A_183 = arith.constant 0 : i32
      %ge3A_184 = vector.broadcast %ge3A_183 : i32 to vector<16xi32>
      %ge3A_185 = arith.cmpi sge, %sub3A_182, %ge3A_184 : vector<16xi32>
      %lt3A_186 = arith.constant 5120 : i32
      %lt3A_187 = vector.broadcast %lt3A_186 : i32 to vector<16xi32>
      %lt3A_188 = arith.cmpi slt, %sub3A_182, %lt3A_187 : vector<16xi32>
      %and3A_189 = arith.andi %ge3A_185, %lt3A_188 : vector<16xi1>
      tpu.vector_store_idx %arg5[%sub3A_182], %broadcast_in_dim3A_5 masked %and3A_189 {add = true} : memref<5120xf32, #tpu.memory_space<vmem>>[vector<16xi32>], vector<16xf32>, vector<16xi1>
      %get3A_190 = arith.constant 1 : i32
      %get3A_191 = arith.index_cast %add3A_118 : i32 to index
      %get3A_192 = arith.index_cast %get3A_190 : i32 to index
      %get3A_193 = arith.constant 80 : index
      %get3A_194 = tpu.vector_load %arg4[%get3A_191, %get3A_192, %get3A_193] {strides = array<i32>} : memref<13x2x128xi32, #tpu.memory_space<vmem>>, vector<16xi32>,
      %sub3A_195 = arith.constant 5120 : i32
      %sub3A_196 = vector.broadcast %sub3A_195 : i32 to vector<16xi32>
      %sub3A_197 = arith.subi %get3A_194, %sub3A_196 : vector<16xi32>
      %ge3A_198 = arith.constant 0 : i32
      %ge3A_199 = vector.broadcast %ge3A_198 : i32 to vector<16xi32>
      %ge3A_200 = arith.cmpi sge, %sub3A_197, %ge3A_199 : vector<16xi32>
      %lt3A_201 = arith.constant 5120 : i32
      %lt3A_202 = vector.broadcast %lt3A_201 : i32 to vector<16xi32>
      %lt3A_203 = arith.cmpi slt, %sub3A_197, %lt3A_202 : vector<16xi32>
      %and3A_204 = arith.andi %ge3A_200, %lt3A_203 : vector<16xi1>
      tpu.vector_store_idx %arg5[%sub3A_197], %broadcast_in_dim3A_5 masked %and3A_204 {add = true} : memref<5120xf32, #tpu.memory_space<vmem>>[vector<16xi32>], vector<16xf32>, vector<16xi1>
      %get3A_205 = arith.constant 1 : i32
      %get3A_206 = arith.index_cast %add3A_118 : i32 to index
      %get3A_207 = arith.index_cast %get3A_205 : i32 to index
      %get3A_208 = arith.constant 96 : index
      %get3A_209 = tpu.vector_load %arg4[%get3A_206, %get3A_207, %get3A_208] {strides = array<i32>} : memref<13x2x128xi32, #tpu.memory_space<vmem>>, vector<16xi32>,
      %sub3A_210 = arith.constant 5120 : i32
      %sub3A_211 = vector.broadcast %sub3A_210 : i32 to vector<16xi32>
      %sub3A_212 = arith.subi %get3A_209, %sub3A_211 : vector<16xi32>
      %ge3A_213 = arith.constant 0 : i32
      %ge3A_214 = vector.broadcast %ge3A_213 : i32 to vector<16xi32>
      %ge3A_215 = arith.cmpi sge, %sub3A_212, %ge3A_214 : vector<16xi32>
      %lt3A_216 = arith.constant 5120 : i32
      %lt3A_217 = vector.broadcast %lt3A_216 : i32 to vector<16xi32>
      %lt3A_218 = arith.cmpi slt, %sub3A_212, %lt3A_217 : vector<16xi32>
      %and3A_219 = arith.andi %ge3A_215, %lt3A_218 : vector<16xi1>
      tpu.vector_store_idx %arg5[%sub3A_212], %broadcast_in_dim3A_5 masked %and3A_219 {add = true} : memref<5120xf32, #tpu.memory_space<vmem>>[vector<16xi32>], vector<16xf32>, vector<16xi1>
      %get3A_220 = arith.constant 1 : i32
      %get3A_221 = arith.index_cast %add3A_118 : i32 to index
      %get3A_222 = arith.index_cast %get3A_220 : i32 to index
      %get3A_223 = arith.constant 112 : index
      %get3A_224 = tpu.vector_load %arg4[%get3A_221, %get3A_222, %get3A_223] {strides = array<i32>} : memref<13x2x128xi32, #tpu.memory_space<vmem>>, vector<16xi32>,
      %sub3A_225 = arith.constant 5120 : i32
      %sub3A_226 = vector.broadcast %sub3A_225 : i32 to vector<16xi32>
      %sub3A_227 = arith.subi %get3A_224, %sub3A_226 : vector<16xi32>
      %ge3A_228 = arith.constant 0 : i32
      %ge3A_229 = vector.broadcast %ge3A_228 : i32 to vector<16xi32>
      %ge3A_230 = arith.cmpi sge, %sub3A_227, %ge3A_229 : vector<16xi32>
      %lt3A_231 = arith.constant 5120 : i32
      %lt3A_232 = vector.broadcast %lt3A_231 : i32 to vector<16xi32>
      %lt3A_233 = arith.cmpi slt, %sub3A_227, %lt3A_232 : vector<16xi32>
      %and3A_234 = arith.andi %ge3A_230, %lt3A_233 : vector<16xi1>
      tpu.vector_store_idx %arg5[%sub3A_227], %broadcast_in_dim3A_5 masked %and3A_234 {add = true} : memref<5120xf32, #tpu.memory_space<vmem>>[vector<16xi32>], vector<16xf32>, vector<16xi1>
    }
    %scan3A_76 = arith.constant 13 : i32
    %add3A_77 = arith.constant 26 : i32
    %add3A_78 = arith.addi %add3A_4, %add3A_77 : i32
    "tpu.region"() ({
      %run_scoped3A = tpu.sem_alloc : memref<!tpu.dma_semaphore, #tpu.memory_space<semaphore_mem>>
      %dma_start3A = arith.constant 0 : i32
      %dma_start3A_114 = arith.constant 0 : i32
      %dma_start3A_115 = tpu.memref_slice %arg2[%add3A_78, %dma_start3A, %dma_start3A_114] : memref<2500x2x128xi32, #tpu.memory_space<hbm>> -> memref<13x2x128xi32, #tpu.memory_space<hbm>>
      %dma_start3A_116 = arith.constant 0 : i32
      %dma_start3A_117 = arith.constant 0 : i32
      %dma_start3A_118 = tpu.memref_slice %arg2[%add3A_78, %dma_start3A_116, %dma_start3A_117] : memref<2500x2x128xi32, #tpu.memory_space<hbm>> -> memref<13x2x128xi32, #tpu.memory_space<hbm>>
      tpu.enqueue_dma source(%dma_start3A_118 : memref<13x2x128xi32, #tpu.memory_space<hbm>>) target(%arg4 : memref<13x2x128xi32, #tpu.memory_space<vmem>>) target_semaphore(%run_scoped3A : memref<!tpu.dma_semaphore, #tpu.memory_space<semaphore_mem>>)
      %dma_wait3A = arith.constant 0 : i32
      %dma_wait3A_119 = arith.constant 0 : i32
      %dma_wait3A_120 = tpu.memref_slice %arg2[%add3A_78, %dma_wait3A, %dma_wait3A_119] : memref<2500x2x128xi32, #tpu.memory_space<hbm>> -> memref<13x2x128xi32, #tpu.memory_space<hbm>>
      %dma_wait3A_121 = arith.constant 0 : i32
      %dma_wait3A_122 = arith.constant 0 : i32
      %dma_wait3A_123 = tpu.memref_slice %arg2[%add3A_78, %dma_wait3A_121, %dma_wait3A_122] : memref<2500x2x128xi32, #tpu.memory_space<hbm>> -> memref<13x2x128xi32, #tpu.memory_space<hbm>>
      tpu.wait_dma2 semaphore(%run_scoped3A : memref<!tpu.dma_semaphore, #tpu.memory_space<semaphore_mem>>) src(%dma_wait3A_123 : memref<13x2x128xi32, #tpu.memory_space<hbm>>) dst(%arg4 : memref<13x2x128xi32, #tpu.memory_space<vmem>>)
      tpu.yield
    }) : () -> ()
    %scan3A_79 = arith.constant 0 : i32
    %scan3A_80 = arith.constant 13 : i32
    %scan3A_81 = arith.addi %scan3A_79, %scan3A_80 : i32
    %scan3A_82 = arith.constant 1 : i32
    scf.for %scan3A_114 = %scan3A_79 to %scan3A_81 step %scan3A_82  : i32 {
      %mul3A_115 = arith.constant 1 : i32
      %mul3A_116 = arith.muli %scan3A_114, %mul3A_115 : i32
      %add3A_117 = arith.constant 0 : i32
      %add3A_118 = arith.addi %add3A_117, %mul3A_116 : i32
      %get3A = arith.constant 1 : i32
      %get3A_119 = arith.index_cast %add3A_118 : i32 to index
      %get3A_120 = arith.index_cast %get3A : i32 to index
      %get3A_121 = arith.constant 0 : index
      %get3A_122 = tpu.vector_load %arg4[%get3A_119, %get3A_120, %get3A_121] {strides = array<i32>} : memref<13x2x128xi32, #tpu.memory_space<vmem>>, vector<16xi32>,
      %sub3A = arith.constant 5120 : i32
      %sub3A_123 = vector.broadcast %sub3A : i32 to vector<16xi32>
      %sub3A_124 = arith.subi %get3A_122, %sub3A_123 : vector<16xi32>
      %ge3A = arith.constant 0 : i32
      %ge3A_125 = vector.broadcast %ge3A : i32 to vector<16xi32>
      %ge3A_126 = arith.cmpi sge, %sub3A_124, %ge3A_125 : vector<16xi32>
      %lt3A_127 = arith.constant 5120 : i32
      %lt3A_128 = vector.broadcast %lt3A_127 : i32 to vector<16xi32>
      %lt3A_129 = arith.cmpi slt, %sub3A_124, %lt3A_128 : vector<16xi32>
      %and3A = arith.andi %ge3A_126, %lt3A_129 : vector<16xi1>
      tpu.vector_store_idx %arg5[%sub3A_124], %broadcast_in_dim3A_5 masked %and3A {add = true} : memref<5120xf32, #tpu.memory_space<vmem>>[vector<16xi32>], vector<16xf32>, vector<16xi1>
      %get3A_130 = arith.constant 1 : i32
      %get3A_131 = arith.index_cast %add3A_118 : i32 to index
      %get3A_132 = arith.index_cast %get3A_130 : i32 to index
      %get3A_133 = arith.constant 16 : index
      %get3A_134 = tpu.vector_load %arg4[%get3A_131, %get3A_132, %get3A_133] {strides = array<i32>} : memref<13x2x128xi32, #tpu.memory_space<vmem>>, vector<16xi32>,
      %sub3A_135 = arith.constant 5120 : i32
      %sub3A_136 = vector.broadcast %sub3A_135 : i32 to vector<16xi32>
      %sub3A_137 = arith.subi %get3A_134, %sub3A_136 : vector<16xi32>
      %ge3A_138 = arith.constant 0 : i32
      %ge3A_139 = vector.broadcast %ge3A_138 : i32 to vector<16xi32>
      %ge3A_140 = arith.cmpi sge, %sub3A_137, %ge3A_139 : vector<16xi32>
      %lt3A_141 = arith.constant 5120 : i32
      %lt3A_142 = vector.broadcast %lt3A_141 : i32 to vector<16xi32>
      %lt3A_143 = arith.cmpi slt, %sub3A_137, %lt3A_142 : vector<16xi32>
      %and3A_144 = arith.andi %ge3A_140, %lt3A_143 : vector<16xi1>
      tpu.vector_store_idx %arg5[%sub3A_137], %broadcast_in_dim3A_5 masked %and3A_144 {add = true} : memref<5120xf32, #tpu.memory_space<vmem>>[vector<16xi32>], vector<16xf32>, vector<16xi1>
      %get3A_145 = arith.constant 1 : i32
      %get3A_146 = arith.index_cast %add3A_118 : i32 to index
      %get3A_147 = arith.index_cast %get3A_145 : i32 to index
      %get3A_148 = arith.constant 32 : index
      %get3A_149 = tpu.vector_load %arg4[%get3A_146, %get3A_147, %get3A_148] {strides = array<i32>} : memref<13x2x128xi32, #tpu.memory_space<vmem>>, vector<16xi32>,
      %sub3A_150 = arith.constant 5120 : i32
      %sub3A_151 = vector.broadcast %sub3A_150 : i32 to vector<16xi32>
      %sub3A_152 = arith.subi %get3A_149, %sub3A_151 : vector<16xi32>
      %ge3A_153 = arith.constant 0 : i32
      %ge3A_154 = vector.broadcast %ge3A_153 : i32 to vector<16xi32>
      %ge3A_155 = arith.cmpi sge, %sub3A_152, %ge3A_154 : vector<16xi32>
      %lt3A_156 = arith.constant 5120 : i32
      %lt3A_157 = vector.broadcast %lt3A_156 : i32 to vector<16xi32>
      %lt3A_158 = arith.cmpi slt, %sub3A_152, %lt3A_157 : vector<16xi32>
      %and3A_159 = arith.andi %ge3A_155, %lt3A_158 : vector<16xi1>
      tpu.vector_store_idx %arg5[%sub3A_152], %broadcast_in_dim3A_5 masked %and3A_159 {add = true} : memref<5120xf32, #tpu.memory_space<vmem>>[vector<16xi32>], vector<16xf32>, vector<16xi1>
      %get3A_160 = arith.constant 1 : i32
      %get3A_161 = arith.index_cast %add3A_118 : i32 to index
      %get3A_162 = arith.index_cast %get3A_160 : i32 to index
      %get3A_163 = arith.constant 48 : index
      %get3A_164 = tpu.vector_load %arg4[%get3A_161, %get3A_162, %get3A_163] {strides = array<i32>} : memref<13x2x128xi32, #tpu.memory_space<vmem>>, vector<16xi32>,
      %sub3A_165 = arith.constant 5120 : i32
      %sub3A_166 = vector.broadcast %sub3A_165 : i32 to vector<16xi32>
      %sub3A_167 = arith.subi %get3A_164, %sub3A_166 : vector<16xi32>
      %ge3A_168 = arith.constant 0 : i32
      %ge3A_169 = vector.broadcast %ge3A_168 : i32 to vector<16xi32>
      %ge3A_170 = arith.cmpi sge, %sub3A_167, %ge3A_169 : vector<16xi32>
      %lt3A_171 = arith.constant 5120 : i32
      %lt3A_172 = vector.broadcast %lt3A_171 : i32 to vector<16xi32>
      %lt3A_173 = arith.cmpi slt, %sub3A_167, %lt3A_172 : vector<16xi32>
      %and3A_174 = arith.andi %ge3A_170, %lt3A_173 : vector<16xi1>
      tpu.vector_store_idx %arg5[%sub3A_167], %broadcast_in_dim3A_5 masked %and3A_174 {add = true} : memref<5120xf32, #tpu.memory_space<vmem>>[vector<16xi32>], vector<16xf32>, vector<16xi1>
      %get3A_175 = arith.constant 1 : i32
      %get3A_176 = arith.index_cast %add3A_118 : i32 to index
      %get3A_177 = arith.index_cast %get3A_175 : i32 to index
      %get3A_178 = arith.constant 64 : index
      %get3A_179 = tpu.vector_load %arg4[%get3A_176, %get3A_177, %get3A_178] {strides = array<i32>} : memref<13x2x128xi32, #tpu.memory_space<vmem>>, vector<16xi32>,
      %sub3A_180 = arith.constant 5120 : i32
      %sub3A_181 = vector.broadcast %sub3A_180 : i32 to vector<16xi32>
      %sub3A_182 = arith.subi %get3A_179, %sub3A_181 : vector<16xi32>
      %ge3A_183 = arith.constant 0 : i32
      %ge3A_184 = vector.broadcast %ge3A_183 : i32 to vector<16xi32>
      %ge3A_185 = arith.cmpi sge, %sub3A_182, %ge3A_184 : vector<16xi32>
      %lt3A_186 = arith.constant 5120 : i32
      %lt3A_187 = vector.broadcast %lt3A_186 : i32 to vector<16xi32>
      %lt3A_188 = arith.cmpi slt, %sub3A_182, %lt3A_187 : vector<16xi32>
      %and3A_189 = arith.andi %ge3A_185, %lt3A_188 : vector<16xi1>
      tpu.vector_store_idx %arg5[%sub3A_182], %broadcast_in_dim3A_5 masked %and3A_189 {add = true} : memref<5120xf32, #tpu.memory_space<vmem>>[vector<16xi32>], vector<16xf32>, vector<16xi1>
      %get3A_190 = arith.constant 1 : i32
      %get3A_191 = arith.index_cast %add3A_118 : i32 to index
      %get3A_192 = arith.index_cast %get3A_190 : i32 to index
      %get3A_193 = arith.constant 80 : index
      %get3A_194 = tpu.vector_load %arg4[%get3A_191, %get3A_192, %get3A_193] {strides = array<i32>} : memref<13x2x128xi32, #tpu.memory_space<vmem>>, vector<16xi32>,
      %sub3A_195 = arith.constant 5120 : i32
      %sub3A_196 = vector.broadcast %sub3A_195 : i32 to vector<16xi32>
      %sub3A_197 = arith.subi %get3A_194, %sub3A_196 : vector<16xi32>
      %ge3A_198 = arith.constant 0 : i32
      %ge3A_199 = vector.broadcast %ge3A_198 : i32 to vector<16xi32>
      %ge3A_200 = arith.cmpi sge, %sub3A_197, %ge3A_199 : vector<16xi32>
      %lt3A_201 = arith.constant 5120 : i32
      %lt3A_202 = vector.broadcast %lt3A_201 : i32 to vector<16xi32>
      %lt3A_203 = arith.cmpi slt, %sub3A_197, %lt3A_202 : vector<16xi32>
      %and3A_204 = arith.andi %ge3A_200, %lt3A_203 : vector<16xi1>
      tpu.vector_store_idx %arg5[%sub3A_197], %broadcast_in_dim3A_5 masked %and3A_204 {add = true} : memref<5120xf32, #tpu.memory_space<vmem>>[vector<16xi32>], vector<16xf32>, vector<16xi1>
      %get3A_205 = arith.constant 1 : i32
      %get3A_206 = arith.index_cast %add3A_118 : i32 to index
      %get3A_207 = arith.index_cast %get3A_205 : i32 to index
      %get3A_208 = arith.constant 96 : index
      %get3A_209 = tpu.vector_load %arg4[%get3A_206, %get3A_207, %get3A_208] {strides = array<i32>} : memref<13x2x128xi32, #tpu.memory_space<vmem>>, vector<16xi32>,
      %sub3A_210 = arith.constant 5120 : i32
      %sub3A_211 = vector.broadcast %sub3A_210 : i32 to vector<16xi32>
      %sub3A_212 = arith.subi %get3A_209, %sub3A_211 : vector<16xi32>
      %ge3A_213 = arith.constant 0 : i32
      %ge3A_214 = vector.broadcast %ge3A_213 : i32 to vector<16xi32>
      %ge3A_215 = arith.cmpi sge, %sub3A_212, %ge3A_214 : vector<16xi32>
      %lt3A_216 = arith.constant 5120 : i32
      %lt3A_217 = vector.broadcast %lt3A_216 : i32 to vector<16xi32>
      %lt3A_218 = arith.cmpi slt, %sub3A_212, %lt3A_217 : vector<16xi32>
      %and3A_219 = arith.andi %ge3A_215, %lt3A_218 : vector<16xi1>
      tpu.vector_store_idx %arg5[%sub3A_212], %broadcast_in_dim3A_5 masked %and3A_219 {add = true} : memref<5120xf32, #tpu.memory_space<vmem>>[vector<16xi32>], vector<16xf32>, vector<16xi1>
      %get3A_220 = arith.constant 1 : i32
      %get3A_221 = arith.index_cast %add3A_118 : i32 to index
      %get3A_222 = arith.index_cast %get3A_220 : i32 to index
      %get3A_223 = arith.constant 112 : index
      %get3A_224 = tpu.vector_load %arg4[%get3A_221, %get3A_222, %get3A_223] {strides = array<i32>} : memref<13x2x128xi32, #tpu.memory_space<vmem>>, vector<16xi32>,
      %sub3A_225 = arith.constant 5120 : i32
      %sub3A_226 = vector.broadcast %sub3A_225 : i32 to vector<16xi32>
      %sub3A_227 = arith.subi %get3A_224, %sub3A_226 : vector<16xi32>
      %ge3A_228 = arith.constant 0 : i32
      %ge3A_229 = vector.broadcast %ge3A_228 : i32 to vector<16xi32>
      %ge3A_230 = arith.cmpi sge, %sub3A_227, %ge3A_229 : vector<16xi32>
      %lt3A_231 = arith.constant 5120 : i32
      %lt3A_232 = vector.broadcast %lt3A_231 : i32 to vector<16xi32>
      %lt3A_233 = arith.cmpi slt, %sub3A_227, %lt3A_232 : vector<16xi32>
      %and3A_234 = arith.andi %ge3A_230, %lt3A_233 : vector<16xi1>
      tpu.vector_store_idx %arg5[%sub3A_227], %broadcast_in_dim3A_5 masked %and3A_234 {add = true} : memref<5120xf32, #tpu.memory_space<vmem>>[vector<16xi32>], vector<16xf32>, vector<16xi1>
    }
    %scan3A_83 = arith.constant 13 : i32
    %add3A_84 = arith.constant 39 : i32
    %add3A_85 = arith.addi %add3A_4, %add3A_84 : i32
    "tpu.region"() ({
      %run_scoped3A = tpu.sem_alloc : memref<!tpu.dma_semaphore, #tpu.memory_space<semaphore_mem>>
      %dma_start3A = arith.constant 0 : i32
      %dma_start3A_114 = arith.constant 0 : i32
      %dma_start3A_115 = tpu.memref_slice %arg2[%add3A_85, %dma_start3A, %dma_start3A_114] : memref<2500x2x128xi32, #tpu.memory_space<hbm>> -> memref<13x2x128xi32, #tpu.memory_space<hbm>>
      %dma_start3A_116 = arith.constant 0 : i32
      %dma_start3A_117 = arith.constant 0 : i32
      %dma_start3A_118 = tpu.memref_slice %arg2[%add3A_85, %dma_start3A_116, %dma_start3A_117] : memref<2500x2x128xi32, #tpu.memory_space<hbm>> -> memref<13x2x128xi32, #tpu.memory_space<hbm>>
      tpu.enqueue_dma source(%dma_start3A_118 : memref<13x2x128xi32, #tpu.memory_space<hbm>>) target(%arg4 : memref<13x2x128xi32, #tpu.memory_space<vmem>>) target_semaphore(%run_scoped3A : memref<!tpu.dma_semaphore, #tpu.memory_space<semaphore_mem>>)
      %dma_wait3A = arith.constant 0 : i32
      %dma_wait3A_119 = arith.constant 0 : i32
      %dma_wait3A_120 = tpu.memref_slice %arg2[%add3A_85, %dma_wait3A, %dma_wait3A_119] : memref<2500x2x128xi32, #tpu.memory_space<hbm>> -> memref<13x2x128xi32, #tpu.memory_space<hbm>>
      %dma_wait3A_121 = arith.constant 0 : i32
      %dma_wait3A_122 = arith.constant 0 : i32
      %dma_wait3A_123 = tpu.memref_slice %arg2[%add3A_85, %dma_wait3A_121, %dma_wait3A_122] : memref<2500x2x128xi32, #tpu.memory_space<hbm>> -> memref<13x2x128xi32, #tpu.memory_space<hbm>>
      tpu.wait_dma2 semaphore(%run_scoped3A : memref<!tpu.dma_semaphore, #tpu.memory_space<semaphore_mem>>) src(%dma_wait3A_123 : memref<13x2x128xi32, #tpu.memory_space<hbm>>) dst(%arg4 : memref<13x2x128xi32, #tpu.memory_space<vmem>>)
      tpu.yield
    }) : () -> ()
    %scan3A_86 = arith.constant 0 : i32
    %scan3A_87 = arith.constant 13 : i32
    %scan3A_88 = arith.addi %scan3A_86, %scan3A_87 : i32
    %scan3A_89 = arith.constant 1 : i32
    scf.for %scan3A_114 = %scan3A_86 to %scan3A_88 step %scan3A_89  : i32 {
      %mul3A_115 = arith.constant 1 : i32
      %mul3A_116 = arith.muli %scan3A_114, %mul3A_115 : i32
      %add3A_117 = arith.constant 0 : i32
      %add3A_118 = arith.addi %add3A_117, %mul3A_116 : i32
      %get3A = arith.constant 1 : i32
      %get3A_119 = arith.index_cast %add3A_118 : i32 to index
      %get3A_120 = arith.index_cast %get3A : i32 to index
      %get3A_121 = arith.constant 0 : index
      %get3A_122 = tpu.vector_load %arg4[%get3A_119, %get3A_120, %get3A_121] {strides = array<i32>} : memref<13x2x128xi32, #tpu.memory_space<vmem>>, vector<16xi32>,
      %sub3A = arith.constant 5120 : i32
      %sub3A_123 = vector.broadcast %sub3A : i32 to vector<16xi32>
      %sub3A_124 = arith.subi %get3A_122, %sub3A_123 : vector<16xi32>
      %ge3A = arith.constant 0 : i32
      %ge3A_125 = vector.broadcast %ge3A : i32 to vector<16xi32>
      %ge3A_126 = arith.cmpi sge, %sub3A_124, %ge3A_125 : vector<16xi32>
      %lt3A_127 = arith.constant 5120 : i32
      %lt3A_128 = vector.broadcast %lt3A_127 : i32 to vector<16xi32>
      %lt3A_129 = arith.cmpi slt, %sub3A_124, %lt3A_128 : vector<16xi32>
      %and3A = arith.andi %ge3A_126, %lt3A_129 : vector<16xi1>
      tpu.vector_store_idx %arg5[%sub3A_124], %broadcast_in_dim3A_5 masked %and3A {add = true} : memref<5120xf32, #tpu.memory_space<vmem>>[vector<16xi32>], vector<16xf32>, vector<16xi1>
      %get3A_130 = arith.constant 1 : i32
      %get3A_131 = arith.index_cast %add3A_118 : i32 to index
      %get3A_132 = arith.index_cast %get3A_130 : i32 to index
      %get3A_133 = arith.constant 16 : index
      %get3A_134 = tpu.vector_load %arg4[%get3A_131, %get3A_132, %get3A_133] {strides = array<i32>} : memref<13x2x128xi32, #tpu.memory_space<vmem>>, vector<16xi32>,
      %sub3A_135 = arith.constant 5120 : i32
      %sub3A_136 = vector.broadcast %sub3A_135 : i32 to vector<16xi32>
      %sub3A_137 = arith.subi %get3A_134, %sub3A_136 : vector<16xi32>
      %ge3A_138 = arith.constant 0 : i32
      %ge3A_139 = vector.broadcast %ge3A_138 : i32 to vector<16xi32>
      %ge3A_140 = arith.cmpi sge, %sub3A_137, %ge3A_139 : vector<16xi32>
      %lt3A_141 = arith.constant 5120 : i32
      %lt3A_142 = vector.broadcast %lt3A_141 : i32 to vector<16xi32>
      %lt3A_143 = arith.cmpi slt, %sub3A_137, %lt3A_142 : vector<16xi32>
      %and3A_144 = arith.andi %ge3A_140, %lt3A_143 : vector<16xi1>
      tpu.vector_store_idx %arg5[%sub3A_137], %broadcast_in_dim3A_5 masked %and3A_144 {add = true} : memref<5120xf32, #tpu.memory_space<vmem>>[vector<16xi32>], vector<16xf32>, vector<16xi1>
      %get3A_145 = arith.constant 1 : i32
      %get3A_146 = arith.index_cast %add3A_118 : i32 to index
      %get3A_147 = arith.index_cast %get3A_145 : i32 to index
      %get3A_148 = arith.constant 32 : index
      %get3A_149 = tpu.vector_load %arg4[%get3A_146, %get3A_147, %get3A_148] {strides = array<i32>} : memref<13x2x128xi32, #tpu.memory_space<vmem>>, vector<16xi32>,
      %sub3A_150 = arith.constant 5120 : i32
      %sub3A_151 = vector.broadcast %sub3A_150 : i32 to vector<16xi32>
      %sub3A_152 = arith.subi %get3A_149, %sub3A_151 : vector<16xi32>
      %ge3A_153 = arith.constant 0 : i32
      %ge3A_154 = vector.broadcast %ge3A_153 : i32 to vector<16xi32>
      %ge3A_155 = arith.cmpi sge, %sub3A_152, %ge3A_154 : vector<16xi32>
      %lt3A_156 = arith.constant 5120 : i32
      %lt3A_157 = vector.broadcast %lt3A_156 : i32 to vector<16xi32>
      %lt3A_158 = arith.cmpi slt, %sub3A_152, %lt3A_157 : vector<16xi32>
      %and3A_159 = arith.andi %ge3A_155, %lt3A_158 : vector<16xi1>
      tpu.vector_store_idx %arg5[%sub3A_152], %broadcast_in_dim3A_5 masked %and3A_159 {add = true} : memref<5120xf32, #tpu.memory_space<vmem>>[vector<16xi32>], vector<16xf32>, vector<16xi1>
      %get3A_160 = arith.constant 1 : i32
      %get3A_161 = arith.index_cast %add3A_118 : i32 to index
      %get3A_162 = arith.index_cast %get3A_160 : i32 to index
      %get3A_163 = arith.constant 48 : index
      %get3A_164 = tpu.vector_load %arg4[%get3A_161, %get3A_162, %get3A_163] {strides = array<i32>} : memref<13x2x128xi32, #tpu.memory_space<vmem>>, vector<16xi32>,
      %sub3A_165 = arith.constant 5120 : i32
      %sub3A_166 = vector.broadcast %sub3A_165 : i32 to vector<16xi32>
      %sub3A_167 = arith.subi %get3A_164, %sub3A_166 : vector<16xi32>
      %ge3A_168 = arith.constant 0 : i32
      %ge3A_169 = vector.broadcast %ge3A_168 : i32 to vector<16xi32>
      %ge3A_170 = arith.cmpi sge, %sub3A_167, %ge3A_169 : vector<16xi32>
      %lt3A_171 = arith.constant 5120 : i32
      %lt3A_172 = vector.broadcast %lt3A_171 : i32 to vector<16xi32>
      %lt3A_173 = arith.cmpi slt, %sub3A_167, %lt3A_172 : vector<16xi32>
      %and3A_174 = arith.andi %ge3A_170, %lt3A_173 : vector<16xi1>
      tpu.vector_store_idx %arg5[%sub3A_167], %broadcast_in_dim3A_5 masked %and3A_174 {add = true} : memref<5120xf32, #tpu.memory_space<vmem>>[vector<16xi32>], vector<16xf32>, vector<16xi1>
      %get3A_175 = arith.constant 1 : i32
      %get3A_176 = arith.index_cast %add3A_118 : i32 to index
      %get3A_177 = arith.index_cast %get3A_175 : i32 to index
      %get3A_178 = arith.constant 64 : index
      %get3A_179 = tpu.vector_load %arg4[%get3A_176, %get3A_177, %get3A_178] {strides = array<i32>} : memref<13x2x128xi32, #tpu.memory_space<vmem>>, vector<16xi32>,
      %sub3A_180 = arith.constant 5120 : i32
      %sub3A_181 = vector.broadcast %sub3A_180 : i32 to vector<16xi32>
      %sub3A_182 = arith.subi %get3A_179, %sub3A_181 : vector<16xi32>
      %ge3A_183 = arith.constant 0 : i32
      %ge3A_184 = vector.broadcast %ge3A_183 : i32 to vector<16xi32>
      %ge3A_185 = arith.cmpi sge, %sub3A_182, %ge3A_184 : vector<16xi32>
      %lt3A_186 = arith.constant 5120 : i32
      %lt3A_187 = vector.broadcast %lt3A_186 : i32 to vector<16xi32>
      %lt3A_188 = arith.cmpi slt, %sub3A_182, %lt3A_187 : vector<16xi32>
      %and3A_189 = arith.andi %ge3A_185, %lt3A_188 : vector<16xi1>
      tpu.vector_store_idx %arg5[%sub3A_182], %broadcast_in_dim3A_5 masked %and3A_189 {add = true} : memref<5120xf32, #tpu.memory_space<vmem>>[vector<16xi32>], vector<16xf32>, vector<16xi1>
      %get3A_190 = arith.constant 1 : i32
      %get3A_191 = arith.index_cast %add3A_118 : i32 to index
      %get3A_192 = arith.index_cast %get3A_190 : i32 to index
      %get3A_193 = arith.constant 80 : index
      %get3A_194 = tpu.vector_load %arg4[%get3A_191, %get3A_192, %get3A_193] {strides = array<i32>} : memref<13x2x128xi32, #tpu.memory_space<vmem>>, vector<16xi32>,
      %sub3A_195 = arith.constant 5120 : i32
      %sub3A_196 = vector.broadcast %sub3A_195 : i32 to vector<16xi32>
      %sub3A_197 = arith.subi %get3A_194, %sub3A_196 : vector<16xi32>
      %ge3A_198 = arith.constant 0 : i32
      %ge3A_199 = vector.broadcast %ge3A_198 : i32 to vector<16xi32>
      %ge3A_200 = arith.cmpi sge, %sub3A_197, %ge3A_199 : vector<16xi32>
      %lt3A_201 = arith.constant 5120 : i32
      %lt3A_202 = vector.broadcast %lt3A_201 : i32 to vector<16xi32>
      %lt3A_203 = arith.cmpi slt, %sub3A_197, %lt3A_202 : vector<16xi32>
      %and3A_204 = arith.andi %ge3A_200, %lt3A_203 : vector<16xi1>
      tpu.vector_store_idx %arg5[%sub3A_197], %broadcast_in_dim3A_5 masked %and3A_204 {add = true} : memref<5120xf32, #tpu.memory_space<vmem>>[vector<16xi32>], vector<16xf32>, vector<16xi1>
      %get3A_205 = arith.constant 1 : i32
      %get3A_206 = arith.index_cast %add3A_118 : i32 to index
      %get3A_207 = arith.index_cast %get3A_205 : i32 to index
      %get3A_208 = arith.constant 96 : index
      %get3A_209 = tpu.vector_load %arg4[%get3A_206, %get3A_207, %get3A_208] {strides = array<i32>} : memref<13x2x128xi32, #tpu.memory_space<vmem>>, vector<16xi32>,
      %sub3A_210 = arith.constant 5120 : i32
      %sub3A_211 = vector.broadcast %sub3A_210 : i32 to vector<16xi32>
      %sub3A_212 = arith.subi %get3A_209, %sub3A_211 : vector<16xi32>
      %ge3A_213 = arith.constant 0 : i32
      %ge3A_214 = vector.broadcast %ge3A_213 : i32 to vector<16xi32>
      %ge3A_215 = arith.cmpi sge, %sub3A_212, %ge3A_214 : vector<16xi32>
      %lt3A_216 = arith.constant 5120 : i32
      %lt3A_217 = vector.broadcast %lt3A_216 : i32 to vector<16xi32>
      %lt3A_218 = arith.cmpi slt, %sub3A_212, %lt3A_217 : vector<16xi32>
      %and3A_219 = arith.andi %ge3A_215, %lt3A_218 : vector<16xi1>
      tpu.vector_store_idx %arg5[%sub3A_212], %broadcast_in_dim3A_5 masked %and3A_219 {add = true} : memref<5120xf32, #tpu.memory_space<vmem>>[vector<16xi32>], vector<16xf32>, vector<16xi1>
      %get3A_220 = arith.constant 1 : i32
      %get3A_221 = arith.index_cast %add3A_118 : i32 to index
      %get3A_222 = arith.index_cast %get3A_220 : i32 to index
      %get3A_223 = arith.constant 112 : index
      %get3A_224 = tpu.vector_load %arg4[%get3A_221, %get3A_222, %get3A_223] {strides = array<i32>} : memref<13x2x128xi32, #tpu.memory_space<vmem>>, vector<16xi32>,
      %sub3A_225 = arith.constant 5120 : i32
      %sub3A_226 = vector.broadcast %sub3A_225 : i32 to vector<16xi32>
      %sub3A_227 = arith.subi %get3A_224, %sub3A_226 : vector<16xi32>
      %ge3A_228 = arith.constant 0 : i32
      %ge3A_229 = vector.broadcast %ge3A_228 : i32 to vector<16xi32>
      %ge3A_230 = arith.cmpi sge, %sub3A_227, %ge3A_229 : vector<16xi32>
      %lt3A_231 = arith.constant 5120 : i32
      %lt3A_232 = vector.broadcast %lt3A_231 : i32 to vector<16xi32>
      %lt3A_233 = arith.cmpi slt, %sub3A_227, %lt3A_232 : vector<16xi32>
      %and3A_234 = arith.andi %ge3A_230, %lt3A_233 : vector<16xi1>
      tpu.vector_store_idx %arg5[%sub3A_227], %broadcast_in_dim3A_5 masked %and3A_234 {add = true} : memref<5120xf32, #tpu.memory_space<vmem>>[vector<16xi32>], vector<16xf32>, vector<16xi1>
    }
    %scan3A_90 = arith.constant 13 : i32
    %add3A_91 = arith.constant 52 : i32
    %add3A_92 = arith.addi %add3A_4, %add3A_91 : i32
    "tpu.region"() ({
      %run_scoped3A = tpu.sem_alloc : memref<!tpu.dma_semaphore, #tpu.memory_space<semaphore_mem>>
      %dma_start3A = arith.constant 0 : i32
      %dma_start3A_114 = arith.constant 0 : i32
      %dma_start3A_115 = tpu.memref_slice %arg2[%add3A_92, %dma_start3A, %dma_start3A_114] : memref<2500x2x128xi32, #tpu.memory_space<hbm>> -> memref<13x2x128xi32, #tpu.memory_space<hbm>>
      %dma_start3A_116 = arith.constant 0 : i32
      %dma_start3A_117 = arith.constant 0 : i32
      %dma_start3A_118 = tpu.memref_slice %arg2[%add3A_92, %dma_start3A_116, %dma_start3A_117] : memref<2500x2x128xi32, #tpu.memory_space<hbm>> -> memref<13x2x128xi32, #tpu.memory_space<hbm>>
      tpu.enqueue_dma source(%dma_start3A_118 : memref<13x2x128xi32, #tpu.memory_space<hbm>>) target(%arg4 : memref<13x2x128xi32, #tpu.memory_space<vmem>>) target_semaphore(%run_scoped3A : memref<!tpu.dma_semaphore, #tpu.memory_space<semaphore_mem>>)
      %dma_wait3A = arith.constant 0 : i32
      %dma_wait3A_119 = arith.constant 0 : i32
      %dma_wait3A_120 = tpu.memref_slice %arg2[%add3A_92, %dma_wait3A, %dma_wait3A_119] : memref<2500x2x128xi32, #tpu.memory_space<hbm>> -> memref<13x2x128xi32, #tpu.memory_space<hbm>>
      %dma_wait3A_121 = arith.constant 0 : i32
      %dma_wait3A_122 = arith.constant 0 : i32
      %dma_wait3A_123 = tpu.memref_slice %arg2[%add3A_92, %dma_wait3A_121, %dma_wait3A_122] : memref<2500x2x128xi32, #tpu.memory_space<hbm>> -> memref<13x2x128xi32, #tpu.memory_space<hbm>>
      tpu.wait_dma2 semaphore(%run_scoped3A : memref<!tpu.dma_semaphore, #tpu.memory_space<semaphore_mem>>) src(%dma_wait3A_123 : memref<13x2x128xi32, #tpu.memory_space<hbm>>) dst(%arg4 : memref<13x2x128xi32, #tpu.memory_space<vmem>>)
      tpu.yield
    }) : () -> ()
    %scan3A_93 = arith.constant 0 : i32
    %scan3A_94 = arith.constant 13 : i32
    %scan3A_95 = arith.addi %scan3A_93, %scan3A_94 : i32
    %scan3A_96 = arith.constant 1 : i32
    scf.for %scan3A_114 = %scan3A_93 to %scan3A_95 step %scan3A_96  : i32 {
      %mul3A_115 = arith.constant 1 : i32
      %mul3A_116 = arith.muli %scan3A_114, %mul3A_115 : i32
      %add3A_117 = arith.constant 0 : i32
      %add3A_118 = arith.addi %add3A_117, %mul3A_116 : i32
      %get3A = arith.constant 1 : i32
      %get3A_119 = arith.index_cast %add3A_118 : i32 to index
      %get3A_120 = arith.index_cast %get3A : i32 to index
      %get3A_121 = arith.constant 0 : index
      %get3A_122 = tpu.vector_load %arg4[%get3A_119, %get3A_120, %get3A_121] {strides = array<i32>} : memref<13x2x128xi32, #tpu.memory_space<vmem>>, vector<16xi32>,
      %sub3A = arith.constant 5120 : i32
      %sub3A_123 = vector.broadcast %sub3A : i32 to vector<16xi32>
      %sub3A_124 = arith.subi %get3A_122, %sub3A_123 : vector<16xi32>
      %ge3A = arith.constant 0 : i32
      %ge3A_125 = vector.broadcast %ge3A : i32 to vector<16xi32>
      %ge3A_126 = arith.cmpi sge, %sub3A_124, %ge3A_125 : vector<16xi32>
      %lt3A_127 = arith.constant 5120 : i32
      %lt3A_128 = vector.broadcast %lt3A_127 : i32 to vector<16xi32>
      %lt3A_129 = arith.cmpi slt, %sub3A_124, %lt3A_128 : vector<16xi32>
      %and3A = arith.andi %ge3A_126, %lt3A_129 : vector<16xi1>
      tpu.vector_store_idx %arg5[%sub3A_124], %broadcast_in_dim3A_5 masked %and3A {add = true} : memref<5120xf32, #tpu.memory_space<vmem>>[vector<16xi32>], vector<16xf32>, vector<16xi1>
      %get3A_130 = arith.constant 1 : i32
      %get3A_131 = arith.index_cast %add3A_118 : i32 to index
      %get3A_132 = arith.index_cast %get3A_130 : i32 to index
      %get3A_133 = arith.constant 16 : index
      %get3A_134 = tpu.vector_load %arg4[%get3A_131, %get3A_132, %get3A_133] {strides = array<i32>} : memref<13x2x128xi32, #tpu.memory_space<vmem>>, vector<16xi32>,
      %sub3A_135 = arith.constant 5120 : i32
      %sub3A_136 = vector.broadcast %sub3A_135 : i32 to vector<16xi32>
      %sub3A_137 = arith.subi %get3A_134, %sub3A_136 : vector<16xi32>
      %ge3A_138 = arith.constant 0 : i32
      %ge3A_139 = vector.broadcast %ge3A_138 : i32 to vector<16xi32>
      %ge3A_140 = arith.cmpi sge, %sub3A_137, %ge3A_139 : vector<16xi32>
      %lt3A_141 = arith.constant 5120 : i32
      %lt3A_142 = vector.broadcast %lt3A_141 : i32 to vector<16xi32>
      %lt3A_143 = arith.cmpi slt, %sub3A_137, %lt3A_142 : vector<16xi32>
      %and3A_144 = arith.andi %ge3A_140, %lt3A_143 : vector<16xi1>
      tpu.vector_store_idx %arg5[%sub3A_137], %broadcast_in_dim3A_5 masked %and3A_144 {add = true} : memref<5120xf32, #tpu.memory_space<vmem>>[vector<16xi32>], vector<16xf32>, vector<16xi1>
      %get3A_145 = arith.constant 1 : i32
      %get3A_146 = arith.index_cast %add3A_118 : i32 to index
      %get3A_147 = arith.index_cast %get3A_145 : i32 to index
      %get3A_148 = arith.constant 32 : index
      %get3A_149 = tpu.vector_load %arg4[%get3A_146, %get3A_147, %get3A_148] {strides = array<i32>} : memref<13x2x128xi32, #tpu.memory_space<vmem>>, vector<16xi32>,
      %sub3A_150 = arith.constant 5120 : i32
      %sub3A_151 = vector.broadcast %sub3A_150 : i32 to vector<16xi32>
      %sub3A_152 = arith.subi %get3A_149, %sub3A_151 : vector<16xi32>
      %ge3A_153 = arith.constant 0 : i32
      %ge3A_154 = vector.broadcast %ge3A_153 : i32 to vector<16xi32>
      %ge3A_155 = arith.cmpi sge, %sub3A_152, %ge3A_154 : vector<16xi32>
      %lt3A_156 = arith.constant 5120 : i32
      %lt3A_157 = vector.broadcast %lt3A_156 : i32 to vector<16xi32>
      %lt3A_158 = arith.cmpi slt, %sub3A_152, %lt3A_157 : vector<16xi32>
      %and3A_159 = arith.andi %ge3A_155, %lt3A_158 : vector<16xi1>
      tpu.vector_store_idx %arg5[%sub3A_152], %broadcast_in_dim3A_5 masked %and3A_159 {add = true} : memref<5120xf32, #tpu.memory_space<vmem>>[vector<16xi32>], vector<16xf32>, vector<16xi1>
      %get3A_160 = arith.constant 1 : i32
      %get3A_161 = arith.index_cast %add3A_118 : i32 to index
      %get3A_162 = arith.index_cast %get3A_160 : i32 to index
      %get3A_163 = arith.constant 48 : index
      %get3A_164 = tpu.vector_load %arg4[%get3A_161, %get3A_162, %get3A_163] {strides = array<i32>} : memref<13x2x128xi32, #tpu.memory_space<vmem>>, vector<16xi32>,
      %sub3A_165 = arith.constant 5120 : i32
      %sub3A_166 = vector.broadcast %sub3A_165 : i32 to vector<16xi32>
      %sub3A_167 = arith.subi %get3A_164, %sub3A_166 : vector<16xi32>
      %ge3A_168 = arith.constant 0 : i32
      %ge3A_169 = vector.broadcast %ge3A_168 : i32 to vector<16xi32>
      %ge3A_170 = arith.cmpi sge, %sub3A_167, %ge3A_169 : vector<16xi32>
      %lt3A_171 = arith.constant 5120 : i32
      %lt3A_172 = vector.broadcast %lt3A_171 : i32 to vector<16xi32>
      %lt3A_173 = arith.cmpi slt, %sub3A_167, %lt3A_172 : vector<16xi32>
      %and3A_174 = arith.andi %ge3A_170, %lt3A_173 : vector<16xi1>
      tpu.vector_store_idx %arg5[%sub3A_167], %broadcast_in_dim3A_5 masked %and3A_174 {add = true} : memref<5120xf32, #tpu.memory_space<vmem>>[vector<16xi32>], vector<16xf32>, vector<16xi1>
      %get3A_175 = arith.constant 1 : i32
      %get3A_176 = arith.index_cast %add3A_118 : i32 to index
      %get3A_177 = arith.index_cast %get3A_175 : i32 to index
      %get3A_178 = arith.constant 64 : index
      %get3A_179 = tpu.vector_load %arg4[%get3A_176, %get3A_177, %get3A_178] {strides = array<i32>} : memref<13x2x128xi32, #tpu.memory_space<vmem>>, vector<16xi32>,
      %sub3A_180 = arith.constant 5120 : i32
      %sub3A_181 = vector.broadcast %sub3A_180 : i32 to vector<16xi32>
      %sub3A_182 = arith.subi %get3A_179, %sub3A_181 : vector<16xi32>
      %ge3A_183 = arith.constant 0 : i32
      %ge3A_184 = vector.broadcast %ge3A_183 : i32 to vector<16xi32>
      %ge3A_185 = arith.cmpi sge, %sub3A_182, %ge3A_184 : vector<16xi32>
      %lt3A_186 = arith.constant 5120 : i32
      %lt3A_187 = vector.broadcast %lt3A_186 : i32 to vector<16xi32>
      %lt3A_188 = arith.cmpi slt, %sub3A_182, %lt3A_187 : vector<16xi32>
      %and3A_189 = arith.andi %ge3A_185, %lt3A_188 : vector<16xi1>
      tpu.vector_store_idx %arg5[%sub3A_182], %broadcast_in_dim3A_5 masked %and3A_189 {add = true} : memref<5120xf32, #tpu.memory_space<vmem>>[vector<16xi32>], vector<16xf32>, vector<16xi1>
      %get3A_190 = arith.constant 1 : i32
      %get3A_191 = arith.index_cast %add3A_118 : i32 to index
      %get3A_192 = arith.index_cast %get3A_190 : i32 to index
      %get3A_193 = arith.constant 80 : index
      %get3A_194 = tpu.vector_load %arg4[%get3A_191, %get3A_192, %get3A_193] {strides = array<i32>} : memref<13x2x128xi32, #tpu.memory_space<vmem>>, vector<16xi32>,
      %sub3A_195 = arith.constant 5120 : i32
      %sub3A_196 = vector.broadcast %sub3A_195 : i32 to vector<16xi32>
      %sub3A_197 = arith.subi %get3A_194, %sub3A_196 : vector<16xi32>
      %ge3A_198 = arith.constant 0 : i32
      %ge3A_199 = vector.broadcast %ge3A_198 : i32 to vector<16xi32>
      %ge3A_200 = arith.cmpi sge, %sub3A_197, %ge3A_199 : vector<16xi32>
      %lt3A_201 = arith.constant 5120 : i32
      %lt3A_202 = vector.broadcast %lt3A_201 : i32 to vector<16xi32>
      %lt3A_203 = arith.cmpi slt, %sub3A_197, %lt3A_202 : vector<16xi32>
      %and3A_204 = arith.andi %ge3A_200, %lt3A_203 : vector<16xi1>
      tpu.vector_store_idx %arg5[%sub3A_197], %broadcast_in_dim3A_5 masked %and3A_204 {add = true} : memref<5120xf32, #tpu.memory_space<vmem>>[vector<16xi32>], vector<16xf32>, vector<16xi1>
      %get3A_205 = arith.constant 1 : i32
      %get3A_206 = arith.index_cast %add3A_118 : i32 to index
      %get3A_207 = arith.index_cast %get3A_205 : i32 to index
      %get3A_208 = arith.constant 96 : index
      %get3A_209 = tpu.vector_load %arg4[%get3A_206, %get3A_207, %get3A_208] {strides = array<i32>} : memref<13x2x128xi32, #tpu.memory_space<vmem>>, vector<16xi32>,
      %sub3A_210 = arith.constant 5120 : i32
      %sub3A_211 = vector.broadcast %sub3A_210 : i32 to vector<16xi32>
      %sub3A_212 = arith.subi %get3A_209, %sub3A_211 : vector<16xi32>
      %ge3A_213 = arith.constant 0 : i32
      %ge3A_214 = vector.broadcast %ge3A_213 : i32 to vector<16xi32>
      %ge3A_215 = arith.cmpi sge, %sub3A_212, %ge3A_214 : vector<16xi32>
      %lt3A_216 = arith.constant 5120 : i32
      %lt3A_217 = vector.broadcast %lt3A_216 : i32 to vector<16xi32>
      %lt3A_218 = arith.cmpi slt, %sub3A_212, %lt3A_217 : vector<16xi32>
      %and3A_219 = arith.andi %ge3A_215, %lt3A_218 : vector<16xi1>
      tpu.vector_store_idx %arg5[%sub3A_212], %broadcast_in_dim3A_5 masked %and3A_219 {add = true} : memref<5120xf32, #tpu.memory_space<vmem>>[vector<16xi32>], vector<16xf32>, vector<16xi1>
      %get3A_220 = arith.constant 1 : i32
      %get3A_221 = arith.index_cast %add3A_118 : i32 to index
      %get3A_222 = arith.index_cast %get3A_220 : i32 to index
      %get3A_223 = arith.constant 112 : index
      %get3A_224 = tpu.vector_load %arg4[%get3A_221, %get3A_222, %get3A_223] {strides = array<i32>} : memref<13x2x128xi32, #tpu.memory_space<vmem>>, vector<16xi32>,
      %sub3A_225 = arith.constant 5120 : i32
      %sub3A_226 = vector.broadcast %sub3A_225 : i32 to vector<16xi32>
      %sub3A_227 = arith.subi %get3A_224, %sub3A_226 : vector<16xi32>
      %ge3A_228 = arith.constant 0 : i32
      %ge3A_229 = vector.broadcast %ge3A_228 : i32 to vector<16xi32>
      %ge3A_230 = arith.cmpi sge, %sub3A_227, %ge3A_229 : vector<16xi32>
      %lt3A_231 = arith.constant 5120 : i32
      %lt3A_232 = vector.broadcast %lt3A_231 : i32 to vector<16xi32>
      %lt3A_233 = arith.cmpi slt, %sub3A_227, %lt3A_232 : vector<16xi32>
      %and3A_234 = arith.andi %ge3A_230, %lt3A_233 : vector<16xi1>
      tpu.vector_store_idx %arg5[%sub3A_227], %broadcast_in_dim3A_5 masked %and3A_234 {add = true} : memref<5120xf32, #tpu.memory_space<vmem>>[vector<16xi32>], vector<16xf32>, vector<16xi1>
    }
    %scan3A_97 = arith.constant 13 : i32
    %add3A_98 = arith.constant 65 : i32
    %add3A_99 = arith.addi %add3A_4, %add3A_98 : i32
    "tpu.region"() ({
      %run_scoped3A = tpu.sem_alloc : memref<!tpu.dma_semaphore, #tpu.memory_space<semaphore_mem>>
      %dma_start3A = arith.constant 0 : i32
      %dma_start3A_114 = arith.constant 0 : i32
      %dma_start3A_115 = tpu.memref_slice %arg2[%add3A_99, %dma_start3A, %dma_start3A_114] : memref<2500x2x128xi32, #tpu.memory_space<hbm>> -> memref<13x2x128xi32, #tpu.memory_space<hbm>>
      %dma_start3A_116 = arith.constant 0 : i32
      %dma_start3A_117 = arith.constant 0 : i32
      %dma_start3A_118 = tpu.memref_slice %arg2[%add3A_99, %dma_start3A_116, %dma_start3A_117] : memref<2500x2x128xi32, #tpu.memory_space<hbm>> -> memref<13x2x128xi32, #tpu.memory_space<hbm>>
      tpu.enqueue_dma source(%dma_start3A_118 : memref<13x2x128xi32, #tpu.memory_space<hbm>>) target(%arg4 : memref<13x2x128xi32, #tpu.memory_space<vmem>>) target_semaphore(%run_scoped3A : memref<!tpu.dma_semaphore, #tpu.memory_space<semaphore_mem>>)
      %dma_wait3A = arith.constant 0 : i32
      %dma_wait3A_119 = arith.constant 0 : i32
      %dma_wait3A_120 = tpu.memref_slice %arg2[%add3A_99, %dma_wait3A, %dma_wait3A_119] : memref<2500x2x128xi32, #tpu.memory_space<hbm>> -> memref<13x2x128xi32, #tpu.memory_space<hbm>>
      %dma_wait3A_121 = arith.constant 0 : i32
      %dma_wait3A_122 = arith.constant 0 : i32
      %dma_wait3A_123 = tpu.memref_slice %arg2[%add3A_99, %dma_wait3A_121, %dma_wait3A_122] : memref<2500x2x128xi32, #tpu.memory_space<hbm>> -> memref<13x2x128xi32, #tpu.memory_space<hbm>>
      tpu.wait_dma2 semaphore(%run_scoped3A : memref<!tpu.dma_semaphore, #tpu.memory_space<semaphore_mem>>) src(%dma_wait3A_123 : memref<13x2x128xi32, #tpu.memory_space<hbm>>) dst(%arg4 : memref<13x2x128xi32, #tpu.memory_space<vmem>>)
      tpu.yield
    }) : () -> ()
    %scan3A_100 = arith.constant 0 : i32
    %scan3A_101 = arith.constant 13 : i32
    %scan3A_102 = arith.addi %scan3A_100, %scan3A_101 : i32
    %scan3A_103 = arith.constant 1 : i32
    scf.for %scan3A_114 = %scan3A_100 to %scan3A_102 step %scan3A_103  : i32 {
      %mul3A_115 = arith.constant 1 : i32
      %mul3A_116 = arith.muli %scan3A_114, %mul3A_115 : i32
      %add3A_117 = arith.constant 0 : i32
      %add3A_118 = arith.addi %add3A_117, %mul3A_116 : i32
      %get3A = arith.constant 1 : i32
      %get3A_119 = arith.index_cast %add3A_118 : i32 to index
      %get3A_120 = arith.index_cast %get3A : i32 to index
      %get3A_121 = arith.constant 0 : index
      %get3A_122 = tpu.vector_load %arg4[%get3A_119, %get3A_120, %get3A_121] {strides = array<i32>} : memref<13x2x128xi32, #tpu.memory_space<vmem>>, vector<16xi32>,
      %sub3A = arith.constant 5120 : i32
      %sub3A_123 = vector.broadcast %sub3A : i32 to vector<16xi32>
      %sub3A_124 = arith.subi %get3A_122, %sub3A_123 : vector<16xi32>
      %ge3A = arith.constant 0 : i32
      %ge3A_125 = vector.broadcast %ge3A : i32 to vector<16xi32>
      %ge3A_126 = arith.cmpi sge, %sub3A_124, %ge3A_125 : vector<16xi32>
      %lt3A_127 = arith.constant 5120 : i32
      %lt3A_128 = vector.broadcast %lt3A_127 : i32 to vector<16xi32>
      %lt3A_129 = arith.cmpi slt, %sub3A_124, %lt3A_128 : vector<16xi32>
      %and3A = arith.andi %ge3A_126, %lt3A_129 : vector<16xi1>
      tpu.vector_store_idx %arg5[%sub3A_124], %broadcast_in_dim3A_5 masked %and3A {add = true} : memref<5120xf32, #tpu.memory_space<vmem>>[vector<16xi32>], vector<16xf32>, vector<16xi1>
      %get3A_130 = arith.constant 1 : i32
      %get3A_131 = arith.index_cast %add3A_118 : i32 to index
      %get3A_132 = arith.index_cast %get3A_130 : i32 to index
      %get3A_133 = arith.constant 16 : index
      %get3A_134 = tpu.vector_load %arg4[%get3A_131, %get3A_132, %get3A_133] {strides = array<i32>} : memref<13x2x128xi32, #tpu.memory_space<vmem>>, vector<16xi32>,
      %sub3A_135 = arith.constant 5120 : i32
      %sub3A_136 = vector.broadcast %sub3A_135 : i32 to vector<16xi32>
      %sub3A_137 = arith.subi %get3A_134, %sub3A_136 : vector<16xi32>
      %ge3A_138 = arith.constant 0 : i32
      %ge3A_139 = vector.broadcast %ge3A_138 : i32 to vector<16xi32>
      %ge3A_140 = arith.cmpi sge, %sub3A_137, %ge3A_139 : vector<16xi32>
      %lt3A_141 = arith.constant 5120 : i32
      %lt3A_142 = vector.broadcast %lt3A_141 : i32 to vector<16xi32>
      %lt3A_143 = arith.cmpi slt, %sub3A_137, %lt3A_142 : vector<16xi32>
      %and3A_144 = arith.andi %ge3A_140, %lt3A_143 : vector<16xi1>
      tpu.vector_store_idx %arg5[%sub3A_137], %broadcast_in_dim3A_5 masked %and3A_144 {add = true} : memref<5120xf32, #tpu.memory_space<vmem>>[vector<16xi32>], vector<16xf32>, vector<16xi1>
      %get3A_145 = arith.constant 1 : i32
      %get3A_146 = arith.index_cast %add3A_118 : i32 to index
      %get3A_147 = arith.index_cast %get3A_145 : i32 to index
      %get3A_148 = arith.constant 32 : index
      %get3A_149 = tpu.vector_load %arg4[%get3A_146, %get3A_147, %get3A_148] {strides = array<i32>} : memref<13x2x128xi32, #tpu.memory_space<vmem>>, vector<16xi32>,
      %sub3A_150 = arith.constant 5120 : i32
      %sub3A_151 = vector.broadcast %sub3A_150 : i32 to vector<16xi32>
      %sub3A_152 = arith.subi %get3A_149, %sub3A_151 : vector<16xi32>
      %ge3A_153 = arith.constant 0 : i32
      %ge3A_154 = vector.broadcast %ge3A_153 : i32 to vector<16xi32>
      %ge3A_155 = arith.cmpi sge, %sub3A_152, %ge3A_154 : vector<16xi32>
      %lt3A_156 = arith.constant 5120 : i32
      %lt3A_157 = vector.broadcast %lt3A_156 : i32 to vector<16xi32>
      %lt3A_158 = arith.cmpi slt, %sub3A_152, %lt3A_157 : vector<16xi32>
      %and3A_159 = arith.andi %ge3A_155, %lt3A_158 : vector<16xi1>
      tpu.vector_store_idx %arg5[%sub3A_152], %broadcast_in_dim3A_5 masked %and3A_159 {add = true} : memref<5120xf32, #tpu.memory_space<vmem>>[vector<16xi32>], vector<16xf32>, vector<16xi1>
      %get3A_160 = arith.constant 1 : i32
      %get3A_161 = arith.index_cast %add3A_118 : i32 to index
      %get3A_162 = arith.index_cast %get3A_160 : i32 to index
      %get3A_163 = arith.constant 48 : index
      %get3A_164 = tpu.vector_load %arg4[%get3A_161, %get3A_162, %get3A_163] {strides = array<i32>} : memref<13x2x128xi32, #tpu.memory_space<vmem>>, vector<16xi32>,
      %sub3A_165 = arith.constant 5120 : i32
      %sub3A_166 = vector.broadcast %sub3A_165 : i32 to vector<16xi32>
      %sub3A_167 = arith.subi %get3A_164, %sub3A_166 : vector<16xi32>
      %ge3A_168 = arith.constant 0 : i32
      %ge3A_169 = vector.broadcast %ge3A_168 : i32 to vector<16xi32>
      %ge3A_170 = arith.cmpi sge, %sub3A_167, %ge3A_169 : vector<16xi32>
      %lt3A_171 = arith.constant 5120 : i32
      %lt3A_172 = vector.broadcast %lt3A_171 : i32 to vector<16xi32>
      %lt3A_173 = arith.cmpi slt, %sub3A_167, %lt3A_172 : vector<16xi32>
      %and3A_174 = arith.andi %ge3A_170, %lt3A_173 : vector<16xi1>
      tpu.vector_store_idx %arg5[%sub3A_167], %broadcast_in_dim3A_5 masked %and3A_174 {add = true} : memref<5120xf32, #tpu.memory_space<vmem>>[vector<16xi32>], vector<16xf32>, vector<16xi1>
      %get3A_175 = arith.constant 1 : i32
      %get3A_176 = arith.index_cast %add3A_118 : i32 to index
      %get3A_177 = arith.index_cast %get3A_175 : i32 to index
      %get3A_178 = arith.constant 64 : index
      %get3A_179 = tpu.vector_load %arg4[%get3A_176, %get3A_177, %get3A_178] {strides = array<i32>} : memref<13x2x128xi32, #tpu.memory_space<vmem>>, vector<16xi32>,
      %sub3A_180 = arith.constant 5120 : i32
      %sub3A_181 = vector.broadcast %sub3A_180 : i32 to vector<16xi32>
      %sub3A_182 = arith.subi %get3A_179, %sub3A_181 : vector<16xi32>
      %ge3A_183 = arith.constant 0 : i32
      %ge3A_184 = vector.broadcast %ge3A_183 : i32 to vector<16xi32>
      %ge3A_185 = arith.cmpi sge, %sub3A_182, %ge3A_184 : vector<16xi32>
      %lt3A_186 = arith.constant 5120 : i32
      %lt3A_187 = vector.broadcast %lt3A_186 : i32 to vector<16xi32>
      %lt3A_188 = arith.cmpi slt, %sub3A_182, %lt3A_187 : vector<16xi32>
      %and3A_189 = arith.andi %ge3A_185, %lt3A_188 : vector<16xi1>
      tpu.vector_store_idx %arg5[%sub3A_182], %broadcast_in_dim3A_5 masked %and3A_189 {add = true} : memref<5120xf32, #tpu.memory_space<vmem>>[vector<16xi32>], vector<16xf32>, vector<16xi1>
      %get3A_190 = arith.constant 1 : i32
      %get3A_191 = arith.index_cast %add3A_118 : i32 to index
      %get3A_192 = arith.index_cast %get3A_190 : i32 to index
      %get3A_193 = arith.constant 80 : index
      %get3A_194 = tpu.vector_load %arg4[%get3A_191, %get3A_192, %get3A_193] {strides = array<i32>} : memref<13x2x128xi32, #tpu.memory_space<vmem>>, vector<16xi32>,
      %sub3A_195 = arith.constant 5120 : i32
      %sub3A_196 = vector.broadcast %sub3A_195 : i32 to vector<16xi32>
      %sub3A_197 = arith.subi %get3A_194, %sub3A_196 : vector<16xi32>
      %ge3A_198 = arith.constant 0 : i32
      %ge3A_199 = vector.broadcast %ge3A_198 : i32 to vector<16xi32>
      %ge3A_200 = arith.cmpi sge, %sub3A_197, %ge3A_199 : vector<16xi32>
      %lt3A_201 = arith.constant 5120 : i32
      %lt3A_202 = vector.broadcast %lt3A_201 : i32 to vector<16xi32>
      %lt3A_203 = arith.cmpi slt, %sub3A_197, %lt3A_202 : vector<16xi32>
      %and3A_204 = arith.andi %ge3A_200, %lt3A_203 : vector<16xi1>
      tpu.vector_store_idx %arg5[%sub3A_197], %broadcast_in_dim3A_5 masked %and3A_204 {add = true} : memref<5120xf32, #tpu.memory_space<vmem>>[vector<16xi32>], vector<16xf32>, vector<16xi1>
      %get3A_205 = arith.constant 1 : i32
      %get3A_206 = arith.index_cast %add3A_118 : i32 to index
      %get3A_207 = arith.index_cast %get3A_205 : i32 to index
      %get3A_208 = arith.constant 96 : index
      %get3A_209 = tpu.vector_load %arg4[%get3A_206, %get3A_207, %get3A_208] {strides = array<i32>} : memref<13x2x128xi32, #tpu.memory_space<vmem>>, vector<16xi32>,
      %sub3A_210 = arith.constant 5120 : i32
      %sub3A_211 = vector.broadcast %sub3A_210 : i32 to vector<16xi32>
      %sub3A_212 = arith.subi %get3A_209, %sub3A_211 : vector<16xi32>
      %ge3A_213 = arith.constant 0 : i32
      %ge3A_214 = vector.broadcast %ge3A_213 : i32 to vector<16xi32>
      %ge3A_215 = arith.cmpi sge, %sub3A_212, %ge3A_214 : vector<16xi32>
      %lt3A_216 = arith.constant 5120 : i32
      %lt3A_217 = vector.broadcast %lt3A_216 : i32 to vector<16xi32>
      %lt3A_218 = arith.cmpi slt, %sub3A_212, %lt3A_217 : vector<16xi32>
      %and3A_219 = arith.andi %ge3A_215, %lt3A_218 : vector<16xi1>
      tpu.vector_store_idx %arg5[%sub3A_212], %broadcast_in_dim3A_5 masked %and3A_219 {add = true} : memref<5120xf32, #tpu.memory_space<vmem>>[vector<16xi32>], vector<16xf32>, vector<16xi1>
      %get3A_220 = arith.constant 1 : i32
      %get3A_221 = arith.index_cast %add3A_118 : i32 to index
      %get3A_222 = arith.index_cast %get3A_220 : i32 to index
      %get3A_223 = arith.constant 112 : index
      %get3A_224 = tpu.vector_load %arg4[%get3A_221, %get3A_222, %get3A_223] {strides = array<i32>} : memref<13x2x128xi32, #tpu.memory_space<vmem>>, vector<16xi32>,
      %sub3A_225 = arith.constant 5120 : i32
      %sub3A_226 = vector.broadcast %sub3A_225 : i32 to vector<16xi32>
      %sub3A_227 = arith.subi %get3A_224, %sub3A_226 : vector<16xi32>
      %ge3A_228 = arith.constant 0 : i32
      %ge3A_229 = vector.broadcast %ge3A_228 : i32 to vector<16xi32>
      %ge3A_230 = arith.cmpi sge, %sub3A_227, %ge3A_229 : vector<16xi32>
      %lt3A_231 = arith.constant 5120 : i32
      %lt3A_232 = vector.broadcast %lt3A_231 : i32 to vector<16xi32>
      %lt3A_233 = arith.cmpi slt, %sub3A_227, %lt3A_232 : vector<16xi32>
      %and3A_234 = arith.andi %ge3A_230, %lt3A_233 : vector<16xi1>
      tpu.vector_store_idx %arg5[%sub3A_227], %broadcast_in_dim3A_5 masked %and3A_234 {add = true} : memref<5120xf32, #tpu.memory_space<vmem>>[vector<16xi32>], vector<16xf32>, vector<16xi1>
    }
    %scan3A_104 = arith.constant 13 : i32
    %lt3A_105 = arith.constant 4 : i32
    %lt3A_106 = arith.cmpi slt, %add3A, %lt3A_105 : i32
    %convert_element_type3A_107 = arith.extui %lt3A_106 : i1 to i32
    %cond3A_108 = arith.constant 0 : i32
    %cond3A_109 = arith.cmpi ne, %convert_element_type3A_107, %cond3A_108 : i32
    scf.if %cond3A_109 {
      %add3A_114 = arith.constant 78 : i32
      %add3A_115 = arith.addi %add3A_4, %add3A_114 : i32
      "tpu.region"() ({
        %run_scoped3A = tpu.sem_alloc : memref<!tpu.dma_semaphore, #tpu.memory_space<semaphore_mem>>
        %dma_start3A = arith.constant 0 : i32
        %dma_start3A_240 = arith.constant 0 : i32
        %dma_start3A_241 = arith.constant 0 : i32
        %dma_start3A_242 = tpu.memref_slice %arg4[%dma_start3A, %dma_start3A_240, %dma_start3A_241] : memref<13x2x128xi32, #tpu.memory_space<vmem>> -> memref<1x2x128xi32, #tpu.memory_space<vmem>>
        %dma_start3A_243 = arith.constant 0 : i32
        %dma_start3A_244 = arith.constant 0 : i32
        %dma_start3A_245 = tpu.memref_slice %arg2[%add3A_115, %dma_start3A_243, %dma_start3A_244] : memref<2500x2x128xi32, #tpu.memory_space<hbm>> -> memref<1x2x128xi32, #tpu.memory_space<hbm>>
        %dma_start3A_246 = arith.constant 0 : i32
        %dma_start3A_247 = arith.constant 0 : i32
        %dma_start3A_248 = arith.constant 0 : i32
        %dma_start3A_249 = tpu.memref_slice %arg4[%dma_start3A_246, %dma_start3A_247, %dma_start3A_248] : memref<13x2x128xi32, #tpu.memory_space<vmem>> -> memref<1x2x128xi32, #tpu.memory_space<vmem>>
        %dma_start3A_250 = arith.constant 0 : i32
        %dma_start3A_251 = arith.constant 0 : i32
        %dma_start3A_252 = tpu.memref_slice %arg2[%add3A_115, %dma_start3A_250, %dma_start3A_251] : memref<2500x2x128xi32, #tpu.memory_space<hbm>> -> memref<1x2x128xi32, #tpu.memory_space<hbm>>
        tpu.enqueue_dma source(%dma_start3A_252 : memref<1x2x128xi32, #tpu.memory_space<hbm>>) target(%dma_start3A_249 : memref<1x2x128xi32, #tpu.memory_space<vmem>>) target_semaphore(%run_scoped3A : memref<!tpu.dma_semaphore, #tpu.memory_space<semaphore_mem>>)
        %dma_wait3A = arith.constant 0 : i32
        %dma_wait3A_253 = arith.constant 0 : i32
        %dma_wait3A_254 = arith.constant 0 : i32
        %dma_wait3A_255 = tpu.memref_slice %arg4[%dma_wait3A, %dma_wait3A_253, %dma_wait3A_254] : memref<13x2x128xi32, #tpu.memory_space<vmem>> -> memref<1x2x128xi32, #tpu.memory_space<vmem>>
        %dma_wait3A_256 = arith.constant 0 : i32
        %dma_wait3A_257 = arith.constant 0 : i32
        %dma_wait3A_258 = tpu.memref_slice %arg2[%add3A_115, %dma_wait3A_256, %dma_wait3A_257] : memref<2500x2x128xi32, #tpu.memory_space<hbm>> -> memref<1x2x128xi32, #tpu.memory_space<hbm>>
        %dma_wait3A_259 = arith.constant 0 : i32
        %dma_wait3A_260 = arith.constant 0 : i32
        %dma_wait3A_261 = arith.constant 0 : i32
        %dma_wait3A_262 = tpu.memref_slice %arg4[%dma_wait3A_259, %dma_wait3A_260, %dma_wait3A_261] : memref<13x2x128xi32, #tpu.memory_space<vmem>> -> memref<1x2x128xi32, #tpu.memory_space<vmem>>
        %dma_wait3A_263 = arith.constant 0 : i32
        %dma_wait3A_264 = arith.constant 0 : i32
        %dma_wait3A_265 = tpu.memref_slice %arg2[%add3A_115, %dma_wait3A_263, %dma_wait3A_264] : memref<2500x2x128xi32, #tpu.memory_space<hbm>> -> memref<1x2x128xi32, #tpu.memory_space<hbm>>
        tpu.wait_dma2 semaphore(%run_scoped3A : memref<!tpu.dma_semaphore, #tpu.memory_space<semaphore_mem>>) src(%dma_wait3A_265 : memref<1x2x128xi32, #tpu.memory_space<hbm>>) dst(%dma_wait3A_262 : memref<1x2x128xi32, #tpu.memory_space<vmem>>)
        tpu.yield
      }) : () -> ()
      %get3A = arith.constant 0 : i32
      %get3A_116 = arith.constant 1 : i32
      %get3A_117 = arith.index_cast %get3A : i32 to index
      %get3A_118 = arith.index_cast %get3A_116 : i32 to index
      %get3A_119 = arith.constant 0 : index
      %get3A_120 = tpu.vector_load %arg4[%get3A_117, %get3A_118, %get3A_119] {strides = array<i32>} : memref<13x2x128xi32, #tpu.memory_space<vmem>>, vector<16xi32>,
      %sub3A = arith.constant 5120 : i32
      %sub3A_121 = vector.broadcast %sub3A : i32 to vector<16xi32>
      %sub3A_122 = arith.subi %get3A_120, %sub3A_121 : vector<16xi32>
      %ge3A = arith.constant 0 : i32
      %ge3A_123 = vector.broadcast %ge3A : i32 to vector<16xi32>
      %ge3A_124 = arith.cmpi sge, %sub3A_122, %ge3A_123 : vector<16xi32>
      %lt3A_125 = arith.constant 5120 : i32
      %lt3A_126 = vector.broadcast %lt3A_125 : i32 to vector<16xi32>
      %lt3A_127 = arith.cmpi slt, %sub3A_122, %lt3A_126 : vector<16xi32>
      %and3A = arith.andi %ge3A_124, %lt3A_127 : vector<16xi1>
      tpu.vector_store_idx %arg5[%sub3A_122], %broadcast_in_dim3A_5 masked %and3A {add = true} : memref<5120xf32, #tpu.memory_space<vmem>>[vector<16xi32>], vector<16xf32>, vector<16xi1>
      %get3A_128 = arith.constant 0 : i32
      %get3A_129 = arith.constant 1 : i32
      %get3A_130 = arith.index_cast %get3A_128 : i32 to index
      %get3A_131 = arith.index_cast %get3A_129 : i32 to index
      %get3A_132 = arith.constant 16 : index
      %get3A_133 = tpu.vector_load %arg4[%get3A_130, %get3A_131, %get3A_132] {strides = array<i32>} : memref<13x2x128xi32, #tpu.memory_space<vmem>>, vector<16xi32>,
      %sub3A_134 = arith.constant 5120 : i32
      %sub3A_135 = vector.broadcast %sub3A_134 : i32 to vector<16xi32>
      %sub3A_136 = arith.subi %get3A_133, %sub3A_135 : vector<16xi32>
      %ge3A_137 = arith.constant 0 : i32
      %ge3A_138 = vector.broadcast %ge3A_137 : i32 to vector<16xi32>
      %ge3A_139 = arith.cmpi sge, %sub3A_136, %ge3A_138 : vector<16xi32>
      %lt3A_140 = arith.constant 5120 : i32
      %lt3A_141 = vector.broadcast %lt3A_140 : i32 to vector<16xi32>
      %lt3A_142 = arith.cmpi slt, %sub3A_136, %lt3A_141 : vector<16xi32>
      %and3A_143 = arith.andi %ge3A_139, %lt3A_142 : vector<16xi1>
      tpu.vector_store_idx %arg5[%sub3A_136], %broadcast_in_dim3A_5 masked %and3A_143 {add = true} : memref<5120xf32, #tpu.memory_space<vmem>>[vector<16xi32>], vector<16xf32>, vector<16xi1>
      %get3A_144 = arith.constant 0 : i32
      %get3A_145 = arith.constant 1 : i32
      %get3A_146 = arith.index_cast %get3A_144 : i32 to index
      %get3A_147 = arith.index_cast %get3A_145 : i32 to index
      %get3A_148 = arith.constant 32 : index
      %get3A_149 = tpu.vector_load %arg4[%get3A_146, %get3A_147, %get3A_148] {strides = array<i32>} : memref<13x2x128xi32, #tpu.memory_space<vmem>>, vector<16xi32>,
      %sub3A_150 = arith.constant 5120 : i32
      %sub3A_151 = vector.broadcast %sub3A_150 : i32 to vector<16xi32>
      %sub3A_152 = arith.subi %get3A_149, %sub3A_151 : vector<16xi32>
      %ge3A_153 = arith.constant 0 : i32
      %ge3A_154 = vector.broadcast %ge3A_153 : i32 to vector<16xi32>
      %ge3A_155 = arith.cmpi sge, %sub3A_152, %ge3A_154 : vector<16xi32>
      %lt3A_156 = arith.constant 5120 : i32
      %lt3A_157 = vector.broadcast %lt3A_156 : i32 to vector<16xi32>
      %lt3A_158 = arith.cmpi slt, %sub3A_152, %lt3A_157 : vector<16xi32>
      %and3A_159 = arith.andi %ge3A_155, %lt3A_158 : vector<16xi1>
      tpu.vector_store_idx %arg5[%sub3A_152], %broadcast_in_dim3A_5 masked %and3A_159 {add = true} : memref<5120xf32, #tpu.memory_space<vmem>>[vector<16xi32>], vector<16xf32>, vector<16xi1>
      %get3A_160 = arith.constant 0 : i32
      %get3A_161 = arith.constant 1 : i32
      %get3A_162 = arith.index_cast %get3A_160 : i32 to index
      %get3A_163 = arith.index_cast %get3A_161 : i32 to index
      %get3A_164 = arith.constant 48 : index
      %get3A_165 = tpu.vector_load %arg4[%get3A_162, %get3A_163, %get3A_164] {strides = array<i32>} : memref<13x2x128xi32, #tpu.memory_space<vmem>>, vector<16xi32>,
      %sub3A_166 = arith.constant 5120 : i32
      %sub3A_167 = vector.broadcast %sub3A_166 : i32 to vector<16xi32>
      %sub3A_168 = arith.subi %get3A_165, %sub3A_167 : vector<16xi32>
      %ge3A_169 = arith.constant 0 : i32
      %ge3A_170 = vector.broadcast %ge3A_169 : i32 to vector<16xi32>
      %ge3A_171 = arith.cmpi sge, %sub3A_168, %ge3A_170 : vector<16xi32>
      %lt3A_172 = arith.constant 5120 : i32
      %lt3A_173 = vector.broadcast %lt3A_172 : i32 to vector<16xi32>
      %lt3A_174 = arith.cmpi slt, %sub3A_168, %lt3A_173 : vector<16xi32>
      %and3A_175 = arith.andi %ge3A_171, %lt3A_174 : vector<16xi1>
      tpu.vector_store_idx %arg5[%sub3A_168], %broadcast_in_dim3A_5 masked %and3A_175 {add = true} : memref<5120xf32, #tpu.memory_space<vmem>>[vector<16xi32>], vector<16xf32>, vector<16xi1>
      %get3A_176 = arith.constant 0 : i32
      %get3A_177 = arith.constant 1 : i32
      %get3A_178 = arith.index_cast %get3A_176 : i32 to index
      %get3A_179 = arith.index_cast %get3A_177 : i32 to index
      %get3A_180 = arith.constant 64 : index
      %get3A_181 = tpu.vector_load %arg4[%get3A_178, %get3A_179, %get3A_180] {strides = array<i32>} : memref<13x2x128xi32, #tpu.memory_space<vmem>>, vector<16xi32>,
      %sub3A_182 = arith.constant 5120 : i32
      %sub3A_183 = vector.broadcast %sub3A_182 : i32 to vector<16xi32>
      %sub3A_184 = arith.subi %get3A_181, %sub3A_183 : vector<16xi32>
      %ge3A_185 = arith.constant 0 : i32
      %ge3A_186 = vector.broadcast %ge3A_185 : i32 to vector<16xi32>
      %ge3A_187 = arith.cmpi sge, %sub3A_184, %ge3A_186 : vector<16xi32>
      %lt3A_188 = arith.constant 5120 : i32
      %lt3A_189 = vector.broadcast %lt3A_188 : i32 to vector<16xi32>
      %lt3A_190 = arith.cmpi slt, %sub3A_184, %lt3A_189 : vector<16xi32>
      %and3A_191 = arith.andi %ge3A_187, %lt3A_190 : vector<16xi1>
      tpu.vector_store_idx %arg5[%sub3A_184], %broadcast_in_dim3A_5 masked %and3A_191 {add = true} : memref<5120xf32, #tpu.memory_space<vmem>>[vector<16xi32>], vector<16xf32>, vector<16xi1>
      %get3A_192 = arith.constant 0 : i32
      %get3A_193 = arith.constant 1 : i32
      %get3A_194 = arith.index_cast %get3A_192 : i32 to index
      %get3A_195 = arith.index_cast %get3A_193 : i32 to index
      %get3A_196 = arith.constant 80 : index
      %get3A_197 = tpu.vector_load %arg4[%get3A_194, %get3A_195, %get3A_196] {strides = array<i32>} : memref<13x2x128xi32, #tpu.memory_space<vmem>>, vector<16xi32>,
      %sub3A_198 = arith.constant 5120 : i32
      %sub3A_199 = vector.broadcast %sub3A_198 : i32 to vector<16xi32>
      %sub3A_200 = arith.subi %get3A_197, %sub3A_199 : vector<16xi32>
      %ge3A_201 = arith.constant 0 : i32
      %ge3A_202 = vector.broadcast %ge3A_201 : i32 to vector<16xi32>
      %ge3A_203 = arith.cmpi sge, %sub3A_200, %ge3A_202 : vector<16xi32>
      %lt3A_204 = arith.constant 5120 : i32
      %lt3A_205 = vector.broadcast %lt3A_204 : i32 to vector<16xi32>
      %lt3A_206 = arith.cmpi slt, %sub3A_200, %lt3A_205 : vector<16xi32>
      %and3A_207 = arith.andi %ge3A_203, %lt3A_206 : vector<16xi1>
      tpu.vector_store_idx %arg5[%sub3A_200], %broadcast_in_dim3A_5 masked %and3A_207 {add = true} : memref<5120xf32, #tpu.memory_space<vmem>>[vector<16xi32>], vector<16xf32>, vector<16xi1>
      %get3A_208 = arith.constant 0 : i32
      %get3A_209 = arith.constant 1 : i32
      %get3A_210 = arith.index_cast %get3A_208 : i32 to index
      %get3A_211 = arith.index_cast %get3A_209 : i32 to index
      %get3A_212 = arith.constant 96 : index
      %get3A_213 = tpu.vector_load %arg4[%get3A_210, %get3A_211, %get3A_212] {strides = array<i32>} : memref<13x2x128xi32, #tpu.memory_space<vmem>>, vector<16xi32>,
      %sub3A_214 = arith.constant 5120 : i32
      %sub3A_215 = vector.broadcast %sub3A_214 : i32 to vector<16xi32>
      %sub3A_216 = arith.subi %get3A_213, %sub3A_215 : vector<16xi32>
      %ge3A_217 = arith.constant 0 : i32
      %ge3A_218 = vector.broadcast %ge3A_217 : i32 to vector<16xi32>
      %ge3A_219 = arith.cmpi sge, %sub3A_216, %ge3A_218 : vector<16xi32>
      %lt3A_220 = arith.constant 5120 : i32
      %lt3A_221 = vector.broadcast %lt3A_220 : i32 to vector<16xi32>
      %lt3A_222 = arith.cmpi slt, %sub3A_216, %lt3A_221 : vector<16xi32>
      %and3A_223 = arith.andi %ge3A_219, %lt3A_222 : vector<16xi1>
      tpu.vector_store_idx %arg5[%sub3A_216], %broadcast_in_dim3A_5 masked %and3A_223 {add = true} : memref<5120xf32, #tpu.memory_space<vmem>>[vector<16xi32>], vector<16xf32>, vector<16xi1>
      %get3A_224 = arith.constant 0 : i32
      %get3A_225 = arith.constant 1 : i32
      %get3A_226 = arith.index_cast %get3A_224 : i32 to index
      %get3A_227 = arith.index_cast %get3A_225 : i32 to index
      %get3A_228 = arith.constant 112 : index
      %get3A_229 = tpu.vector_load %arg4[%get3A_226, %get3A_227, %get3A_228] {strides = array<i32>} : memref<13x2x128xi32, #tpu.memory_space<vmem>>, vector<16xi32>,
      %sub3A_230 = arith.constant 5120 : i32
      %sub3A_231 = vector.broadcast %sub3A_230 : i32 to vector<16xi32>
      %sub3A_232 = arith.subi %get3A_229, %sub3A_231 : vector<16xi32>
      %ge3A_233 = arith.constant 0 : i32
      %ge3A_234 = vector.broadcast %ge3A_233 : i32 to vector<16xi32>
      %ge3A_235 = arith.cmpi sge, %sub3A_232, %ge3A_234 : vector<16xi32>
      %lt3A_236 = arith.constant 5120 : i32
      %lt3A_237 = vector.broadcast %lt3A_236 : i32 to vector<16xi32>
      %lt3A_238 = arith.cmpi slt, %sub3A_232, %lt3A_237 : vector<16xi32>
      %and3A_239 = arith.andi %ge3A_235, %lt3A_238 : vector<16xi1>
      tpu.vector_store_idx %arg5[%sub3A_232], %broadcast_in_dim3A_5 masked %and3A_239 {add = true} : memref<5120xf32, #tpu.memory_space<vmem>>[vector<16xi32>], vector<16xf32>, vector<16xi1>
    } else {
    }
    %mul3A_110 = arith.constant 10240 : i32
    %mul3A_111 = arith.muli %add3A, %mul3A_110 : i32
    %add3A_112 = arith.constant 5120 : i32
    %add3A_113 = arith.addi %mul3A_111, %add3A_112 : i32
    "tpu.region"() ({
      %run_scoped3A = tpu.sem_alloc : memref<!tpu.dma_semaphore, #tpu.memory_space<semaphore_mem>>
      %dma_start3A = tpu.memref_slice %arg3[%add3A_113] : memref<327680xf32, #tpu.memory_space<hbm>> -> memref<5120xf32, #tpu.memory_space<hbm>>
      %dma_start3A_114 = tpu.memref_slice %arg3[%add3A_113] : memref<327680xf32, #tpu.memory_space<hbm>> -> memref<5120xf32, #tpu.memory_space<hbm>>
      tpu.enqueue_dma source(%arg5 : memref<5120xf32, #tpu.memory_space<vmem>>) target(%dma_start3A_114 : memref<5120xf32, #tpu.memory_space<hbm>>) target_semaphore(%run_scoped3A : memref<!tpu.dma_semaphore, #tpu.memory_space<semaphore_mem>>)
      %dma_wait3A = tpu.memref_slice %arg3[%add3A_113] : memref<327680xf32, #tpu.memory_space<hbm>> -> memref<5120xf32, #tpu.memory_space<hbm>>
      %dma_wait3A_115 = tpu.memref_slice %arg3[%add3A_113] : memref<327680xf32, #tpu.memory_space<hbm>> -> memref<5120xf32, #tpu.memory_space<hbm>>
      tpu.wait_dma2 semaphore(%run_scoped3A : memref<!tpu.dma_semaphore, #tpu.memory_space<semaphore_mem>>) src(%arg5 : memref<5120xf32, #tpu.memory_space<vmem>>) dst(%dma_wait3A_115 : memref<5120xf32, #tpu.memory_space<hbm>>)
      tpu.yield
    }) : () -> ()
    return
  }
}

#map = affine_map<(d0, d1) -> (0, 0)>
#map1 = affine_map<(d0, d1) -> (0, 0, 0)>
module attributes {stable_mosaic.version = 14 : i64} {
  func.func @scat_kernel(%arg0: i32, %arg1: i32, %arg2: memref<10240x128xf32, #tpu.memory_space<hbm>>, %arg3: memref<5000x2x64xi32, #tpu.memory_space<hbm>>, %arg4: memref<10240x128xf32, #tpu.memory_space<hbm>>, %arg5: memref<2x10240x128xf32, #tpu.memory_space<hbm>>, %arg6: memref<8x64xi32, #tpu.memory_space<vmem>>, %arg7: memref<64x128xf32, #tpu.memory_space<vmem>>, %arg8: memref<64x128xf32, #tpu.memory_space<vmem>>, %arg9: memref<64x128xf32, #tpu.memory_space<vmem>>, %arg10: memref<64x128xf32, #tpu.memory_space<vmem>>, %arg11: memref<10240x128xf32, #tpu.memory_space<vmem_shared>>, %arg12: memref<!tpu.dma_semaphore, #tpu.memory_space<semaphore_mem>>, %arg13: memref<!tpu.dma_semaphore, #tpu.memory_space<semaphore_mem>>, %arg14: memref<!tpu.dma_semaphore, #tpu.memory_space<semaphore_mem>>, %arg15: memref<!tpu.dma_semaphore, #tpu.memory_space<semaphore_mem>>, %arg16: memref<!tpu.dma_semaphore, #tpu.memory_space<semaphore_mem>>, %arg17: memref<!tpu.dma_semaphore, #tpu.memory_space<semaphore_mem>>, %arg18: memref<!tpu.dma_semaphore, #tpu.memory_space<semaphore_mem>>, %arg19: memref<!tpu.dma_semaphore, #tpu.memory_space<semaphore_mem>>) attributes {dimension_semantics = [#tpu.dimension_semantics<core_parallel>, #tpu.dimension_semantics<subcore_parallel>], iteration_bounds = array<i64: 2, 16>, scalar_prefetch = 0 : i64, scratch_operands = 14 : i64, tpu.core_type = #tpu.core_type<sc_vector_subcore>, window_params = [{transform_indices = #map}, {transform_indices = #map1}, {transform_indices = #map}, {transform_indices = #map1}]} {
    %mul3A = arith.constant 2 : i32
    %mul3A_0 = arith.muli %arg1, %mul3A : i32
    %add3A = arith.addi %mul3A_0, %arg0 : i32
    %mul3A_1 = arith.constant 156 : i32
    %mul3A_2 = arith.muli %mul3A_1, %add3A : i32
    %min3A = arith.constant 4 : i32
    %min3A_3 = arith.minsi %add3A, %min3A : i32
    %mul3A_4 = arith.constant 2 : i32
    %mul3A_5 = arith.muli %mul3A_4, %min3A_3 : i32
    %add3A_6 = arith.addi %mul3A_2, %mul3A_5 : i32
    %add3A_7 = arith.constant 0 : i32
    %add3A_8 = arith.addi %add3A_6, %add3A_7 : i32
    "tpu.region"() ({
      %run_scoped3A = tpu.sem_alloc : memref<!tpu.dma_semaphore, #tpu.memory_space<semaphore_mem>>
      %dma_start3A_152 = arith.constant 0 : i32
      %dma_start3A_153 = arith.constant 0 : i32
      %dma_start3A_154 = tpu.memref_slice %arg6[%dma_start3A_152, %dma_start3A_153] : memref<8x64xi32, #tpu.memory_space<vmem>> -> memref<2x64xi32, #tpu.memory_space<vmem>>
      %dma_start3A_155 = arith.constant 0 : i32
      %dma_start3A_156 = arith.constant 0 : i32
      %dma_start3A_157 = tpu.memref_slice %arg3[%add3A_8, %dma_start3A_155, %dma_start3A_156] : memref<5000x2x64xi32, #tpu.memory_space<hbm>> -> memref<1x2x64xi32, #tpu.memory_space<hbm>>
      %dma_start3A_158 = tpu.memref_squeeze %dma_start3A_157 : memref<1x2x64xi32, #tpu.memory_space<hbm>> -> memref<2x64xi32, #tpu.memory_space<hbm>>
      %dma_start3A_159 = arith.constant 0 : i32
      %dma_start3A_160 = arith.constant 0 : i32
      %dma_start3A_161 = tpu.memref_slice %arg6[%dma_start3A_159, %dma_start3A_160] : memref<8x64xi32, #tpu.memory_space<vmem>> -> memref<2x64xi32, #tpu.memory_space<vmem>>
      %dma_start3A_162 = arith.constant 0 : i32
      %dma_start3A_163 = arith.constant 0 : i32
      %dma_start3A_164 = tpu.memref_slice %arg3[%add3A_8, %dma_start3A_162, %dma_start3A_163] : memref<5000x2x64xi32, #tpu.memory_space<hbm>> -> memref<1x2x64xi32, #tpu.memory_space<hbm>>
      %dma_start3A_165 = tpu.memref_squeeze %dma_start3A_164 : memref<1x2x64xi32, #tpu.memory_space<hbm>> -> memref<2x64xi32, #tpu.memory_space<hbm>>
      tpu.enqueue_dma source(%dma_start3A_165 : memref<2x64xi32, #tpu.memory_space<hbm>>) target(%dma_start3A_161 : memref<2x64xi32, #tpu.memory_space<vmem>>) target_semaphore(%run_scoped3A : memref<!tpu.dma_semaphore, #tpu.memory_space<semaphore_mem>>)
      %dma_wait3A_166 = arith.constant 0 : i32
      %dma_wait3A_167 = arith.constant 0 : i32
      %dma_wait3A_168 = tpu.memref_slice %arg6[%dma_wait3A_166, %dma_wait3A_167] : memref<8x64xi32, #tpu.memory_space<vmem>> -> memref<2x64xi32, #tpu.memory_space<vmem>>
      %dma_wait3A_169 = arith.constant 0 : i32
      %dma_wait3A_170 = arith.constant 0 : i32
      %dma_wait3A_171 = tpu.memref_slice %arg3[%add3A_8, %dma_wait3A_169, %dma_wait3A_170] : memref<5000x2x64xi32, #tpu.memory_space<hbm>> -> memref<1x2x64xi32, #tpu.memory_space<hbm>>
      %dma_wait3A_172 = tpu.memref_squeeze %dma_wait3A_171 : memref<1x2x64xi32, #tpu.memory_space<hbm>> -> memref<2x64xi32, #tpu.memory_space<hbm>>
      %dma_wait3A_173 = arith.constant 0 : i32
      %dma_wait3A_174 = arith.constant 0 : i32
      %dma_wait3A_175 = tpu.memref_slice %arg6[%dma_wait3A_173, %dma_wait3A_174] : memref<8x64xi32, #tpu.memory_space<vmem>> -> memref<2x64xi32, #tpu.memory_space<vmem>>
      %dma_wait3A_176 = arith.constant 0 : i32
      %dma_wait3A_177 = arith.constant 0 : i32
      %dma_wait3A_178 = tpu.memref_slice %arg3[%add3A_8, %dma_wait3A_176, %dma_wait3A_177] : memref<5000x2x64xi32, #tpu.memory_space<hbm>> -> memref<1x2x64xi32, #tpu.memory_space<hbm>>
      %dma_wait3A_179 = tpu.memref_squeeze %dma_wait3A_178 : memref<1x2x64xi32, #tpu.memory_space<hbm>> -> memref<2x64xi32, #tpu.memory_space<hbm>>
      tpu.wait_dma2 semaphore(%run_scoped3A : memref<!tpu.dma_semaphore, #tpu.memory_space<semaphore_mem>>) src(%dma_wait3A_179 : memref<2x64xi32, #tpu.memory_space<hbm>>) dst(%dma_wait3A_175 : memref<2x64xi32, #tpu.memory_space<vmem>>)
      tpu.yield
    }) : () -> ()
    %dma_start3A = arith.constant 0 : i32
    %dma_start3A_9 = arith.constant 0 : i32
    %dma_start3A_10 = tpu.memref_slice %arg6[%dma_start3A, %dma_start3A_9] : memref<8x64xi32, #tpu.memory_space<vmem>> -> memref<1x64xi32, #tpu.memory_space<vmem>>
    %dma_start3A_11 = tpu.memref_squeeze %dma_start3A_10 : memref<1x64xi32, #tpu.memory_space<vmem>> -> memref<64xi32, #tpu.memory_space<vmem>>
    %dma_start3A_12 = arith.constant 0 : i32
    %dma_start3A_13 = arith.constant 0 : i32
    %dma_start3A_14 = tpu.memref_slice %arg2[%dma_start3A_12, %dma_start3A_13] : memref<10240x128xf32, #tpu.memory_space<hbm>> -> memref<10240x128xf32, #tpu.memory_space<hbm>>
    tpu.enqueue_indirect_dma source(%dma_start3A_14 : memref<10240x128xf32, #tpu.memory_space<hbm>>) target(%arg7 : memref<64x128xf32, #tpu.memory_space<vmem>>) offsets(%dma_start3A_11 : memref<64xi32, #tpu.memory_space<vmem>>) semaphore(%arg12 : memref<!tpu.dma_semaphore, #tpu.memory_space<semaphore_mem>>)
    %add3A_15 = arith.constant 1 : i32
    %add3A_16 = arith.addi %add3A_6, %add3A_15 : i32
    "tpu.region"() ({
      %run_scoped3A = tpu.sem_alloc : memref<!tpu.dma_semaphore, #tpu.memory_space<semaphore_mem>>
      %dma_start3A_152 = arith.constant 2 : i32
      %dma_start3A_153 = arith.constant 0 : i32
      %dma_start3A_154 = tpu.memref_slice %arg6[%dma_start3A_152, %dma_start3A_153] : memref<8x64xi32, #tpu.memory_space<vmem>> -> memref<2x64xi32, #tpu.memory_space<vmem>>
      %dma_start3A_155 = arith.constant 0 : i32
      %dma_start3A_156 = arith.constant 0 : i32
      %dma_start3A_157 = tpu.memref_slice %arg3[%add3A_16, %dma_start3A_155, %dma_start3A_156] : memref<5000x2x64xi32, #tpu.memory_space<hbm>> -> memref<1x2x64xi32, #tpu.memory_space<hbm>>
      %dma_start3A_158 = tpu.memref_squeeze %dma_start3A_157 : memref<1x2x64xi32, #tpu.memory_space<hbm>> -> memref<2x64xi32, #tpu.memory_space<hbm>>
      %dma_start3A_159 = arith.constant 2 : i32
      %dma_start3A_160 = arith.constant 0 : i32
      %dma_start3A_161 = tpu.memref_slice %arg6[%dma_start3A_159, %dma_start3A_160] : memref<8x64xi32, #tpu.memory_space<vmem>> -> memref<2x64xi32, #tpu.memory_space<vmem>>
      %dma_start3A_162 = arith.constant 0 : i32
      %dma_start3A_163 = arith.constant 0 : i32
      %dma_start3A_164 = tpu.memref_slice %arg3[%add3A_16, %dma_start3A_162, %dma_start3A_163] : memref<5000x2x64xi32, #tpu.memory_space<hbm>> -> memref<1x2x64xi32, #tpu.memory_space<hbm>>
      %dma_start3A_165 = tpu.memref_squeeze %dma_start3A_164 : memref<1x2x64xi32, #tpu.memory_space<hbm>> -> memref<2x64xi32, #tpu.memory_space<hbm>>
      tpu.enqueue_dma source(%dma_start3A_165 : memref<2x64xi32, #tpu.memory_space<hbm>>) target(%dma_start3A_161 : memref<2x64xi32, #tpu.memory_space<vmem>>) target_semaphore(%run_scoped3A : memref<!tpu.dma_semaphore, #tpu.memory_space<semaphore_mem>>)
      %dma_wait3A_166 = arith.constant 2 : i32
      %dma_wait3A_167 = arith.constant 0 : i32
      %dma_wait3A_168 = tpu.memref_slice %arg6[%dma_wait3A_166, %dma_wait3A_167] : memref<8x64xi32, #tpu.memory_space<vmem>> -> memref<2x64xi32, #tpu.memory_space<vmem>>
      %dma_wait3A_169 = arith.constant 0 : i32
      %dma_wait3A_170 = arith.constant 0 : i32
      %dma_wait3A_171 = tpu.memref_slice %arg3[%add3A_16, %dma_wait3A_169, %dma_wait3A_170] : memref<5000x2x64xi32, #tpu.memory_space<hbm>> -> memref<1x2x64xi32, #tpu.memory_space<hbm>>
      %dma_wait3A_172 = tpu.memref_squeeze %dma_wait3A_171 : memref<1x2x64xi32, #tpu.memory_space<hbm>> -> memref<2x64xi32, #tpu.memory_space<hbm>>
      %dma_wait3A_173 = arith.constant 2 : i32
      %dma_wait3A_174 = arith.constant 0 : i32
      %dma_wait3A_175 = tpu.memref_slice %arg6[%dma_wait3A_173, %dma_wait3A_174] : memref<8x64xi32, #tpu.memory_space<vmem>> -> memref<2x64xi32, #tpu.memory_space<vmem>>
      %dma_wait3A_176 = arith.constant 0 : i32
      %dma_wait3A_177 = arith.constant 0 : i32
      %dma_wait3A_178 = tpu.memref_slice %arg3[%add3A_16, %dma_wait3A_176, %dma_wait3A_177] : memref<5000x2x64xi32, #tpu.memory_space<hbm>> -> memref<1x2x64xi32, #tpu.memory_space<hbm>>
      %dma_wait3A_179 = tpu.memref_squeeze %dma_wait3A_178 : memref<1x2x64xi32, #tpu.memory_space<hbm>> -> memref<2x64xi32, #tpu.memory_space<hbm>>
      tpu.wait_dma2 semaphore(%run_scoped3A : memref<!tpu.dma_semaphore, #tpu.memory_space<semaphore_mem>>) src(%dma_wait3A_179 : memref<2x64xi32, #tpu.memory_space<hbm>>) dst(%dma_wait3A_175 : memref<2x64xi32, #tpu.memory_space<vmem>>)
      tpu.yield
    }) : () -> ()
    %dma_start3A_17 = arith.constant 2 : i32
    %dma_start3A_18 = arith.constant 0 : i32
    %dma_start3A_19 = tpu.memref_slice %arg6[%dma_start3A_17, %dma_start3A_18] : memref<8x64xi32, #tpu.memory_space<vmem>> -> memref<1x64xi32, #tpu.memory_space<vmem>>
    %dma_start3A_20 = tpu.memref_squeeze %dma_start3A_19 : memref<1x64xi32, #tpu.memory_space<vmem>> -> memref<64xi32, #tpu.memory_space<vmem>>
    %dma_start3A_21 = arith.constant 0 : i32
    %dma_start3A_22 = arith.constant 0 : i32
    %dma_start3A_23 = tpu.memref_slice %arg2[%dma_start3A_21, %dma_start3A_22] : memref<10240x128xf32, #tpu.memory_space<hbm>> -> memref<10240x128xf32, #tpu.memory_space<hbm>>
    tpu.enqueue_indirect_dma source(%dma_start3A_23 : memref<10240x128xf32, #tpu.memory_space<hbm>>) target(%arg8 : memref<64x128xf32, #tpu.memory_space<vmem>>) offsets(%dma_start3A_20 : memref<64xi32, #tpu.memory_space<vmem>>) semaphore(%arg13 : memref<!tpu.dma_semaphore, #tpu.memory_space<semaphore_mem>>)
    %mul3A_24 = arith.constant 640 : i32
    %mul3A_25 = arith.muli %arg1, %mul3A_24 : i32
    %mul3A_26 = arith.constant 640 : i32
    %mul3A_27 = arith.muli %arg1, %mul3A_26 : i32
    "tpu.region"() ({
      %run_scoped3A = tpu.sem_alloc : memref<!tpu.dma_semaphore, #tpu.memory_space<semaphore_mem>>
      %dma_start3A_152 = arith.constant 0 : i32
      %dma_start3A_153 = tpu.memref_slice %arg11[%mul3A_27, %dma_start3A_152] : memref<10240x128xf32, #tpu.memory_space<vmem_shared>> -> memref<640x128xf32, #tpu.memory_space<vmem_shared>>
      %dma_start3A_154 = arith.constant 0 : i32
      %dma_start3A_155 = tpu.memref_slice %arg4[%mul3A_25, %dma_start3A_154] : memref<10240x128xf32, #tpu.memory_space<hbm>> -> memref<640x128xf32, #tpu.memory_space<hbm>>
      tpu.enqueue_dma source(%dma_start3A_155 : memref<640x128xf32, #tpu.memory_space<hbm>>) target(%dma_start3A_153 : memref<640x128xf32, #tpu.memory_space<vmem_shared>>) target_semaphore(%run_scoped3A : memref<!tpu.dma_semaphore, #tpu.memory_space<semaphore_mem>>)
      %dma_wait3A_156 = arith.constant 0 : i32
      %dma_wait3A_157 = tpu.memref_slice %arg11[%mul3A_27, %dma_wait3A_156] : memref<10240x128xf32, #tpu.memory_space<vmem_shared>> -> memref<640x128xf32, #tpu.memory_space<vmem_shared>>
      %dma_wait3A_158 = arith.constant 0 : i32
      %dma_wait3A_159 = tpu.memref_slice %arg4[%mul3A_25, %dma_wait3A_158] : memref<10240x128xf32, #tpu.memory_space<hbm>> -> memref<640x128xf32, #tpu.memory_space<hbm>>
      tpu.wait_dma2 semaphore(%run_scoped3A : memref<!tpu.dma_semaphore, #tpu.memory_space<semaphore_mem>>) src(%dma_wait3A_159 : memref<640x128xf32, #tpu.memory_space<hbm>>) dst(%dma_wait3A_157 : memref<640x128xf32, #tpu.memory_space<vmem_shared>>)
      tpu.yield
    }) : () -> ()
    %barrier3A = arith.constant 0 : index
    tpu.barrier barrier_id(%barrier3A)
    %add3A_28 = arith.constant 2 : i32
    %add3A_29 = arith.addi %add3A_6, %add3A_28 : i32
    "tpu.region"() ({
      %run_scoped3A = tpu.sem_alloc : memref<!tpu.dma_semaphore, #tpu.memory_space<semaphore_mem>>
      %dma_start3A_152 = arith.constant 4 : i32
      %dma_start3A_153 = arith.constant 0 : i32
      %dma_start3A_154 = tpu.memref_slice %arg6[%dma_start3A_152, %dma_start3A_153] : memref<8x64xi32, #tpu.memory_space<vmem>> -> memref<2x64xi32, #tpu.memory_space<vmem>>
      %dma_start3A_155 = arith.constant 0 : i32
      %dma_start3A_156 = arith.constant 0 : i32
      %dma_start3A_157 = tpu.memref_slice %arg3[%add3A_29, %dma_start3A_155, %dma_start3A_156] : memref<5000x2x64xi32, #tpu.memory_space<hbm>> -> memref<1x2x64xi32, #tpu.memory_space<hbm>>
      %dma_start3A_158 = tpu.memref_squeeze %dma_start3A_157 : memref<1x2x64xi32, #tpu.memory_space<hbm>> -> memref<2x64xi32, #tpu.memory_space<hbm>>
      %dma_start3A_159 = arith.constant 4 : i32
      %dma_start3A_160 = arith.constant 0 : i32
      %dma_start3A_161 = tpu.memref_slice %arg6[%dma_start3A_159, %dma_start3A_160] : memref<8x64xi32, #tpu.memory_space<vmem>> -> memref<2x64xi32, #tpu.memory_space<vmem>>
      %dma_start3A_162 = arith.constant 0 : i32
      %dma_start3A_163 = arith.constant 0 : i32
      %dma_start3A_164 = tpu.memref_slice %arg3[%add3A_29, %dma_start3A_162, %dma_start3A_163] : memref<5000x2x64xi32, #tpu.memory_space<hbm>> -> memref<1x2x64xi32, #tpu.memory_space<hbm>>
      %dma_start3A_165 = tpu.memref_squeeze %dma_start3A_164 : memref<1x2x64xi32, #tpu.memory_space<hbm>> -> memref<2x64xi32, #tpu.memory_space<hbm>>
      tpu.enqueue_dma source(%dma_start3A_165 : memref<2x64xi32, #tpu.memory_space<hbm>>) target(%dma_start3A_161 : memref<2x64xi32, #tpu.memory_space<vmem>>) target_semaphore(%run_scoped3A : memref<!tpu.dma_semaphore, #tpu.memory_space<semaphore_mem>>)
      %dma_wait3A_166 = arith.constant 4 : i32
      %dma_wait3A_167 = arith.constant 0 : i32
      %dma_wait3A_168 = tpu.memref_slice %arg6[%dma_wait3A_166, %dma_wait3A_167] : memref<8x64xi32, #tpu.memory_space<vmem>> -> memref<2x64xi32, #tpu.memory_space<vmem>>
      %dma_wait3A_169 = arith.constant 0 : i32
      %dma_wait3A_170 = arith.constant 0 : i32
      %dma_wait3A_171 = tpu.memref_slice %arg3[%add3A_29, %dma_wait3A_169, %dma_wait3A_170] : memref<5000x2x64xi32, #tpu.memory_space<hbm>> -> memref<1x2x64xi32, #tpu.memory_space<hbm>>
      %dma_wait3A_172 = tpu.memref_squeeze %dma_wait3A_171 : memref<1x2x64xi32, #tpu.memory_space<hbm>> -> memref<2x64xi32, #tpu.memory_space<hbm>>
      %dma_wait3A_173 = arith.constant 4 : i32
      %dma_wait3A_174 = arith.constant 0 : i32
      %dma_wait3A_175 = tpu.memref_slice %arg6[%dma_wait3A_173, %dma_wait3A_174] : memref<8x64xi32, #tpu.memory_space<vmem>> -> memref<2x64xi32, #tpu.memory_space<vmem>>
      %dma_wait3A_176 = arith.constant 0 : i32
      %dma_wait3A_177 = arith.constant 0 : i32
      %dma_wait3A_178 = tpu.memref_slice %arg3[%add3A_29, %dma_wait3A_176, %dma_wait3A_177] : memref<5000x2x64xi32, #tpu.memory_space<hbm>> -> memref<1x2x64xi32, #tpu.memory_space<hbm>>
      %dma_wait3A_179 = tpu.memref_squeeze %dma_wait3A_178 : memref<1x2x64xi32, #tpu.memory_space<hbm>> -> memref<2x64xi32, #tpu.memory_space<hbm>>
      tpu.wait_dma2 semaphore(%run_scoped3A : memref<!tpu.dma_semaphore, #tpu.memory_space<semaphore_mem>>) src(%dma_wait3A_179 : memref<2x64xi32, #tpu.memory_space<hbm>>) dst(%dma_wait3A_175 : memref<2x64xi32, #tpu.memory_space<vmem>>)
      tpu.yield
    }) : () -> ()
    %dma_start3A_30 = arith.constant 4 : i32
    %dma_start3A_31 = arith.constant 0 : i32
    %dma_start3A_32 = tpu.memref_slice %arg6[%dma_start3A_30, %dma_start3A_31] : memref<8x64xi32, #tpu.memory_space<vmem>> -> memref<1x64xi32, #tpu.memory_space<vmem>>
    %dma_start3A_33 = tpu.memref_squeeze %dma_start3A_32 : memref<1x64xi32, #tpu.memory_space<vmem>> -> memref<64xi32, #tpu.memory_space<vmem>>
    %dma_start3A_34 = arith.constant 0 : i32
    %dma_start3A_35 = arith.constant 0 : i32
    %dma_start3A_36 = tpu.memref_slice %arg2[%dma_start3A_34, %dma_start3A_35] : memref<10240x128xf32, #tpu.memory_space<hbm>> -> memref<10240x128xf32, #tpu.memory_space<hbm>>
    tpu.enqueue_indirect_dma source(%dma_start3A_36 : memref<10240x128xf32, #tpu.memory_space<hbm>>) target(%arg9 : memref<64x128xf32, #tpu.memory_space<vmem>>) offsets(%dma_start3A_33 : memref<64xi32, #tpu.memory_space<vmem>>) semaphore(%arg14 : memref<!tpu.dma_semaphore, #tpu.memory_space<semaphore_mem>>)
    %dma_wait3A = arith.constant 0 : i32
    %dma_wait3A_37 = arith.constant 0 : i32
    %dma_wait3A_38 = tpu.memref_slice %arg6[%dma_wait3A, %dma_wait3A_37] : memref<8x64xi32, #tpu.memory_space<vmem>> -> memref<1x64xi32, #tpu.memory_space<vmem>>
    %dma_wait3A_39 = tpu.memref_squeeze %dma_wait3A_38 : memref<1x64xi32, #tpu.memory_space<vmem>> -> memref<64xi32, #tpu.memory_space<vmem>>
    %dma_wait3A_40 = arith.constant 0 : i32
    %dma_wait3A_41 = arith.constant 0 : i32
    %dma_wait3A_42 = tpu.memref_slice %arg2[%dma_wait3A_40, %dma_wait3A_41] : memref<10240x128xf32, #tpu.memory_space<hbm>> -> memref<10240x128xf32, #tpu.memory_space<hbm>>
    tpu.wait_indirect_dma semaphore(%arg12 : memref<!tpu.dma_semaphore, #tpu.memory_space<semaphore_mem>>) src(%dma_wait3A_42 : memref<10240x128xf32, #tpu.memory_space<hbm>>) dst(%arg7 : memref<64x128xf32, #tpu.memory_space<vmem>>)
    %dma_start3A_43 = arith.constant 1 : i32
    %dma_start3A_44 = arith.constant 0 : i32
    %dma_start3A_45 = tpu.memref_slice %arg6[%dma_start3A_43, %dma_start3A_44] : memref<8x64xi32, #tpu.memory_space<vmem>> -> memref<1x64xi32, #tpu.memory_space<vmem>>
    %dma_start3A_46 = tpu.memref_squeeze %dma_start3A_45 : memref<1x64xi32, #tpu.memory_space<vmem>> -> memref<64xi32, #tpu.memory_space<vmem>>
    %dma_start3A_47 = arith.constant 0 : i32
    %dma_start3A_48 = arith.constant 0 : i32
    %dma_start3A_49 = tpu.memref_slice %arg11[%dma_start3A_47, %dma_start3A_48] : memref<10240x128xf32, #tpu.memory_space<vmem_shared>> -> memref<10240x128xf32, #tpu.memory_space<vmem_shared>>
    tpu.enqueue_indirect_dma source(%arg7 : memref<64x128xf32, #tpu.memory_space<vmem>>) target(%dma_start3A_49 : memref<10240x128xf32, #tpu.memory_space<vmem_shared>>) offsets(%dma_start3A_46 : memref<64xi32, #tpu.memory_space<vmem>>) semaphore(%arg16 : memref<!tpu.dma_semaphore, #tpu.memory_space<semaphore_mem>>) {add = true}
    %add3A_50 = arith.constant 3 : i32
    %add3A_51 = arith.addi %add3A_6, %add3A_50 : i32
    "tpu.region"() ({
      %run_scoped3A = tpu.sem_alloc : memref<!tpu.dma_semaphore, #tpu.memory_space<semaphore_mem>>
      %dma_start3A_152 = arith.constant 6 : i32
      %dma_start3A_153 = arith.constant 0 : i32
      %dma_start3A_154 = tpu.memref_slice %arg6[%dma_start3A_152, %dma_start3A_153] : memref<8x64xi32, #tpu.memory_space<vmem>> -> memref<2x64xi32, #tpu.memory_space<vmem>>
      %dma_start3A_155 = arith.constant 0 : i32
      %dma_start3A_156 = arith.constant 0 : i32
      %dma_start3A_157 = tpu.memref_slice %arg3[%add3A_51, %dma_start3A_155, %dma_start3A_156] : memref<5000x2x64xi32, #tpu.memory_space<hbm>> -> memref<1x2x64xi32, #tpu.memory_space<hbm>>
      %dma_start3A_158 = tpu.memref_squeeze %dma_start3A_157 : memref<1x2x64xi32, #tpu.memory_space<hbm>> -> memref<2x64xi32, #tpu.memory_space<hbm>>
      %dma_start3A_159 = arith.constant 6 : i32
      %dma_start3A_160 = arith.constant 0 : i32
      %dma_start3A_161 = tpu.memref_slice %arg6[%dma_start3A_159, %dma_start3A_160] : memref<8x64xi32, #tpu.memory_space<vmem>> -> memref<2x64xi32, #tpu.memory_space<vmem>>
      %dma_start3A_162 = arith.constant 0 : i32
      %dma_start3A_163 = arith.constant 0 : i32
      %dma_start3A_164 = tpu.memref_slice %arg3[%add3A_51, %dma_start3A_162, %dma_start3A_163] : memref<5000x2x64xi32, #tpu.memory_space<hbm>> -> memref<1x2x64xi32, #tpu.memory_space<hbm>>
      %dma_start3A_165 = tpu.memref_squeeze %dma_start3A_164 : memref<1x2x64xi32, #tpu.memory_space<hbm>> -> memref<2x64xi32, #tpu.memory_space<hbm>>
      tpu.enqueue_dma source(%dma_start3A_165 : memref<2x64xi32, #tpu.memory_space<hbm>>) target(%dma_start3A_161 : memref<2x64xi32, #tpu.memory_space<vmem>>) target_semaphore(%run_scoped3A : memref<!tpu.dma_semaphore, #tpu.memory_space<semaphore_mem>>)
      %dma_wait3A_166 = arith.constant 6 : i32
      %dma_wait3A_167 = arith.constant 0 : i32
      %dma_wait3A_168 = tpu.memref_slice %arg6[%dma_wait3A_166, %dma_wait3A_167] : memref<8x64xi32, #tpu.memory_space<vmem>> -> memref<2x64xi32, #tpu.memory_space<vmem>>
      %dma_wait3A_169 = arith.constant 0 : i32
      %dma_wait3A_170 = arith.constant 0 : i32
      %dma_wait3A_171 = tpu.memref_slice %arg3[%add3A_51, %dma_wait3A_169, %dma_wait3A_170] : memref<5000x2x64xi32, #tpu.memory_space<hbm>> -> memref<1x2x64xi32, #tpu.memory_space<hbm>>
      %dma_wait3A_172 = tpu.memref_squeeze %dma_wait3A_171 : memref<1x2x64xi32, #tpu.memory_space<hbm>> -> memref<2x64xi32, #tpu.memory_space<hbm>>
      %dma_wait3A_173 = arith.constant 6 : i32
      %dma_wait3A_174 = arith.constant 0 : i32
      %dma_wait3A_175 = tpu.memref_slice %arg6[%dma_wait3A_173, %dma_wait3A_174] : memref<8x64xi32, #tpu.memory_space<vmem>> -> memref<2x64xi32, #tpu.memory_space<vmem>>
      %dma_wait3A_176 = arith.constant 0 : i32
      %dma_wait3A_177 = arith.constant 0 : i32
      %dma_wait3A_178 = tpu.memref_slice %arg3[%add3A_51, %dma_wait3A_176, %dma_wait3A_177] : memref<5000x2x64xi32, #tpu.memory_space<hbm>> -> memref<1x2x64xi32, #tpu.memory_space<hbm>>
      %dma_wait3A_179 = tpu.memref_squeeze %dma_wait3A_178 : memref<1x2x64xi32, #tpu.memory_space<hbm>> -> memref<2x64xi32, #tpu.memory_space<hbm>>
      tpu.wait_dma2 semaphore(%run_scoped3A : memref<!tpu.dma_semaphore, #tpu.memory_space<semaphore_mem>>) src(%dma_wait3A_179 : memref<2x64xi32, #tpu.memory_space<hbm>>) dst(%dma_wait3A_175 : memref<2x64xi32, #tpu.memory_space<vmem>>)
      tpu.yield
    }) : () -> ()
    %dma_start3A_52 = arith.constant 6 : i32
    %dma_start3A_53 = arith.constant 0 : i32
    %dma_start3A_54 = tpu.memref_slice %arg6[%dma_start3A_52, %dma_start3A_53] : memref<8x64xi32, #tpu.memory_space<vmem>> -> memref<1x64xi32, #tpu.memory_space<vmem>>
    %dma_start3A_55 = tpu.memref_squeeze %dma_start3A_54 : memref<1x64xi32, #tpu.memory_space<vmem>> -> memref<64xi32, #tpu.memory_space<vmem>>
    %dma_start3A_56 = arith.constant 0 : i32
    %dma_start3A_57 = arith.constant 0 : i32
    %dma_start3A_58 = tpu.memref_slice %arg2[%dma_start3A_56, %dma_start3A_57] : memref<10240x128xf32, #tpu.memory_space<hbm>> -> memref<10240x128xf32, #tpu.memory_space<hbm>>
    tpu.enqueue_indirect_dma source(%dma_start3A_58 : memref<10240x128xf32, #tpu.memory_space<hbm>>) target(%arg10 : memref<64x128xf32, #tpu.memory_space<vmem>>) offsets(%dma_start3A_55 : memref<64xi32, #tpu.memory_space<vmem>>) semaphore(%arg15 : memref<!tpu.dma_semaphore, #tpu.memory_space<semaphore_mem>>)
    %dma_wait3A_59 = arith.constant 2 : i32
    %dma_wait3A_60 = arith.constant 0 : i32
    %dma_wait3A_61 = tpu.memref_slice %arg6[%dma_wait3A_59, %dma_wait3A_60] : memref<8x64xi32, #tpu.memory_space<vmem>> -> memref<1x64xi32, #tpu.memory_space<vmem>>
    %dma_wait3A_62 = tpu.memref_squeeze %dma_wait3A_61 : memref<1x64xi32, #tpu.memory_space<vmem>> -> memref<64xi32, #tpu.memory_space<vmem>>
    %dma_wait3A_63 = arith.constant 0 : i32
    %dma_wait3A_64 = arith.constant 0 : i32
    %dma_wait3A_65 = tpu.memref_slice %arg2[%dma_wait3A_63, %dma_wait3A_64] : memref<10240x128xf32, #tpu.memory_space<hbm>> -> memref<10240x128xf32, #tpu.memory_space<hbm>>
    tpu.wait_indirect_dma semaphore(%arg13 : memref<!tpu.dma_semaphore, #tpu.memory_space<semaphore_mem>>) src(%dma_wait3A_65 : memref<10240x128xf32, #tpu.memory_space<hbm>>) dst(%arg8 : memref<64x128xf32, #tpu.memory_space<vmem>>)
    %dma_start3A_66 = arith.constant 3 : i32
    %dma_start3A_67 = arith.constant 0 : i32
    %dma_start3A_68 = tpu.memref_slice %arg6[%dma_start3A_66, %dma_start3A_67] : memref<8x64xi32, #tpu.memory_space<vmem>> -> memref<1x64xi32, #tpu.memory_space<vmem>>
    %dma_start3A_69 = tpu.memref_squeeze %dma_start3A_68 : memref<1x64xi32, #tpu.memory_space<vmem>> -> memref<64xi32, #tpu.memory_space<vmem>>
    %dma_start3A_70 = arith.constant 0 : i32
    %dma_start3A_71 = arith.constant 0 : i32
    %dma_start3A_72 = tpu.memref_slice %arg11[%dma_start3A_70, %dma_start3A_71] : memref<10240x128xf32, #tpu.memory_space<vmem_shared>> -> memref<10240x128xf32, #tpu.memory_space<vmem_shared>>
    tpu.enqueue_indirect_dma source(%arg8 : memref<64x128xf32, #tpu.memory_space<vmem>>) target(%dma_start3A_72 : memref<10240x128xf32, #tpu.memory_space<vmem_shared>>) offsets(%dma_start3A_69 : memref<64xi32, #tpu.memory_space<vmem>>) semaphore(%arg17 : memref<!tpu.dma_semaphore, #tpu.memory_space<semaphore_mem>>) {add = true}
    %scan3A = arith.constant 1 : i32
    %scan3A_73 = arith.constant 0 : i32
    %scan3A_74 = arith.constant 4 : i32
    %scan3A_75 = arith.constant 5 : i32
    %scan3A_76 = arith.constant 3 : i32
    %scan3A_77 = arith.constant 2 : i32
    %scan3A_78 = arith.constant 6 : i32
    %scan3A_79 = arith.constant 7 : i32
    %scan3A_80 = arith.constant 0 : i32
    %scan3A_81 = arith.constant 38 : i32
    %scan3A_82 = arith.addi %scan3A_80, %scan3A_81 : i32
    %scan3A_83 = arith.constant 1 : i32
    scf.for %scan3A_152 = %scan3A_80 to %scan3A_82 step %scan3A_83  : i32 {
      %mul3A_153 = arith.constant 1 : i32
      %mul3A_154 = arith.muli %scan3A_152, %mul3A_153 : i32
      %add3A_155 = arith.constant 0 : i32
      %add3A_156 = arith.addi %add3A_155, %mul3A_154 : i32
      %mul3A_157 = arith.constant 4 : i32
      %mul3A_158 = arith.muli %add3A_156, %mul3A_157 : i32
      %add3A_159 = arith.constant 2 : i32
      %add3A_160 = arith.addi %add3A_159, %mul3A_158 : i32
      %add3A_161 = arith.constant 0 : i32
      %add3A_162 = arith.addi %add3A_160, %add3A_161 : i32
      %dma_wait3A_163 = arith.constant 0 : i32
      %dma_wait3A_164 = tpu.memref_slice %arg6[%scan3A, %dma_wait3A_163] : memref<8x64xi32, #tpu.memory_space<vmem>> -> memref<1x64xi32, #tpu.memory_space<vmem>>
      %dma_wait3A_165 = tpu.memref_squeeze %dma_wait3A_164 : memref<1x64xi32, #tpu.memory_space<vmem>> -> memref<64xi32, #tpu.memory_space<vmem>>
      %dma_wait3A_166 = arith.constant 0 : i32
      %dma_wait3A_167 = arith.constant 0 : i32
      %dma_wait3A_168 = tpu.memref_slice %arg11[%dma_wait3A_166, %dma_wait3A_167] : memref<10240x128xf32, #tpu.memory_space<vmem_shared>> -> memref<10240x128xf32, #tpu.memory_space<vmem_shared>>
      tpu.wait_indirect_dma semaphore(%arg16 : memref<!tpu.dma_semaphore, #tpu.memory_space<semaphore_mem>>) src(%arg7 : memref<64x128xf32, #tpu.memory_space<vmem>>) dst(%dma_wait3A_168 : memref<10240x128xf32, #tpu.memory_space<vmem_shared>>)
      %add3A_169 = arith.constant 2 : i32
      %add3A_170 = arith.addi %add3A_162, %add3A_169 : i32
      %add3A_171 = arith.addi %add3A_6, %add3A_170 : i32
      "tpu.region"() ({
        %run_scoped3A = tpu.sem_alloc : memref<!tpu.dma_semaphore, #tpu.memory_space<semaphore_mem>>
        %dma_start3A_277 = arith.constant 0 : i32
        %dma_start3A_278 = arith.constant 0 : i32
        %dma_start3A_279 = tpu.memref_slice %arg6[%dma_start3A_277, %dma_start3A_278] : memref<8x64xi32, #tpu.memory_space<vmem>> -> memref<2x64xi32, #tpu.memory_space<vmem>>
        %dma_start3A_280 = arith.constant 0 : i32
        %dma_start3A_281 = arith.constant 0 : i32
        %dma_start3A_282 = tpu.memref_slice %arg3[%add3A_171, %dma_start3A_280, %dma_start3A_281] : memref<5000x2x64xi32, #tpu.memory_space<hbm>> -> memref<1x2x64xi32, #tpu.memory_space<hbm>>
        %dma_start3A_283 = tpu.memref_squeeze %dma_start3A_282 : memref<1x2x64xi32, #tpu.memory_space<hbm>> -> memref<2x64xi32, #tpu.memory_space<hbm>>
        %dma_start3A_284 = arith.constant 0 : i32
        %dma_start3A_285 = arith.constant 0 : i32
        %dma_start3A_286 = tpu.memref_slice %arg6[%dma_start3A_284, %dma_start3A_285] : memref<8x64xi32, #tpu.memory_space<vmem>> -> memref<2x64xi32, #tpu.memory_space<vmem>>
        %dma_start3A_287 = arith.constant 0 : i32
        %dma_start3A_288 = arith.constant 0 : i32
        %dma_start3A_289 = tpu.memref_slice %arg3[%add3A_171, %dma_start3A_287, %dma_start3A_288] : memref<5000x2x64xi32, #tpu.memory_space<hbm>> -> memref<1x2x64xi32, #tpu.memory_space<hbm>>
        %dma_start3A_290 = tpu.memref_squeeze %dma_start3A_289 : memref<1x2x64xi32, #tpu.memory_space<hbm>> -> memref<2x64xi32, #tpu.memory_space<hbm>>
        tpu.enqueue_dma source(%dma_start3A_290 : memref<2x64xi32, #tpu.memory_space<hbm>>) target(%dma_start3A_286 : memref<2x64xi32, #tpu.memory_space<vmem>>) target_semaphore(%run_scoped3A : memref<!tpu.dma_semaphore, #tpu.memory_space<semaphore_mem>>)
        %dma_wait3A_291 = arith.constant 0 : i32
        %dma_wait3A_292 = arith.constant 0 : i32
        %dma_wait3A_293 = tpu.memref_slice %arg6[%dma_wait3A_291, %dma_wait3A_292] : memref<8x64xi32, #tpu.memory_space<vmem>> -> memref<2x64xi32, #tpu.memory_space<vmem>>
        %dma_wait3A_294 = arith.constant 0 : i32
        %dma_wait3A_295 = arith.constant 0 : i32
        %dma_wait3A_296 = tpu.memref_slice %arg3[%add3A_171, %dma_wait3A_294, %dma_wait3A_295] : memref<5000x2x64xi32, #tpu.memory_space<hbm>> -> memref<1x2x64xi32, #tpu.memory_space<hbm>>
        %dma_wait3A_297 = tpu.memref_squeeze %dma_wait3A_296 : memref<1x2x64xi32, #tpu.memory_space<hbm>> -> memref<2x64xi32, #tpu.memory_space<hbm>>
        %dma_wait3A_298 = arith.constant 0 : i32
        %dma_wait3A_299 = arith.constant 0 : i32
        %dma_wait3A_300 = tpu.memref_slice %arg6[%dma_wait3A_298, %dma_wait3A_299] : memref<8x64xi32, #tpu.memory_space<vmem>> -> memref<2x64xi32, #tpu.memory_space<vmem>>
        %dma_wait3A_301 = arith.constant 0 : i32
        %dma_wait3A_302 = arith.constant 0 : i32
        %dma_wait3A_303 = tpu.memref_slice %arg3[%add3A_171, %dma_wait3A_301, %dma_wait3A_302] : memref<5000x2x64xi32, #tpu.memory_space<hbm>> -> memref<1x2x64xi32, #tpu.memory_space<hbm>>
        %dma_wait3A_304 = tpu.memref_squeeze %dma_wait3A_303 : memref<1x2x64xi32, #tpu.memory_space<hbm>> -> memref<2x64xi32, #tpu.memory_space<hbm>>
        tpu.wait_dma2 semaphore(%run_scoped3A : memref<!tpu.dma_semaphore, #tpu.memory_space<semaphore_mem>>) src(%dma_wait3A_304 : memref<2x64xi32, #tpu.memory_space<hbm>>) dst(%dma_wait3A_300 : memref<2x64xi32, #tpu.memory_space<vmem>>)
        tpu.yield
      }) : () -> ()
      %dma_start3A_172 = arith.constant 0 : i32
      %dma_start3A_173 = tpu.memref_slice %arg6[%scan3A_73, %dma_start3A_172] : memref<8x64xi32, #tpu.memory_space<vmem>> -> memref<1x64xi32, #tpu.memory_space<vmem>>
      %dma_start3A_174 = tpu.memref_squeeze %dma_start3A_173 : memref<1x64xi32, #tpu.memory_space<vmem>> -> memref<64xi32, #tpu.memory_space<vmem>>
      %dma_start3A_175 = arith.constant 0 : i32
      %dma_start3A_176 = arith.constant 0 : i32
      %dma_start3A_177 = tpu.memref_slice %arg2[%dma_start3A_175, %dma_start3A_176] : memref<10240x128xf32, #tpu.memory_space<hbm>> -> memref<10240x128xf32, #tpu.memory_space<hbm>>
      tpu.enqueue_indirect_dma source(%dma_start3A_177 : memref<10240x128xf32, #tpu.memory_space<hbm>>) target(%arg7 : memref<64x128xf32, #tpu.memory_space<vmem>>) offsets(%dma_start3A_174 : memref<64xi32, #tpu.memory_space<vmem>>) semaphore(%arg12 : memref<!tpu.dma_semaphore, #tpu.memory_space<semaphore_mem>>)
      %dma_wait3A_178 = arith.constant 0 : i32
      %dma_wait3A_179 = tpu.memref_slice %arg6[%scan3A_74, %dma_wait3A_178] : memref<8x64xi32, #tpu.memory_space<vmem>> -> memref<1x64xi32, #tpu.memory_space<vmem>>
      %dma_wait3A_180 = tpu.memref_squeeze %dma_wait3A_179 : memref<1x64xi32, #tpu.memory_space<vmem>> -> memref<64xi32, #tpu.memory_space<vmem>>
      %dma_wait3A_181 = arith.constant 0 : i32
      %dma_wait3A_182 = arith.constant 0 : i32
      %dma_wait3A_183 = tpu.memref_slice %arg2[%dma_wait3A_181, %dma_wait3A_182] : memref<10240x128xf32, #tpu.memory_space<hbm>> -> memref<10240x128xf32, #tpu.memory_space<hbm>>
      tpu.wait_indirect_dma semaphore(%arg14 : memref<!tpu.dma_semaphore, #tpu.memory_space<semaphore_mem>>) src(%dma_wait3A_183 : memref<10240x128xf32, #tpu.memory_space<hbm>>) dst(%arg9 : memref<64x128xf32, #tpu.memory_space<vmem>>)
      %dma_start3A_184 = arith.constant 0 : i32
      %dma_start3A_185 = tpu.memref_slice %arg6[%scan3A_75, %dma_start3A_184] : memref<8x64xi32, #tpu.memory_space<vmem>> -> memref<1x64xi32, #tpu.memory_space<vmem>>
      %dma_start3A_186 = tpu.memref_squeeze %dma_start3A_185 : memref<1x64xi32, #tpu.memory_space<vmem>> -> memref<64xi32, #tpu.memory_space<vmem>>
      %dma_start3A_187 = arith.constant 0 : i32
      %dma_start3A_188 = arith.constant 0 : i32
      %dma_start3A_189 = tpu.memref_slice %arg11[%dma_start3A_187, %dma_start3A_188] : memref<10240x128xf32, #tpu.memory_space<vmem_shared>> -> memref<10240x128xf32, #tpu.memory_space<vmem_shared>>
      tpu.enqueue_indirect_dma source(%arg9 : memref<64x128xf32, #tpu.memory_space<vmem>>) target(%dma_start3A_189 : memref<10240x128xf32, #tpu.memory_space<vmem_shared>>) offsets(%dma_start3A_186 : memref<64xi32, #tpu.memory_space<vmem>>) semaphore(%arg18 : memref<!tpu.dma_semaphore, #tpu.memory_space<semaphore_mem>>) {add = true}
      %add3A_190 = arith.constant 1 : i32
      %add3A_191 = arith.addi %add3A_160, %add3A_190 : i32
      %dma_wait3A_192 = arith.constant 0 : i32
      %dma_wait3A_193 = tpu.memref_slice %arg6[%scan3A_76, %dma_wait3A_192] : memref<8x64xi32, #tpu.memory_space<vmem>> -> memref<1x64xi32, #tpu.memory_space<vmem>>
      %dma_wait3A_194 = tpu.memref_squeeze %dma_wait3A_193 : memref<1x64xi32, #tpu.memory_space<vmem>> -> memref<64xi32, #tpu.memory_space<vmem>>
      %dma_wait3A_195 = arith.constant 0 : i32
      %dma_wait3A_196 = arith.constant 0 : i32
      %dma_wait3A_197 = tpu.memref_slice %arg11[%dma_wait3A_195, %dma_wait3A_196] : memref<10240x128xf32, #tpu.memory_space<vmem_shared>> -> memref<10240x128xf32, #tpu.memory_space<vmem_shared>>
      tpu.wait_indirect_dma semaphore(%arg17 : memref<!tpu.dma_semaphore, #tpu.memory_space<semaphore_mem>>) src(%arg8 : memref<64x128xf32, #tpu.memory_space<vmem>>) dst(%dma_wait3A_197 : memref<10240x128xf32, #tpu.memory_space<vmem_shared>>)
      %add3A_198 = arith.constant 2 : i32
      %add3A_199 = arith.addi %add3A_191, %add3A_198 : i32
      %add3A_200 = arith.addi %add3A_6, %add3A_199 : i32
      "tpu.region"() ({
        %run_scoped3A = tpu.sem_alloc : memref<!tpu.dma_semaphore, #tpu.memory_space<semaphore_mem>>
        %dma_start3A_277 = arith.constant 2 : i32
        %dma_start3A_278 = arith.constant 0 : i32
        %dma_start3A_279 = tpu.memref_slice %arg6[%dma_start3A_277, %dma_start3A_278] : memref<8x64xi32, #tpu.memory_space<vmem>> -> memref<2x64xi32, #tpu.memory_space<vmem>>
        %dma_start3A_280 = arith.constant 0 : i32
        %dma_start3A_281 = arith.constant 0 : i32
        %dma_start3A_282 = tpu.memref_slice %arg3[%add3A_200, %dma_start3A_280, %dma_start3A_281] : memref<5000x2x64xi32, #tpu.memory_space<hbm>> -> memref<1x2x64xi32, #tpu.memory_space<hbm>>
        %dma_start3A_283 = tpu.memref_squeeze %dma_start3A_282 : memref<1x2x64xi32, #tpu.memory_space<hbm>> -> memref<2x64xi32, #tpu.memory_space<hbm>>
        %dma_start3A_284 = arith.constant 2 : i32
        %dma_start3A_285 = arith.constant 0 : i32
        %dma_start3A_286 = tpu.memref_slice %arg6[%dma_start3A_284, %dma_start3A_285] : memref<8x64xi32, #tpu.memory_space<vmem>> -> memref<2x64xi32, #tpu.memory_space<vmem>>
        %dma_start3A_287 = arith.constant 0 : i32
        %dma_start3A_288 = arith.constant 0 : i32
        %dma_start3A_289 = tpu.memref_slice %arg3[%add3A_200, %dma_start3A_287, %dma_start3A_288] : memref<5000x2x64xi32, #tpu.memory_space<hbm>> -> memref<1x2x64xi32, #tpu.memory_space<hbm>>
        %dma_start3A_290 = tpu.memref_squeeze %dma_start3A_289 : memref<1x2x64xi32, #tpu.memory_space<hbm>> -> memref<2x64xi32, #tpu.memory_space<hbm>>
        tpu.enqueue_dma source(%dma_start3A_290 : memref<2x64xi32, #tpu.memory_space<hbm>>) target(%dma_start3A_286 : memref<2x64xi32, #tpu.memory_space<vmem>>) target_semaphore(%run_scoped3A : memref<!tpu.dma_semaphore, #tpu.memory_space<semaphore_mem>>)
        %dma_wait3A_291 = arith.constant 2 : i32
        %dma_wait3A_292 = arith.constant 0 : i32
        %dma_wait3A_293 = tpu.memref_slice %arg6[%dma_wait3A_291, %dma_wait3A_292] : memref<8x64xi32, #tpu.memory_space<vmem>> -> memref<2x64xi32, #tpu.memory_space<vmem>>
        %dma_wait3A_294 = arith.constant 0 : i32
        %dma_wait3A_295 = arith.constant 0 : i32
        %dma_wait3A_296 = tpu.memref_slice %arg3[%add3A_200, %dma_wait3A_294, %dma_wait3A_295] : memref<5000x2x64xi32, #tpu.memory_space<hbm>> -> memref<1x2x64xi32, #tpu.memory_space<hbm>>
        %dma_wait3A_297 = tpu.memref_squeeze %dma_wait3A_296 : memref<1x2x64xi32, #tpu.memory_space<hbm>> -> memref<2x64xi32, #tpu.memory_space<hbm>>
        %dma_wait3A_298 = arith.constant 2 : i32
        %dma_wait3A_299 = arith.constant 0 : i32
        %dma_wait3A_300 = tpu.memref_slice %arg6[%dma_wait3A_298, %dma_wait3A_299] : memref<8x64xi32, #tpu.memory_space<vmem>> -> memref<2x64xi32, #tpu.memory_space<vmem>>
        %dma_wait3A_301 = arith.constant 0 : i32
        %dma_wait3A_302 = arith.constant 0 : i32
        %dma_wait3A_303 = tpu.memref_slice %arg3[%add3A_200, %dma_wait3A_301, %dma_wait3A_302] : memref<5000x2x64xi32, #tpu.memory_space<hbm>> -> memref<1x2x64xi32, #tpu.memory_space<hbm>>
        %dma_wait3A_304 = tpu.memref_squeeze %dma_wait3A_303 : memref<1x2x64xi32, #tpu.memory_space<hbm>> -> memref<2x64xi32, #tpu.memory_space<hbm>>
        tpu.wait_dma2 semaphore(%run_scoped3A : memref<!tpu.dma_semaphore, #tpu.memory_space<semaphore_mem>>) src(%dma_wait3A_304 : memref<2x64xi32, #tpu.memory_space<hbm>>) dst(%dma_wait3A_300 : memref<2x64xi32, #tpu.memory_space<vmem>>)
        tpu.yield
      }) : () -> ()
      %dma_start3A_201 = arith.constant 0 : i32
      %dma_start3A_202 = tpu.memref_slice %arg6[%scan3A_77, %dma_start3A_201] : memref<8x64xi32, #tpu.memory_space<vmem>> -> memref<1x64xi32, #tpu.memory_space<vmem>>
      %dma_start3A_203 = tpu.memref_squeeze %dma_start3A_202 : memref<1x64xi32, #tpu.memory_space<vmem>> -> memref<64xi32, #tpu.memory_space<vmem>>
      %dma_start3A_204 = arith.constant 0 : i32
      %dma_start3A_205 = arith.constant 0 : i32
      %dma_start3A_206 = tpu.memref_slice %arg2[%dma_start3A_204, %dma_start3A_205] : memref<10240x128xf32, #tpu.memory_space<hbm>> -> memref<10240x128xf32, #tpu.memory_space<hbm>>
      tpu.enqueue_indirect_dma source(%dma_start3A_206 : memref<10240x128xf32, #tpu.memory_space<hbm>>) target(%arg8 : memref<64x128xf32, #tpu.memory_space<vmem>>) offsets(%dma_start3A_203 : memref<64xi32, #tpu.memory_space<vmem>>) semaphore(%arg13 : memref<!tpu.dma_semaphore, #tpu.memory_space<semaphore_mem>>)
      %dma_wait3A_207 = arith.constant 0 : i32
      %dma_wait3A_208 = tpu.memref_slice %arg6[%scan3A_78, %dma_wait3A_207] : memref<8x64xi32, #tpu.memory_space<vmem>> -> memref<1x64xi32, #tpu.memory_space<vmem>>
      %dma_wait3A_209 = tpu.memref_squeeze %dma_wait3A_208 : memref<1x64xi32, #tpu.memory_space<vmem>> -> memref<64xi32, #tpu.memory_space<vmem>>
      %dma_wait3A_210 = arith.constant 0 : i32
      %dma_wait3A_211 = arith.constant 0 : i32
      %dma_wait3A_212 = tpu.memref_slice %arg2[%dma_wait3A_210, %dma_wait3A_211] : memref<10240x128xf32, #tpu.memory_space<hbm>> -> memref<10240x128xf32, #tpu.memory_space<hbm>>
      tpu.wait_indirect_dma semaphore(%arg15 : memref<!tpu.dma_semaphore, #tpu.memory_space<semaphore_mem>>) src(%dma_wait3A_212 : memref<10240x128xf32, #tpu.memory_space<hbm>>) dst(%arg10 : memref<64x128xf32, #tpu.memory_space<vmem>>)
      %dma_start3A_213 = arith.constant 0 : i32
      %dma_start3A_214 = tpu.memref_slice %arg6[%scan3A_79, %dma_start3A_213] : memref<8x64xi32, #tpu.memory_space<vmem>> -> memref<1x64xi32, #tpu.memory_space<vmem>>
      %dma_start3A_215 = tpu.memref_squeeze %dma_start3A_214 : memref<1x64xi32, #tpu.memory_space<vmem>> -> memref<64xi32, #tpu.memory_space<vmem>>
      %dma_start3A_216 = arith.constant 0 : i32
      %dma_start3A_217 = arith.constant 0 : i32
      %dma_start3A_218 = tpu.memref_slice %arg11[%dma_start3A_216, %dma_start3A_217] : memref<10240x128xf32, #tpu.memory_space<vmem_shared>> -> memref<10240x128xf32, #tpu.memory_space<vmem_shared>>
      tpu.enqueue_indirect_dma source(%arg10 : memref<64x128xf32, #tpu.memory_space<vmem>>) target(%dma_start3A_218 : memref<10240x128xf32, #tpu.memory_space<vmem_shared>>) offsets(%dma_start3A_215 : memref<64xi32, #tpu.memory_space<vmem>>) semaphore(%arg19 : memref<!tpu.dma_semaphore, #tpu.memory_space<semaphore_mem>>) {add = true}
      %add3A_219 = arith.constant 2 : i32
      %add3A_220 = arith.addi %add3A_160, %add3A_219 : i32
      %dma_wait3A_221 = arith.constant 0 : i32
      %dma_wait3A_222 = tpu.memref_slice %arg6[%scan3A_75, %dma_wait3A_221] : memref<8x64xi32, #tpu.memory_space<vmem>> -> memref<1x64xi32, #tpu.memory_space<vmem>>
      %dma_wait3A_223 = tpu.memref_squeeze %dma_wait3A_222 : memref<1x64xi32, #tpu.memory_space<vmem>> -> memref<64xi32, #tpu.memory_space<vmem>>
      %dma_wait3A_224 = arith.constant 0 : i32
      %dma_wait3A_225 = arith.constant 0 : i32
      %dma_wait3A_226 = tpu.memref_slice %arg11[%dma_wait3A_224, %dma_wait3A_225] : memref<10240x128xf32, #tpu.memory_space<vmem_shared>> -> memref<10240x128xf32, #tpu.memory_space<vmem_shared>>
      tpu.wait_indirect_dma semaphore(%arg18 : memref<!tpu.dma_semaphore, #tpu.memory_space<semaphore_mem>>) src(%arg9 : memref<64x128xf32, #tpu.memory_space<vmem>>) dst(%dma_wait3A_226 : memref<10240x128xf32, #tpu.memory_space<vmem_shared>>)
      %add3A_227 = arith.constant 2 : i32
      %add3A_228 = arith.addi %add3A_220, %add3A_227 : i32
      %add3A_229 = arith.addi %add3A_6, %add3A_228 : i32
      "tpu.region"() ({
        %run_scoped3A = tpu.sem_alloc : memref<!tpu.dma_semaphore, #tpu.memory_space<semaphore_mem>>
        %dma_start3A_277 = arith.constant 4 : i32
        %dma_start3A_278 = arith.constant 0 : i32
        %dma_start3A_279 = tpu.memref_slice %arg6[%dma_start3A_277, %dma_start3A_278] : memref<8x64xi32, #tpu.memory_space<vmem>> -> memref<2x64xi32, #tpu.memory_space<vmem>>
        %dma_start3A_280 = arith.constant 0 : i32
        %dma_start3A_281 = arith.constant 0 : i32
        %dma_start3A_282 = tpu.memref_slice %arg3[%add3A_229, %dma_start3A_280, %dma_start3A_281] : memref<5000x2x64xi32, #tpu.memory_space<hbm>> -> memref<1x2x64xi32, #tpu.memory_space<hbm>>
        %dma_start3A_283 = tpu.memref_squeeze %dma_start3A_282 : memref<1x2x64xi32, #tpu.memory_space<hbm>> -> memref<2x64xi32, #tpu.memory_space<hbm>>
        %dma_start3A_284 = arith.constant 4 : i32
        %dma_start3A_285 = arith.constant 0 : i32
        %dma_start3A_286 = tpu.memref_slice %arg6[%dma_start3A_284, %dma_start3A_285] : memref<8x64xi32, #tpu.memory_space<vmem>> -> memref<2x64xi32, #tpu.memory_space<vmem>>
        %dma_start3A_287 = arith.constant 0 : i32
        %dma_start3A_288 = arith.constant 0 : i32
        %dma_start3A_289 = tpu.memref_slice %arg3[%add3A_229, %dma_start3A_287, %dma_start3A_288] : memref<5000x2x64xi32, #tpu.memory_space<hbm>> -> memref<1x2x64xi32, #tpu.memory_space<hbm>>
        %dma_start3A_290 = tpu.memref_squeeze %dma_start3A_289 : memref<1x2x64xi32, #tpu.memory_space<hbm>> -> memref<2x64xi32, #tpu.memory_space<hbm>>
        tpu.enqueue_dma source(%dma_start3A_290 : memref<2x64xi32, #tpu.memory_space<hbm>>) target(%dma_start3A_286 : memref<2x64xi32, #tpu.memory_space<vmem>>) target_semaphore(%run_scoped3A : memref<!tpu.dma_semaphore, #tpu.memory_space<semaphore_mem>>)
        %dma_wait3A_291 = arith.constant 4 : i32
        %dma_wait3A_292 = arith.constant 0 : i32
        %dma_wait3A_293 = tpu.memref_slice %arg6[%dma_wait3A_291, %dma_wait3A_292] : memref<8x64xi32, #tpu.memory_space<vmem>> -> memref<2x64xi32, #tpu.memory_space<vmem>>
        %dma_wait3A_294 = arith.constant 0 : i32
        %dma_wait3A_295 = arith.constant 0 : i32
        %dma_wait3A_296 = tpu.memref_slice %arg3[%add3A_229, %dma_wait3A_294, %dma_wait3A_295] : memref<5000x2x64xi32, #tpu.memory_space<hbm>> -> memref<1x2x64xi32, #tpu.memory_space<hbm>>
        %dma_wait3A_297 = tpu.memref_squeeze %dma_wait3A_296 : memref<1x2x64xi32, #tpu.memory_space<hbm>> -> memref<2x64xi32, #tpu.memory_space<hbm>>
        %dma_wait3A_298 = arith.constant 4 : i32
        %dma_wait3A_299 = arith.constant 0 : i32
        %dma_wait3A_300 = tpu.memref_slice %arg6[%dma_wait3A_298, %dma_wait3A_299] : memref<8x64xi32, #tpu.memory_space<vmem>> -> memref<2x64xi32, #tpu.memory_space<vmem>>
        %dma_wait3A_301 = arith.constant 0 : i32
        %dma_wait3A_302 = arith.constant 0 : i32
        %dma_wait3A_303 = tpu.memref_slice %arg3[%add3A_229, %dma_wait3A_301, %dma_wait3A_302] : memref<5000x2x64xi32, #tpu.memory_space<hbm>> -> memref<1x2x64xi32, #tpu.memory_space<hbm>>
        %dma_wait3A_304 = tpu.memref_squeeze %dma_wait3A_303 : memref<1x2x64xi32, #tpu.memory_space<hbm>> -> memref<2x64xi32, #tpu.memory_space<hbm>>
        tpu.wait_dma2 semaphore(%run_scoped3A : memref<!tpu.dma_semaphore, #tpu.memory_space<semaphore_mem>>) src(%dma_wait3A_304 : memref<2x64xi32, #tpu.memory_space<hbm>>) dst(%dma_wait3A_300 : memref<2x64xi32, #tpu.memory_space<vmem>>)
        tpu.yield
      }) : () -> ()
      %dma_start3A_230 = arith.constant 0 : i32
      %dma_start3A_231 = tpu.memref_slice %arg6[%scan3A_74, %dma_start3A_230] : memref<8x64xi32, #tpu.memory_space<vmem>> -> memref<1x64xi32, #tpu.memory_space<vmem>>
      %dma_start3A_232 = tpu.memref_squeeze %dma_start3A_231 : memref<1x64xi32, #tpu.memory_space<vmem>> -> memref<64xi32, #tpu.memory_space<vmem>>
      %dma_start3A_233 = arith.constant 0 : i32
      %dma_start3A_234 = arith.constant 0 : i32
      %dma_start3A_235 = tpu.memref_slice %arg2[%dma_start3A_233, %dma_start3A_234] : memref<10240x128xf32, #tpu.memory_space<hbm>> -> memref<10240x128xf32, #tpu.memory_space<hbm>>
      tpu.enqueue_indirect_dma source(%dma_start3A_235 : memref<10240x128xf32, #tpu.memory_space<hbm>>) target(%arg9 : memref<64x128xf32, #tpu.memory_space<vmem>>) offsets(%dma_start3A_232 : memref<64xi32, #tpu.memory_space<vmem>>) semaphore(%arg14 : memref<!tpu.dma_semaphore, #tpu.memory_space<semaphore_mem>>)
      %dma_wait3A_236 = arith.constant 0 : i32
      %dma_wait3A_237 = tpu.memref_slice %arg6[%scan3A_73, %dma_wait3A_236] : memref<8x64xi32, #tpu.memory_space<vmem>> -> memref<1x64xi32, #tpu.memory_space<vmem>>
      %dma_wait3A_238 = tpu.memref_squeeze %dma_wait3A_237 : memref<1x64xi32, #tpu.memory_space<vmem>> -> memref<64xi32, #tpu.memory_space<vmem>>
      %dma_wait3A_239 = arith.constant 0 : i32
      %dma_wait3A_240 = arith.constant 0 : i32
      %dma_wait3A_241 = tpu.memref_slice %arg2[%dma_wait3A_239, %dma_wait3A_240] : memref<10240x128xf32, #tpu.memory_space<hbm>> -> memref<10240x128xf32, #tpu.memory_space<hbm>>
      tpu.wait_indirect_dma semaphore(%arg12 : memref<!tpu.dma_semaphore, #tpu.memory_space<semaphore_mem>>) src(%dma_wait3A_241 : memref<10240x128xf32, #tpu.memory_space<hbm>>) dst(%arg7 : memref<64x128xf32, #tpu.memory_space<vmem>>)
      %dma_start3A_242 = arith.constant 0 : i32
      %dma_start3A_243 = tpu.memref_slice %arg6[%scan3A, %dma_start3A_242] : memref<8x64xi32, #tpu.memory_space<vmem>> -> memref<1x64xi32, #tpu.memory_space<vmem>>
      %dma_start3A_244 = tpu.memref_squeeze %dma_start3A_243 : memref<1x64xi32, #tpu.memory_space<vmem>> -> memref<64xi32, #tpu.memory_space<vmem>>
      %dma_start3A_245 = arith.constant 0 : i32
      %dma_start3A_246 = arith.constant 0 : i32
      %dma_start3A_247 = tpu.memref_slice %arg11[%dma_start3A_245, %dma_start3A_246] : memref<10240x128xf32, #tpu.memory_space<vmem_shared>> -> memref<10240x128xf32, #tpu.memory_space<vmem_shared>>
      tpu.enqueue_indirect_dma source(%arg7 : memref<64x128xf32, #tpu.memory_space<vmem>>) target(%dma_start3A_247 : memref<10240x128xf32, #tpu.memory_space<vmem_shared>>) offsets(%dma_start3A_244 : memref<64xi32, #tpu.memory_space<vmem>>) semaphore(%arg16 : memref<!tpu.dma_semaphore, #tpu.memory_space<semaphore_mem>>) {add = true}
      %add3A_248 = arith.constant 3 : i32
      %add3A_249 = arith.addi %add3A_160, %add3A_248 : i32
      %dma_wait3A_250 = arith.constant 0 : i32
      %dma_wait3A_251 = tpu.memref_slice %arg6[%scan3A_79, %dma_wait3A_250] : memref<8x64xi32, #tpu.memory_space<vmem>> -> memref<1x64xi32, #tpu.memory_space<vmem>>
      %dma_wait3A_252 = tpu.memref_squeeze %dma_wait3A_251 : memref<1x64xi32, #tpu.memory_space<vmem>> -> memref<64xi32, #tpu.memory_space<vmem>>
      %dma_wait3A_253 = arith.constant 0 : i32
      %dma_wait3A_254 = arith.constant 0 : i32
      %dma_wait3A_255 = tpu.memref_slice %arg11[%dma_wait3A_253, %dma_wait3A_254] : memref<10240x128xf32, #tpu.memory_space<vmem_shared>> -> memref<10240x128xf32, #tpu.memory_space<vmem_shared>>
      tpu.wait_indirect_dma semaphore(%arg19 : memref<!tpu.dma_semaphore, #tpu.memory_space<semaphore_mem>>) src(%arg10 : memref<64x128xf32, #tpu.memory_space<vmem>>) dst(%dma_wait3A_255 : memref<10240x128xf32, #tpu.memory_space<vmem_shared>>)
      %add3A_256 = arith.constant 2 : i32
      %add3A_257 = arith.addi %add3A_249, %add3A_256 : i32
      %add3A_258 = arith.addi %add3A_6, %add3A_257 : i32
      "tpu.region"() ({
        %run_scoped3A = tpu.sem_alloc : memref<!tpu.dma_semaphore, #tpu.memory_space<semaphore_mem>>
        %dma_start3A_277 = arith.constant 6 : i32
        %dma_start3A_278 = arith.constant 0 : i32
        %dma_start3A_279 = tpu.memref_slice %arg6[%dma_start3A_277, %dma_start3A_278] : memref<8x64xi32, #tpu.memory_space<vmem>> -> memref<2x64xi32, #tpu.memory_space<vmem>>
        %dma_start3A_280 = arith.constant 0 : i32
        %dma_start3A_281 = arith.constant 0 : i32
        %dma_start3A_282 = tpu.memref_slice %arg3[%add3A_258, %dma_start3A_280, %dma_start3A_281] : memref<5000x2x64xi32, #tpu.memory_space<hbm>> -> memref<1x2x64xi32, #tpu.memory_space<hbm>>
        %dma_start3A_283 = tpu.memref_squeeze %dma_start3A_282 : memref<1x2x64xi32, #tpu.memory_space<hbm>> -> memref<2x64xi32, #tpu.memory_space<hbm>>
        %dma_start3A_284 = arith.constant 6 : i32
        %dma_start3A_285 = arith.constant 0 : i32
        %dma_start3A_286 = tpu.memref_slice %arg6[%dma_start3A_284, %dma_start3A_285] : memref<8x64xi32, #tpu.memory_space<vmem>> -> memref<2x64xi32, #tpu.memory_space<vmem>>
        %dma_start3A_287 = arith.constant 0 : i32
        %dma_start3A_288 = arith.constant 0 : i32
        %dma_start3A_289 = tpu.memref_slice %arg3[%add3A_258, %dma_start3A_287, %dma_start3A_288] : memref<5000x2x64xi32, #tpu.memory_space<hbm>> -> memref<1x2x64xi32, #tpu.memory_space<hbm>>
        %dma_start3A_290 = tpu.memref_squeeze %dma_start3A_289 : memref<1x2x64xi32, #tpu.memory_space<hbm>> -> memref<2x64xi32, #tpu.memory_space<hbm>>
        tpu.enqueue_dma source(%dma_start3A_290 : memref<2x64xi32, #tpu.memory_space<hbm>>) target(%dma_start3A_286 : memref<2x64xi32, #tpu.memory_space<vmem>>) target_semaphore(%run_scoped3A : memref<!tpu.dma_semaphore, #tpu.memory_space<semaphore_mem>>)
        %dma_wait3A_291 = arith.constant 6 : i32
        %dma_wait3A_292 = arith.constant 0 : i32
        %dma_wait3A_293 = tpu.memref_slice %arg6[%dma_wait3A_291, %dma_wait3A_292] : memref<8x64xi32, #tpu.memory_space<vmem>> -> memref<2x64xi32, #tpu.memory_space<vmem>>
        %dma_wait3A_294 = arith.constant 0 : i32
        %dma_wait3A_295 = arith.constant 0 : i32
        %dma_wait3A_296 = tpu.memref_slice %arg3[%add3A_258, %dma_wait3A_294, %dma_wait3A_295] : memref<5000x2x64xi32, #tpu.memory_space<hbm>> -> memref<1x2x64xi32, #tpu.memory_space<hbm>>
        %dma_wait3A_297 = tpu.memref_squeeze %dma_wait3A_296 : memref<1x2x64xi32, #tpu.memory_space<hbm>> -> memref<2x64xi32, #tpu.memory_space<hbm>>
        %dma_wait3A_298 = arith.constant 6 : i32
        %dma_wait3A_299 = arith.constant 0 : i32
        %dma_wait3A_300 = tpu.memref_slice %arg6[%dma_wait3A_298, %dma_wait3A_299] : memref<8x64xi32, #tpu.memory_space<vmem>> -> memref<2x64xi32, #tpu.memory_space<vmem>>
        %dma_wait3A_301 = arith.constant 0 : i32
        %dma_wait3A_302 = arith.constant 0 : i32
        %dma_wait3A_303 = tpu.memref_slice %arg3[%add3A_258, %dma_wait3A_301, %dma_wait3A_302] : memref<5000x2x64xi32, #tpu.memory_space<hbm>> -> memref<1x2x64xi32, #tpu.memory_space<hbm>>
        %dma_wait3A_304 = tpu.memref_squeeze %dma_wait3A_303 : memref<1x2x64xi32, #tpu.memory_space<hbm>> -> memref<2x64xi32, #tpu.memory_space<hbm>>
        tpu.wait_dma2 semaphore(%run_scoped3A : memref<!tpu.dma_semaphore, #tpu.memory_space<semaphore_mem>>) src(%dma_wait3A_304 : memref<2x64xi32, #tpu.memory_space<hbm>>) dst(%dma_wait3A_300 : memref<2x64xi32, #tpu.memory_space<vmem>>)
        tpu.yield
      }) : () -> ()
      %dma_start3A_259 = arith.constant 0 : i32
      %dma_start3A_260 = tpu.memref_slice %arg6[%scan3A_78, %dma_start3A_259] : memref<8x64xi32, #tpu.memory_space<vmem>> -> memref<1x64xi32, #tpu.memory_space<vmem>>
      %dma_start3A_261 = tpu.memref_squeeze %dma_start3A_260 : memref<1x64xi32, #tpu.memory_space<vmem>> -> memref<64xi32, #tpu.memory_space<vmem>>
      %dma_start3A_262 = arith.constant 0 : i32
      %dma_start3A_263 = arith.constant 0 : i32
      %dma_start3A_264 = tpu.memref_slice %arg2[%dma_start3A_262, %dma_start3A_263] : memref<10240x128xf32, #tpu.memory_space<hbm>> -> memref<10240x128xf32, #tpu.memory_space<hbm>>
      tpu.enqueue_indirect_dma source(%dma_start3A_264 : memref<10240x128xf32, #tpu.memory_space<hbm>>) target(%arg10 : memref<64x128xf32, #tpu.memory_space<vmem>>) offsets(%dma_start3A_261 : memref<64xi32, #tpu.memory_space<vmem>>) semaphore(%arg15 : memref<!tpu.dma_semaphore, #tpu.memory_space<semaphore_mem>>)
      %dma_wait3A_265 = arith.constant 0 : i32
      %dma_wait3A_266 = tpu.memref_slice %arg6[%scan3A_77, %dma_wait3A_265] : memref<8x64xi32, #tpu.memory_space<vmem>> -> memref<1x64xi32, #tpu.memory_space<vmem>>
      %dma_wait3A_267 = tpu.memref_squeeze %dma_wait3A_266 : memref<1x64xi32, #tpu.memory_space<vmem>> -> memref<64xi32, #tpu.memory_space<vmem>>
      %dma_wait3A_268 = arith.constant 0 : i32
      %dma_wait3A_269 = arith.constant 0 : i32
      %dma_wait3A_270 = tpu.memref_slice %arg2[%dma_wait3A_268, %dma_wait3A_269] : memref<10240x128xf32, #tpu.memory_space<hbm>> -> memref<10240x128xf32, #tpu.memory_space<hbm>>
      tpu.wait_indirect_dma semaphore(%arg13 : memref<!tpu.dma_semaphore, #tpu.memory_space<semaphore_mem>>) src(%dma_wait3A_270 : memref<10240x128xf32, #tpu.memory_space<hbm>>) dst(%arg8 : memref<64x128xf32, #tpu.memory_space<vmem>>)
      %dma_start3A_271 = arith.constant 0 : i32
      %dma_start3A_272 = tpu.memref_slice %arg6[%scan3A_76, %dma_start3A_271] : memref<8x64xi32, #tpu.memory_space<vmem>> -> memref<1x64xi32, #tpu.memory_space<vmem>>
      %dma_start3A_273 = tpu.memref_squeeze %dma_start3A_272 : memref<1x64xi32, #tpu.memory_space<vmem>> -> memref<64xi32, #tpu.memory_space<vmem>>
      %dma_start3A_274 = arith.constant 0 : i32
      %dma_start3A_275 = arith.constant 0 : i32
      %dma_start3A_276 = tpu.memref_slice %arg11[%dma_start3A_274, %dma_start3A_275] : memref<10240x128xf32, #tpu.memory_space<vmem_shared>> -> memref<10240x128xf32, #tpu.memory_space<vmem_shared>>
      tpu.enqueue_indirect_dma source(%arg8 : memref<64x128xf32, #tpu.memory_space<vmem>>) target(%dma_start3A_276 : memref<10240x128xf32, #tpu.memory_space<vmem_shared>>) offsets(%dma_start3A_273 : memref<64xi32, #tpu.memory_space<vmem>>) semaphore(%arg17 : memref<!tpu.dma_semaphore, #tpu.memory_space<semaphore_mem>>) {add = true}
    }
    %scan3A_84 = arith.constant 38 : i32
    %dma_wait3A_85 = arith.constant 4 : i32
    %dma_wait3A_86 = arith.constant 0 : i32
    %dma_wait3A_87 = tpu.memref_slice %arg6[%dma_wait3A_85, %dma_wait3A_86] : memref<8x64xi32, #tpu.memory_space<vmem>> -> memref<1x64xi32, #tpu.memory_space<vmem>>
    %dma_wait3A_88 = tpu.memref_squeeze %dma_wait3A_87 : memref<1x64xi32, #tpu.memory_space<vmem>> -> memref<64xi32, #tpu.memory_space<vmem>>
    %dma_wait3A_89 = arith.constant 0 : i32
    %dma_wait3A_90 = arith.constant 0 : i32
    %dma_wait3A_91 = tpu.memref_slice %arg2[%dma_wait3A_89, %dma_wait3A_90] : memref<10240x128xf32, #tpu.memory_space<hbm>> -> memref<10240x128xf32, #tpu.memory_space<hbm>>
    tpu.wait_indirect_dma semaphore(%arg14 : memref<!tpu.dma_semaphore, #tpu.memory_space<semaphore_mem>>) src(%dma_wait3A_91 : memref<10240x128xf32, #tpu.memory_space<hbm>>) dst(%arg9 : memref<64x128xf32, #tpu.memory_space<vmem>>)
    %dma_start3A_92 = arith.constant 5 : i32
    %dma_start3A_93 = arith.constant 0 : i32
    %dma_start3A_94 = tpu.memref_slice %arg6[%dma_start3A_92, %dma_start3A_93] : memref<8x64xi32, #tpu.memory_space<vmem>> -> memref<1x64xi32, #tpu.memory_space<vmem>>
    %dma_start3A_95 = tpu.memref_squeeze %dma_start3A_94 : memref<1x64xi32, #tpu.memory_space<vmem>> -> memref<64xi32, #tpu.memory_space<vmem>>
    %dma_start3A_96 = arith.constant 0 : i32
    %dma_start3A_97 = arith.constant 0 : i32
    %dma_start3A_98 = tpu.memref_slice %arg11[%dma_start3A_96, %dma_start3A_97] : memref<10240x128xf32, #tpu.memory_space<vmem_shared>> -> memref<10240x128xf32, #tpu.memory_space<vmem_shared>>
    tpu.enqueue_indirect_dma source(%arg9 : memref<64x128xf32, #tpu.memory_space<vmem>>) target(%dma_start3A_98 : memref<10240x128xf32, #tpu.memory_space<vmem_shared>>) offsets(%dma_start3A_95 : memref<64xi32, #tpu.memory_space<vmem>>) semaphore(%arg18 : memref<!tpu.dma_semaphore, #tpu.memory_space<semaphore_mem>>) {add = true}
    %dma_wait3A_99 = arith.constant 6 : i32
    %dma_wait3A_100 = arith.constant 0 : i32
    %dma_wait3A_101 = tpu.memref_slice %arg6[%dma_wait3A_99, %dma_wait3A_100] : memref<8x64xi32, #tpu.memory_space<vmem>> -> memref<1x64xi32, #tpu.memory_space<vmem>>
    %dma_wait3A_102 = tpu.memref_squeeze %dma_wait3A_101 : memref<1x64xi32, #tpu.memory_space<vmem>> -> memref<64xi32, #tpu.memory_space<vmem>>
    %dma_wait3A_103 = arith.constant 0 : i32
    %dma_wait3A_104 = arith.constant 0 : i32
    %dma_wait3A_105 = tpu.memref_slice %arg2[%dma_wait3A_103, %dma_wait3A_104] : memref<10240x128xf32, #tpu.memory_space<hbm>> -> memref<10240x128xf32, #tpu.memory_space<hbm>>
    tpu.wait_indirect_dma semaphore(%arg15 : memref<!tpu.dma_semaphore, #tpu.memory_space<semaphore_mem>>) src(%dma_wait3A_105 : memref<10240x128xf32, #tpu.memory_space<hbm>>) dst(%arg10 : memref<64x128xf32, #tpu.memory_space<vmem>>)
    %dma_start3A_106 = arith.constant 7 : i32
    %dma_start3A_107 = arith.constant 0 : i32
    %dma_start3A_108 = tpu.memref_slice %arg6[%dma_start3A_106, %dma_start3A_107] : memref<8x64xi32, #tpu.memory_space<vmem>> -> memref<1x64xi32, #tpu.memory_space<vmem>>
    %dma_start3A_109 = tpu.memref_squeeze %dma_start3A_108 : memref<1x64xi32, #tpu.memory_space<vmem>> -> memref<64xi32, #tpu.memory_space<vmem>>
    %dma_start3A_110 = arith.constant 0 : i32
    %dma_start3A_111 = arith.constant 0 : i32
    %dma_start3A_112 = tpu.memref_slice %arg11[%dma_start3A_110, %dma_start3A_111] : memref<10240x128xf32, #tpu.memory_space<vmem_shared>> -> memref<10240x128xf32, #tpu.memory_space<vmem_shared>>
    tpu.enqueue_indirect_dma source(%arg10 : memref<64x128xf32, #tpu.memory_space<vmem>>) target(%dma_start3A_112 : memref<10240x128xf32, #tpu.memory_space<vmem_shared>>) offsets(%dma_start3A_109 : memref<64xi32, #tpu.memory_space<vmem>>) semaphore(%arg19 : memref<!tpu.dma_semaphore, #tpu.memory_space<semaphore_mem>>) {add = true}
    %dma_wait3A_113 = arith.constant 1 : i32
    %dma_wait3A_114 = arith.constant 0 : i32
    %dma_wait3A_115 = tpu.memref_slice %arg6[%dma_wait3A_113, %dma_wait3A_114] : memref<8x64xi32, #tpu.memory_space<vmem>> -> memref<1x64xi32, #tpu.memory_space<vmem>>
    %dma_wait3A_116 = tpu.memref_squeeze %dma_wait3A_115 : memref<1x64xi32, #tpu.memory_space<vmem>> -> memref<64xi32, #tpu.memory_space<vmem>>
    %dma_wait3A_117 = arith.constant 0 : i32
    %dma_wait3A_118 = arith.constant 0 : i32
    %dma_wait3A_119 = tpu.memref_slice %arg11[%dma_wait3A_117, %dma_wait3A_118] : memref<10240x128xf32, #tpu.memory_space<vmem_shared>> -> memref<10240x128xf32, #tpu.memory_space<vmem_shared>>
    tpu.wait_indirect_dma semaphore(%arg16 : memref<!tpu.dma_semaphore, #tpu.memory_space<semaphore_mem>>) src(%arg7 : memref<64x128xf32, #tpu.memory_space<vmem>>) dst(%dma_wait3A_119 : memref<10240x128xf32, #tpu.memory_space<vmem_shared>>)
    %dma_wait3A_120 = arith.constant 3 : i32
    %dma_wait3A_121 = arith.constant 0 : i32
    %dma_wait3A_122 = tpu.memref_slice %arg6[%dma_wait3A_120, %dma_wait3A_121] : memref<8x64xi32, #tpu.memory_space<vmem>> -> memref<1x64xi32, #tpu.memory_space<vmem>>
    %dma_wait3A_123 = tpu.memref_squeeze %dma_wait3A_122 : memref<1x64xi32, #tpu.memory_space<vmem>> -> memref<64xi32, #tpu.memory_space<vmem>>
    %dma_wait3A_124 = arith.constant 0 : i32
    %dma_wait3A_125 = arith.constant 0 : i32
    %dma_wait3A_126 = tpu.memref_slice %arg11[%dma_wait3A_124, %dma_wait3A_125] : memref<10240x128xf32, #tpu.memory_space<vmem_shared>> -> memref<10240x128xf32, #tpu.memory_space<vmem_shared>>
    tpu.wait_indirect_dma semaphore(%arg17 : memref<!tpu.dma_semaphore, #tpu.memory_space<semaphore_mem>>) src(%arg8 : memref<64x128xf32, #tpu.memory_space<vmem>>) dst(%dma_wait3A_126 : memref<10240x128xf32, #tpu.memory_space<vmem_shared>>)
    %dma_wait3A_127 = arith.constant 5 : i32
    %dma_wait3A_128 = arith.constant 0 : i32
    %dma_wait3A_129 = tpu.memref_slice %arg6[%dma_wait3A_127, %dma_wait3A_128] : memref<8x64xi32, #tpu.memory_space<vmem>> -> memref<1x64xi32, #tpu.memory_space<vmem>>
    %dma_wait3A_130 = tpu.memref_squeeze %dma_wait3A_129 : memref<1x64xi32, #tpu.memory_space<vmem>> -> memref<64xi32, #tpu.memory_space<vmem>>
    %dma_wait3A_131 = arith.constant 0 : i32
    %dma_wait3A_132 = arith.constant 0 : i32
    %dma_wait3A_133 = tpu.memref_slice %arg11[%dma_wait3A_131, %dma_wait3A_132] : memref<10240x128xf32, #tpu.memory_space<vmem_shared>> -> memref<10240x128xf32, #tpu.memory_space<vmem_shared>>
    tpu.wait_indirect_dma semaphore(%arg18 : memref<!tpu.dma_semaphore, #tpu.memory_space<semaphore_mem>>) src(%arg9 : memref<64x128xf32, #tpu.memory_space<vmem>>) dst(%dma_wait3A_133 : memref<10240x128xf32, #tpu.memory_space<vmem_shared>>)
    %dma_wait3A_134 = arith.constant 7 : i32
    %dma_wait3A_135 = arith.constant 0 : i32
    %dma_wait3A_136 = tpu.memref_slice %arg6[%dma_wait3A_134, %dma_wait3A_135] : memref<8x64xi32, #tpu.memory_space<vmem>> -> memref<1x64xi32, #tpu.memory_space<vmem>>
    %dma_wait3A_137 = tpu.memref_squeeze %dma_wait3A_136 : memref<1x64xi32, #tpu.memory_space<vmem>> -> memref<64xi32, #tpu.memory_space<vmem>>
    %dma_wait3A_138 = arith.constant 0 : i32
    %dma_wait3A_139 = arith.constant 0 : i32
    %dma_wait3A_140 = tpu.memref_slice %arg11[%dma_wait3A_138, %dma_wait3A_139] : memref<10240x128xf32, #tpu.memory_space<vmem_shared>> -> memref<10240x128xf32, #tpu.memory_space<vmem_shared>>
    tpu.wait_indirect_dma semaphore(%arg19 : memref<!tpu.dma_semaphore, #tpu.memory_space<semaphore_mem>>) src(%arg10 : memref<64x128xf32, #tpu.memory_space<vmem>>) dst(%dma_wait3A_140 : memref<10240x128xf32, #tpu.memory_space<vmem_shared>>)
    %lt3A = arith.constant 4 : i32
    %lt3A_141 = arith.cmpi slt, %add3A, %lt3A : i32
    %convert_element_type3A = arith.extui %lt3A_141 : i1 to i32
    %cond3A = arith.constant 0 : i32
    %cond3A_142 = arith.constant 1 : i32
    %cond3A_143 = arith.constant 2 : i32
    %cond3A_144 = arith.constant 3 : i32
    %cond3A_145 = arith.constant 0 : i32
    %cond3A_146 = arith.cmpi ne, %convert_element_type3A, %cond3A_145 : i32
    scf.if %cond3A_146 {
      %add3A_152 = arith.constant 156 : i32
      %add3A_153 = arith.addi %add3A_6, %add3A_152 : i32
      %add3A_154 = arith.constant 0 : i32
      %add3A_155 = arith.addi %add3A_153, %add3A_154 : i32
      "tpu.region"() ({
        %run_scoped3A = tpu.sem_alloc : memref<!tpu.dma_semaphore, #tpu.memory_space<semaphore_mem>>
        %dma_start3A_184 = arith.constant 0 : i32
        %dma_start3A_185 = arith.constant 0 : i32
        %dma_start3A_186 = tpu.memref_slice %arg6[%dma_start3A_184, %dma_start3A_185] : memref<8x64xi32, #tpu.memory_space<vmem>> -> memref<2x64xi32, #tpu.memory_space<vmem>>
        %dma_start3A_187 = arith.constant 0 : i32
        %dma_start3A_188 = arith.constant 0 : i32
        %dma_start3A_189 = tpu.memref_slice %arg3[%add3A_155, %dma_start3A_187, %dma_start3A_188] : memref<5000x2x64xi32, #tpu.memory_space<hbm>> -> memref<1x2x64xi32, #tpu.memory_space<hbm>>
        %dma_start3A_190 = tpu.memref_squeeze %dma_start3A_189 : memref<1x2x64xi32, #tpu.memory_space<hbm>> -> memref<2x64xi32, #tpu.memory_space<hbm>>
        %dma_start3A_191 = arith.constant 0 : i32
        %dma_start3A_192 = arith.constant 0 : i32
        %dma_start3A_193 = tpu.memref_slice %arg6[%dma_start3A_191, %dma_start3A_192] : memref<8x64xi32, #tpu.memory_space<vmem>> -> memref<2x64xi32, #tpu.memory_space<vmem>>
        %dma_start3A_194 = arith.constant 0 : i32
        %dma_start3A_195 = arith.constant 0 : i32
        %dma_start3A_196 = tpu.memref_slice %arg3[%add3A_155, %dma_start3A_194, %dma_start3A_195] : memref<5000x2x64xi32, #tpu.memory_space<hbm>> -> memref<1x2x64xi32, #tpu.memory_space<hbm>>
        %dma_start3A_197 = tpu.memref_squeeze %dma_start3A_196 : memref<1x2x64xi32, #tpu.memory_space<hbm>> -> memref<2x64xi32, #tpu.memory_space<hbm>>
        tpu.enqueue_dma source(%dma_start3A_197 : memref<2x64xi32, #tpu.memory_space<hbm>>) target(%dma_start3A_193 : memref<2x64xi32, #tpu.memory_space<vmem>>) target_semaphore(%run_scoped3A : memref<!tpu.dma_semaphore, #tpu.memory_space<semaphore_mem>>)
        %dma_wait3A_198 = arith.constant 0 : i32
        %dma_wait3A_199 = arith.constant 0 : i32
        %dma_wait3A_200 = tpu.memref_slice %arg6[%dma_wait3A_198, %dma_wait3A_199] : memref<8x64xi32, #tpu.memory_space<vmem>> -> memref<2x64xi32, #tpu.memory_space<vmem>>
        %dma_wait3A_201 = arith.constant 0 : i32
        %dma_wait3A_202 = arith.constant 0 : i32
        %dma_wait3A_203 = tpu.memref_slice %arg3[%add3A_155, %dma_wait3A_201, %dma_wait3A_202] : memref<5000x2x64xi32, #tpu.memory_space<hbm>> -> memref<1x2x64xi32, #tpu.memory_space<hbm>>
        %dma_wait3A_204 = tpu.memref_squeeze %dma_wait3A_203 : memref<1x2x64xi32, #tpu.memory_space<hbm>> -> memref<2x64xi32, #tpu.memory_space<hbm>>
        %dma_wait3A_205 = arith.constant 0 : i32
        %dma_wait3A_206 = arith.constant 0 : i32
        %dma_wait3A_207 = tpu.memref_slice %arg6[%dma_wait3A_205, %dma_wait3A_206] : memref<8x64xi32, #tpu.memory_space<vmem>> -> memref<2x64xi32, #tpu.memory_space<vmem>>
        %dma_wait3A_208 = arith.constant 0 : i32
        %dma_wait3A_209 = arith.constant 0 : i32
        %dma_wait3A_210 = tpu.memref_slice %arg3[%add3A_155, %dma_wait3A_208, %dma_wait3A_209] : memref<5000x2x64xi32, #tpu.memory_space<hbm>> -> memref<1x2x64xi32, #tpu.memory_space<hbm>>
        %dma_wait3A_211 = tpu.memref_squeeze %dma_wait3A_210 : memref<1x2x64xi32, #tpu.memory_space<hbm>> -> memref<2x64xi32, #tpu.memory_space<hbm>>
        tpu.wait_dma2 semaphore(%run_scoped3A : memref<!tpu.dma_semaphore, #tpu.memory_space<semaphore_mem>>) src(%dma_wait3A_211 : memref<2x64xi32, #tpu.memory_space<hbm>>) dst(%dma_wait3A_207 : memref<2x64xi32, #tpu.memory_space<vmem>>)
        tpu.yield
      }) : () -> ()
      %dma_start3A_156 = arith.constant 0 : i32
      %dma_start3A_157 = tpu.memref_slice %arg6[%cond3A, %dma_start3A_156] : memref<8x64xi32, #tpu.memory_space<vmem>> -> memref<1x64xi32, #tpu.memory_space<vmem>>
      %dma_start3A_158 = tpu.memref_squeeze %dma_start3A_157 : memref<1x64xi32, #tpu.memory_space<vmem>> -> memref<64xi32, #tpu.memory_space<vmem>>
      %dma_start3A_159 = arith.constant 0 : i32
      %dma_start3A_160 = arith.constant 0 : i32
      %dma_start3A_161 = tpu.memref_slice %arg2[%dma_start3A_159, %dma_start3A_160] : memref<10240x128xf32, #tpu.memory_space<hbm>> -> memref<10240x128xf32, #tpu.memory_space<hbm>>
      tpu.enqueue_indirect_dma source(%dma_start3A_161 : memref<10240x128xf32, #tpu.memory_space<hbm>>) target(%arg7 : memref<64x128xf32, #tpu.memory_space<vmem>>) offsets(%dma_start3A_158 : memref<64xi32, #tpu.memory_space<vmem>>) semaphore(%arg12 : memref<!tpu.dma_semaphore, #tpu.memory_space<semaphore_mem>>)
      %dma_wait3A_162 = arith.constant 0 : i32
      %dma_wait3A_163 = tpu.memref_slice %arg6[%cond3A, %dma_wait3A_162] : memref<8x64xi32, #tpu.memory_space<vmem>> -> memref<1x64xi32, #tpu.memory_space<vmem>>
      %dma_wait3A_164 = tpu.memref_squeeze %dma_wait3A_163 : memref<1x64xi32, #tpu.memory_space<vmem>> -> memref<64xi32, #tpu.memory_space<vmem>>
      %dma_wait3A_165 = arith.constant 0 : i32
      %dma_wait3A_166 = arith.constant 0 : i32
      %dma_wait3A_167 = tpu.memref_slice %arg2[%dma_wait3A_165, %dma_wait3A_166] : memref<10240x128xf32, #tpu.memory_space<hbm>> -> memref<10240x128xf32, #tpu.memory_space<hbm>>
      tpu.wait_indirect_dma semaphore(%arg12 : memref<!tpu.dma_semaphore, #tpu.memory_space<semaphore_mem>>) src(%dma_wait3A_167 : memref<10240x128xf32, #tpu.memory_space<hbm>>) dst(%arg7 : memref<64x128xf32, #tpu.memory_space<vmem>>)
      "tpu.region"() ({
        %run_scoped3A = tpu.sem_alloc : memref<!tpu.dma_semaphore, #tpu.memory_space<semaphore_mem>>
        %dma_start3A_184 = arith.constant 0 : i32
        %dma_start3A_185 = tpu.memref_slice %arg6[%cond3A_142, %dma_start3A_184] : memref<8x64xi32, #tpu.memory_space<vmem>> -> memref<1x64xi32, #tpu.memory_space<vmem>>
        %dma_start3A_186 = tpu.memref_squeeze %dma_start3A_185 : memref<1x64xi32, #tpu.memory_space<vmem>> -> memref<64xi32, #tpu.memory_space<vmem>>
        %dma_start3A_187 = arith.constant 0 : i32
        %dma_start3A_188 = arith.constant 0 : i32
        %dma_start3A_189 = tpu.memref_slice %arg11[%dma_start3A_187, %dma_start3A_188] : memref<10240x128xf32, #tpu.memory_space<vmem_shared>> -> memref<10240x128xf32, #tpu.memory_space<vmem_shared>>
        tpu.enqueue_indirect_dma source(%arg7 : memref<64x128xf32, #tpu.memory_space<vmem>>) target(%dma_start3A_189 : memref<10240x128xf32, #tpu.memory_space<vmem_shared>>) offsets(%dma_start3A_186 : memref<64xi32, #tpu.memory_space<vmem>>) semaphore(%run_scoped3A : memref<!tpu.dma_semaphore, #tpu.memory_space<semaphore_mem>>) {add = true}
        %dma_wait3A_190 = arith.constant 0 : i32
        %dma_wait3A_191 = tpu.memref_slice %arg6[%cond3A_142, %dma_wait3A_190] : memref<8x64xi32, #tpu.memory_space<vmem>> -> memref<1x64xi32, #tpu.memory_space<vmem>>
        %dma_wait3A_192 = tpu.memref_squeeze %dma_wait3A_191 : memref<1x64xi32, #tpu.memory_space<vmem>> -> memref<64xi32, #tpu.memory_space<vmem>>
        %dma_wait3A_193 = arith.constant 0 : i32
        %dma_wait3A_194 = arith.constant 0 : i32
        %dma_wait3A_195 = tpu.memref_slice %arg11[%dma_wait3A_193, %dma_wait3A_194] : memref<10240x128xf32, #tpu.memory_space<vmem_shared>> -> memref<10240x128xf32, #tpu.memory_space<vmem_shared>>
        tpu.wait_indirect_dma semaphore(%run_scoped3A : memref<!tpu.dma_semaphore, #tpu.memory_space<semaphore_mem>>) src(%arg7 : memref<64x128xf32, #tpu.memory_space<vmem>>) dst(%dma_wait3A_195 : memref<10240x128xf32, #tpu.memory_space<vmem_shared>>)
        tpu.yield
      }) : () -> ()
      %add3A_168 = arith.constant 156 : i32
      %add3A_169 = arith.addi %add3A_6, %add3A_168 : i32
      %add3A_170 = arith.constant 1 : i32
      %add3A_171 = arith.addi %add3A_169, %add3A_170 : i32
      "tpu.region"() ({
        %run_scoped3A = tpu.sem_alloc : memref<!tpu.dma_semaphore, #tpu.memory_space<semaphore_mem>>
        %dma_start3A_184 = arith.constant 2 : i32
        %dma_start3A_185 = arith.constant 0 : i32
        %dma_start3A_186 = tpu.memref_slice %arg6[%dma_start3A_184, %dma_start3A_185] : memref<8x64xi32, #tpu.memory_space<vmem>> -> memref<2x64xi32, #tpu.memory_space<vmem>>
        %dma_start3A_187 = arith.constant 0 : i32
        %dma_start3A_188 = arith.constant 0 : i32
        %dma_start3A_189 = tpu.memref_slice %arg3[%add3A_171, %dma_start3A_187, %dma_start3A_188] : memref<5000x2x64xi32, #tpu.memory_space<hbm>> -> memref<1x2x64xi32, #tpu.memory_space<hbm>>
        %dma_start3A_190 = tpu.memref_squeeze %dma_start3A_189 : memref<1x2x64xi32, #tpu.memory_space<hbm>> -> memref<2x64xi32, #tpu.memory_space<hbm>>
        %dma_start3A_191 = arith.constant 2 : i32
        %dma_start3A_192 = arith.constant 0 : i32
        %dma_start3A_193 = tpu.memref_slice %arg6[%dma_start3A_191, %dma_start3A_192] : memref<8x64xi32, #tpu.memory_space<vmem>> -> memref<2x64xi32, #tpu.memory_space<vmem>>
        %dma_start3A_194 = arith.constant 0 : i32
        %dma_start3A_195 = arith.constant 0 : i32
        %dma_start3A_196 = tpu.memref_slice %arg3[%add3A_171, %dma_start3A_194, %dma_start3A_195] : memref<5000x2x64xi32, #tpu.memory_space<hbm>> -> memref<1x2x64xi32, #tpu.memory_space<hbm>>
        %dma_start3A_197 = tpu.memref_squeeze %dma_start3A_196 : memref<1x2x64xi32, #tpu.memory_space<hbm>> -> memref<2x64xi32, #tpu.memory_space<hbm>>
        tpu.enqueue_dma source(%dma_start3A_197 : memref<2x64xi32, #tpu.memory_space<hbm>>) target(%dma_start3A_193 : memref<2x64xi32, #tpu.memory_space<vmem>>) target_semaphore(%run_scoped3A : memref<!tpu.dma_semaphore, #tpu.memory_space<semaphore_mem>>)
        %dma_wait3A_198 = arith.constant 2 : i32
        %dma_wait3A_199 = arith.constant 0 : i32
        %dma_wait3A_200 = tpu.memref_slice %arg6[%dma_wait3A_198, %dma_wait3A_199] : memref<8x64xi32, #tpu.memory_space<vmem>> -> memref<2x64xi32, #tpu.memory_space<vmem>>
        %dma_wait3A_201 = arith.constant 0 : i32
        %dma_wait3A_202 = arith.constant 0 : i32
        %dma_wait3A_203 = tpu.memref_slice %arg3[%add3A_171, %dma_wait3A_201, %dma_wait3A_202] : memref<5000x2x64xi32, #tpu.memory_space<hbm>> -> memref<1x2x64xi32, #tpu.memory_space<hbm>>
        %dma_wait3A_204 = tpu.memref_squeeze %dma_wait3A_203 : memref<1x2x64xi32, #tpu.memory_space<hbm>> -> memref<2x64xi32, #tpu.memory_space<hbm>>
        %dma_wait3A_205 = arith.constant 2 : i32
        %dma_wait3A_206 = arith.constant 0 : i32
        %dma_wait3A_207 = tpu.memref_slice %arg6[%dma_wait3A_205, %dma_wait3A_206] : memref<8x64xi32, #tpu.memory_space<vmem>> -> memref<2x64xi32, #tpu.memory_space<vmem>>
        %dma_wait3A_208 = arith.constant 0 : i32
        %dma_wait3A_209 = arith.constant 0 : i32
        %dma_wait3A_210 = tpu.memref_slice %arg3[%add3A_171, %dma_wait3A_208, %dma_wait3A_209] : memref<5000x2x64xi32, #tpu.memory_space<hbm>> -> memref<1x2x64xi32, #tpu.memory_space<hbm>>
        %dma_wait3A_211 = tpu.memref_squeeze %dma_wait3A_210 : memref<1x2x64xi32, #tpu.memory_space<hbm>> -> memref<2x64xi32, #tpu.memory_space<hbm>>
        tpu.wait_dma2 semaphore(%run_scoped3A : memref<!tpu.dma_semaphore, #tpu.memory_space<semaphore_mem>>) src(%dma_wait3A_211 : memref<2x64xi32, #tpu.memory_space<hbm>>) dst(%dma_wait3A_207 : memref<2x64xi32, #tpu.memory_space<vmem>>)
        tpu.yield
      }) : () -> ()
      %dma_start3A_172 = arith.constant 0 : i32
      %dma_start3A_173 = tpu.memref_slice %arg6[%cond3A_143, %dma_start3A_172] : memref<8x64xi32, #tpu.memory_space<vmem>> -> memref<1x64xi32, #tpu.memory_space<vmem>>
      %dma_start3A_174 = tpu.memref_squeeze %dma_start3A_173 : memref<1x64xi32, #tpu.memory_space<vmem>> -> memref<64xi32, #tpu.memory_space<vmem>>
      %dma_start3A_175 = arith.constant 0 : i32
      %dma_start3A_176 = arith.constant 0 : i32
      %dma_start3A_177 = tpu.memref_slice %arg2[%dma_start3A_175, %dma_start3A_176] : memref<10240x128xf32, #tpu.memory_space<hbm>> -> memref<10240x128xf32, #tpu.memory_space<hbm>>
      tpu.enqueue_indirect_dma source(%dma_start3A_177 : memref<10240x128xf32, #tpu.memory_space<hbm>>) target(%arg8 : memref<64x128xf32, #tpu.memory_space<vmem>>) offsets(%dma_start3A_174 : memref<64xi32, #tpu.memory_space<vmem>>) semaphore(%arg13 : memref<!tpu.dma_semaphore, #tpu.memory_space<semaphore_mem>>)
      %dma_wait3A_178 = arith.constant 0 : i32
      %dma_wait3A_179 = tpu.memref_slice %arg6[%cond3A_143, %dma_wait3A_178] : memref<8x64xi32, #tpu.memory_space<vmem>> -> memref<1x64xi32, #tpu.memory_space<vmem>>
      %dma_wait3A_180 = tpu.memref_squeeze %dma_wait3A_179 : memref<1x64xi32, #tpu.memory_space<vmem>> -> memref<64xi32, #tpu.memory_space<vmem>>
      %dma_wait3A_181 = arith.constant 0 : i32
      %dma_wait3A_182 = arith.constant 0 : i32
      %dma_wait3A_183 = tpu.memref_slice %arg2[%dma_wait3A_181, %dma_wait3A_182] : memref<10240x128xf32, #tpu.memory_space<hbm>> -> memref<10240x128xf32, #tpu.memory_space<hbm>>
      tpu.wait_indirect_dma semaphore(%arg13 : memref<!tpu.dma_semaphore, #tpu.memory_space<semaphore_mem>>) src(%dma_wait3A_183 : memref<10240x128xf32, #tpu.memory_space<hbm>>) dst(%arg8 : memref<64x128xf32, #tpu.memory_space<vmem>>)
      "tpu.region"() ({
        %run_scoped3A = tpu.sem_alloc : memref<!tpu.dma_semaphore, #tpu.memory_space<semaphore_mem>>
        %dma_start3A_184 = arith.constant 0 : i32
        %dma_start3A_185 = tpu.memref_slice %arg6[%cond3A_144, %dma_start3A_184] : memref<8x64xi32, #tpu.memory_space<vmem>> -> memref<1x64xi32, #tpu.memory_space<vmem>>
        %dma_start3A_186 = tpu.memref_squeeze %dma_start3A_185 : memref<1x64xi32, #tpu.memory_space<vmem>> -> memref<64xi32, #tpu.memory_space<vmem>>
        %dma_start3A_187 = arith.constant 0 : i32
        %dma_start3A_188 = arith.constant 0 : i32
        %dma_start3A_189 = tpu.memref_slice %arg11[%dma_start3A_187, %dma_start3A_188] : memref<10240x128xf32, #tpu.memory_space<vmem_shared>> -> memref<10240x128xf32, #tpu.memory_space<vmem_shared>>
        tpu.enqueue_indirect_dma source(%arg8 : memref<64x128xf32, #tpu.memory_space<vmem>>) target(%dma_start3A_189 : memref<10240x128xf32, #tpu.memory_space<vmem_shared>>) offsets(%dma_start3A_186 : memref<64xi32, #tpu.memory_space<vmem>>) semaphore(%run_scoped3A : memref<!tpu.dma_semaphore, #tpu.memory_space<semaphore_mem>>) {add = true}
        %dma_wait3A_190 = arith.constant 0 : i32
        %dma_wait3A_191 = tpu.memref_slice %arg6[%cond3A_144, %dma_wait3A_190] : memref<8x64xi32, #tpu.memory_space<vmem>> -> memref<1x64xi32, #tpu.memory_space<vmem>>
        %dma_wait3A_192 = tpu.memref_squeeze %dma_wait3A_191 : memref<1x64xi32, #tpu.memory_space<vmem>> -> memref<64xi32, #tpu.memory_space<vmem>>
        %dma_wait3A_193 = arith.constant 0 : i32
        %dma_wait3A_194 = arith.constant 0 : i32
        %dma_wait3A_195 = tpu.memref_slice %arg11[%dma_wait3A_193, %dma_wait3A_194] : memref<10240x128xf32, #tpu.memory_space<vmem_shared>> -> memref<10240x128xf32, #tpu.memory_space<vmem_shared>>
        tpu.wait_indirect_dma semaphore(%run_scoped3A : memref<!tpu.dma_semaphore, #tpu.memory_space<semaphore_mem>>) src(%arg8 : memref<64x128xf32, #tpu.memory_space<vmem>>) dst(%dma_wait3A_195 : memref<10240x128xf32, #tpu.memory_space<vmem_shared>>)
        tpu.yield
      }) : () -> ()
    } else {
    }
    %barrier3A_147 = arith.constant 0 : index
    tpu.barrier barrier_id(%barrier3A_147)
    %mul3A_148 = arith.constant 640 : i32
    %mul3A_149 = arith.muli %arg1, %mul3A_148 : i32
    %mul3A_150 = arith.constant 640 : i32
    %mul3A_151 = arith.muli %arg1, %mul3A_150 : i32
    "tpu.region"() ({
      %run_scoped3A = tpu.sem_alloc : memref<!tpu.dma_semaphore, #tpu.memory_space<semaphore_mem>>
      %dma_start3A_152 = arith.constant 0 : i32
      %dma_start3A_153 = tpu.memref_slice %arg5[%arg0, %mul3A_151, %dma_start3A_152] : memref<2x10240x128xf32, #tpu.memory_space<hbm>> -> memref<1x640x128xf32, #tpu.memory_space<hbm>>
      %dma_start3A_154 = tpu.memref_squeeze %dma_start3A_153 : memref<1x640x128xf32, #tpu.memory_space<hbm>> -> memref<640x128xf32, #tpu.memory_space<hbm>>
      %dma_start3A_155 = arith.constant 0 : i32
      %dma_start3A_156 = tpu.memref_slice %arg11[%mul3A_149, %dma_start3A_155] : memref<10240x128xf32, #tpu.memory_space<vmem_shared>> -> memref<640x128xf32, #tpu.memory_space<vmem_shared>>
      tpu.enqueue_dma source(%dma_start3A_156 : memref<640x128xf32, #tpu.memory_space<vmem_shared>>) target(%dma_start3A_154 : memref<640x128xf32, #tpu.memory_space<hbm>>) target_semaphore(%run_scoped3A : memref<!tpu.dma_semaphore, #tpu.memory_space<semaphore_mem>>)
      %dma_wait3A_157 = arith.constant 0 : i32
      %dma_wait3A_158 = tpu.memref_slice %arg5[%arg0, %mul3A_151, %dma_wait3A_157] : memref<2x10240x128xf32, #tpu.memory_space<hbm>> -> memref<1x640x128xf32, #tpu.memory_space<hbm>>
      %dma_wait3A_159 = tpu.memref_squeeze %dma_wait3A_158 : memref<1x640x128xf32, #tpu.memory_space<hbm>> -> memref<640x128xf32, #tpu.memory_space<hbm>>
      %dma_wait3A_160 = arith.constant 0 : i32
      %dma_wait3A_161 = tpu.memref_slice %arg11[%mul3A_149, %dma_wait3A_160] : memref<10240x128xf32, #tpu.memory_space<vmem_shared>> -> memref<640x128xf32, #tpu.memory_space<vmem_shared>>
      tpu.wait_dma2 semaphore(%run_scoped3A : memref<!tpu.dma_semaphore, #tpu.memory_space<semaphore_mem>>) src(%dma_wait3A_161 : memref<640x128xf32, #tpu.memory_space<vmem_shared>>) dst(%dma_wait3A_159 : memref<640x128xf32, #tpu.memory_space<hbm>>)
      tpu.yield
    }) : () -> ()
    return
  }
}

#map = affine_map<(d0, d1) -> (0, 0)>
#map1 = affine_map<(d0, d1) -> (0, 0, 0)>
module attributes {stable_mosaic.version = 14 : i64} {
  func.func @scat_kernel(%arg0: i32, %arg1: i32, %arg2: memref<10240x128xf32, #tpu.memory_space<hbm>>, %arg3: memref<5000x2x64xi32, #tpu.memory_space<hbm>>, %arg4: memref<10240x128xf32, #tpu.memory_space<hbm>>, %arg5: memref<2x10240x128xf32, #tpu.memory_space<hbm>>, %arg6: memref<8x64xi32, #tpu.memory_space<vmem>>, %arg7: memref<64x128xf32, #tpu.memory_space<vmem>>, %arg8: memref<64x128xf32, #tpu.memory_space<vmem>>, %arg9: memref<64x128xf32, #tpu.memory_space<vmem>>, %arg10: memref<64x128xf32, #tpu.memory_space<vmem>>, %arg11: memref<10240x128xf32, #tpu.memory_space<vmem_shared>>, %arg12: memref<!tpu.dma_semaphore, #tpu.memory_space<semaphore_mem>>, %arg13: memref<!tpu.dma_semaphore, #tpu.memory_space<semaphore_mem>>, %arg14: memref<!tpu.dma_semaphore, #tpu.memory_space<semaphore_mem>>, %arg15: memref<!tpu.dma_semaphore, #tpu.memory_space<semaphore_mem>>, %arg16: memref<!tpu.dma_semaphore, #tpu.memory_space<semaphore_mem>>, %arg17: memref<!tpu.dma_semaphore, #tpu.memory_space<semaphore_mem>>, %arg18: memref<!tpu.dma_semaphore, #tpu.memory_space<semaphore_mem>>, %arg19: memref<!tpu.dma_semaphore, #tpu.memory_space<semaphore_mem>>) attributes {dimension_semantics = [#tpu.dimension_semantics<core_parallel>, #tpu.dimension_semantics<subcore_parallel>], iteration_bounds = array<i64: 2, 16>, scalar_prefetch = 0 : i64, scratch_operands = 14 : i64, tpu.core_type = #tpu.core_type<sc_vector_subcore>, window_params = [{transform_indices = #map}, {transform_indices = #map1}, {transform_indices = #map}, {transform_indices = #map1}]} {
    %mul3A = arith.constant 2 : i32
    %mul3A_0 = arith.muli %arg1, %mul3A : i32
    %add3A = arith.addi %mul3A_0, %arg0 : i32
    %mul3A_1 = arith.constant 156 : i32
    %mul3A_2 = arith.muli %mul3A_1, %add3A : i32
    %min3A = arith.constant 4 : i32
    %min3A_3 = arith.minsi %add3A, %min3A : i32
    %mul3A_4 = arith.constant 2 : i32
    %mul3A_5 = arith.muli %mul3A_4, %min3A_3 : i32
    %add3A_6 = arith.addi %mul3A_2, %mul3A_5 : i32
    %add3A_7 = arith.constant 0 : i32
    %add3A_8 = arith.addi %add3A_6, %add3A_7 : i32
    "tpu.region"() ({
      %run_scoped3A = tpu.sem_alloc : memref<!tpu.dma_semaphore, #tpu.memory_space<semaphore_mem>>
      %dma_start3A_152 = arith.constant 0 : i32
      %dma_start3A_153 = arith.constant 0 : i32
      %dma_start3A_154 = tpu.memref_slice %arg6[%dma_start3A_152, %dma_start3A_153] : memref<8x64xi32, #tpu.memory_space<vmem>> -> memref<2x64xi32, #tpu.memory_space<vmem>>
      %dma_start3A_155 = arith.constant 0 : i32
      %dma_start3A_156 = arith.constant 0 : i32
      %dma_start3A_157 = tpu.memref_slice %arg3[%add3A_8, %dma_start3A_155, %dma_start3A_156] : memref<5000x2x64xi32, #tpu.memory_space<hbm>> -> memref<1x2x64xi32, #tpu.memory_space<hbm>>
      %dma_start3A_158 = tpu.memref_squeeze %dma_start3A_157 : memref<1x2x64xi32, #tpu.memory_space<hbm>> -> memref<2x64xi32, #tpu.memory_space<hbm>>
      %dma_start3A_159 = arith.constant 0 : i32
      %dma_start3A_160 = arith.constant 0 : i32
      %dma_start3A_161 = tpu.memref_slice %arg6[%dma_start3A_159, %dma_start3A_160] : memref<8x64xi32, #tpu.memory_space<vmem>> -> memref<2x64xi32, #tpu.memory_space<vmem>>
      %dma_start3A_162 = arith.constant 0 : i32
      %dma_start3A_163 = arith.constant 0 : i32
      %dma_start3A_164 = tpu.memref_slice %arg3[%add3A_8, %dma_start3A_162, %dma_start3A_163] : memref<5000x2x64xi32, #tpu.memory_space<hbm>> -> memref<1x2x64xi32, #tpu.memory_space<hbm>>
      %dma_start3A_165 = tpu.memref_squeeze %dma_start3A_164 : memref<1x2x64xi32, #tpu.memory_space<hbm>> -> memref<2x64xi32, #tpu.memory_space<hbm>>
      tpu.enqueue_dma source(%dma_start3A_165 : memref<2x64xi32, #tpu.memory_space<hbm>>) target(%dma_start3A_161 : memref<2x64xi32, #tpu.memory_space<vmem>>) target_semaphore(%run_scoped3A : memref<!tpu.dma_semaphore, #tpu.memory_space<semaphore_mem>>)
      %dma_wait3A_166 = arith.constant 0 : i32
      %dma_wait3A_167 = arith.constant 0 : i32
      %dma_wait3A_168 = tpu.memref_slice %arg6[%dma_wait3A_166, %dma_wait3A_167] : memref<8x64xi32, #tpu.memory_space<vmem>> -> memref<2x64xi32, #tpu.memory_space<vmem>>
      %dma_wait3A_169 = arith.constant 0 : i32
      %dma_wait3A_170 = arith.constant 0 : i32
      %dma_wait3A_171 = tpu.memref_slice %arg3[%add3A_8, %dma_wait3A_169, %dma_wait3A_170] : memref<5000x2x64xi32, #tpu.memory_space<hbm>> -> memref<1x2x64xi32, #tpu.memory_space<hbm>>
      %dma_wait3A_172 = tpu.memref_squeeze %dma_wait3A_171 : memref<1x2x64xi32, #tpu.memory_space<hbm>> -> memref<2x64xi32, #tpu.memory_space<hbm>>
      %dma_wait3A_173 = arith.constant 0 : i32
      %dma_wait3A_174 = arith.constant 0 : i32
      %dma_wait3A_175 = tpu.memref_slice %arg6[%dma_wait3A_173, %dma_wait3A_174] : memref<8x64xi32, #tpu.memory_space<vmem>> -> memref<2x64xi32, #tpu.memory_space<vmem>>
      %dma_wait3A_176 = arith.constant 0 : i32
      %dma_wait3A_177 = arith.constant 0 : i32
      %dma_wait3A_178 = tpu.memref_slice %arg3[%add3A_8, %dma_wait3A_176, %dma_wait3A_177] : memref<5000x2x64xi32, #tpu.memory_space<hbm>> -> memref<1x2x64xi32, #tpu.memory_space<hbm>>
      %dma_wait3A_179 = tpu.memref_squeeze %dma_wait3A_178 : memref<1x2x64xi32, #tpu.memory_space<hbm>> -> memref<2x64xi32, #tpu.memory_space<hbm>>
      tpu.wait_dma2 semaphore(%run_scoped3A : memref<!tpu.dma_semaphore, #tpu.memory_space<semaphore_mem>>) src(%dma_wait3A_179 : memref<2x64xi32, #tpu.memory_space<hbm>>) dst(%dma_wait3A_175 : memref<2x64xi32, #tpu.memory_space<vmem>>)
      tpu.yield
    }) : () -> ()
    %dma_start3A = arith.constant 0 : i32
    %dma_start3A_9 = arith.constant 0 : i32
    %dma_start3A_10 = tpu.memref_slice %arg6[%dma_start3A, %dma_start3A_9] : memref<8x64xi32, #tpu.memory_space<vmem>> -> memref<1x64xi32, #tpu.memory_space<vmem>>
    %dma_start3A_11 = tpu.memref_squeeze %dma_start3A_10 : memref<1x64xi32, #tpu.memory_space<vmem>> -> memref<64xi32, #tpu.memory_space<vmem>>
    %dma_start3A_12 = arith.constant 0 : i32
    %dma_start3A_13 = arith.constant 0 : i32
    %dma_start3A_14 = tpu.memref_slice %arg2[%dma_start3A_12, %dma_start3A_13] : memref<10240x128xf32, #tpu.memory_space<hbm>> -> memref<10240x128xf32, #tpu.memory_space<hbm>>
    tpu.enqueue_indirect_dma source(%dma_start3A_14 : memref<10240x128xf32, #tpu.memory_space<hbm>>) target(%arg7 : memref<64x128xf32, #tpu.memory_space<vmem>>) offsets(%dma_start3A_11 : memref<64xi32, #tpu.memory_space<vmem>>) semaphore(%arg12 : memref<!tpu.dma_semaphore, #tpu.memory_space<semaphore_mem>>)
    %add3A_15 = arith.constant 1 : i32
    %add3A_16 = arith.addi %add3A_6, %add3A_15 : i32
    "tpu.region"() ({
      %run_scoped3A = tpu.sem_alloc : memref<!tpu.dma_semaphore, #tpu.memory_space<semaphore_mem>>
      %dma_start3A_152 = arith.constant 2 : i32
      %dma_start3A_153 = arith.constant 0 : i32
      %dma_start3A_154 = tpu.memref_slice %arg6[%dma_start3A_152, %dma_start3A_153] : memref<8x64xi32, #tpu.memory_space<vmem>> -> memref<2x64xi32, #tpu.memory_space<vmem>>
      %dma_start3A_155 = arith.constant 0 : i32
      %dma_start3A_156 = arith.constant 0 : i32
      %dma_start3A_157 = tpu.memref_slice %arg3[%add3A_16, %dma_start3A_155, %dma_start3A_156] : memref<5000x2x64xi32, #tpu.memory_space<hbm>> -> memref<1x2x64xi32, #tpu.memory_space<hbm>>
      %dma_start3A_158 = tpu.memref_squeeze %dma_start3A_157 : memref<1x2x64xi32, #tpu.memory_space<hbm>> -> memref<2x64xi32, #tpu.memory_space<hbm>>
      %dma_start3A_159 = arith.constant 2 : i32
      %dma_start3A_160 = arith.constant 0 : i32
      %dma_start3A_161 = tpu.memref_slice %arg6[%dma_start3A_159, %dma_start3A_160] : memref<8x64xi32, #tpu.memory_space<vmem>> -> memref<2x64xi32, #tpu.memory_space<vmem>>
      %dma_start3A_162 = arith.constant 0 : i32
      %dma_start3A_163 = arith.constant 0 : i32
      %dma_start3A_164 = tpu.memref_slice %arg3[%add3A_16, %dma_start3A_162, %dma_start3A_163] : memref<5000x2x64xi32, #tpu.memory_space<hbm>> -> memref<1x2x64xi32, #tpu.memory_space<hbm>>
      %dma_start3A_165 = tpu.memref_squeeze %dma_start3A_164 : memref<1x2x64xi32, #tpu.memory_space<hbm>> -> memref<2x64xi32, #tpu.memory_space<hbm>>
      tpu.enqueue_dma source(%dma_start3A_165 : memref<2x64xi32, #tpu.memory_space<hbm>>) target(%dma_start3A_161 : memref<2x64xi32, #tpu.memory_space<vmem>>) target_semaphore(%run_scoped3A : memref<!tpu.dma_semaphore, #tpu.memory_space<semaphore_mem>>)
      %dma_wait3A_166 = arith.constant 2 : i32
      %dma_wait3A_167 = arith.constant 0 : i32
      %dma_wait3A_168 = tpu.memref_slice %arg6[%dma_wait3A_166, %dma_wait3A_167] : memref<8x64xi32, #tpu.memory_space<vmem>> -> memref<2x64xi32, #tpu.memory_space<vmem>>
      %dma_wait3A_169 = arith.constant 0 : i32
      %dma_wait3A_170 = arith.constant 0 : i32
      %dma_wait3A_171 = tpu.memref_slice %arg3[%add3A_16, %dma_wait3A_169, %dma_wait3A_170] : memref<5000x2x64xi32, #tpu.memory_space<hbm>> -> memref<1x2x64xi32, #tpu.memory_space<hbm>>
      %dma_wait3A_172 = tpu.memref_squeeze %dma_wait3A_171 : memref<1x2x64xi32, #tpu.memory_space<hbm>> -> memref<2x64xi32, #tpu.memory_space<hbm>>
      %dma_wait3A_173 = arith.constant 2 : i32
      %dma_wait3A_174 = arith.constant 0 : i32
      %dma_wait3A_175 = tpu.memref_slice %arg6[%dma_wait3A_173, %dma_wait3A_174] : memref<8x64xi32, #tpu.memory_space<vmem>> -> memref<2x64xi32, #tpu.memory_space<vmem>>
      %dma_wait3A_176 = arith.constant 0 : i32
      %dma_wait3A_177 = arith.constant 0 : i32
      %dma_wait3A_178 = tpu.memref_slice %arg3[%add3A_16, %dma_wait3A_176, %dma_wait3A_177] : memref<5000x2x64xi32, #tpu.memory_space<hbm>> -> memref<1x2x64xi32, #tpu.memory_space<hbm>>
      %dma_wait3A_179 = tpu.memref_squeeze %dma_wait3A_178 : memref<1x2x64xi32, #tpu.memory_space<hbm>> -> memref<2x64xi32, #tpu.memory_space<hbm>>
      tpu.wait_dma2 semaphore(%run_scoped3A : memref<!tpu.dma_semaphore, #tpu.memory_space<semaphore_mem>>) src(%dma_wait3A_179 : memref<2x64xi32, #tpu.memory_space<hbm>>) dst(%dma_wait3A_175 : memref<2x64xi32, #tpu.memory_space<vmem>>)
      tpu.yield
    }) : () -> ()
    %dma_start3A_17 = arith.constant 2 : i32
    %dma_start3A_18 = arith.constant 0 : i32
    %dma_start3A_19 = tpu.memref_slice %arg6[%dma_start3A_17, %dma_start3A_18] : memref<8x64xi32, #tpu.memory_space<vmem>> -> memref<1x64xi32, #tpu.memory_space<vmem>>
    %dma_start3A_20 = tpu.memref_squeeze %dma_start3A_19 : memref<1x64xi32, #tpu.memory_space<vmem>> -> memref<64xi32, #tpu.memory_space<vmem>>
    %dma_start3A_21 = arith.constant 0 : i32
    %dma_start3A_22 = arith.constant 0 : i32
    %dma_start3A_23 = tpu.memref_slice %arg2[%dma_start3A_21, %dma_start3A_22] : memref<10240x128xf32, #tpu.memory_space<hbm>> -> memref<10240x128xf32, #tpu.memory_space<hbm>>
    tpu.enqueue_indirect_dma source(%dma_start3A_23 : memref<10240x128xf32, #tpu.memory_space<hbm>>) target(%arg8 : memref<64x128xf32, #tpu.memory_space<vmem>>) offsets(%dma_start3A_20 : memref<64xi32, #tpu.memory_space<vmem>>) semaphore(%arg13 : memref<!tpu.dma_semaphore, #tpu.memory_space<semaphore_mem>>)
    %mul3A_24 = arith.constant 640 : i32
    %mul3A_25 = arith.muli %arg1, %mul3A_24 : i32
    %mul3A_26 = arith.constant 640 : i32
    %mul3A_27 = arith.muli %arg1, %mul3A_26 : i32
    "tpu.region"() ({
      %run_scoped3A = tpu.sem_alloc : memref<!tpu.dma_semaphore, #tpu.memory_space<semaphore_mem>>
      %dma_start3A_152 = arith.constant 0 : i32
      %dma_start3A_153 = tpu.memref_slice %arg11[%mul3A_27, %dma_start3A_152] : memref<10240x128xf32, #tpu.memory_space<vmem_shared>> -> memref<640x128xf32, #tpu.memory_space<vmem_shared>>
      %dma_start3A_154 = arith.constant 0 : i32
      %dma_start3A_155 = tpu.memref_slice %arg4[%mul3A_25, %dma_start3A_154] : memref<10240x128xf32, #tpu.memory_space<hbm>> -> memref<640x128xf32, #tpu.memory_space<hbm>>
      tpu.enqueue_dma source(%dma_start3A_155 : memref<640x128xf32, #tpu.memory_space<hbm>>) target(%dma_start3A_153 : memref<640x128xf32, #tpu.memory_space<vmem_shared>>) target_semaphore(%run_scoped3A : memref<!tpu.dma_semaphore, #tpu.memory_space<semaphore_mem>>)
      %dma_wait3A_156 = arith.constant 0 : i32
      %dma_wait3A_157 = tpu.memref_slice %arg11[%mul3A_27, %dma_wait3A_156] : memref<10240x128xf32, #tpu.memory_space<vmem_shared>> -> memref<640x128xf32, #tpu.memory_space<vmem_shared>>
      %dma_wait3A_158 = arith.constant 0 : i32
      %dma_wait3A_159 = tpu.memref_slice %arg4[%mul3A_25, %dma_wait3A_158] : memref<10240x128xf32, #tpu.memory_space<hbm>> -> memref<640x128xf32, #tpu.memory_space<hbm>>
      tpu.wait_dma2 semaphore(%run_scoped3A : memref<!tpu.dma_semaphore, #tpu.memory_space<semaphore_mem>>) src(%dma_wait3A_159 : memref<640x128xf32, #tpu.memory_space<hbm>>) dst(%dma_wait3A_157 : memref<640x128xf32, #tpu.memory_space<vmem_shared>>)
      tpu.yield
    }) : () -> ()
    %barrier3A = arith.constant 0 : index
    tpu.barrier barrier_id(%barrier3A)
    %add3A_28 = arith.constant 2 : i32
    %add3A_29 = arith.addi %add3A_6, %add3A_28 : i32
    "tpu.region"() ({
      %run_scoped3A = tpu.sem_alloc : memref<!tpu.dma_semaphore, #tpu.memory_space<semaphore_mem>>
      %dma_start3A_152 = arith.constant 4 : i32
      %dma_start3A_153 = arith.constant 0 : i32
      %dma_start3A_154 = tpu.memref_slice %arg6[%dma_start3A_152, %dma_start3A_153] : memref<8x64xi32, #tpu.memory_space<vmem>> -> memref<2x64xi32, #tpu.memory_space<vmem>>
      %dma_start3A_155 = arith.constant 0 : i32
      %dma_start3A_156 = arith.constant 0 : i32
      %dma_start3A_157 = tpu.memref_slice %arg3[%add3A_29, %dma_start3A_155, %dma_start3A_156] : memref<5000x2x64xi32, #tpu.memory_space<hbm>> -> memref<1x2x64xi32, #tpu.memory_space<hbm>>
      %dma_start3A_158 = tpu.memref_squeeze %dma_start3A_157 : memref<1x2x64xi32, #tpu.memory_space<hbm>> -> memref<2x64xi32, #tpu.memory_space<hbm>>
      %dma_start3A_159 = arith.constant 4 : i32
      %dma_start3A_160 = arith.constant 0 : i32
      %dma_start3A_161 = tpu.memref_slice %arg6[%dma_start3A_159, %dma_start3A_160] : memref<8x64xi32, #tpu.memory_space<vmem>> -> memref<2x64xi32, #tpu.memory_space<vmem>>
      %dma_start3A_162 = arith.constant 0 : i32
      %dma_start3A_163 = arith.constant 0 : i32
      %dma_start3A_164 = tpu.memref_slice %arg3[%add3A_29, %dma_start3A_162, %dma_start3A_163] : memref<5000x2x64xi32, #tpu.memory_space<hbm>> -> memref<1x2x64xi32, #tpu.memory_space<hbm>>
      %dma_start3A_165 = tpu.memref_squeeze %dma_start3A_164 : memref<1x2x64xi32, #tpu.memory_space<hbm>> -> memref<2x64xi32, #tpu.memory_space<hbm>>
      tpu.enqueue_dma source(%dma_start3A_165 : memref<2x64xi32, #tpu.memory_space<hbm>>) target(%dma_start3A_161 : memref<2x64xi32, #tpu.memory_space<vmem>>) target_semaphore(%run_scoped3A : memref<!tpu.dma_semaphore, #tpu.memory_space<semaphore_mem>>)
      %dma_wait3A_166 = arith.constant 4 : i32
      %dma_wait3A_167 = arith.constant 0 : i32
      %dma_wait3A_168 = tpu.memref_slice %arg6[%dma_wait3A_166, %dma_wait3A_167] : memref<8x64xi32, #tpu.memory_space<vmem>> -> memref<2x64xi32, #tpu.memory_space<vmem>>
      %dma_wait3A_169 = arith.constant 0 : i32
      %dma_wait3A_170 = arith.constant 0 : i32
      %dma_wait3A_171 = tpu.memref_slice %arg3[%add3A_29, %dma_wait3A_169, %dma_wait3A_170] : memref<5000x2x64xi32, #tpu.memory_space<hbm>> -> memref<1x2x64xi32, #tpu.memory_space<hbm>>
      %dma_wait3A_172 = tpu.memref_squeeze %dma_wait3A_171 : memref<1x2x64xi32, #tpu.memory_space<hbm>> -> memref<2x64xi32, #tpu.memory_space<hbm>>
      %dma_wait3A_173 = arith.constant 4 : i32
      %dma_wait3A_174 = arith.constant 0 : i32
      %dma_wait3A_175 = tpu.memref_slice %arg6[%dma_wait3A_173, %dma_wait3A_174] : memref<8x64xi32, #tpu.memory_space<vmem>> -> memref<2x64xi32, #tpu.memory_space<vmem>>
      %dma_wait3A_176 = arith.constant 0 : i32
      %dma_wait3A_177 = arith.constant 0 : i32
      %dma_wait3A_178 = tpu.memref_slice %arg3[%add3A_29, %dma_wait3A_176, %dma_wait3A_177] : memref<5000x2x64xi32, #tpu.memory_space<hbm>> -> memref<1x2x64xi32, #tpu.memory_space<hbm>>
      %dma_wait3A_179 = tpu.memref_squeeze %dma_wait3A_178 : memref<1x2x64xi32, #tpu.memory_space<hbm>> -> memref<2x64xi32, #tpu.memory_space<hbm>>
      tpu.wait_dma2 semaphore(%run_scoped3A : memref<!tpu.dma_semaphore, #tpu.memory_space<semaphore_mem>>) src(%dma_wait3A_179 : memref<2x64xi32, #tpu.memory_space<hbm>>) dst(%dma_wait3A_175 : memref<2x64xi32, #tpu.memory_space<vmem>>)
      tpu.yield
    }) : () -> ()
    %dma_start3A_30 = arith.constant 4 : i32
    %dma_start3A_31 = arith.constant 0 : i32
    %dma_start3A_32 = tpu.memref_slice %arg6[%dma_start3A_30, %dma_start3A_31] : memref<8x64xi32, #tpu.memory_space<vmem>> -> memref<1x64xi32, #tpu.memory_space<vmem>>
    %dma_start3A_33 = tpu.memref_squeeze %dma_start3A_32 : memref<1x64xi32, #tpu.memory_space<vmem>> -> memref<64xi32, #tpu.memory_space<vmem>>
    %dma_start3A_34 = arith.constant 0 : i32
    %dma_start3A_35 = arith.constant 0 : i32
    %dma_start3A_36 = tpu.memref_slice %arg2[%dma_start3A_34, %dma_start3A_35] : memref<10240x128xf32, #tpu.memory_space<hbm>> -> memref<10240x128xf32, #tpu.memory_space<hbm>>
    tpu.enqueue_indirect_dma source(%dma_start3A_36 : memref<10240x128xf32, #tpu.memory_space<hbm>>) target(%arg9 : memref<64x128xf32, #tpu.memory_space<vmem>>) offsets(%dma_start3A_33 : memref<64xi32, #tpu.memory_space<vmem>>) semaphore(%arg14 : memref<!tpu.dma_semaphore, #tpu.memory_space<semaphore_mem>>)
    %dma_wait3A = arith.constant 0 : i32
    %dma_wait3A_37 = arith.constant 0 : i32
    %dma_wait3A_38 = tpu.memref_slice %arg6[%dma_wait3A, %dma_wait3A_37] : memref<8x64xi32, #tpu.memory_space<vmem>> -> memref<1x64xi32, #tpu.memory_space<vmem>>
    %dma_wait3A_39 = tpu.memref_squeeze %dma_wait3A_38 : memref<1x64xi32, #tpu.memory_space<vmem>> -> memref<64xi32, #tpu.memory_space<vmem>>
    %dma_wait3A_40 = arith.constant 0 : i32
    %dma_wait3A_41 = arith.constant 0 : i32
    %dma_wait3A_42 = tpu.memref_slice %arg2[%dma_wait3A_40, %dma_wait3A_41] : memref<10240x128xf32, #tpu.memory_space<hbm>> -> memref<10240x128xf32, #tpu.memory_space<hbm>>
    tpu.wait_indirect_dma semaphore(%arg12 : memref<!tpu.dma_semaphore, #tpu.memory_space<semaphore_mem>>) src(%dma_wait3A_42 : memref<10240x128xf32, #tpu.memory_space<hbm>>) dst(%arg7 : memref<64x128xf32, #tpu.memory_space<vmem>>)
    %dma_start3A_43 = arith.constant 1 : i32
    %dma_start3A_44 = arith.constant 0 : i32
    %dma_start3A_45 = tpu.memref_slice %arg6[%dma_start3A_43, %dma_start3A_44] : memref<8x64xi32, #tpu.memory_space<vmem>> -> memref<1x64xi32, #tpu.memory_space<vmem>>
    %dma_start3A_46 = tpu.memref_squeeze %dma_start3A_45 : memref<1x64xi32, #tpu.memory_space<vmem>> -> memref<64xi32, #tpu.memory_space<vmem>>
    %dma_start3A_47 = arith.constant 0 : i32
    %dma_start3A_48 = arith.constant 0 : i32
    %dma_start3A_49 = tpu.memref_slice %arg11[%dma_start3A_47, %dma_start3A_48] : memref<10240x128xf32, #tpu.memory_space<vmem_shared>> -> memref<10240x128xf32, #tpu.memory_space<vmem_shared>>
    tpu.enqueue_indirect_dma source(%arg7 : memref<64x128xf32, #tpu.memory_space<vmem>>) target(%dma_start3A_49 : memref<10240x128xf32, #tpu.memory_space<vmem_shared>>) offsets(%dma_start3A_46 : memref<64xi32, #tpu.memory_space<vmem>>) semaphore(%arg16 : memref<!tpu.dma_semaphore, #tpu.memory_space<semaphore_mem>>) {add = true}
    %add3A_50 = arith.constant 3 : i32
    %add3A_51 = arith.addi %add3A_6, %add3A_50 : i32
    "tpu.region"() ({
      %run_scoped3A = tpu.sem_alloc : memref<!tpu.dma_semaphore, #tpu.memory_space<semaphore_mem>>
      %dma_start3A_152 = arith.constant 6 : i32
      %dma_start3A_153 = arith.constant 0 : i32
      %dma_start3A_154 = tpu.memref_slice %arg6[%dma_start3A_152, %dma_start3A_153] : memref<8x64xi32, #tpu.memory_space<vmem>> -> memref<2x64xi32, #tpu.memory_space<vmem>>
      %dma_start3A_155 = arith.constant 0 : i32
      %dma_start3A_156 = arith.constant 0 : i32
      %dma_start3A_157 = tpu.memref_slice %arg3[%add3A_51, %dma_start3A_155, %dma_start3A_156] : memref<5000x2x64xi32, #tpu.memory_space<hbm>> -> memref<1x2x64xi32, #tpu.memory_space<hbm>>
      %dma_start3A_158 = tpu.memref_squeeze %dma_start3A_157 : memref<1x2x64xi32, #tpu.memory_space<hbm>> -> memref<2x64xi32, #tpu.memory_space<hbm>>
      %dma_start3A_159 = arith.constant 6 : i32
      %dma_start3A_160 = arith.constant 0 : i32
      %dma_start3A_161 = tpu.memref_slice %arg6[%dma_start3A_159, %dma_start3A_160] : memref<8x64xi32, #tpu.memory_space<vmem>> -> memref<2x64xi32, #tpu.memory_space<vmem>>
      %dma_start3A_162 = arith.constant 0 : i32
      %dma_start3A_163 = arith.constant 0 : i32
      %dma_start3A_164 = tpu.memref_slice %arg3[%add3A_51, %dma_start3A_162, %dma_start3A_163] : memref<5000x2x64xi32, #tpu.memory_space<hbm>> -> memref<1x2x64xi32, #tpu.memory_space<hbm>>
      %dma_start3A_165 = tpu.memref_squeeze %dma_start3A_164 : memref<1x2x64xi32, #tpu.memory_space<hbm>> -> memref<2x64xi32, #tpu.memory_space<hbm>>
      tpu.enqueue_dma source(%dma_start3A_165 : memref<2x64xi32, #tpu.memory_space<hbm>>) target(%dma_start3A_161 : memref<2x64xi32, #tpu.memory_space<vmem>>) target_semaphore(%run_scoped3A : memref<!tpu.dma_semaphore, #tpu.memory_space<semaphore_mem>>)
      %dma_wait3A_166 = arith.constant 6 : i32
      %dma_wait3A_167 = arith.constant 0 : i32
      %dma_wait3A_168 = tpu.memref_slice %arg6[%dma_wait3A_166, %dma_wait3A_167] : memref<8x64xi32, #tpu.memory_space<vmem>> -> memref<2x64xi32, #tpu.memory_space<vmem>>
      %dma_wait3A_169 = arith.constant 0 : i32
      %dma_wait3A_170 = arith.constant 0 : i32
      %dma_wait3A_171 = tpu.memref_slice %arg3[%add3A_51, %dma_wait3A_169, %dma_wait3A_170] : memref<5000x2x64xi32, #tpu.memory_space<hbm>> -> memref<1x2x64xi32, #tpu.memory_space<hbm>>
      %dma_wait3A_172 = tpu.memref_squeeze %dma_wait3A_171 : memref<1x2x64xi32, #tpu.memory_space<hbm>> -> memref<2x64xi32, #tpu.memory_space<hbm>>
      %dma_wait3A_173 = arith.constant 6 : i32
      %dma_wait3A_174 = arith.constant 0 : i32
      %dma_wait3A_175 = tpu.memref_slice %arg6[%dma_wait3A_173, %dma_wait3A_174] : memref<8x64xi32, #tpu.memory_space<vmem>> -> memref<2x64xi32, #tpu.memory_space<vmem>>
      %dma_wait3A_176 = arith.constant 0 : i32
      %dma_wait3A_177 = arith.constant 0 : i32
      %dma_wait3A_178 = tpu.memref_slice %arg3[%add3A_51, %dma_wait3A_176, %dma_wait3A_177] : memref<5000x2x64xi32, #tpu.memory_space<hbm>> -> memref<1x2x64xi32, #tpu.memory_space<hbm>>
      %dma_wait3A_179 = tpu.memref_squeeze %dma_wait3A_178 : memref<1x2x64xi32, #tpu.memory_space<hbm>> -> memref<2x64xi32, #tpu.memory_space<hbm>>
      tpu.wait_dma2 semaphore(%run_scoped3A : memref<!tpu.dma_semaphore, #tpu.memory_space<semaphore_mem>>) src(%dma_wait3A_179 : memref<2x64xi32, #tpu.memory_space<hbm>>) dst(%dma_wait3A_175 : memref<2x64xi32, #tpu.memory_space<vmem>>)
      tpu.yield
    }) : () -> ()
    %dma_start3A_52 = arith.constant 6 : i32
    %dma_start3A_53 = arith.constant 0 : i32
    %dma_start3A_54 = tpu.memref_slice %arg6[%dma_start3A_52, %dma_start3A_53] : memref<8x64xi32, #tpu.memory_space<vmem>> -> memref<1x64xi32, #tpu.memory_space<vmem>>
    %dma_start3A_55 = tpu.memref_squeeze %dma_start3A_54 : memref<1x64xi32, #tpu.memory_space<vmem>> -> memref<64xi32, #tpu.memory_space<vmem>>
    %dma_start3A_56 = arith.constant 0 : i32
    %dma_start3A_57 = arith.constant 0 : i32
    %dma_start3A_58 = tpu.memref_slice %arg2[%dma_start3A_56, %dma_start3A_57] : memref<10240x128xf32, #tpu.memory_space<hbm>> -> memref<10240x128xf32, #tpu.memory_space<hbm>>
    tpu.enqueue_indirect_dma source(%dma_start3A_58 : memref<10240x128xf32, #tpu.memory_space<hbm>>) target(%arg10 : memref<64x128xf32, #tpu.memory_space<vmem>>) offsets(%dma_start3A_55 : memref<64xi32, #tpu.memory_space<vmem>>) semaphore(%arg15 : memref<!tpu.dma_semaphore, #tpu.memory_space<semaphore_mem>>)
    %dma_wait3A_59 = arith.constant 2 : i32
    %dma_wait3A_60 = arith.constant 0 : i32
    %dma_wait3A_61 = tpu.memref_slice %arg6[%dma_wait3A_59, %dma_wait3A_60] : memref<8x64xi32, #tpu.memory_space<vmem>> -> memref<1x64xi32, #tpu.memory_space<vmem>>
    %dma_wait3A_62 = tpu.memref_squeeze %dma_wait3A_61 : memref<1x64xi32, #tpu.memory_space<vmem>> -> memref<64xi32, #tpu.memory_space<vmem>>
    %dma_wait3A_63 = arith.constant 0 : i32
    %dma_wait3A_64 = arith.constant 0 : i32
    %dma_wait3A_65 = tpu.memref_slice %arg2[%dma_wait3A_63, %dma_wait3A_64] : memref<10240x128xf32, #tpu.memory_space<hbm>> -> memref<10240x128xf32, #tpu.memory_space<hbm>>
    tpu.wait_indirect_dma semaphore(%arg13 : memref<!tpu.dma_semaphore, #tpu.memory_space<semaphore_mem>>) src(%dma_wait3A_65 : memref<10240x128xf32, #tpu.memory_space<hbm>>) dst(%arg8 : memref<64x128xf32, #tpu.memory_space<vmem>>)
    %dma_start3A_66 = arith.constant 3 : i32
    %dma_start3A_67 = arith.constant 0 : i32
    %dma_start3A_68 = tpu.memref_slice %arg6[%dma_start3A_66, %dma_start3A_67] : memref<8x64xi32, #tpu.memory_space<vmem>> -> memref<1x64xi32, #tpu.memory_space<vmem>>
    %dma_start3A_69 = tpu.memref_squeeze %dma_start3A_68 : memref<1x64xi32, #tpu.memory_space<vmem>> -> memref<64xi32, #tpu.memory_space<vmem>>
    %dma_start3A_70 = arith.constant 0 : i32
    %dma_start3A_71 = arith.constant 0 : i32
    %dma_start3A_72 = tpu.memref_slice %arg11[%dma_start3A_70, %dma_start3A_71] : memref<10240x128xf32, #tpu.memory_space<vmem_shared>> -> memref<10240x128xf32, #tpu.memory_space<vmem_shared>>
    tpu.enqueue_indirect_dma source(%arg8 : memref<64x128xf32, #tpu.memory_space<vmem>>) target(%dma_start3A_72 : memref<10240x128xf32, #tpu.memory_space<vmem_shared>>) offsets(%dma_start3A_69 : memref<64xi32, #tpu.memory_space<vmem>>) semaphore(%arg17 : memref<!tpu.dma_semaphore, #tpu.memory_space<semaphore_mem>>) {add = true}
    %scan3A = arith.constant 1 : i32
    %scan3A_73 = arith.constant 0 : i32
    %scan3A_74 = arith.constant 4 : i32
    %scan3A_75 = arith.constant 5 : i32
    %scan3A_76 = arith.constant 3 : i32
    %scan3A_77 = arith.constant 2 : i32
    %scan3A_78 = arith.constant 6 : i32
    %scan3A_79 = arith.constant 7 : i32
    %scan3A_80 = arith.constant 0 : i32
    %scan3A_81 = arith.constant 38 : i32
    %scan3A_82 = arith.addi %scan3A_80, %scan3A_81 : i32
    %scan3A_83 = arith.constant 1 : i32
    scf.for %scan3A_152 = %scan3A_80 to %scan3A_82 step %scan3A_83  : i32 {
      %mul3A_153 = arith.constant 1 : i32
      %mul3A_154 = arith.muli %scan3A_152, %mul3A_153 : i32
      %add3A_155 = arith.constant 0 : i32
      %add3A_156 = arith.addi %add3A_155, %mul3A_154 : i32
      %mul3A_157 = arith.constant 4 : i32
      %mul3A_158 = arith.muli %add3A_156, %mul3A_157 : i32
      %add3A_159 = arith.constant 2 : i32
      %add3A_160 = arith.addi %add3A_159, %mul3A_158 : i32
      %add3A_161 = arith.constant 0 : i32
      %add3A_162 = arith.addi %add3A_160, %add3A_161 : i32
      %dma_wait3A_163 = arith.constant 0 : i32
      %dma_wait3A_164 = tpu.memref_slice %arg6[%scan3A, %dma_wait3A_163] : memref<8x64xi32, #tpu.memory_space<vmem>> -> memref<1x64xi32, #tpu.memory_space<vmem>>
      %dma_wait3A_165 = tpu.memref_squeeze %dma_wait3A_164 : memref<1x64xi32, #tpu.memory_space<vmem>> -> memref<64xi32, #tpu.memory_space<vmem>>
      %dma_wait3A_166 = arith.constant 0 : i32
      %dma_wait3A_167 = arith.constant 0 : i32
      %dma_wait3A_168 = tpu.memref_slice %arg11[%dma_wait3A_166, %dma_wait3A_167] : memref<10240x128xf32, #tpu.memory_space<vmem_shared>> -> memref<10240x128xf32, #tpu.memory_space<vmem_shared>>
      tpu.wait_indirect_dma semaphore(%arg16 : memref<!tpu.dma_semaphore, #tpu.memory_space<semaphore_mem>>) src(%arg7 : memref<64x128xf32, #tpu.memory_space<vmem>>) dst(%dma_wait3A_168 : memref<10240x128xf32, #tpu.memory_space<vmem_shared>>)
      %add3A_169 = arith.constant 2 : i32
      %add3A_170 = arith.addi %add3A_162, %add3A_169 : i32
      %add3A_171 = arith.addi %add3A_6, %add3A_170 : i32
      "tpu.region"() ({
        %run_scoped3A = tpu.sem_alloc : memref<!tpu.dma_semaphore, #tpu.memory_space<semaphore_mem>>
        %dma_start3A_277 = arith.constant 0 : i32
        %dma_start3A_278 = arith.constant 0 : i32
        %dma_start3A_279 = tpu.memref_slice %arg6[%dma_start3A_277, %dma_start3A_278] : memref<8x64xi32, #tpu.memory_space<vmem>> -> memref<2x64xi32, #tpu.memory_space<vmem>>
        %dma_start3A_280 = arith.constant 0 : i32
        %dma_start3A_281 = arith.constant 0 : i32
        %dma_start3A_282 = tpu.memref_slice %arg3[%add3A_171, %dma_start3A_280, %dma_start3A_281] : memref<5000x2x64xi32, #tpu.memory_space<hbm>> -> memref<1x2x64xi32, #tpu.memory_space<hbm>>
        %dma_start3A_283 = tpu.memref_squeeze %dma_start3A_282 : memref<1x2x64xi32, #tpu.memory_space<hbm>> -> memref<2x64xi32, #tpu.memory_space<hbm>>
        %dma_start3A_284 = arith.constant 0 : i32
        %dma_start3A_285 = arith.constant 0 : i32
        %dma_start3A_286 = tpu.memref_slice %arg6[%dma_start3A_284, %dma_start3A_285] : memref<8x64xi32, #tpu.memory_space<vmem>> -> memref<2x64xi32, #tpu.memory_space<vmem>>
        %dma_start3A_287 = arith.constant 0 : i32
        %dma_start3A_288 = arith.constant 0 : i32
        %dma_start3A_289 = tpu.memref_slice %arg3[%add3A_171, %dma_start3A_287, %dma_start3A_288] : memref<5000x2x64xi32, #tpu.memory_space<hbm>> -> memref<1x2x64xi32, #tpu.memory_space<hbm>>
        %dma_start3A_290 = tpu.memref_squeeze %dma_start3A_289 : memref<1x2x64xi32, #tpu.memory_space<hbm>> -> memref<2x64xi32, #tpu.memory_space<hbm>>
        tpu.enqueue_dma source(%dma_start3A_290 : memref<2x64xi32, #tpu.memory_space<hbm>>) target(%dma_start3A_286 : memref<2x64xi32, #tpu.memory_space<vmem>>) target_semaphore(%run_scoped3A : memref<!tpu.dma_semaphore, #tpu.memory_space<semaphore_mem>>)
        %dma_wait3A_291 = arith.constant 0 : i32
        %dma_wait3A_292 = arith.constant 0 : i32
        %dma_wait3A_293 = tpu.memref_slice %arg6[%dma_wait3A_291, %dma_wait3A_292] : memref<8x64xi32, #tpu.memory_space<vmem>> -> memref<2x64xi32, #tpu.memory_space<vmem>>
        %dma_wait3A_294 = arith.constant 0 : i32
        %dma_wait3A_295 = arith.constant 0 : i32
        %dma_wait3A_296 = tpu.memref_slice %arg3[%add3A_171, %dma_wait3A_294, %dma_wait3A_295] : memref<5000x2x64xi32, #tpu.memory_space<hbm>> -> memref<1x2x64xi32, #tpu.memory_space<hbm>>
        %dma_wait3A_297 = tpu.memref_squeeze %dma_wait3A_296 : memref<1x2x64xi32, #tpu.memory_space<hbm>> -> memref<2x64xi32, #tpu.memory_space<hbm>>
        %dma_wait3A_298 = arith.constant 0 : i32
        %dma_wait3A_299 = arith.constant 0 : i32
        %dma_wait3A_300 = tpu.memref_slice %arg6[%dma_wait3A_298, %dma_wait3A_299] : memref<8x64xi32, #tpu.memory_space<vmem>> -> memref<2x64xi32, #tpu.memory_space<vmem>>
        %dma_wait3A_301 = arith.constant 0 : i32
        %dma_wait3A_302 = arith.constant 0 : i32
        %dma_wait3A_303 = tpu.memref_slice %arg3[%add3A_171, %dma_wait3A_301, %dma_wait3A_302] : memref<5000x2x64xi32, #tpu.memory_space<hbm>> -> memref<1x2x64xi32, #tpu.memory_space<hbm>>
        %dma_wait3A_304 = tpu.memref_squeeze %dma_wait3A_303 : memref<1x2x64xi32, #tpu.memory_space<hbm>> -> memref<2x64xi32, #tpu.memory_space<hbm>>
        tpu.wait_dma2 semaphore(%run_scoped3A : memref<!tpu.dma_semaphore, #tpu.memory_space<semaphore_mem>>) src(%dma_wait3A_304 : memref<2x64xi32, #tpu.memory_space<hbm>>) dst(%dma_wait3A_300 : memref<2x64xi32, #tpu.memory_space<vmem>>)
        tpu.yield
      }) : () -> ()
      %dma_start3A_172 = arith.constant 0 : i32
      %dma_start3A_173 = tpu.memref_slice %arg6[%scan3A_73, %dma_start3A_172] : memref<8x64xi32, #tpu.memory_space<vmem>> -> memref<1x64xi32, #tpu.memory_space<vmem>>
      %dma_start3A_174 = tpu.memref_squeeze %dma_start3A_173 : memref<1x64xi32, #tpu.memory_space<vmem>> -> memref<64xi32, #tpu.memory_space<vmem>>
      %dma_start3A_175 = arith.constant 0 : i32
      %dma_start3A_176 = arith.constant 0 : i32
      %dma_start3A_177 = tpu.memref_slice %arg2[%dma_start3A_175, %dma_start3A_176] : memref<10240x128xf32, #tpu.memory_space<hbm>> -> memref<10240x128xf32, #tpu.memory_space<hbm>>
      tpu.enqueue_indirect_dma source(%dma_start3A_177 : memref<10240x128xf32, #tpu.memory_space<hbm>>) target(%arg7 : memref<64x128xf32, #tpu.memory_space<vmem>>) offsets(%dma_start3A_174 : memref<64xi32, #tpu.memory_space<vmem>>) semaphore(%arg12 : memref<!tpu.dma_semaphore, #tpu.memory_space<semaphore_mem>>)
      %dma_wait3A_178 = arith.constant 0 : i32
      %dma_wait3A_179 = tpu.memref_slice %arg6[%scan3A_74, %dma_wait3A_178] : memref<8x64xi32, #tpu.memory_space<vmem>> -> memref<1x64xi32, #tpu.memory_space<vmem>>
      %dma_wait3A_180 = tpu.memref_squeeze %dma_wait3A_179 : memref<1x64xi32, #tpu.memory_space<vmem>> -> memref<64xi32, #tpu.memory_space<vmem>>
      %dma_wait3A_181 = arith.constant 0 : i32
      %dma_wait3A_182 = arith.constant 0 : i32
      %dma_wait3A_183 = tpu.memref_slice %arg2[%dma_wait3A_181, %dma_wait3A_182] : memref<10240x128xf32, #tpu.memory_space<hbm>> -> memref<10240x128xf32, #tpu.memory_space<hbm>>
      tpu.wait_indirect_dma semaphore(%arg14 : memref<!tpu.dma_semaphore, #tpu.memory_space<semaphore_mem>>) src(%dma_wait3A_183 : memref<10240x128xf32, #tpu.memory_space<hbm>>) dst(%arg9 : memref<64x128xf32, #tpu.memory_space<vmem>>)
      %dma_start3A_184 = arith.constant 0 : i32
      %dma_start3A_185 = tpu.memref_slice %arg6[%scan3A_75, %dma_start3A_184] : memref<8x64xi32, #tpu.memory_space<vmem>> -> memref<1x64xi32, #tpu.memory_space<vmem>>
      %dma_start3A_186 = tpu.memref_squeeze %dma_start3A_185 : memref<1x64xi32, #tpu.memory_space<vmem>> -> memref<64xi32, #tpu.memory_space<vmem>>
      %dma_start3A_187 = arith.constant 0 : i32
      %dma_start3A_188 = arith.constant 0 : i32
      %dma_start3A_189 = tpu.memref_slice %arg11[%dma_start3A_187, %dma_start3A_188] : memref<10240x128xf32, #tpu.memory_space<vmem_shared>> -> memref<10240x128xf32, #tpu.memory_space<vmem_shared>>
      tpu.enqueue_indirect_dma source(%arg9 : memref<64x128xf32, #tpu.memory_space<vmem>>) target(%dma_start3A_189 : memref<10240x128xf32, #tpu.memory_space<vmem_shared>>) offsets(%dma_start3A_186 : memref<64xi32, #tpu.memory_space<vmem>>) semaphore(%arg18 : memref<!tpu.dma_semaphore, #tpu.memory_space<semaphore_mem>>) {add = true}
      %add3A_190 = arith.constant 1 : i32
      %add3A_191 = arith.addi %add3A_160, %add3A_190 : i32
      %dma_wait3A_192 = arith.constant 0 : i32
      %dma_wait3A_193 = tpu.memref_slice %arg6[%scan3A_76, %dma_wait3A_192] : memref<8x64xi32, #tpu.memory_space<vmem>> -> memref<1x64xi32, #tpu.memory_space<vmem>>
      %dma_wait3A_194 = tpu.memref_squeeze %dma_wait3A_193 : memref<1x64xi32, #tpu.memory_space<vmem>> -> memref<64xi32, #tpu.memory_space<vmem>>
      %dma_wait3A_195 = arith.constant 0 : i32
      %dma_wait3A_196 = arith.constant 0 : i32
      %dma_wait3A_197 = tpu.memref_slice %arg11[%dma_wait3A_195, %dma_wait3A_196] : memref<10240x128xf32, #tpu.memory_space<vmem_shared>> -> memref<10240x128xf32, #tpu.memory_space<vmem_shared>>
      tpu.wait_indirect_dma semaphore(%arg17 : memref<!tpu.dma_semaphore, #tpu.memory_space<semaphore_mem>>) src(%arg8 : memref<64x128xf32, #tpu.memory_space<vmem>>) dst(%dma_wait3A_197 : memref<10240x128xf32, #tpu.memory_space<vmem_shared>>)
      %add3A_198 = arith.constant 2 : i32
      %add3A_199 = arith.addi %add3A_191, %add3A_198 : i32
      %add3A_200 = arith.addi %add3A_6, %add3A_199 : i32
      "tpu.region"() ({
        %run_scoped3A = tpu.sem_alloc : memref<!tpu.dma_semaphore, #tpu.memory_space<semaphore_mem>>
        %dma_start3A_277 = arith.constant 2 : i32
        %dma_start3A_278 = arith.constant 0 : i32
        %dma_start3A_279 = tpu.memref_slice %arg6[%dma_start3A_277, %dma_start3A_278] : memref<8x64xi32, #tpu.memory_space<vmem>> -> memref<2x64xi32, #tpu.memory_space<vmem>>
        %dma_start3A_280 = arith.constant 0 : i32
        %dma_start3A_281 = arith.constant 0 : i32
        %dma_start3A_282 = tpu.memref_slice %arg3[%add3A_200, %dma_start3A_280, %dma_start3A_281] : memref<5000x2x64xi32, #tpu.memory_space<hbm>> -> memref<1x2x64xi32, #tpu.memory_space<hbm>>
        %dma_start3A_283 = tpu.memref_squeeze %dma_start3A_282 : memref<1x2x64xi32, #tpu.memory_space<hbm>> -> memref<2x64xi32, #tpu.memory_space<hbm>>
        %dma_start3A_284 = arith.constant 2 : i32
        %dma_start3A_285 = arith.constant 0 : i32
        %dma_start3A_286 = tpu.memref_slice %arg6[%dma_start3A_284, %dma_start3A_285] : memref<8x64xi32, #tpu.memory_space<vmem>> -> memref<2x64xi32, #tpu.memory_space<vmem>>
        %dma_start3A_287 = arith.constant 0 : i32
        %dma_start3A_288 = arith.constant 0 : i32
        %dma_start3A_289 = tpu.memref_slice %arg3[%add3A_200, %dma_start3A_287, %dma_start3A_288] : memref<5000x2x64xi32, #tpu.memory_space<hbm>> -> memref<1x2x64xi32, #tpu.memory_space<hbm>>
        %dma_start3A_290 = tpu.memref_squeeze %dma_start3A_289 : memref<1x2x64xi32, #tpu.memory_space<hbm>> -> memref<2x64xi32, #tpu.memory_space<hbm>>
        tpu.enqueue_dma source(%dma_start3A_290 : memref<2x64xi32, #tpu.memory_space<hbm>>) target(%dma_start3A_286 : memref<2x64xi32, #tpu.memory_space<vmem>>) target_semaphore(%run_scoped3A : memref<!tpu.dma_semaphore, #tpu.memory_space<semaphore_mem>>)
        %dma_wait3A_291 = arith.constant 2 : i32
        %dma_wait3A_292 = arith.constant 0 : i32
        %dma_wait3A_293 = tpu.memref_slice %arg6[%dma_wait3A_291, %dma_wait3A_292] : memref<8x64xi32, #tpu.memory_space<vmem>> -> memref<2x64xi32, #tpu.memory_space<vmem>>
        %dma_wait3A_294 = arith.constant 0 : i32
        %dma_wait3A_295 = arith.constant 0 : i32
        %dma_wait3A_296 = tpu.memref_slice %arg3[%add3A_200, %dma_wait3A_294, %dma_wait3A_295] : memref<5000x2x64xi32, #tpu.memory_space<hbm>> -> memref<1x2x64xi32, #tpu.memory_space<hbm>>
        %dma_wait3A_297 = tpu.memref_squeeze %dma_wait3A_296 : memref<1x2x64xi32, #tpu.memory_space<hbm>> -> memref<2x64xi32, #tpu.memory_space<hbm>>
        %dma_wait3A_298 = arith.constant 2 : i32
        %dma_wait3A_299 = arith.constant 0 : i32
        %dma_wait3A_300 = tpu.memref_slice %arg6[%dma_wait3A_298, %dma_wait3A_299] : memref<8x64xi32, #tpu.memory_space<vmem>> -> memref<2x64xi32, #tpu.memory_space<vmem>>
        %dma_wait3A_301 = arith.constant 0 : i32
        %dma_wait3A_302 = arith.constant 0 : i32
        %dma_wait3A_303 = tpu.memref_slice %arg3[%add3A_200, %dma_wait3A_301, %dma_wait3A_302] : memref<5000x2x64xi32, #tpu.memory_space<hbm>> -> memref<1x2x64xi32, #tpu.memory_space<hbm>>
        %dma_wait3A_304 = tpu.memref_squeeze %dma_wait3A_303 : memref<1x2x64xi32, #tpu.memory_space<hbm>> -> memref<2x64xi32, #tpu.memory_space<hbm>>
        tpu.wait_dma2 semaphore(%run_scoped3A : memref<!tpu.dma_semaphore, #tpu.memory_space<semaphore_mem>>) src(%dma_wait3A_304 : memref<2x64xi32, #tpu.memory_space<hbm>>) dst(%dma_wait3A_300 : memref<2x64xi32, #tpu.memory_space<vmem>>)
        tpu.yield
      }) : () -> ()
      %dma_start3A_201 = arith.constant 0 : i32
      %dma_start3A_202 = tpu.memref_slice %arg6[%scan3A_77, %dma_start3A_201] : memref<8x64xi32, #tpu.memory_space<vmem>> -> memref<1x64xi32, #tpu.memory_space<vmem>>
      %dma_start3A_203 = tpu.memref_squeeze %dma_start3A_202 : memref<1x64xi32, #tpu.memory_space<vmem>> -> memref<64xi32, #tpu.memory_space<vmem>>
      %dma_start3A_204 = arith.constant 0 : i32
      %dma_start3A_205 = arith.constant 0 : i32
      %dma_start3A_206 = tpu.memref_slice %arg2[%dma_start3A_204, %dma_start3A_205] : memref<10240x128xf32, #tpu.memory_space<hbm>> -> memref<10240x128xf32, #tpu.memory_space<hbm>>
      tpu.enqueue_indirect_dma source(%dma_start3A_206 : memref<10240x128xf32, #tpu.memory_space<hbm>>) target(%arg8 : memref<64x128xf32, #tpu.memory_space<vmem>>) offsets(%dma_start3A_203 : memref<64xi32, #tpu.memory_space<vmem>>) semaphore(%arg13 : memref<!tpu.dma_semaphore, #tpu.memory_space<semaphore_mem>>)
      %dma_wait3A_207 = arith.constant 0 : i32
      %dma_wait3A_208 = tpu.memref_slice %arg6[%scan3A_78, %dma_wait3A_207] : memref<8x64xi32, #tpu.memory_space<vmem>> -> memref<1x64xi32, #tpu.memory_space<vmem>>
      %dma_wait3A_209 = tpu.memref_squeeze %dma_wait3A_208 : memref<1x64xi32, #tpu.memory_space<vmem>> -> memref<64xi32, #tpu.memory_space<vmem>>
      %dma_wait3A_210 = arith.constant 0 : i32
      %dma_wait3A_211 = arith.constant 0 : i32
      %dma_wait3A_212 = tpu.memref_slice %arg2[%dma_wait3A_210, %dma_wait3A_211] : memref<10240x128xf32, #tpu.memory_space<hbm>> -> memref<10240x128xf32, #tpu.memory_space<hbm>>
      tpu.wait_indirect_dma semaphore(%arg15 : memref<!tpu.dma_semaphore, #tpu.memory_space<semaphore_mem>>) src(%dma_wait3A_212 : memref<10240x128xf32, #tpu.memory_space<hbm>>) dst(%arg10 : memref<64x128xf32, #tpu.memory_space<vmem>>)
      %dma_start3A_213 = arith.constant 0 : i32
      %dma_start3A_214 = tpu.memref_slice %arg6[%scan3A_79, %dma_start3A_213] : memref<8x64xi32, #tpu.memory_space<vmem>> -> memref<1x64xi32, #tpu.memory_space<vmem>>
      %dma_start3A_215 = tpu.memref_squeeze %dma_start3A_214 : memref<1x64xi32, #tpu.memory_space<vmem>> -> memref<64xi32, #tpu.memory_space<vmem>>
      %dma_start3A_216 = arith.constant 0 : i32
      %dma_start3A_217 = arith.constant 0 : i32
      %dma_start3A_218 = tpu.memref_slice %arg11[%dma_start3A_216, %dma_start3A_217] : memref<10240x128xf32, #tpu.memory_space<vmem_shared>> -> memref<10240x128xf32, #tpu.memory_space<vmem_shared>>
      tpu.enqueue_indirect_dma source(%arg10 : memref<64x128xf32, #tpu.memory_space<vmem>>) target(%dma_start3A_218 : memref<10240x128xf32, #tpu.memory_space<vmem_shared>>) offsets(%dma_start3A_215 : memref<64xi32, #tpu.memory_space<vmem>>) semaphore(%arg19 : memref<!tpu.dma_semaphore, #tpu.memory_space<semaphore_mem>>) {add = true}
      %add3A_219 = arith.constant 2 : i32
      %add3A_220 = arith.addi %add3A_160, %add3A_219 : i32
      %dma_wait3A_221 = arith.constant 0 : i32
      %dma_wait3A_222 = tpu.memref_slice %arg6[%scan3A_75, %dma_wait3A_221] : memref<8x64xi32, #tpu.memory_space<vmem>> -> memref<1x64xi32, #tpu.memory_space<vmem>>
      %dma_wait3A_223 = tpu.memref_squeeze %dma_wait3A_222 : memref<1x64xi32, #tpu.memory_space<vmem>> -> memref<64xi32, #tpu.memory_space<vmem>>
      %dma_wait3A_224 = arith.constant 0 : i32
      %dma_wait3A_225 = arith.constant 0 : i32
      %dma_wait3A_226 = tpu.memref_slice %arg11[%dma_wait3A_224, %dma_wait3A_225] : memref<10240x128xf32, #tpu.memory_space<vmem_shared>> -> memref<10240x128xf32, #tpu.memory_space<vmem_shared>>
      tpu.wait_indirect_dma semaphore(%arg18 : memref<!tpu.dma_semaphore, #tpu.memory_space<semaphore_mem>>) src(%arg9 : memref<64x128xf32, #tpu.memory_space<vmem>>) dst(%dma_wait3A_226 : memref<10240x128xf32, #tpu.memory_space<vmem_shared>>)
      %add3A_227 = arith.constant 2 : i32
      %add3A_228 = arith.addi %add3A_220, %add3A_227 : i32
      %add3A_229 = arith.addi %add3A_6, %add3A_228 : i32
      "tpu.region"() ({
        %run_scoped3A = tpu.sem_alloc : memref<!tpu.dma_semaphore, #tpu.memory_space<semaphore_mem>>
        %dma_start3A_277 = arith.constant 4 : i32
        %dma_start3A_278 = arith.constant 0 : i32
        %dma_start3A_279 = tpu.memref_slice %arg6[%dma_start3A_277, %dma_start3A_278] : memref<8x64xi32, #tpu.memory_space<vmem>> -> memref<2x64xi32, #tpu.memory_space<vmem>>
        %dma_start3A_280 = arith.constant 0 : i32
        %dma_start3A_281 = arith.constant 0 : i32
        %dma_start3A_282 = tpu.memref_slice %arg3[%add3A_229, %dma_start3A_280, %dma_start3A_281] : memref<5000x2x64xi32, #tpu.memory_space<hbm>> -> memref<1x2x64xi32, #tpu.memory_space<hbm>>
        %dma_start3A_283 = tpu.memref_squeeze %dma_start3A_282 : memref<1x2x64xi32, #tpu.memory_space<hbm>> -> memref<2x64xi32, #tpu.memory_space<hbm>>
        %dma_start3A_284 = arith.constant 4 : i32
        %dma_start3A_285 = arith.constant 0 : i32
        %dma_start3A_286 = tpu.memref_slice %arg6[%dma_start3A_284, %dma_start3A_285] : memref<8x64xi32, #tpu.memory_space<vmem>> -> memref<2x64xi32, #tpu.memory_space<vmem>>
        %dma_start3A_287 = arith.constant 0 : i32
        %dma_start3A_288 = arith.constant 0 : i32
        %dma_start3A_289 = tpu.memref_slice %arg3[%add3A_229, %dma_start3A_287, %dma_start3A_288] : memref<5000x2x64xi32, #tpu.memory_space<hbm>> -> memref<1x2x64xi32, #tpu.memory_space<hbm>>
        %dma_start3A_290 = tpu.memref_squeeze %dma_start3A_289 : memref<1x2x64xi32, #tpu.memory_space<hbm>> -> memref<2x64xi32, #tpu.memory_space<hbm>>
        tpu.enqueue_dma source(%dma_start3A_290 : memref<2x64xi32, #tpu.memory_space<hbm>>) target(%dma_start3A_286 : memref<2x64xi32, #tpu.memory_space<vmem>>) target_semaphore(%run_scoped3A : memref<!tpu.dma_semaphore, #tpu.memory_space<semaphore_mem>>)
        %dma_wait3A_291 = arith.constant 4 : i32
        %dma_wait3A_292 = arith.constant 0 : i32
        %dma_wait3A_293 = tpu.memref_slice %arg6[%dma_wait3A_291, %dma_wait3A_292] : memref<8x64xi32, #tpu.memory_space<vmem>> -> memref<2x64xi32, #tpu.memory_space<vmem>>
        %dma_wait3A_294 = arith.constant 0 : i32
        %dma_wait3A_295 = arith.constant 0 : i32
        %dma_wait3A_296 = tpu.memref_slice %arg3[%add3A_229, %dma_wait3A_294, %dma_wait3A_295] : memref<5000x2x64xi32, #tpu.memory_space<hbm>> -> memref<1x2x64xi32, #tpu.memory_space<hbm>>
        %dma_wait3A_297 = tpu.memref_squeeze %dma_wait3A_296 : memref<1x2x64xi32, #tpu.memory_space<hbm>> -> memref<2x64xi32, #tpu.memory_space<hbm>>
        %dma_wait3A_298 = arith.constant 4 : i32
        %dma_wait3A_299 = arith.constant 0 : i32
        %dma_wait3A_300 = tpu.memref_slice %arg6[%dma_wait3A_298, %dma_wait3A_299] : memref<8x64xi32, #tpu.memory_space<vmem>> -> memref<2x64xi32, #tpu.memory_space<vmem>>
        %dma_wait3A_301 = arith.constant 0 : i32
        %dma_wait3A_302 = arith.constant 0 : i32
        %dma_wait3A_303 = tpu.memref_slice %arg3[%add3A_229, %dma_wait3A_301, %dma_wait3A_302] : memref<5000x2x64xi32, #tpu.memory_space<hbm>> -> memref<1x2x64xi32, #tpu.memory_space<hbm>>
        %dma_wait3A_304 = tpu.memref_squeeze %dma_wait3A_303 : memref<1x2x64xi32, #tpu.memory_space<hbm>> -> memref<2x64xi32, #tpu.memory_space<hbm>>
        tpu.wait_dma2 semaphore(%run_scoped3A : memref<!tpu.dma_semaphore, #tpu.memory_space<semaphore_mem>>) src(%dma_wait3A_304 : memref<2x64xi32, #tpu.memory_space<hbm>>) dst(%dma_wait3A_300 : memref<2x64xi32, #tpu.memory_space<vmem>>)
        tpu.yield
      }) : () -> ()
      %dma_start3A_230 = arith.constant 0 : i32
      %dma_start3A_231 = tpu.memref_slice %arg6[%scan3A_74, %dma_start3A_230] : memref<8x64xi32, #tpu.memory_space<vmem>> -> memref<1x64xi32, #tpu.memory_space<vmem>>
      %dma_start3A_232 = tpu.memref_squeeze %dma_start3A_231 : memref<1x64xi32, #tpu.memory_space<vmem>> -> memref<64xi32, #tpu.memory_space<vmem>>
      %dma_start3A_233 = arith.constant 0 : i32
      %dma_start3A_234 = arith.constant 0 : i32
      %dma_start3A_235 = tpu.memref_slice %arg2[%dma_start3A_233, %dma_start3A_234] : memref<10240x128xf32, #tpu.memory_space<hbm>> -> memref<10240x128xf32, #tpu.memory_space<hbm>>
      tpu.enqueue_indirect_dma source(%dma_start3A_235 : memref<10240x128xf32, #tpu.memory_space<hbm>>) target(%arg9 : memref<64x128xf32, #tpu.memory_space<vmem>>) offsets(%dma_start3A_232 : memref<64xi32, #tpu.memory_space<vmem>>) semaphore(%arg14 : memref<!tpu.dma_semaphore, #tpu.memory_space<semaphore_mem>>)
      %dma_wait3A_236 = arith.constant 0 : i32
      %dma_wait3A_237 = tpu.memref_slice %arg6[%scan3A_73, %dma_wait3A_236] : memref<8x64xi32, #tpu.memory_space<vmem>> -> memref<1x64xi32, #tpu.memory_space<vmem>>
      %dma_wait3A_238 = tpu.memref_squeeze %dma_wait3A_237 : memref<1x64xi32, #tpu.memory_space<vmem>> -> memref<64xi32, #tpu.memory_space<vmem>>
      %dma_wait3A_239 = arith.constant 0 : i32
      %dma_wait3A_240 = arith.constant 0 : i32
      %dma_wait3A_241 = tpu.memref_slice %arg2[%dma_wait3A_239, %dma_wait3A_240] : memref<10240x128xf32, #tpu.memory_space<hbm>> -> memref<10240x128xf32, #tpu.memory_space<hbm>>
      tpu.wait_indirect_dma semaphore(%arg12 : memref<!tpu.dma_semaphore, #tpu.memory_space<semaphore_mem>>) src(%dma_wait3A_241 : memref<10240x128xf32, #tpu.memory_space<hbm>>) dst(%arg7 : memref<64x128xf32, #tpu.memory_space<vmem>>)
      %dma_start3A_242 = arith.constant 0 : i32
      %dma_start3A_243 = tpu.memref_slice %arg6[%scan3A, %dma_start3A_242] : memref<8x64xi32, #tpu.memory_space<vmem>> -> memref<1x64xi32, #tpu.memory_space<vmem>>
      %dma_start3A_244 = tpu.memref_squeeze %dma_start3A_243 : memref<1x64xi32, #tpu.memory_space<vmem>> -> memref<64xi32, #tpu.memory_space<vmem>>
      %dma_start3A_245 = arith.constant 0 : i32
      %dma_start3A_246 = arith.constant 0 : i32
      %dma_start3A_247 = tpu.memref_slice %arg11[%dma_start3A_245, %dma_start3A_246] : memref<10240x128xf32, #tpu.memory_space<vmem_shared>> -> memref<10240x128xf32, #tpu.memory_space<vmem_shared>>
      tpu.enqueue_indirect_dma source(%arg7 : memref<64x128xf32, #tpu.memory_space<vmem>>) target(%dma_start3A_247 : memref<10240x128xf32, #tpu.memory_space<vmem_shared>>) offsets(%dma_start3A_244 : memref<64xi32, #tpu.memory_space<vmem>>) semaphore(%arg16 : memref<!tpu.dma_semaphore, #tpu.memory_space<semaphore_mem>>) {add = true}
      %add3A_248 = arith.constant 3 : i32
      %add3A_249 = arith.addi %add3A_160, %add3A_248 : i32
      %dma_wait3A_250 = arith.constant 0 : i32
      %dma_wait3A_251 = tpu.memref_slice %arg6[%scan3A_79, %dma_wait3A_250] : memref<8x64xi32, #tpu.memory_space<vmem>> -> memref<1x64xi32, #tpu.memory_space<vmem>>
      %dma_wait3A_252 = tpu.memref_squeeze %dma_wait3A_251 : memref<1x64xi32, #tpu.memory_space<vmem>> -> memref<64xi32, #tpu.memory_space<vmem>>
      %dma_wait3A_253 = arith.constant 0 : i32
      %dma_wait3A_254 = arith.constant 0 : i32
      %dma_wait3A_255 = tpu.memref_slice %arg11[%dma_wait3A_253, %dma_wait3A_254] : memref<10240x128xf32, #tpu.memory_space<vmem_shared>> -> memref<10240x128xf32, #tpu.memory_space<vmem_shared>>
      tpu.wait_indirect_dma semaphore(%arg19 : memref<!tpu.dma_semaphore, #tpu.memory_space<semaphore_mem>>) src(%arg10 : memref<64x128xf32, #tpu.memory_space<vmem>>) dst(%dma_wait3A_255 : memref<10240x128xf32, #tpu.memory_space<vmem_shared>>)
      %add3A_256 = arith.constant 2 : i32
      %add3A_257 = arith.addi %add3A_249, %add3A_256 : i32
      %add3A_258 = arith.addi %add3A_6, %add3A_257 : i32
      "tpu.region"() ({
        %run_scoped3A = tpu.sem_alloc : memref<!tpu.dma_semaphore, #tpu.memory_space<semaphore_mem>>
        %dma_start3A_277 = arith.constant 6 : i32
        %dma_start3A_278 = arith.constant 0 : i32
        %dma_start3A_279 = tpu.memref_slice %arg6[%dma_start3A_277, %dma_start3A_278] : memref<8x64xi32, #tpu.memory_space<vmem>> -> memref<2x64xi32, #tpu.memory_space<vmem>>
        %dma_start3A_280 = arith.constant 0 : i32
        %dma_start3A_281 = arith.constant 0 : i32
        %dma_start3A_282 = tpu.memref_slice %arg3[%add3A_258, %dma_start3A_280, %dma_start3A_281] : memref<5000x2x64xi32, #tpu.memory_space<hbm>> -> memref<1x2x64xi32, #tpu.memory_space<hbm>>
        %dma_start3A_283 = tpu.memref_squeeze %dma_start3A_282 : memref<1x2x64xi32, #tpu.memory_space<hbm>> -> memref<2x64xi32, #tpu.memory_space<hbm>>
        %dma_start3A_284 = arith.constant 6 : i32
        %dma_start3A_285 = arith.constant 0 : i32
        %dma_start3A_286 = tpu.memref_slice %arg6[%dma_start3A_284, %dma_start3A_285] : memref<8x64xi32, #tpu.memory_space<vmem>> -> memref<2x64xi32, #tpu.memory_space<vmem>>
        %dma_start3A_287 = arith.constant 0 : i32
        %dma_start3A_288 = arith.constant 0 : i32
        %dma_start3A_289 = tpu.memref_slice %arg3[%add3A_258, %dma_start3A_287, %dma_start3A_288] : memref<5000x2x64xi32, #tpu.memory_space<hbm>> -> memref<1x2x64xi32, #tpu.memory_space<hbm>>
        %dma_start3A_290 = tpu.memref_squeeze %dma_start3A_289 : memref<1x2x64xi32, #tpu.memory_space<hbm>> -> memref<2x64xi32, #tpu.memory_space<hbm>>
        tpu.enqueue_dma source(%dma_start3A_290 : memref<2x64xi32, #tpu.memory_space<hbm>>) target(%dma_start3A_286 : memref<2x64xi32, #tpu.memory_space<vmem>>) target_semaphore(%run_scoped3A : memref<!tpu.dma_semaphore, #tpu.memory_space<semaphore_mem>>)
        %dma_wait3A_291 = arith.constant 6 : i32
        %dma_wait3A_292 = arith.constant 0 : i32
        %dma_wait3A_293 = tpu.memref_slice %arg6[%dma_wait3A_291, %dma_wait3A_292] : memref<8x64xi32, #tpu.memory_space<vmem>> -> memref<2x64xi32, #tpu.memory_space<vmem>>
        %dma_wait3A_294 = arith.constant 0 : i32
        %dma_wait3A_295 = arith.constant 0 : i32
        %dma_wait3A_296 = tpu.memref_slice %arg3[%add3A_258, %dma_wait3A_294, %dma_wait3A_295] : memref<5000x2x64xi32, #tpu.memory_space<hbm>> -> memref<1x2x64xi32, #tpu.memory_space<hbm>>
        %dma_wait3A_297 = tpu.memref_squeeze %dma_wait3A_296 : memref<1x2x64xi32, #tpu.memory_space<hbm>> -> memref<2x64xi32, #tpu.memory_space<hbm>>
        %dma_wait3A_298 = arith.constant 6 : i32
        %dma_wait3A_299 = arith.constant 0 : i32
        %dma_wait3A_300 = tpu.memref_slice %arg6[%dma_wait3A_298, %dma_wait3A_299] : memref<8x64xi32, #tpu.memory_space<vmem>> -> memref<2x64xi32, #tpu.memory_space<vmem>>
        %dma_wait3A_301 = arith.constant 0 : i32
        %dma_wait3A_302 = arith.constant 0 : i32
        %dma_wait3A_303 = tpu.memref_slice %arg3[%add3A_258, %dma_wait3A_301, %dma_wait3A_302] : memref<5000x2x64xi32, #tpu.memory_space<hbm>> -> memref<1x2x64xi32, #tpu.memory_space<hbm>>
        %dma_wait3A_304 = tpu.memref_squeeze %dma_wait3A_303 : memref<1x2x64xi32, #tpu.memory_space<hbm>> -> memref<2x64xi32, #tpu.memory_space<hbm>>
        tpu.wait_dma2 semaphore(%run_scoped3A : memref<!tpu.dma_semaphore, #tpu.memory_space<semaphore_mem>>) src(%dma_wait3A_304 : memref<2x64xi32, #tpu.memory_space<hbm>>) dst(%dma_wait3A_300 : memref<2x64xi32, #tpu.memory_space<vmem>>)
        tpu.yield
      }) : () -> ()
      %dma_start3A_259 = arith.constant 0 : i32
      %dma_start3A_260 = tpu.memref_slice %arg6[%scan3A_78, %dma_start3A_259] : memref<8x64xi32, #tpu.memory_space<vmem>> -> memref<1x64xi32, #tpu.memory_space<vmem>>
      %dma_start3A_261 = tpu.memref_squeeze %dma_start3A_260 : memref<1x64xi32, #tpu.memory_space<vmem>> -> memref<64xi32, #tpu.memory_space<vmem>>
      %dma_start3A_262 = arith.constant 0 : i32
      %dma_start3A_263 = arith.constant 0 : i32
      %dma_start3A_264 = tpu.memref_slice %arg2[%dma_start3A_262, %dma_start3A_263] : memref<10240x128xf32, #tpu.memory_space<hbm>> -> memref<10240x128xf32, #tpu.memory_space<hbm>>
      tpu.enqueue_indirect_dma source(%dma_start3A_264 : memref<10240x128xf32, #tpu.memory_space<hbm>>) target(%arg10 : memref<64x128xf32, #tpu.memory_space<vmem>>) offsets(%dma_start3A_261 : memref<64xi32, #tpu.memory_space<vmem>>) semaphore(%arg15 : memref<!tpu.dma_semaphore, #tpu.memory_space<semaphore_mem>>)
      %dma_wait3A_265 = arith.constant 0 : i32
      %dma_wait3A_266 = tpu.memref_slice %arg6[%scan3A_77, %dma_wait3A_265] : memref<8x64xi32, #tpu.memory_space<vmem>> -> memref<1x64xi32, #tpu.memory_space<vmem>>
      %dma_wait3A_267 = tpu.memref_squeeze %dma_wait3A_266 : memref<1x64xi32, #tpu.memory_space<vmem>> -> memref<64xi32, #tpu.memory_space<vmem>>
      %dma_wait3A_268 = arith.constant 0 : i32
      %dma_wait3A_269 = arith.constant 0 : i32
      %dma_wait3A_270 = tpu.memref_slice %arg2[%dma_wait3A_268, %dma_wait3A_269] : memref<10240x128xf32, #tpu.memory_space<hbm>> -> memref<10240x128xf32, #tpu.memory_space<hbm>>
      tpu.wait_indirect_dma semaphore(%arg13 : memref<!tpu.dma_semaphore, #tpu.memory_space<semaphore_mem>>) src(%dma_wait3A_270 : memref<10240x128xf32, #tpu.memory_space<hbm>>) dst(%arg8 : memref<64x128xf32, #tpu.memory_space<vmem>>)
      %dma_start3A_271 = arith.constant 0 : i32
      %dma_start3A_272 = tpu.memref_slice %arg6[%scan3A_76, %dma_start3A_271] : memref<8x64xi32, #tpu.memory_space<vmem>> -> memref<1x64xi32, #tpu.memory_space<vmem>>
      %dma_start3A_273 = tpu.memref_squeeze %dma_start3A_272 : memref<1x64xi32, #tpu.memory_space<vmem>> -> memref<64xi32, #tpu.memory_space<vmem>>
      %dma_start3A_274 = arith.constant 0 : i32
      %dma_start3A_275 = arith.constant 0 : i32
      %dma_start3A_276 = tpu.memref_slice %arg11[%dma_start3A_274, %dma_start3A_275] : memref<10240x128xf32, #tpu.memory_space<vmem_shared>> -> memref<10240x128xf32, #tpu.memory_space<vmem_shared>>
      tpu.enqueue_indirect_dma source(%arg8 : memref<64x128xf32, #tpu.memory_space<vmem>>) target(%dma_start3A_276 : memref<10240x128xf32, #tpu.memory_space<vmem_shared>>) offsets(%dma_start3A_273 : memref<64xi32, #tpu.memory_space<vmem>>) semaphore(%arg17 : memref<!tpu.dma_semaphore, #tpu.memory_space<semaphore_mem>>) {add = true}
    }
    %scan3A_84 = arith.constant 38 : i32
    %dma_wait3A_85 = arith.constant 4 : i32
    %dma_wait3A_86 = arith.constant 0 : i32
    %dma_wait3A_87 = tpu.memref_slice %arg6[%dma_wait3A_85, %dma_wait3A_86] : memref<8x64xi32, #tpu.memory_space<vmem>> -> memref<1x64xi32, #tpu.memory_space<vmem>>
    %dma_wait3A_88 = tpu.memref_squeeze %dma_wait3A_87 : memref<1x64xi32, #tpu.memory_space<vmem>> -> memref<64xi32, #tpu.memory_space<vmem>>
    %dma_wait3A_89 = arith.constant 0 : i32
    %dma_wait3A_90 = arith.constant 0 : i32
    %dma_wait3A_91 = tpu.memref_slice %arg2[%dma_wait3A_89, %dma_wait3A_90] : memref<10240x128xf32, #tpu.memory_space<hbm>> -> memref<10240x128xf32, #tpu.memory_space<hbm>>
    tpu.wait_indirect_dma semaphore(%arg14 : memref<!tpu.dma_semaphore, #tpu.memory_space<semaphore_mem>>) src(%dma_wait3A_91 : memref<10240x128xf32, #tpu.memory_space<hbm>>) dst(%arg9 : memref<64x128xf32, #tpu.memory_space<vmem>>)
    %dma_start3A_92 = arith.constant 5 : i32
    %dma_start3A_93 = arith.constant 0 : i32
    %dma_start3A_94 = tpu.memref_slice %arg6[%dma_start3A_92, %dma_start3A_93] : memref<8x64xi32, #tpu.memory_space<vmem>> -> memref<1x64xi32, #tpu.memory_space<vmem>>
    %dma_start3A_95 = tpu.memref_squeeze %dma_start3A_94 : memref<1x64xi32, #tpu.memory_space<vmem>> -> memref<64xi32, #tpu.memory_space<vmem>>
    %dma_start3A_96 = arith.constant 0 : i32
    %dma_start3A_97 = arith.constant 0 : i32
    %dma_start3A_98 = tpu.memref_slice %arg11[%dma_start3A_96, %dma_start3A_97] : memref<10240x128xf32, #tpu.memory_space<vmem_shared>> -> memref<10240x128xf32, #tpu.memory_space<vmem_shared>>
    tpu.enqueue_indirect_dma source(%arg9 : memref<64x128xf32, #tpu.memory_space<vmem>>) target(%dma_start3A_98 : memref<10240x128xf32, #tpu.memory_space<vmem_shared>>) offsets(%dma_start3A_95 : memref<64xi32, #tpu.memory_space<vmem>>) semaphore(%arg18 : memref<!tpu.dma_semaphore, #tpu.memory_space<semaphore_mem>>) {add = true}
    %dma_wait3A_99 = arith.constant 6 : i32
    %dma_wait3A_100 = arith.constant 0 : i32
    %dma_wait3A_101 = tpu.memref_slice %arg6[%dma_wait3A_99, %dma_wait3A_100] : memref<8x64xi32, #tpu.memory_space<vmem>> -> memref<1x64xi32, #tpu.memory_space<vmem>>
    %dma_wait3A_102 = tpu.memref_squeeze %dma_wait3A_101 : memref<1x64xi32, #tpu.memory_space<vmem>> -> memref<64xi32, #tpu.memory_space<vmem>>
    %dma_wait3A_103 = arith.constant 0 : i32
    %dma_wait3A_104 = arith.constant 0 : i32
    %dma_wait3A_105 = tpu.memref_slice %arg2[%dma_wait3A_103, %dma_wait3A_104] : memref<10240x128xf32, #tpu.memory_space<hbm>> -> memref<10240x128xf32, #tpu.memory_space<hbm>>
    tpu.wait_indirect_dma semaphore(%arg15 : memref<!tpu.dma_semaphore, #tpu.memory_space<semaphore_mem>>) src(%dma_wait3A_105 : memref<10240x128xf32, #tpu.memory_space<hbm>>) dst(%arg10 : memref<64x128xf32, #tpu.memory_space<vmem>>)
    %dma_start3A_106 = arith.constant 7 : i32
    %dma_start3A_107 = arith.constant 0 : i32
    %dma_start3A_108 = tpu.memref_slice %arg6[%dma_start3A_106, %dma_start3A_107] : memref<8x64xi32, #tpu.memory_space<vmem>> -> memref<1x64xi32, #tpu.memory_space<vmem>>
    %dma_start3A_109 = tpu.memref_squeeze %dma_start3A_108 : memref<1x64xi32, #tpu.memory_space<vmem>> -> memref<64xi32, #tpu.memory_space<vmem>>
    %dma_start3A_110 = arith.constant 0 : i32
    %dma_start3A_111 = arith.constant 0 : i32
    %dma_start3A_112 = tpu.memref_slice %arg11[%dma_start3A_110, %dma_start3A_111] : memref<10240x128xf32, #tpu.memory_space<vmem_shared>> -> memref<10240x128xf32, #tpu.memory_space<vmem_shared>>
    tpu.enqueue_indirect_dma source(%arg10 : memref<64x128xf32, #tpu.memory_space<vmem>>) target(%dma_start3A_112 : memref<10240x128xf32, #tpu.memory_space<vmem_shared>>) offsets(%dma_start3A_109 : memref<64xi32, #tpu.memory_space<vmem>>) semaphore(%arg19 : memref<!tpu.dma_semaphore, #tpu.memory_space<semaphore_mem>>) {add = true}
    %dma_wait3A_113 = arith.constant 1 : i32
    %dma_wait3A_114 = arith.constant 0 : i32
    %dma_wait3A_115 = tpu.memref_slice %arg6[%dma_wait3A_113, %dma_wait3A_114] : memref<8x64xi32, #tpu.memory_space<vmem>> -> memref<1x64xi32, #tpu.memory_space<vmem>>
    %dma_wait3A_116 = tpu.memref_squeeze %dma_wait3A_115 : memref<1x64xi32, #tpu.memory_space<vmem>> -> memref<64xi32, #tpu.memory_space<vmem>>
    %dma_wait3A_117 = arith.constant 0 : i32
    %dma_wait3A_118 = arith.constant 0 : i32
    %dma_wait3A_119 = tpu.memref_slice %arg11[%dma_wait3A_117, %dma_wait3A_118] : memref<10240x128xf32, #tpu.memory_space<vmem_shared>> -> memref<10240x128xf32, #tpu.memory_space<vmem_shared>>
    tpu.wait_indirect_dma semaphore(%arg16 : memref<!tpu.dma_semaphore, #tpu.memory_space<semaphore_mem>>) src(%arg7 : memref<64x128xf32, #tpu.memory_space<vmem>>) dst(%dma_wait3A_119 : memref<10240x128xf32, #tpu.memory_space<vmem_shared>>)
    %dma_wait3A_120 = arith.constant 3 : i32
    %dma_wait3A_121 = arith.constant 0 : i32
    %dma_wait3A_122 = tpu.memref_slice %arg6[%dma_wait3A_120, %dma_wait3A_121] : memref<8x64xi32, #tpu.memory_space<vmem>> -> memref<1x64xi32, #tpu.memory_space<vmem>>
    %dma_wait3A_123 = tpu.memref_squeeze %dma_wait3A_122 : memref<1x64xi32, #tpu.memory_space<vmem>> -> memref<64xi32, #tpu.memory_space<vmem>>
    %dma_wait3A_124 = arith.constant 0 : i32
    %dma_wait3A_125 = arith.constant 0 : i32
    %dma_wait3A_126 = tpu.memref_slice %arg11[%dma_wait3A_124, %dma_wait3A_125] : memref<10240x128xf32, #tpu.memory_space<vmem_shared>> -> memref<10240x128xf32, #tpu.memory_space<vmem_shared>>
    tpu.wait_indirect_dma semaphore(%arg17 : memref<!tpu.dma_semaphore, #tpu.memory_space<semaphore_mem>>) src(%arg8 : memref<64x128xf32, #tpu.memory_space<vmem>>) dst(%dma_wait3A_126 : memref<10240x128xf32, #tpu.memory_space<vmem_shared>>)
    %dma_wait3A_127 = arith.constant 5 : i32
    %dma_wait3A_128 = arith.constant 0 : i32
    %dma_wait3A_129 = tpu.memref_slice %arg6[%dma_wait3A_127, %dma_wait3A_128] : memref<8x64xi32, #tpu.memory_space<vmem>> -> memref<1x64xi32, #tpu.memory_space<vmem>>
    %dma_wait3A_130 = tpu.memref_squeeze %dma_wait3A_129 : memref<1x64xi32, #tpu.memory_space<vmem>> -> memref<64xi32, #tpu.memory_space<vmem>>
    %dma_wait3A_131 = arith.constant 0 : i32
    %dma_wait3A_132 = arith.constant 0 : i32
    %dma_wait3A_133 = tpu.memref_slice %arg11[%dma_wait3A_131, %dma_wait3A_132] : memref<10240x128xf32, #tpu.memory_space<vmem_shared>> -> memref<10240x128xf32, #tpu.memory_space<vmem_shared>>
    tpu.wait_indirect_dma semaphore(%arg18 : memref<!tpu.dma_semaphore, #tpu.memory_space<semaphore_mem>>) src(%arg9 : memref<64x128xf32, #tpu.memory_space<vmem>>) dst(%dma_wait3A_133 : memref<10240x128xf32, #tpu.memory_space<vmem_shared>>)
    %dma_wait3A_134 = arith.constant 7 : i32
    %dma_wait3A_135 = arith.constant 0 : i32
    %dma_wait3A_136 = tpu.memref_slice %arg6[%dma_wait3A_134, %dma_wait3A_135] : memref<8x64xi32, #tpu.memory_space<vmem>> -> memref<1x64xi32, #tpu.memory_space<vmem>>
    %dma_wait3A_137 = tpu.memref_squeeze %dma_wait3A_136 : memref<1x64xi32, #tpu.memory_space<vmem>> -> memref<64xi32, #tpu.memory_space<vmem>>
    %dma_wait3A_138 = arith.constant 0 : i32
    %dma_wait3A_139 = arith.constant 0 : i32
    %dma_wait3A_140 = tpu.memref_slice %arg11[%dma_wait3A_138, %dma_wait3A_139] : memref<10240x128xf32, #tpu.memory_space<vmem_shared>> -> memref<10240x128xf32, #tpu.memory_space<vmem_shared>>
    tpu.wait_indirect_dma semaphore(%arg19 : memref<!tpu.dma_semaphore, #tpu.memory_space<semaphore_mem>>) src(%arg10 : memref<64x128xf32, #tpu.memory_space<vmem>>) dst(%dma_wait3A_140 : memref<10240x128xf32, #tpu.memory_space<vmem_shared>>)
    %lt3A = arith.constant 4 : i32
    %lt3A_141 = arith.cmpi slt, %add3A, %lt3A : i32
    %convert_element_type3A = arith.extui %lt3A_141 : i1 to i32
    %cond3A = arith.constant 0 : i32
    %cond3A_142 = arith.constant 1 : i32
    %cond3A_143 = arith.constant 2 : i32
    %cond3A_144 = arith.constant 3 : i32
    %cond3A_145 = arith.constant 0 : i32
    %cond3A_146 = arith.cmpi ne, %convert_element_type3A, %cond3A_145 : i32
    scf.if %cond3A_146 {
      %add3A_152 = arith.constant 156 : i32
      %add3A_153 = arith.addi %add3A_6, %add3A_152 : i32
      %add3A_154 = arith.constant 0 : i32
      %add3A_155 = arith.addi %add3A_153, %add3A_154 : i32
      "tpu.region"() ({
        %run_scoped3A = tpu.sem_alloc : memref<!tpu.dma_semaphore, #tpu.memory_space<semaphore_mem>>
        %dma_start3A_184 = arith.constant 0 : i32
        %dma_start3A_185 = arith.constant 0 : i32
        %dma_start3A_186 = tpu.memref_slice %arg6[%dma_start3A_184, %dma_start3A_185] : memref<8x64xi32, #tpu.memory_space<vmem>> -> memref<2x64xi32, #tpu.memory_space<vmem>>
        %dma_start3A_187 = arith.constant 0 : i32
        %dma_start3A_188 = arith.constant 0 : i32
        %dma_start3A_189 = tpu.memref_slice %arg3[%add3A_155, %dma_start3A_187, %dma_start3A_188] : memref<5000x2x64xi32, #tpu.memory_space<hbm>> -> memref<1x2x64xi32, #tpu.memory_space<hbm>>
        %dma_start3A_190 = tpu.memref_squeeze %dma_start3A_189 : memref<1x2x64xi32, #tpu.memory_space<hbm>> -> memref<2x64xi32, #tpu.memory_space<hbm>>
        %dma_start3A_191 = arith.constant 0 : i32
        %dma_start3A_192 = arith.constant 0 : i32
        %dma_start3A_193 = tpu.memref_slice %arg6[%dma_start3A_191, %dma_start3A_192] : memref<8x64xi32, #tpu.memory_space<vmem>> -> memref<2x64xi32, #tpu.memory_space<vmem>>
        %dma_start3A_194 = arith.constant 0 : i32
        %dma_start3A_195 = arith.constant 0 : i32
        %dma_start3A_196 = tpu.memref_slice %arg3[%add3A_155, %dma_start3A_194, %dma_start3A_195] : memref<5000x2x64xi32, #tpu.memory_space<hbm>> -> memref<1x2x64xi32, #tpu.memory_space<hbm>>
        %dma_start3A_197 = tpu.memref_squeeze %dma_start3A_196 : memref<1x2x64xi32, #tpu.memory_space<hbm>> -> memref<2x64xi32, #tpu.memory_space<hbm>>
        tpu.enqueue_dma source(%dma_start3A_197 : memref<2x64xi32, #tpu.memory_space<hbm>>) target(%dma_start3A_193 : memref<2x64xi32, #tpu.memory_space<vmem>>) target_semaphore(%run_scoped3A : memref<!tpu.dma_semaphore, #tpu.memory_space<semaphore_mem>>)
        %dma_wait3A_198 = arith.constant 0 : i32
        %dma_wait3A_199 = arith.constant 0 : i32
        %dma_wait3A_200 = tpu.memref_slice %arg6[%dma_wait3A_198, %dma_wait3A_199] : memref<8x64xi32, #tpu.memory_space<vmem>> -> memref<2x64xi32, #tpu.memory_space<vmem>>
        %dma_wait3A_201 = arith.constant 0 : i32
        %dma_wait3A_202 = arith.constant 0 : i32
        %dma_wait3A_203 = tpu.memref_slice %arg3[%add3A_155, %dma_wait3A_201, %dma_wait3A_202] : memref<5000x2x64xi32, #tpu.memory_space<hbm>> -> memref<1x2x64xi32, #tpu.memory_space<hbm>>
        %dma_wait3A_204 = tpu.memref_squeeze %dma_wait3A_203 : memref<1x2x64xi32, #tpu.memory_space<hbm>> -> memref<2x64xi32, #tpu.memory_space<hbm>>
        %dma_wait3A_205 = arith.constant 0 : i32
        %dma_wait3A_206 = arith.constant 0 : i32
        %dma_wait3A_207 = tpu.memref_slice %arg6[%dma_wait3A_205, %dma_wait3A_206] : memref<8x64xi32, #tpu.memory_space<vmem>> -> memref<2x64xi32, #tpu.memory_space<vmem>>
        %dma_wait3A_208 = arith.constant 0 : i32
        %dma_wait3A_209 = arith.constant 0 : i32
        %dma_wait3A_210 = tpu.memref_slice %arg3[%add3A_155, %dma_wait3A_208, %dma_wait3A_209] : memref<5000x2x64xi32, #tpu.memory_space<hbm>> -> memref<1x2x64xi32, #tpu.memory_space<hbm>>
        %dma_wait3A_211 = tpu.memref_squeeze %dma_wait3A_210 : memref<1x2x64xi32, #tpu.memory_space<hbm>> -> memref<2x64xi32, #tpu.memory_space<hbm>>
        tpu.wait_dma2 semaphore(%run_scoped3A : memref<!tpu.dma_semaphore, #tpu.memory_space<semaphore_mem>>) src(%dma_wait3A_211 : memref<2x64xi32, #tpu.memory_space<hbm>>) dst(%dma_wait3A_207 : memref<2x64xi32, #tpu.memory_space<vmem>>)
        tpu.yield
      }) : () -> ()
      %dma_start3A_156 = arith.constant 0 : i32
      %dma_start3A_157 = tpu.memref_slice %arg6[%cond3A, %dma_start3A_156] : memref<8x64xi32, #tpu.memory_space<vmem>> -> memref<1x64xi32, #tpu.memory_space<vmem>>
      %dma_start3A_158 = tpu.memref_squeeze %dma_start3A_157 : memref<1x64xi32, #tpu.memory_space<vmem>> -> memref<64xi32, #tpu.memory_space<vmem>>
      %dma_start3A_159 = arith.constant 0 : i32
      %dma_start3A_160 = arith.constant 0 : i32
      %dma_start3A_161 = tpu.memref_slice %arg2[%dma_start3A_159, %dma_start3A_160] : memref<10240x128xf32, #tpu.memory_space<hbm>> -> memref<10240x128xf32, #tpu.memory_space<hbm>>
      tpu.enqueue_indirect_dma source(%dma_start3A_161 : memref<10240x128xf32, #tpu.memory_space<hbm>>) target(%arg7 : memref<64x128xf32, #tpu.memory_space<vmem>>) offsets(%dma_start3A_158 : memref<64xi32, #tpu.memory_space<vmem>>) semaphore(%arg12 : memref<!tpu.dma_semaphore, #tpu.memory_space<semaphore_mem>>)
      %dma_wait3A_162 = arith.constant 0 : i32
      %dma_wait3A_163 = tpu.memref_slice %arg6[%cond3A, %dma_wait3A_162] : memref<8x64xi32, #tpu.memory_space<vmem>> -> memref<1x64xi32, #tpu.memory_space<vmem>>
      %dma_wait3A_164 = tpu.memref_squeeze %dma_wait3A_163 : memref<1x64xi32, #tpu.memory_space<vmem>> -> memref<64xi32, #tpu.memory_space<vmem>>
      %dma_wait3A_165 = arith.constant 0 : i32
      %dma_wait3A_166 = arith.constant 0 : i32
      %dma_wait3A_167 = tpu.memref_slice %arg2[%dma_wait3A_165, %dma_wait3A_166] : memref<10240x128xf32, #tpu.memory_space<hbm>> -> memref<10240x128xf32, #tpu.memory_space<hbm>>
      tpu.wait_indirect_dma semaphore(%arg12 : memref<!tpu.dma_semaphore, #tpu.memory_space<semaphore_mem>>) src(%dma_wait3A_167 : memref<10240x128xf32, #tpu.memory_space<hbm>>) dst(%arg7 : memref<64x128xf32, #tpu.memory_space<vmem>>)
      "tpu.region"() ({
        %run_scoped3A = tpu.sem_alloc : memref<!tpu.dma_semaphore, #tpu.memory_space<semaphore_mem>>
        %dma_start3A_184 = arith.constant 0 : i32
        %dma_start3A_185 = tpu.memref_slice %arg6[%cond3A_142, %dma_start3A_184] : memref<8x64xi32, #tpu.memory_space<vmem>> -> memref<1x64xi32, #tpu.memory_space<vmem>>
        %dma_start3A_186 = tpu.memref_squeeze %dma_start3A_185 : memref<1x64xi32, #tpu.memory_space<vmem>> -> memref<64xi32, #tpu.memory_space<vmem>>
        %dma_start3A_187 = arith.constant 0 : i32
        %dma_start3A_188 = arith.constant 0 : i32
        %dma_start3A_189 = tpu.memref_slice %arg11[%dma_start3A_187, %dma_start3A_188] : memref<10240x128xf32, #tpu.memory_space<vmem_shared>> -> memref<10240x128xf32, #tpu.memory_space<vmem_shared>>
        tpu.enqueue_indirect_dma source(%arg7 : memref<64x128xf32, #tpu.memory_space<vmem>>) target(%dma_start3A_189 : memref<10240x128xf32, #tpu.memory_space<vmem_shared>>) offsets(%dma_start3A_186 : memref<64xi32, #tpu.memory_space<vmem>>) semaphore(%run_scoped3A : memref<!tpu.dma_semaphore, #tpu.memory_space<semaphore_mem>>) {add = true}
        %dma_wait3A_190 = arith.constant 0 : i32
        %dma_wait3A_191 = tpu.memref_slice %arg6[%cond3A_142, %dma_wait3A_190] : memref<8x64xi32, #tpu.memory_space<vmem>> -> memref<1x64xi32, #tpu.memory_space<vmem>>
        %dma_wait3A_192 = tpu.memref_squeeze %dma_wait3A_191 : memref<1x64xi32, #tpu.memory_space<vmem>> -> memref<64xi32, #tpu.memory_space<vmem>>
        %dma_wait3A_193 = arith.constant 0 : i32
        %dma_wait3A_194 = arith.constant 0 : i32
        %dma_wait3A_195 = tpu.memref_slice %arg11[%dma_wait3A_193, %dma_wait3A_194] : memref<10240x128xf32, #tpu.memory_space<vmem_shared>> -> memref<10240x128xf32, #tpu.memory_space<vmem_shared>>
        tpu.wait_indirect_dma semaphore(%run_scoped3A : memref<!tpu.dma_semaphore, #tpu.memory_space<semaphore_mem>>) src(%arg7 : memref<64x128xf32, #tpu.memory_space<vmem>>) dst(%dma_wait3A_195 : memref<10240x128xf32, #tpu.memory_space<vmem_shared>>)
        tpu.yield
      }) : () -> ()
      %add3A_168 = arith.constant 156 : i32
      %add3A_169 = arith.addi %add3A_6, %add3A_168 : i32
      %add3A_170 = arith.constant 1 : i32
      %add3A_171 = arith.addi %add3A_169, %add3A_170 : i32
      "tpu.region"() ({
        %run_scoped3A = tpu.sem_alloc : memref<!tpu.dma_semaphore, #tpu.memory_space<semaphore_mem>>
        %dma_start3A_184 = arith.constant 2 : i32
        %dma_start3A_185 = arith.constant 0 : i32
        %dma_start3A_186 = tpu.memref_slice %arg6[%dma_start3A_184, %dma_start3A_185] : memref<8x64xi32, #tpu.memory_space<vmem>> -> memref<2x64xi32, #tpu.memory_space<vmem>>
        %dma_start3A_187 = arith.constant 0 : i32
        %dma_start3A_188 = arith.constant 0 : i32
        %dma_start3A_189 = tpu.memref_slice %arg3[%add3A_171, %dma_start3A_187, %dma_start3A_188] : memref<5000x2x64xi32, #tpu.memory_space<hbm>> -> memref<1x2x64xi32, #tpu.memory_space<hbm>>
        %dma_start3A_190 = tpu.memref_squeeze %dma_start3A_189 : memref<1x2x64xi32, #tpu.memory_space<hbm>> -> memref<2x64xi32, #tpu.memory_space<hbm>>
        %dma_start3A_191 = arith.constant 2 : i32
        %dma_start3A_192 = arith.constant 0 : i32
        %dma_start3A_193 = tpu.memref_slice %arg6[%dma_start3A_191, %dma_start3A_192] : memref<8x64xi32, #tpu.memory_space<vmem>> -> memref<2x64xi32, #tpu.memory_space<vmem>>
        %dma_start3A_194 = arith.constant 0 : i32
        %dma_start3A_195 = arith.constant 0 : i32
        %dma_start3A_196 = tpu.memref_slice %arg3[%add3A_171, %dma_start3A_194, %dma_start3A_195] : memref<5000x2x64xi32, #tpu.memory_space<hbm>> -> memref<1x2x64xi32, #tpu.memory_space<hbm>>
        %dma_start3A_197 = tpu.memref_squeeze %dma_start3A_196 : memref<1x2x64xi32, #tpu.memory_space<hbm>> -> memref<2x64xi32, #tpu.memory_space<hbm>>
        tpu.enqueue_dma source(%dma_start3A_197 : memref<2x64xi32, #tpu.memory_space<hbm>>) target(%dma_start3A_193 : memref<2x64xi32, #tpu.memory_space<vmem>>) target_semaphore(%run_scoped3A : memref<!tpu.dma_semaphore, #tpu.memory_space<semaphore_mem>>)
        %dma_wait3A_198 = arith.constant 2 : i32
        %dma_wait3A_199 = arith.constant 0 : i32
        %dma_wait3A_200 = tpu.memref_slice %arg6[%dma_wait3A_198, %dma_wait3A_199] : memref<8x64xi32, #tpu.memory_space<vmem>> -> memref<2x64xi32, #tpu.memory_space<vmem>>
        %dma_wait3A_201 = arith.constant 0 : i32
        %dma_wait3A_202 = arith.constant 0 : i32
        %dma_wait3A_203 = tpu.memref_slice %arg3[%add3A_171, %dma_wait3A_201, %dma_wait3A_202] : memref<5000x2x64xi32, #tpu.memory_space<hbm>> -> memref<1x2x64xi32, #tpu.memory_space<hbm>>
        %dma_wait3A_204 = tpu.memref_squeeze %dma_wait3A_203 : memref<1x2x64xi32, #tpu.memory_space<hbm>> -> memref<2x64xi32, #tpu.memory_space<hbm>>
        %dma_wait3A_205 = arith.constant 2 : i32
        %dma_wait3A_206 = arith.constant 0 : i32
        %dma_wait3A_207 = tpu.memref_slice %arg6[%dma_wait3A_205, %dma_wait3A_206] : memref<8x64xi32, #tpu.memory_space<vmem>> -> memref<2x64xi32, #tpu.memory_space<vmem>>
        %dma_wait3A_208 = arith.constant 0 : i32
        %dma_wait3A_209 = arith.constant 0 : i32
        %dma_wait3A_210 = tpu.memref_slice %arg3[%add3A_171, %dma_wait3A_208, %dma_wait3A_209] : memref<5000x2x64xi32, #tpu.memory_space<hbm>> -> memref<1x2x64xi32, #tpu.memory_space<hbm>>
        %dma_wait3A_211 = tpu.memref_squeeze %dma_wait3A_210 : memref<1x2x64xi32, #tpu.memory_space<hbm>> -> memref<2x64xi32, #tpu.memory_space<hbm>>
        tpu.wait_dma2 semaphore(%run_scoped3A : memref<!tpu.dma_semaphore, #tpu.memory_space<semaphore_mem>>) src(%dma_wait3A_211 : memref<2x64xi32, #tpu.memory_space<hbm>>) dst(%dma_wait3A_207 : memref<2x64xi32, #tpu.memory_space<vmem>>)
        tpu.yield
      }) : () -> ()
      %dma_start3A_172 = arith.constant 0 : i32
      %dma_start3A_173 = tpu.memref_slice %arg6[%cond3A_143, %dma_start3A_172] : memref<8x64xi32, #tpu.memory_space<vmem>> -> memref<1x64xi32, #tpu.memory_space<vmem>>
      %dma_start3A_174 = tpu.memref_squeeze %dma_start3A_173 : memref<1x64xi32, #tpu.memory_space<vmem>> -> memref<64xi32, #tpu.memory_space<vmem>>
      %dma_start3A_175 = arith.constant 0 : i32
      %dma_start3A_176 = arith.constant 0 : i32
      %dma_start3A_177 = tpu.memref_slice %arg2[%dma_start3A_175, %dma_start3A_176] : memref<10240x128xf32, #tpu.memory_space<hbm>> -> memref<10240x128xf32, #tpu.memory_space<hbm>>
      tpu.enqueue_indirect_dma source(%dma_start3A_177 : memref<10240x128xf32, #tpu.memory_space<hbm>>) target(%arg8 : memref<64x128xf32, #tpu.memory_space<vmem>>) offsets(%dma_start3A_174 : memref<64xi32, #tpu.memory_space<vmem>>) semaphore(%arg13 : memref<!tpu.dma_semaphore, #tpu.memory_space<semaphore_mem>>)
      %dma_wait3A_178 = arith.constant 0 : i32
      %dma_wait3A_179 = tpu.memref_slice %arg6[%cond3A_143, %dma_wait3A_178] : memref<8x64xi32, #tpu.memory_space<vmem>> -> memref<1x64xi32, #tpu.memory_space<vmem>>
      %dma_wait3A_180 = tpu.memref_squeeze %dma_wait3A_179 : memref<1x64xi32, #tpu.memory_space<vmem>> -> memref<64xi32, #tpu.memory_space<vmem>>
      %dma_wait3A_181 = arith.constant 0 : i32
      %dma_wait3A_182 = arith.constant 0 : i32
      %dma_wait3A_183 = tpu.memref_slice %arg2[%dma_wait3A_181, %dma_wait3A_182] : memref<10240x128xf32, #tpu.memory_space<hbm>> -> memref<10240x128xf32, #tpu.memory_space<hbm>>
      tpu.wait_indirect_dma semaphore(%arg13 : memref<!tpu.dma_semaphore, #tpu.memory_space<semaphore_mem>>) src(%dma_wait3A_183 : memref<10240x128xf32, #tpu.memory_space<hbm>>) dst(%arg8 : memref<64x128xf32, #tpu.memory_space<vmem>>)
      "tpu.region"() ({
        %run_scoped3A = tpu.sem_alloc : memref<!tpu.dma_semaphore, #tpu.memory_space<semaphore_mem>>
        %dma_start3A_184 = arith.constant 0 : i32
        %dma_start3A_185 = tpu.memref_slice %arg6[%cond3A_144, %dma_start3A_184] : memref<8x64xi32, #tpu.memory_space<vmem>> -> memref<1x64xi32, #tpu.memory_space<vmem>>
        %dma_start3A_186 = tpu.memref_squeeze %dma_start3A_185 : memref<1x64xi32, #tpu.memory_space<vmem>> -> memref<64xi32, #tpu.memory_space<vmem>>
        %dma_start3A_187 = arith.constant 0 : i32
        %dma_start3A_188 = arith.constant 0 : i32
        %dma_start3A_189 = tpu.memref_slice %arg11[%dma_start3A_187, %dma_start3A_188] : memref<10240x128xf32, #tpu.memory_space<vmem_shared>> -> memref<10240x128xf32, #tpu.memory_space<vmem_shared>>
        tpu.enqueue_indirect_dma source(%arg8 : memref<64x128xf32, #tpu.memory_space<vmem>>) target(%dma_start3A_189 : memref<10240x128xf32, #tpu.memory_space<vmem_shared>>) offsets(%dma_start3A_186 : memref<64xi32, #tpu.memory_space<vmem>>) semaphore(%run_scoped3A : memref<!tpu.dma_semaphore, #tpu.memory_space<semaphore_mem>>) {add = true}
        %dma_wait3A_190 = arith.constant 0 : i32
        %dma_wait3A_191 = tpu.memref_slice %arg6[%cond3A_144, %dma_wait3A_190] : memref<8x64xi32, #tpu.memory_space<vmem>> -> memref<1x64xi32, #tpu.memory_space<vmem>>
        %dma_wait3A_192 = tpu.memref_squeeze %dma_wait3A_191 : memref<1x64xi32, #tpu.memory_space<vmem>> -> memref<64xi32, #tpu.memory_space<vmem>>
        %dma_wait3A_193 = arith.constant 0 : i32
        %dma_wait3A_194 = arith.constant 0 : i32
        %dma_wait3A_195 = tpu.memref_slice %arg11[%dma_wait3A_193, %dma_wait3A_194] : memref<10240x128xf32, #tpu.memory_space<vmem_shared>> -> memref<10240x128xf32, #tpu.memory_space<vmem_shared>>
        tpu.wait_indirect_dma semaphore(%run_scoped3A : memref<!tpu.dma_semaphore, #tpu.memory_space<semaphore_mem>>) src(%arg8 : memref<64x128xf32, #tpu.memory_space<vmem>>) dst(%dma_wait3A_195 : memref<10240x128xf32, #tpu.memory_space<vmem_shared>>)
        tpu.yield
      }) : () -> ()
    } else {
    }
    %barrier3A_147 = arith.constant 0 : index
    tpu.barrier barrier_id(%barrier3A_147)
    %mul3A_148 = arith.constant 640 : i32
    %mul3A_149 = arith.muli %arg1, %mul3A_148 : i32
    %mul3A_150 = arith.constant 640 : i32
    %mul3A_151 = arith.muli %arg1, %mul3A_150 : i32
    "tpu.region"() ({
      %run_scoped3A = tpu.sem_alloc : memref<!tpu.dma_semaphore, #tpu.memory_space<semaphore_mem>>
      %dma_start3A_152 = arith.constant 0 : i32
      %dma_start3A_153 = tpu.memref_slice %arg5[%arg0, %mul3A_151, %dma_start3A_152] : memref<2x10240x128xf32, #tpu.memory_space<hbm>> -> memref<1x640x128xf32, #tpu.memory_space<hbm>>
      %dma_start3A_154 = tpu.memref_squeeze %dma_start3A_153 : memref<1x640x128xf32, #tpu.memory_space<hbm>> -> memref<640x128xf32, #tpu.memory_space<hbm>>
      %dma_start3A_155 = arith.constant 0 : i32
      %dma_start3A_156 = tpu.memref_slice %arg11[%mul3A_149, %dma_start3A_155] : memref<10240x128xf32, #tpu.memory_space<vmem_shared>> -> memref<640x128xf32, #tpu.memory_space<vmem_shared>>
      tpu.enqueue_dma source(%dma_start3A_156 : memref<640x128xf32, #tpu.memory_space<vmem_shared>>) target(%dma_start3A_154 : memref<640x128xf32, #tpu.memory_space<hbm>>) target_semaphore(%run_scoped3A : memref<!tpu.dma_semaphore, #tpu.memory_space<semaphore_mem>>)
      %dma_wait3A_157 = arith.constant 0 : i32
      %dma_wait3A_158 = tpu.memref_slice %arg5[%arg0, %mul3A_151, %dma_wait3A_157] : memref<2x10240x128xf32, #tpu.memory_space<hbm>> -> memref<1x640x128xf32, #tpu.memory_space<hbm>>
      %dma_wait3A_159 = tpu.memref_squeeze %dma_wait3A_158 : memref<1x640x128xf32, #tpu.memory_space<hbm>> -> memref<640x128xf32, #tpu.memory_space<hbm>>
      %dma_wait3A_160 = arith.constant 0 : i32
      %dma_wait3A_161 = tpu.memref_slice %arg11[%mul3A_149, %dma_wait3A_160] : memref<10240x128xf32, #tpu.memory_space<vmem_shared>> -> memref<640x128xf32, #tpu.memory_space<vmem_shared>>
      tpu.wait_dma2 semaphore(%run_scoped3A : memref<!tpu.dma_semaphore, #tpu.memory_space<semaphore_mem>>) src(%dma_wait3A_161 : memref<640x128xf32, #tpu.memory_space<vmem_shared>>) dst(%dma_wait3A_159 : memref<640x128xf32, #tpu.memory_space<hbm>>)
      tpu.yield
    }) : () -> ()
    return
  }
}

module attributes {stable_mosaic.version = 14 : i64} {
  func.func @body(%arg0: i32, %arg1: memref<1280x128xf32, #tpu.memory_space<vmem>>, %arg2: memref<128x128xf32, #tpu.memory_space<vmem>>, %arg3: memref<1280x128xf32, #tpu.memory_space<vmem>>) attributes {dimension_semantics = [#tpu.dimension_semantics<arbitrary>], iteration_bounds = array<i64: 8>, scalar_prefetch = 0 : i64, scratch_operands = 0 : i64, tpu.core_type = #tpu.core_type<tc>, window_params = [{transform_indices = @transform_0, window_bounds = array<i64: 1280, 128>}, {pipeline_mode = #tpu.pipeline_mode<synchronous>, transform_indices = @transform_1, window_bounds = array<i64: 128, 128>}, {transform_indices = @transform_2, window_bounds = array<i64: 1280, 128>}]} {
    %get3A = arith.constant 0 : index
    %get3A_0 = arith.constant 0 : index
    %get3A_1 = vector.load %arg1[%get3A, %get3A_0] : memref<1280x128xf32, #tpu.memory_space<vmem>>, vector<1280x128xf32>
    %get3A_2 = arith.constant 0 : index
    %get3A_3 = arith.constant 0 : index
    %get3A_4 = vector.load %arg2[%get3A_2, %get3A_3] : memref<128x128xf32, #tpu.memory_space<vmem>>, vector<128x128xf32>
    %dot_general3A = arith.constant dense<0.000000e+00> : vector<1280x128xf32>
    %dot_general3A_5 = tpu.matmul %get3A_1, %get3A_4, %dot_general3A {dimension_numbers = #tpu.dot_dimension_numbers<[1], [0], [0], [1], [0, 0, 1, 1], [], []>, transpose_lhs_hint = false} : vector<1280x128xf32>, vector<128x128xf32>, vector<1280x128xf32> -> vector<1280x128xf32>
    %swap3A = arith.constant 0 : index
    %swap3A_6 = arith.constant 0 : index
    %swap3A_7 = vector.load %arg3[%swap3A, %swap3A_6] : memref<1280x128xf32, #tpu.memory_space<vmem>>, vector<1280x128xf32>
    tpu.vector_store %arg3[%swap3A, %swap3A_6], %dot_general3A_5 {strides = array<i32>} : memref<1280x128xf32, #tpu.memory_space<vmem>>, vector<1280x128xf32>,
    return
  }
  func.func @transform_0(%arg0: i32) -> (i32, i32) {
    %c0_i32 = arith.constant 0 : i32
    %c0_i32_0 = arith.constant 0 : i32
    return %arg0, %c0_i32 : i32, i32
  }
  func.func @transform_1(%arg0: i32) -> (i32, i32) {
    %c0_i32 = arith.constant 0 : i32
    %c0_i32_0 = arith.constant 0 : i32
    %c0_i32_1 = arith.constant 0 : i32
    return %c0_i32, %c0_i32_0 : i32, i32
  }
  func.func @transform_2(%arg0: i32) -> (i32, i32) {
    %c0_i32 = arith.constant 0 : i32
    %c0_i32_0 = arith.constant 0 : i32
    return %arg0, %c0_i32 : i32, i32
  }
}

module attributes {stable_mosaic.version = 14 : i64} {
  func.func @body(%arg0: i32, %arg1: memref<32x8x128xf32, #tpu.memory_space<vmem>>, %arg2: memref<1024x128xf32, #tpu.memory_space<vmem>>, %arg3: memref<1024x128xf32, #tpu.memory_space<vmem>>, %arg4: memref<1024x128xf32, #tpu.memory_space<vmem>>) attributes {dimension_semantics = [#tpu.dimension_semantics<arbitrary>], iteration_bounds = array<i64: 10>, scalar_prefetch = 0 : i64, scratch_operands = 0 : i64, tpu.core_type = #tpu.core_type<tc>, window_params = [{transform_indices = @transform_0, window_bounds = array<i64: 32, 8, 128>}, {transform_indices = @transform_1, window_bounds = array<i64: 1024, 128>}, {transform_indices = @transform_2, window_bounds = array<i64: 1024, 128>}, {transform_indices = @transform_3, window_bounds = array<i64: 1024, 128>}]} {
    %get3A = arith.constant 0 : index
    %get3A_0 = arith.constant 0 : index
    %get3A_1 = arith.constant 0 : index
    %get3A_2 = vector.load %arg1[%get3A, %get3A_0, %get3A_1] : memref<32x8x128xf32, #tpu.memory_space<vmem>>, vector<32x8x128xf32>
    %reduce_sum3A = arith.constant dense<0.000000e+00> : vector<8x128xf32>
    %reduce_sum3A_3 = vector.multi_reduction <add>, %get3A_2, %reduce_sum3A [0] : vector<32x8x128xf32> to vector<8x128xf32>
    %add3A = arith.constant 1.000000e+00 : f32
    %add3A_4 = vector.broadcast %add3A : f32 to vector<8x128xf32>
    %add3A_5 = arith.addf %reduce_sum3A_3, %add3A_4 : vector<8x128xf32>
    %rsqrt3A = math.rsqrt %add3A_5 : vector<8x128xf32>
    %transpose3A = tpu.transpose %rsqrt3A, [1, 0] : vector<8x128xf32> -> vector<128x8xf32>
    %slice3A = vector.extract_strided_slice %transpose3A {offsets = [0, 0], sizes = [128, 1], strides = [1, 1]} : vector<128x8xf32> to vector<128x1xf32>
    %broadcast_in_dim3A = vector.shape_cast %slice3A : vector<128x1xf32> to vector<128x1xf32>
    %broadcast_in_dim3A_6 = vector.broadcast %broadcast_in_dim3A : vector<128x1xf32> to vector<128x128xf32>
    %slice3A_7 = vector.extract_strided_slice %transpose3A {offsets = [0, 1], sizes = [128, 1], strides = [1, 1]} : vector<128x8xf32> to vector<128x1xf32>
    %broadcast_in_dim3A_8 = vector.shape_cast %slice3A_7 : vector<128x1xf32> to vector<128x1xf32>
    %broadcast_in_dim3A_9 = vector.broadcast %broadcast_in_dim3A_8 : vector<128x1xf32> to vector<128x128xf32>
    %slice3A_10 = vector.extract_strided_slice %transpose3A {offsets = [0, 2], sizes = [128, 1], strides = [1, 1]} : vector<128x8xf32> to vector<128x1xf32>
    %broadcast_in_dim3A_11 = vector.shape_cast %slice3A_10 : vector<128x1xf32> to vector<128x1xf32>
    %broadcast_in_dim3A_12 = vector.broadcast %broadcast_in_dim3A_11 : vector<128x1xf32> to vector<128x128xf32>
    %slice3A_13 = vector.extract_strided_slice %transpose3A {offsets = [0, 3], sizes = [128, 1], strides = [1, 1]} : vector<128x8xf32> to vector<128x1xf32>
    %broadcast_in_dim3A_14 = vector.shape_cast %slice3A_13 : vector<128x1xf32> to vector<128x1xf32>
    %broadcast_in_dim3A_15 = vector.broadcast %broadcast_in_dim3A_14 : vector<128x1xf32> to vector<128x128xf32>
    %slice3A_16 = vector.extract_strided_slice %transpose3A {offsets = [0, 4], sizes = [128, 1], strides = [1, 1]} : vector<128x8xf32> to vector<128x1xf32>
    %broadcast_in_dim3A_17 = vector.shape_cast %slice3A_16 : vector<128x1xf32> to vector<128x1xf32>
    %broadcast_in_dim3A_18 = vector.broadcast %broadcast_in_dim3A_17 : vector<128x1xf32> to vector<128x128xf32>
    %slice3A_19 = vector.extract_strided_slice %transpose3A {offsets = [0, 5], sizes = [128, 1], strides = [1, 1]} : vector<128x8xf32> to vector<128x1xf32>
    %broadcast_in_dim3A_20 = vector.shape_cast %slice3A_19 : vector<128x1xf32> to vector<128x1xf32>
    %broadcast_in_dim3A_21 = vector.broadcast %broadcast_in_dim3A_20 : vector<128x1xf32> to vector<128x128xf32>
    %slice3A_22 = vector.extract_strided_slice %transpose3A {offsets = [0, 6], sizes = [128, 1], strides = [1, 1]} : vector<128x8xf32> to vector<128x1xf32>
    %broadcast_in_dim3A_23 = vector.shape_cast %slice3A_22 : vector<128x1xf32> to vector<128x1xf32>
    %broadcast_in_dim3A_24 = vector.broadcast %broadcast_in_dim3A_23 : vector<128x1xf32> to vector<128x128xf32>
    %slice3A_25 = vector.extract_strided_slice %transpose3A {offsets = [0, 7], sizes = [128, 1], strides = [1, 1]} : vector<128x8xf32> to vector<128x1xf32>
    %broadcast_in_dim3A_26 = vector.shape_cast %slice3A_25 : vector<128x1xf32> to vector<128x1xf32>
    %broadcast_in_dim3A_27 = vector.broadcast %broadcast_in_dim3A_26 : vector<128x1xf32> to vector<128x128xf32>
    %concatenate3A = tpu.concatenate %broadcast_in_dim3A_6, %broadcast_in_dim3A_9, %broadcast_in_dim3A_12, %broadcast_in_dim3A_15, %broadcast_in_dim3A_18, %broadcast_in_dim3A_21, %broadcast_in_dim3A_24, %broadcast_in_dim3A_27 in 0 : vector<128x128xf32>, vector<128x128xf32>, vector<128x128xf32>, vector<128x128xf32>, vector<128x128xf32>, vector<128x128xf32>, vector<128x128xf32>, vector<128x128xf32> -> vector<1024x128xf32>
    %swap3A = arith.constant 0 : index
    %swap3A_28 = arith.constant 0 : index
    %swap3A_29 = vector.load %arg3[%swap3A, %swap3A_28] : memref<1024x128xf32, #tpu.memory_space<vmem>>, vector<1024x128xf32>
    tpu.vector_store %arg3[%swap3A, %swap3A_28], %concatenate3A {strides = array<i32>} : memref<1024x128xf32, #tpu.memory_space<vmem>>, vector<1024x128xf32>,
    %get3A_30 = arith.constant 0 : index
    %get3A_31 = arith.constant 0 : index
    %get3A_32 = vector.load %arg2[%get3A_30, %get3A_31] : memref<1024x128xf32, #tpu.memory_space<vmem>>, vector<1024x128xf32>
    %mul3A = arith.mulf %concatenate3A, %get3A_32 : vector<1024x128xf32>
    %swap3A_33 = arith.constant 0 : index
    %swap3A_34 = arith.constant 0 : index
    %swap3A_35 = vector.load %arg4[%swap3A_33, %swap3A_34] : memref<1024x128xf32, #tpu.memory_space<vmem>>, vector<1024x128xf32>
    tpu.vector_store %arg4[%swap3A_33, %swap3A_34], %mul3A {strides = array<i32>} : memref<1024x128xf32, #tpu.memory_space<vmem>>, vector<1024x128xf32>,
    return
  }
  func.func @transform_0(%arg0: i32) -> (i32, i32, i32) {
    %c0_i32 = arith.constant 0 : i32
    %c0_i32_0 = arith.constant 0 : i32
    %c0_i32_1 = arith.constant 0 : i32
    return %c0_i32, %arg0, %c0_i32_0 : i32, i32, i32
  }
  func.func @transform_1(%arg0: i32) -> (i32, i32) {
    %c0_i32 = arith.constant 0 : i32
    %c0_i32_0 = arith.constant 0 : i32
    return %arg0, %c0_i32 : i32, i32
  }
  func.func @transform_2(%arg0: i32) -> (i32, i32) {
    %c0_i32 = arith.constant 0 : i32
    %c0_i32_0 = arith.constant 0 : i32
    return %arg0, %c0_i32 : i32, i32
  }
  func.func @transform_3(%arg0: i32) -> (i32, i32) {
    %c0_i32 = arith.constant 0 : i32
    %c0_i32_0 = arith.constant 0 : i32
    return %arg0, %c0_i32 : i32, i32
  }
}

module attributes {stable_mosaic.version = 14 : i64} {
  func.func @body(%arg0: i32, %arg1: memref<2x1280x128xf32, #tpu.memory_space<vmem>>, %arg2: memref<1280x128xf32, #tpu.memory_space<vmem>>, %arg3: memref<1280x128xf32, #tpu.memory_space<vmem>>, %arg4: memref<1x128xf32, #tpu.memory_space<vmem>>, %arg5: memref<128x128xf32, #tpu.memory_space<vmem>>, %arg6: memref<1280x128xf32, #tpu.memory_space<vmem>>) attributes {dimension_semantics = [#tpu.dimension_semantics<arbitrary>], iteration_bounds = array<i64: 8>, scalar_prefetch = 0 : i64, scratch_operands = 0 : i64, tpu.core_type = #tpu.core_type<tc>, window_params = [{transform_indices = @transform_0, window_bounds = array<i64: 2, 1280, 128>}, {transform_indices = @transform_1, window_bounds = array<i64: 1280, 128>}, {transform_indices = @transform_2, window_bounds = array<i64: 1280, 128>}, {pipeline_mode = #tpu.pipeline_mode<synchronous>, transform_indices = @transform_3, window_bounds = array<i64: 1, 128>}, {pipeline_mode = #tpu.pipeline_mode<synchronous>, transform_indices = @transform_4, window_bounds = array<i64: 128, 128>}, {transform_indices = @transform_5, window_bounds = array<i64: 1280, 128>}]} {
    %get3A = arith.constant 0 : index
    %get3A_0 = arith.constant 0 : index
    %get3A_1 = arith.constant 0 : index
    %get3A_2 = vector.load %arg1[%get3A, %get3A_0, %get3A_1] : memref<2x1280x128xf32, #tpu.memory_space<vmem>>, vector<1x1280x128xf32>
    %get3A_3 = vector.shape_cast %get3A_2 : vector<1x1280x128xf32> to vector<1280x128xf32>
    %get3A_4 = arith.constant 1 : index
    %get3A_5 = arith.constant 0 : index
    %get3A_6 = arith.constant 0 : index
    %get3A_7 = vector.load %arg1[%get3A_4, %get3A_5, %get3A_6] : memref<2x1280x128xf32, #tpu.memory_space<vmem>>, vector<1x1280x128xf32>
    %get3A_8 = vector.shape_cast %get3A_7 : vector<1x1280x128xf32> to vector<1280x128xf32>
    %add3A = arith.addf %get3A_3, %get3A_8 : vector<1280x128xf32>
    %get3A_9 = arith.constant 0 : index
    %get3A_10 = arith.constant 0 : index
    %get3A_11 = vector.load %arg2[%get3A_9, %get3A_10] : memref<1280x128xf32, #tpu.memory_space<vmem>>, vector<1280x128xf32>
    %add3A_12 = arith.addf %add3A, %get3A_11 : vector<1280x128xf32>
    %get3A_13 = arith.constant 0 : index
    %get3A_14 = arith.constant 0 : index
    %get3A_15 = vector.load %arg3[%get3A_13, %get3A_14] : memref<1280x128xf32, #tpu.memory_space<vmem>>, vector<1280x128xf32>
    %mul3A = arith.mulf %get3A_15, %add3A_12 : vector<1280x128xf32>
    %get3A_16 = arith.constant 0 : index
    %get3A_17 = arith.constant 0 : index
    %get3A_18 = vector.load %arg4[%get3A_16, %get3A_17] : memref<1x128xf32, #tpu.memory_space<vmem>>, vector<1x128xf32>
    %add3A_19 = vector.broadcast %get3A_18 : vector<1x128xf32> to vector<1280x128xf32>
    %add3A_20 = arith.addf %mul3A, %add3A_19 : vector<1280x128xf32>
    %max3A = arith.constant 0.000000e+00 : f32
    %max3A_21 = vector.broadcast %max3A : f32 to vector<1280x128xf32>
    %max3A_22 = arith.maximumf %add3A_20, %max3A_21 : vector<1280x128xf32>
    %get3A_23 = arith.constant 0 : index
    %get3A_24 = arith.constant 0 : index
    %get3A_25 = vector.load %arg3[%get3A_23, %get3A_24] : memref<1280x128xf32, #tpu.memory_space<vmem>>, vector<1280x128xf32>
    %get3A_26 = arith.constant 0 : index
    %get3A_27 = arith.constant 0 : index
    %get3A_28 = vector.load %arg5[%get3A_26, %get3A_27] : memref<128x128xf32, #tpu.memory_space<vmem>>, vector<128x128xf32>
    %dot_general3A = arith.constant dense<0.000000e+00> : vector<1280x128xf32>
    %dot_general3A_29 = tpu.matmul %max3A_22, %get3A_28, %dot_general3A {dimension_numbers = #tpu.dot_dimension_numbers<[1], [0], [0], [1], [0, 0, 1, 1], [], []>, transpose_lhs_hint = false} : vector<1280x128xf32>, vector<128x128xf32>, vector<1280x128xf32> -> vector<1280x128xf32>
    %mul3A_30 = arith.mulf %get3A_25, %dot_general3A_29 : vector<1280x128xf32>
    %swap3A = arith.constant 0 : index
    %swap3A_31 = arith.constant 0 : index
    %swap3A_32 = vector.load %arg6[%swap3A, %swap3A_31] : memref<1280x128xf32, #tpu.memory_space<vmem>>, vector<1280x128xf32>
    tpu.vector_store %arg6[%swap3A, %swap3A_31], %mul3A_30 {strides = array<i32>} : memref<1280x128xf32, #tpu.memory_space<vmem>>, vector<1280x128xf32>,
    return
  }
  func.func @transform_0(%arg0: i32) -> (i32, i32, i32) {
    %c0_i32 = arith.constant 0 : i32
    %c0_i32_0 = arith.constant 0 : i32
    %c0_i32_1 = arith.constant 0 : i32
    return %c0_i32, %arg0, %c0_i32_0 : i32, i32, i32
  }
  func.func @transform_1(%arg0: i32) -> (i32, i32) {
    %c0_i32 = arith.constant 0 : i32
    %c0_i32_0 = arith.constant 0 : i32
    return %arg0, %c0_i32 : i32, i32
  }
  func.func @transform_2(%arg0: i32) -> (i32, i32) {
    %c0_i32 = arith.constant 0 : i32
    %c0_i32_0 = arith.constant 0 : i32
    return %arg0, %c0_i32 : i32, i32
  }
  func.func @transform_3(%arg0: i32) -> (i32, i32) {
    %c0_i32 = arith.constant 0 : i32
    %c0_i32_0 = arith.constant 0 : i32
    %c0_i32_1 = arith.constant 0 : i32
    return %c0_i32, %c0_i32_0 : i32, i32
  }
  func.func @transform_4(%arg0: i32) -> (i32, i32) {
    %c0_i32 = arith.constant 0 : i32
    %c0_i32_0 = arith.constant 0 : i32
    %c0_i32_1 = arith.constant 0 : i32
    return %c0_i32, %c0_i32_0 : i32, i32
  }
  func.func @transform_5(%arg0: i32) -> (i32, i32) {
    %c0_i32 = arith.constant 0 : i32
    %c0_i32_0 = arith.constant 0 : i32
    return %arg0, %c0_i32 : i32, i32
  }
}

module attributes {stable_mosaic.version = 14 : i64} {
  func.func @body(%arg0: i32, %arg1: memref<2x1000x128xf32, #tpu.memory_space<vmem>>, %arg2: memref<1000x128xf32, #tpu.memory_space<vmem>>, %arg3: memref<1000x128xf32, #tpu.memory_space<vmem>>, %arg4: memref<1x128xf32, #tpu.memory_space<vmem>>, %arg5: memref<1000x128xf32, #tpu.memory_space<vmem>>) attributes {dimension_semantics = [#tpu.dimension_semantics<arbitrary>], iteration_bounds = array<i64: 10>, scalar_prefetch = 0 : i64, scratch_operands = 0 : i64, tpu.core_type = #tpu.core_type<tc>, window_params = [{transform_indices = @transform_0, window_bounds = array<i64: 2, 1000, 128>}, {transform_indices = @transform_1, window_bounds = array<i64: 1000, 128>}, {transform_indices = @transform_2, window_bounds = array<i64: 1000, 128>}, {pipeline_mode = #tpu.pipeline_mode<synchronous>, transform_indices = @transform_3, window_bounds = array<i64: 1, 128>}, {transform_indices = @transform_4, window_bounds = array<i64: 1000, 128>}]} {
    %get3A = arith.constant 0 : index
    %get3A_0 = arith.constant 0 : index
    %get3A_1 = arith.constant 0 : index
    %get3A_2 = vector.load %arg1[%get3A, %get3A_0, %get3A_1] : memref<2x1000x128xf32, #tpu.memory_space<vmem>>, vector<1x1000x128xf32>
    %get3A_3 = vector.shape_cast %get3A_2 : vector<1x1000x128xf32> to vector<1000x128xf32>
    %get3A_4 = arith.constant 1 : index
    %get3A_5 = arith.constant 0 : index
    %get3A_6 = arith.constant 0 : index
    %get3A_7 = vector.load %arg1[%get3A_4, %get3A_5, %get3A_6] : memref<2x1000x128xf32, #tpu.memory_space<vmem>>, vector<1x1000x128xf32>
    %get3A_8 = vector.shape_cast %get3A_7 : vector<1x1000x128xf32> to vector<1000x128xf32>
    %add3A = arith.addf %get3A_3, %get3A_8 : vector<1000x128xf32>
    %get3A_9 = arith.constant 0 : index
    %get3A_10 = arith.constant 0 : index
    %get3A_11 = vector.load %arg2[%get3A_9, %get3A_10] : memref<1000x128xf32, #tpu.memory_space<vmem>>, vector<1000x128xf32>
    %add3A_12 = arith.addf %add3A, %get3A_11 : vector<1000x128xf32>
    %get3A_13 = arith.constant 0 : index
    %get3A_14 = arith.constant 0 : index
    %get3A_15 = vector.load %arg3[%get3A_13, %get3A_14] : memref<1000x128xf32, #tpu.memory_space<vmem>>, vector<1000x128xf32>
    %mul3A = arith.mulf %get3A_15, %add3A_12 : vector<1000x128xf32>
    %get3A_16 = arith.constant 0 : index
    %get3A_17 = arith.constant 0 : index
    %get3A_18 = vector.load %arg4[%get3A_16, %get3A_17] : memref<1x128xf32, #tpu.memory_space<vmem>>, vector<1x128xf32>
    %add3A_19 = vector.broadcast %get3A_18 : vector<1x128xf32> to vector<1000x128xf32>
    %add3A_20 = arith.addf %mul3A, %add3A_19 : vector<1000x128xf32>
    %swap3A = arith.constant 0 : index
    %swap3A_21 = arith.constant 0 : index
    %swap3A_22 = vector.load %arg5[%swap3A, %swap3A_21] : memref<1000x128xf32, #tpu.memory_space<vmem>>, vector<1000x128xf32>
    tpu.vector_store %arg5[%swap3A, %swap3A_21], %add3A_20 {strides = array<i32>} : memref<1000x128xf32, #tpu.memory_space<vmem>>, vector<1000x128xf32>,
    return
  }
  func.func @transform_0(%arg0: i32) -> (i32, i32, i32) {
    %c0_i32 = arith.constant 0 : i32
    %c0_i32_0 = arith.constant 0 : i32
    %c0_i32_1 = arith.constant 0 : i32
    return %c0_i32, %arg0, %c0_i32_0 : i32, i32, i32
  }
  func.func @transform_1(%arg0: i32) -> (i32, i32) {
    %c0_i32 = arith.constant 0 : i32
    %c0_i32_0 = arith.constant 0 : i32
    return %arg0, %c0_i32 : i32, i32
  }
  func.func @transform_2(%arg0: i32) -> (i32, i32) {
    %c0_i32 = arith.constant 0 : i32
    %c0_i32_0 = arith.constant 0 : i32
    return %arg0, %c0_i32 : i32, i32
  }
  func.func @transform_3(%arg0: i32) -> (i32, i32) {
    %c0_i32 = arith.constant 0 : i32
    %c0_i32_0 = arith.constant 0 : i32
    %c0_i32_1 = arith.constant 0 : i32
    return %c0_i32, %c0_i32_0 : i32, i32
  }
  func.func @transform_4(%arg0: i32) -> (i32, i32) {
    %c0_i32 = arith.constant 0 : i32
    %c0_i32_0 = arith.constant 0 : i32
    return %arg0, %c0_i32 : i32, i32
  }
}

</mosaic_0001>

<sc_bundles>
// kernel: kernel.12.cloned.1.call-start
scs
__scs_entry_jumppad:
0x0: {  	(pc) =	sbr.rel $0x88, $3  }
0x1: {  	(tag) =	ssettag $0x0;
	lr =	simm.s32 $0x1  }
0x2: {  	[smem:$0x3F9B] =	sst lr;
	_ =	strace $0xD0000000  }
0x3: {  	_ = 	snop  }
0x4: {  	_ = 	snop  }
0x5: {  	_ = 	snop  }
0x6: {  	_ = 	snop  }
0x7: {  	_ = 	snop  }
__scs_overlays_trampoline_lowered:
0x8: {  	[smem:$0x3FAA] =	sst s0  }
0x9: {  	[smem:$0x3FAB] =	sst s1  }
0xa: {  	[smem:$0x3FAC] =	sst s2  }
0xb: {  	[smem:$0x3FAD] =	sst s3  }
0xc: {  	[smem:$0x3FAE] =	sst s4  }
0xd: {  	[smem:$0x3FAF] =	sst s5  }
0xe: {  	[smem:$0x3FB0] =	sst s6  }
0xf: {  	[smem:$0x3FB1] =	sst s7  }
0x10: {  	[smem:$0x3FB2] =	sst s8  }
0x11: {  	[smem:$0x3FB3] =	sst s9;
	s0 =	simm.s32 @!p0 $0x0  }
0x12: {  	s1 =	sld [smem:$0x3F99];
	s0 =	simm.s32 @p0 $0x1  }
0x13: {  	[smem:$0x3FB4] =	sst s0;
	s0 =	simm.s32 @!p1 $0x0  }
0x14: {  	s2 =	sld [smem:$0x3F98];
	s0 =	simm.s32 @p1 $0x1  }
0x15: {  	[smem:$0x3FB5] =	sst s0;
	s0 =	simm.s32 @!p2 $0x0  }
0x16: {  	s3 =	sld [smem:$0x3FDB];
	s0 =	simm.s32 @p2 $0x1  }
0x17: {  	s4 =	simm.s32 $0x1BF5;
	[smem:$0x3FB7] =	sst s0  }
0x18: {  	s0 =	sld [smem:$0x3F9A];
	_ =	swait.ge [sflag:s4], $0x0  }
0x19: {  	s7 =	sld [smem:$0x3F9B]  }
0x1a: {  	s8 =	sadd.s32 $0xFFFFE003, lr  }
0x1b: {  	s9 =	sadd.s32 $0xFFFFFEF7, lr;
	s5 =	simm.s32 $0xFFFFFFFF;
	p2 =	slt.u32 s8, $0xFFFFF086  }
0x1c: {  	p1 =	slt.u32 s9, $0xF7A;
	s5 =	simm.s32 @!p2 $0x0  }
0x1d: {  	s5 =	simm.s32 @p1 $0x1;
	p0 =	seq.s32 s7, s2  }
0x1e: {  	s7 =	smul.u32 @!p0 $0xF7A, s2;
	p2 =	seq.s32 @!p0 s5, $0x0  }
0x1f: {  	s9 =	smul.u32 $0xF7A, s1;
	s8 =	simm.s32 @!p0 $0x1BF5;
	p2 =	por !p2, p0  }
0x20: {  	[sflag:s8] =	ssyncset.s32 @!p0 $0xFFFFF086;
	s6 =	sadd.s32 @!p0 s3, s7;
	s7 =	simm.s32 @!p0 $0x108  }
0x21: {  	s3 =	sadd.s32 s3, s9;
	s6 =	sadd.s32 @!p0 $0x88, s6;
	s7 =	simm.s32 @p2 $0x1082  }
0x22: {  	[simem:s7], [sflag:s8] =	dma.local @!p0 [hbm:s6], $0xF7A  }
0x23: {  	s9 =	sor.u32 $0xD0000000, s2;
	s6 =	simm.s32 $0x108;
	_ =	swait.ge @!p0 [sflag:s8], $0x0  }
0x24: {  	s3 =	sadd.s32 $0x88, s3;
	s6 =	simm.s32 @!p1 $0x1082;
	[sflag:s4] =	ssyncset.s32 $0xFFFFF086  }
0x25: {  	[simem:s6], [sflag:s4] =	dma.local [hbm:s3], $0xF7A  }
0x26: {  	[smem:$0x3F9B] =	sst s1;
	(tag) =	ssettag s2;
	_ =	strace s9  }
0x27: {  	s1 =	sld [smem:$0x3FAB]  }
0x28: {  	s2 =	sld [smem:$0x3FAC]  }
0x29: {  	s4 =	sld [smem:$0x3FAE]  }
0x2a: {  	p0 =	seq.s32 s5, $0x0;
	s5 =	sld [smem:$0x3FAF]  }
0x2b: {  	s6 =	sld [smem:$0x3FB0]  }
0x2c: {  	s7 =	sld [smem:$0x3FB1]  }
0x2d: {  	s3 =	simm.s32 $0x108;
	s8 =	sld [smem:$0x3FB2]  }
0x2e: {  	s3 =	simm.s32 @!p0 $0x1082;
	s9 =	sld [smem:$0x3FB3]  }
0x2f: {  	lr =	sadd.s32 s0, s3;
	s0 =	sld [smem:$0x3FAA]  }
0x30: {  	s3 =	sld [smem:$0x3FAD]  }
0x31: {  	[smem:$0x3FB6] =	sst s10  }
0x32: {  	s10 =	sld [smem:$0x3FB4];
	_ =	sdelay $0x3  }
0x33: {  	p0 =	seq.s32 s10, $0x1;
	s10 =	sld [smem:$0x3FB6];
	_ =	sdelay $0x3  }
0x34: {  	[smem:$0x3FB6] =	sst s10  }
0x35: {  	s10 =	sld [smem:$0x3FB5];
	_ =	sdelay $0x3  }
0x36: {  	p1 =	seq.s32 s10, $0x1;
	s10 =	sld [smem:$0x3FB6];
	_ =	sdelay $0x3  }
0x37: {  	[smem:$0x3FB6] =	sst s10  }
0x38: {  	s10 =	sld [smem:$0x3FB7]  }
0x39: {  	_ = 	snop;
	(pc) =	sbr.ind lr, $3  }
0x3a: {  	_ = 	snop  }
0x3b: {  	_ = 	snop  }
0x3c: {  	p2 =	seq.s32 s10, $0x1;
	s10 =	sld [smem:$0x3FB6]  }
0x3d: {  	_ =	shalt  }
0x3e: {  	_ =	shalt  }
0x3f: {  	_ =	shalt  }
0x40: {  	_ =	shalt  }
0x41: {  	_ =	shalt  }
0x42: {  	_ =	shalt  }
0x43: {  	_ =	shalt  }
0x44: {  	_ =	shalt  }
0x45: {  	_ =	shalt  }
0x46: {  	_ =	shalt  }
0x47: {  	_ =	shalt  }
0x48: {  	_ =	shalt  }
0x49: {  	_ =	shalt  }
0x4a: {  	_ =	shalt  }
0x4b: {  	_ =	shalt  }
0x4c: {  	_ =	shalt  }
0x4d: {  	_ =	shalt  }
0x4e: {  	_ =	shalt  }
0x4f: {  	_ =	shalt  }
0x50: {  	_ =	shalt  }
0x51: {  	_ =	shalt  }
0x52: {  	_ =	shalt  }
0x53: {  	_ =	shalt  }
0x54: {  	_ =	shalt  }
0x55: {  	_ =	shalt  }
0x56: {  	_ =	shalt  }
0x57: {  	_ =	shalt  }
0x58: {  	_ =	shalt  }
0x59: {  	_ =	shalt  }
0x5a: {  	_ =	shalt  }
0x5b: {  	_ =	shalt  }
0x5c: {  	_ =	shalt  }
0x5d: {  	_ =	shalt  }
0x5e: {  	_ =	shalt  }
0x5f: {  	_ =	shalt  }
0x60: {  	_ =	shalt  }
0x61: {  	_ =	shalt  }
0x62: {  	_ =	shalt  }
0x63: {  	_ =	shalt  }
0x64: {  	_ =	shalt  }
0x65: {  	_ =	shalt  }
0x66: {  	_ =	shalt  }
0x67: {  	_ =	shalt  }
0x68: {  	_ =	shalt  }
0x69: {  	_ =	shalt  }
0x6a: {  	_ =	shalt  }
0x6b: {  	_ =	shalt  }
0x6c: {  	_ =	shalt  }
0x6d: {  	_ =	shalt  }
0x6e: {  	_ =	shalt  }
0x6f: {  	_ =	shalt  }
0x70: {  	_ =	shalt  }
0x71: {  	_ =	shalt  }
0x72: {  	_ =	shalt  }
0x73: {  	_ =	shalt  }
0x74: {  	_ =	shalt  }
0x75: {  	_ =	shalt  }
0x76: {  	_ =	shalt  }
0x77: {  	_ =	shalt  }
0x78: {  	_ =	shalt  }
0x79: {  	_ =	shalt  }
0x7a: {  	_ =	shalt  }
0x7b: {  	_ =	shalt  }
0x7c: {  	_ =	shalt  }
0x7d: {  	_ =	shalt  }
0x7e: {  	_ =	shalt  }
0x7f: {  	_ =	shalt  }
0x80: {  	_ =	shalt  }
0x81: {  	_ =	shalt  }
0x82: {  	_ =	shalt  }
0x83: {  	_ =	shalt  }
0x84: {  	_ =	shalt  }
0x85: {  	_ =	shalt  }
0x86: {  	_ =	shalt  }
0x87: {  	_ =	shalt  }
.Lfunc_end0:
.L_simem_size_0:
called_computation.1_lowered:
.L_overlay_start_0:
0x88: {  	s2 =	sld [smem:$0x3FD9]  }
0x89: {  	s3 =	sld [smem:$0x3FFE];
	_ =	sdelay $0x1  }
0x8a: {  	s1 =	srdreg.scid  }
0x8b: {  	s0 =	sand.u32 $0x1, s1  }
0x8c: {  	s17 =	sshll.u32 s0, $0xA;
	s2 =	sadd.s32 s3, s2  }
0x8d: {  	s2 =	sadd.s32 s2, s17  }
0x8e: {  	[smem:$0x3FC2] =	sst s2  }
0x8f: {  	_ = 	snop  }
0x90: {  	s2 =	sld [smem:$0x3FD0];
	(tm) =	ssettm $0x1  }
0x91: {  	s18 =	sld [smem:$0x3FFB];
	_ =	sdelay $0x3  }
0x92: {  	_ =	strace s18  }
0x93: {  	s3 =	sld [smem:$0x3FFC];
	_ =	sdelay $0x3  }
0x94: {  	_ =	strace s3  }
0x95: {  	s3 =	sld [smem:$0x3FFD];
	_ =	sdelay $0x3  }
0x96: {  	_ =	strace s3  }
0x97: {  	_ =	strace $0x8FFFFFFF  }
0x98: {  	s19 =	sld [smem:$0x3FDB];
	_ =	sdelay $0x1  }
0x99: {  	s4 =	simm.s32 $_scs_section_size  }
0x9a: {  	s5 =	simm.s32 $_size__tile_overlayer_lowered;
	s6 =	simm.s32 $_tile_overlayer_lowered  }
0x9b: {  	s22 =	simm.s32 $0x1BFF;
	s21 =	sshll.u32 s6, $0x1;
	s3 =	sadd.s32 s4, s19  }
0x9c: {  	s7 =	simm.s32 $0x0;
	s20 =	sshll.u32 s5, $0x1;
	s5 =	sadd.s32 s21, s3  }
0x9d: {  	[timem:s7], [sflag:s22] =	dma.local [hbm:s5], s20  }
0x9e: {  	_ =	swait.ge [sflag:s22], s20  }
0x9f: {  	s4 =	ssub.s32 $0x0, s20;
	[sflag:s22] =	ssyncset.done $0x0  }
0xa0: {  	[sflag:s22] =	ssyncadd.s32 s4;
	_ =	sdelay $0x1  }
0xa1: {  	s23 =	simm.s32 $0x1B8B  }
0xa2: {  	_ =	swait.ge [sflag:s23], $0x1  }
0xa3: {  	[sflag:s23] =	ssyncset.done $0x0  }
0xa4: {  	s25 =	simm.s32 $0x1B8E;
	s24 =	sld [smem:$0x3FFE];
	[sflag:s23] =	ssyncadd.s32 $0xFFFFFFFF  }
0xa5: {  	s26 =	simm.s32 $execute0_lowered;
	[smem:$0x3FD2] =	sst s25  }
0xa6: {  	s5 =	sshll.u32 s26, $0x1;
	_ =	strace $0x80000049;
	[dreg:$0x1] =	wrdreg $0xFFFFFFFF  }
0xa7: {  	s28 =	simm.s32 $_size_execute0_lowered;
	s3 =	sadd.s32 s3, s5;
	[dreg:$0x0] =	wrdreg $0x0  }
0xa8: {  	s5 =	sshll.u32 s28, $0x1;
	[dreg:$0x2] =	wrdreg s3  }
0xa9: {  	[dreg:$0x3] =	wrdreg s5  }
0xaa: {  	[dreg:$0x4] =	wrdreg $0xC0  }
0xab: {  	_ =	task [dreg:s7], $0x5FFFF  }
0xac: {  	[dreg:$0x1] =	wrdreg $0xFFFFFFFF  }
0xad: {  	[dreg:$0x0] =	wrdreg $0x60  }
0xae: {  	[dreg:$0x2] =	wrdreg s24  }
0xaf: {  	[dreg:$0x3] =	wrdreg s2  }
0xb0: {  	[dreg:$0x4] =	wrdreg $0x84000  }
0xb1: {  	[dreg:$0x5] =	wrdreg $0x9  }
0xb2: {  	_ =	task.clear_ibuf [dreg:s7], $0x6FFFF;
	_ =	strace $0x90000049  }
0xb3: {  	s29 =	simm.s32 $0x9;
	_ =	strace $0x8000004B  }
0xb4: {  	_ =	swait.ge [sflag:s29], $0x1  }
0xb5: {  	[sflag:s29] =	ssyncadd.s32 $0xFFFFFFFF  }
0xb6: {  	_ =	strace $0x9000004B  }
0xb7: {  	_ =	sfence  }
0xb8: {  	s30 =	sld [smem:$0x0];
	_ =	sdelay $0x2  }
0xb9: {  	s31 =	sshll.u32 s1, $0xD;
	s1 =	sshrl.u32 s1, $0x2  }
0xba: {  	s3 =	sand.u32 $0x4000, s31;
	s1 =	sadd.s32 s1, s30  }
0xbb: {  	s0 =	sor.u32 s3, s0;
	s1 =	sshll.u32 s1, $0x11  }
0xbc: {  	s0 =	sor.u32 s1, s0  }
0xbd: {  	s0 =	sadd.s32 $0x8F2B, s0  }
0xbe: {  	[sflag:s0] =	ssyncadd.remote.s32 $0x1  }
0xbf: {  	_ =	sfence.sel $0xFFFF  }
0xc0: {  	[dreg:$0x0] =	wrdreg $0xFFFFFFFF;
	(pc) =	sbr.abs _section_cstart, $3  }
0xc1: {  	[dreg:$0x1] =	wrdreg $0xFFFFFFFF  }
0xc2: {  	_ =	task.clear_ibuf [dreg:s7], $0x2FFFF;
	_ =	strace $0x9FFFFFFF  }
0xc3: {  	(tm) =	ssettm $0x7FFFFFFF  }
tec
execute0_lowered:
.L_overlay_start_1:
0x0: {  	(tag) =	ssettag $0x1  }
0x1: {  	s0 =	rddreg [dreg:$0x0]  }
0x2: {  	s1 =	rddreg [dreg:$0x1]  }
0x3: {  	s2 =	rddreg [dreg:$0x2]  }
0x4: {  	s3 =	simm.s32 $0x0;
	s13 =	stileid.u32;
	s4 =	srdreg.scid  }
0x5: {  	s28 =	simm.s32 $0x2;
	s29 =	simm.s32 $0x180;
	s30 =	simm.s32 $0x5  }
0x6: {  	s31 =	simm.s32 $0x3;
	[smem:$0x7FF] =	sst s3;
	s5 =	smul.u32 $0x14000, s13  }
0x7: {  	s6 =	sand.u32 $0x1, s4;
	s4 =	sadd.s32 $0x2800, s0;
	s10 =	smul.u32 $0x138, s13  }
0x8: {  	s9 =	sshll.u32 s13, $0x1;
	s12 =	smul.u32 $0x50000, s13;
	s15 =	sadd.s32 $0x20, s1  }
0x9: {  	p0 =	sgt.u32 s13, $0x1;
	_ =	strace $0x8000004A;
	s7 =	smul.u32 $0x140000, s6  }
0xa: {  	s25 =	sor.u32 s6, s9;
	s26 =	ssub.s32 $0x2, s6;
	s6 =	smul.u32 $0x9C, s6  }
0xb: {  	s8 =	sshrl.u32 s5, $0x3;
	s9 =	smul.u32 $0x9C, s25;
	s11 =	sshrl.u32 s26, $0x1  }
0xc: {  	s12 =	sshrl.u32 s12, $0x2;
	s8 =	sadd.s32 s8, s0;
	s5 =	sadd.s32 s5, s7  }
0xd: {  	s7 =	smin.u32 s25, $0x4;
	s11 =	ssub.s32 s26, s11;
	s6 =	sadd.s32 s6, s10  }
0xe: {  	s17 =	sadd.s32 s12, s2;
	s10 =	simm.s32 $0x0;
	s5 =	sshrl.u32 s5, $0x3  }
0xf: {  	s7 =	sshll.u32 s7, $0x1;
	[dreg:$0x9] =	wrdreg s17;
	s18 =	sadd.s32 $0x2A800, s8  }
0x10: {  	s26 =	smax.u32 s11, $0x1;
	s17 =	simm.s32 $0x40;
	s8 =	simm.s32 $0x7  }
0x11: {  	s0 =	sadd.s32 s5, s0;
	s9 =	sadd.s32 s9, s7;
	[dreg:$0xa] =	wrdreg s18  }
0x12: {  	s6 =	sadd.s32 s7, s6;
	[dreg:$0x10] =	wrdreg s26;
	s18 =	simm.s32 $0x400  }
0x13: {  	s26 =	simm.s32 $0x6400;
	s9 =	sshll.u32 s9, $0x5;
	s0 =	sadd.s32 $0x52800, s0  }
0x14: {  	s7 =	simm.s32 $0x380;
	s16 =	sadd.s32 s9, s15;
	[dreg:$0xf] =	wrdreg s0  }
0x15: {  	s6 =	sshll.u32 s6, $0x5;
	s14 =	sadd.s32 s1, s9;
	[dreg:$0x8] =	wrdreg s16  }
0x16: {  	s20 =	sadd.s32 s15, s6;
	s19 =	sadd.s32 $0x40, s14;
	[dreg:$0x7] =	wrdreg s14  }
0x17: {  	s1 =	sadd.s32 s1, s6;
	s21 =	sadd.s32 $0x60, s14;
	[dreg:$0xb] =	wrdreg s19  }
0x18: {  	s0 =	simm.s32 $0x280;
	s23 =	sadd.s32 $0x1380, s14;
	[dreg:$0xc] =	wrdreg s21  }
0x19: {  	s6 =	simm.s32 $0x4;
	s22 =	sadd.s32 $0xC0, s20;
	[dreg:$0xd] =	wrdreg s23  }
0x1a: {  	s9 =	simm.s32 $0x8;
	s5 =	sadd.s32 $0x13A0, s14;
	[dreg:$0x4] =	wrdreg s22  }
0x1b: {  	s24 =	sadd.s32 $0xC0, s1;
	s25 =	sadd.s32 $0x80, s20;
	[dreg:$0xe] =	wrdreg s5  }
0x1c: {  	s15 =	sadd.s32 $0x80, s1;
	s16 =	simm.s32 $0x9;
	[dreg:$0x5] =	wrdreg s24  }
0x1d: {  	s20 =	simm.s32 $0x2400;
	s1 =	simm.s32 $0x6;
	[dreg:$0x6] =	wrdreg s25  }
0x1e: {  	s19 =	simm.s32 $0x100;
	s21 =	simm.s32 $0x200;
	s22 =	simm.s32 $0x4400  }
0x1f: {  	s23 =	simm.s32 $0x1;
	s24 =	simm.s32 $0x80;
	s25 =	simm.s32 $0x300  }
.LBB2_1:
0x20: {  	s5 =	rddreg [dreg:$0x7]  }
0x21: {  	[tilespmem:s3], [sflag:$0x9] =	stream.linear.gather [hbm4b:s5+s3], $0x100, $0x38;
	[tilespmem:$0x1C400] =	vst v63  }
0x22: {  	_ =	swait.ge [sflag:s16], $0x100  }
0x23: {  	[sflag:s16] =	ssyncset.done $0x0  }
0x24: {  	[sflag:s16] =	ssyncadd.s32 $0xFFFFFF00  }
0x25: {  	[tilespmem:s18], [sflag:$0x1] =	stream.indirect.gather [hbm4b:s4+s17], $0x80, s3, s17, $0xb8;
	[tilespmem:$0x1C400] =	vst v63  }
0x26: {  	s11 =	rddreg [dreg:$0x8]  }
0x27: {  	[tilespmem:s19], [sflag:$0x9] =	stream.linear.gather [hbm4b:s11+s3], $0x100, $0x38;
	[tilespmem:$0x1C400] =	vst v63  }
0x28: {  	s12 =	stileid.u32;
	_ =	swait.ge [sflag:s16], $0x100  }
0x29: {  	s11 =	sshll.u32 s12, $0x6;
	s13 =	rddreg [dreg:$0x9]  }
0x2a: {  	s11 =	sor.u32 $0x1C09, s11;
	[sflag:s16] =	ssyncset.done $0x0;
	s14 =	rddreg [dreg:$0xa]  }
0x2b: {  	[dreg:$0x11] =	wrdreg s11;
	[sflag:s16] =	ssyncadd.s32 $0xFFFFFF00;
	s12 =	sshrl.u32 s13, $0x3  }
0x2c: {  	[tilespmem:s20], [sflag:$0x2] =	stream.indirect.gather [hbm4b:s4+s17], $0x80, s19, s17, $0xb8;
	[tilespmem:$0x1C400] =	vst v63  }
0x2d: {  	[dreg:$0x12] =	wrdreg s12  }
0x2e: {  	[spmem:s12], [sflag:s11] =	dma.local [hbm:s14], $0x2800  }
0x2f: {  	_ =	swait.ge [sflag:s16], $0x2800  }
0x30: {  	[sflag:s16] =	ssyncset.done $0x0  }
0x31: {  	[sflag:s16] =	ssyncadd.s32 $0xFFFFD800  }
0x32: {  	[bflag:$0x0] =	sbarrier.arrive $0xFFFF  }
0x33: {  	s13 =	rddreg [dreg:$0xb]  }
0x34: {  	[tilespmem:s21], [sflag:$0x9] =	stream.linear.gather [hbm4b:s13+s3], $0x100, $0x38;
	[tilespmem:$0x1C400] =	vst v63  }
0x35: {  	_ =	swait.ge [sflag:s16], $0x100  }
0x36: {  	[sflag:s16] =	ssyncset.done $0x0  }
0x37: {  	[sflag:s16] =	ssyncadd.s32 $0xFFFFFF00  }
0x38: {  	[tilespmem:s22], [sflag:$0x3] =	stream.indirect.gather [hbm4b:s4+s17], $0x80, s21, s17, $0xb8;
	[tilespmem:$0x1C400] =	vst v63  }
0x39: {  	_ =	swait.ge [sflag:s23], $0x2000  }
0x3a: {  	[sflag:s23] =	ssyncset.done $0x0  }
0x3b: {  	[sflag:s23] =	ssyncadd.s32 $0xFFFFE000  }
0x3c: {  	[spmem:s2] =	stream.indirect.scatter.add.f32 [tilespmem:s18], [sflag:$0x5], $0x80, s24, s17, $0xb8;
	[tilespmem:$0x1C400] =	vst v63  }
0x3d: {  	s14 =	rddreg [dreg:$0xc]  }
0x3e: {  	[tilespmem:s25], [sflag:$0x9] =	stream.linear.gather [hbm4b:s14+s3], $0x100, $0x38;
	[tilespmem:$0x1C400] =	vst v63  }
0x3f: {  	_ =	swait.ge [sflag:s16], $0x100  }
0x40: {  	[sflag:s16] =	ssyncset.done $0x0  }
0x41: {  	[sflag:s16] =	ssyncadd.s32 $0xFFFFFF00  }
0x42: {  	[tilespmem:s26], [sflag:$0x4] =	stream.indirect.gather [hbm4b:s4+s17], $0x80, s25, s17, $0xb8;
	[tilespmem:$0x1C400] =	vst v63  }
0x43: {  	_ =	swait.ge [sflag:s28], $0x2000  }
0x44: {  	[sflag:s28] =	ssyncset.done $0x0  }
0x45: {  	[sflag:s28] =	ssyncadd.s32 $0xFFFFE000  }
0x46: {  	[spmem:s2] =	stream.indirect.scatter.add.f32 [tilespmem:s20], [sflag:$0x6], $0x80, s29, s17, $0xb8;
	[tilespmem:$0x1C400] =	vst v63  }
0x47: {  	_ =	swait.ge [sflag:s30], $0x2000  }
0x48: {  	[sflag:s30] =	ssyncset.done $0x0  }
0x49: {  	s13 =	sadd.s32 $0x0, s15;
	[sflag:s30] =	ssyncadd.s32 $0xFFFFE000  }
0x4a: {  	[tilespmem:s3], [sflag:$0x9] =	stream.linear.gather [hbm4b:s13+s3], $0x100, $0x38;
	[tilespmem:$0x1C400] =	vst v63  }
0x4b: {  	_ =	swait.ge [sflag:s16], $0x100  }
0x4c: {  	[sflag:s16] =	ssyncset.done $0x0  }
0x4d: {  	[sflag:s16] =	ssyncadd.s32 $0xFFFFFF00  }
0x4e: {  	[tilespmem:s18], [sflag:$0x1] =	stream.indirect.gather [hbm4b:s4+s17], $0x80, s3, s17, $0xb8;
	[tilespmem:$0x1C400] =	vst v63  }
0x4f: {  	_ =	swait.ge [sflag:s31], $0x2000  }
0x50: {  	[sflag:s31] =	ssyncset.done $0x0  }
0x51: {  	[sflag:s31] =	ssyncadd.s32 $0xFFFFE000  }
0x52: {  	[spmem:s2] =	stream.indirect.scatter.add.f32 [tilespmem:s22], [sflag:$0x7], $0x80, s0, s17, $0xb8;
	[tilespmem:$0x1C400] =	vst v63  }
0x53: {  	_ =	swait.ge [sflag:s1], $0x2000  }
0x54: {  	s11 =	rddreg [dreg:$0x6];
	[sflag:s1] =	ssyncset.done $0x0  }
0x55: {  	[sflag:s1] =	ssyncadd.s32 $0xFFFFE000;
	s13 =	sadd.s32 $0x0, s11  }
0x56: {  	[tilespmem:s19], [sflag:$0x9] =	stream.linear.gather [hbm4b:s13+s3], $0x100, $0x38;
	[tilespmem:$0x1C400] =	vst v63  }
0x57: {  	_ =	swait.ge [sflag:s16], $0x100  }
0x58: {  	[sflag:s16] =	ssyncset.done $0x0  }
0x59: {  	[sflag:s16] =	ssyncadd.s32 $0xFFFFFF00  }
0x5a: {  	[tilespmem:s20], [sflag:$0x2] =	stream.indirect.gather [hbm4b:s4+s17], $0x80, s19, s17, $0xb8;
	[tilespmem:$0x1C400] =	vst v63  }
0x5b: {  	_ =	swait.ge [sflag:s6], $0x2000  }
0x5c: {  	[sflag:s6] =	ssyncset.done $0x0  }
0x5d: {  	[sflag:s6] =	ssyncadd.s32 $0xFFFFE000  }
0x5e: {  	[spmem:s2] =	stream.indirect.scatter.add.f32 [tilespmem:s26], [sflag:$0x8], $0x80, s7, s17, $0xb8;
	[tilespmem:$0x1C400] =	vst v63  }
0x5f: {  	_ =	swait.ge [sflag:s8], $0x2000  }
0x60: {  	s12 =	rddreg [dreg:$0x5];
	[sflag:s8] =	ssyncset.done $0x0  }
0x61: {  	[sflag:s8] =	ssyncadd.s32 $0xFFFFE000;
	s13 =	sadd.s32 $0x0, s12  }
0x62: {  	[tilespmem:s21], [sflag:$0x9] =	stream.linear.gather [hbm4b:s13+s3], $0x100, $0x38;
	[tilespmem:$0x1C400] =	vst v63  }
0x63: {  	_ =	swait.ge [sflag:s16], $0x100  }
0x64: {  	[sflag:s16] =	ssyncset.done $0x0  }
0x65: {  	[sflag:s16] =	ssyncadd.s32 $0xFFFFFF00  }
0x66: {  	[tilespmem:s22], [sflag:$0x3] =	stream.indirect.gather [hbm4b:s4+s17], $0x80, s21, s17, $0xb8;
	[tilespmem:$0x1C400] =	vst v63  }
0x67: {  	_ =	swait.ge [sflag:s23], $0x2000  }
0x68: {  	[sflag:s23] =	ssyncset.done $0x0  }
0x69: {  	[sflag:s23] =	ssyncadd.s32 $0xFFFFE000  }
0x6a: {  	[spmem:s2] =	stream.indirect.scatter.add.f32 [tilespmem:s18], [sflag:$0x5], $0x80, s24, s17, $0xb8;
	[tilespmem:$0x1C400] =	vst v63  }
0x6b: {  	_ =	swait.ge [sflag:s9], $0x2000  }
0x6c: {  	s14 =	rddreg [dreg:$0x4];
	[sflag:s9] =	ssyncset.done $0x0  }
0x6d: {  	[sflag:s9] =	ssyncadd.s32 $0xFFFFE000;
	s13 =	sadd.s32 $0x0, s14  }
0x6e: {  	[tilespmem:s25], [sflag:$0x9] =	stream.linear.gather [hbm4b:s13+s3], $0x100, $0x38;
	[tilespmem:$0x1C400] =	vst v63  }
0x6f: {  	_ =	swait.ge [sflag:s16], $0x100  }
0x70: {  	[sflag:s16] =	ssyncset.done $0x0  }
0x71: {  	[sflag:s16] =	ssyncadd.s32 $0xFFFFFF00  }
0x72: {  	[tilespmem:s26], [sflag:$0x4] =	stream.indirect.gather [hbm4b:s4+s17], $0x80, s25, s17, $0xb8;
	[tilespmem:$0x1C400] =	vst v63  }
0x73: {  	_ =	swait.ge [sflag:s28], $0x2000  }
0x74: {  	[sflag:s28] =	ssyncset.done $0x0  }
0x75: {  	s13 =	simm.s32 $0x80;
	[sflag:s28] =	ssyncadd.s32 $0xFFFFE000  }
.LBB2_2:
0x76: {  	[spmem:s2] =	stream.indirect.scatter.add.f32 [tilespmem:s20], [sflag:$0x6], $0x80, s29, s17, $0xb8;
	[tilespmem:$0x1C400] =	vst v63  }
0x77: {  	_ =	swait.ge [sflag:s30], $0x2000  }
0x78: {  	s14 =	smov.u32 s13;
	[sflag:s30] =	ssyncset.done $0x0  }
0x79: {  	s5 =	sadd.s32 s14, s15;
	[sflag:s30] =	ssyncadd.s32 $0xFFFFE000  }
0x7a: {  	[tilespmem:s3], [sflag:$0x9] =	stream.linear.gather [hbm4b:s5+s3], $0x100, $0x38;
	[tilespmem:$0x1C400] =	vst v63  }
0x7b: {  	_ =	swait.ge [sflag:s16], $0x100  }
0x7c: {  	[sflag:s16] =	ssyncset.done $0x0  }
0x7d: {  	[sflag:s16] =	ssyncadd.s32 $0xFFFFFF00  }
0x7e: {  	[tilespmem:s18], [sflag:$0x1] =	stream.indirect.gather [hbm4b:s4+s17], $0x80, s3, s17, $0xb8;
	[tilespmem:$0x1C400] =	vst v63  }
0x7f: {  	_ =	swait.ge [sflag:s31], $0x2000  }
0x80: {  	[sflag:s31] =	ssyncset.done $0x0  }
0x81: {  	[sflag:s31] =	ssyncadd.s32 $0xFFFFE000  }
0x82: {  	[spmem:s2] =	stream.indirect.scatter.add.f32 [tilespmem:s22], [sflag:$0x7], $0x80, s0, s17, $0xb8;
	[tilespmem:$0x1C400] =	vst v63  }
0x83: {  	_ =	swait.ge [sflag:s1], $0x2000  }
0x84: {  	s12 =	rddreg [dreg:$0x6];
	[sflag:s1] =	ssyncset.done $0x0  }
0x85: {  	[sflag:s1] =	ssyncadd.s32 $0xFFFFE000;
	s5 =	sadd.s32 s14, s12  }
0x86: {  	[tilespmem:s19], [sflag:$0x9] =	stream.linear.gather [hbm4b:s5+s3], $0x100, $0x38;
	[tilespmem:$0x1C400] =	vst v63  }
0x87: {  	_ =	swait.ge [sflag:s16], $0x100  }
0x88: {  	[sflag:s16] =	ssyncset.done $0x0  }
0x89: {  	[sflag:s16] =	ssyncadd.s32 $0xFFFFFF00  }
0x8a: {  	[tilespmem:s20], [sflag:$0x2] =	stream.indirect.gather [hbm4b:s4+s17], $0x80, s19, s17, $0xb8;
	[tilespmem:$0x1C400] =	vst v63  }
0x8b: {  	_ =	swait.ge [sflag:s6], $0x2000  }
0x8c: {  	[sflag:s6] =	ssyncset.done $0x0  }
0x8d: {  	[sflag:s6] =	ssyncadd.s32 $0xFFFFE000  }
0x8e: {  	[spmem:s2] =	stream.indirect.scatter.add.f32 [tilespmem:s26], [sflag:$0x8], $0x80, s7, s17, $0xb8;
	[tilespmem:$0x1C400] =	vst v63  }
0x8f: {  	_ =	swait.ge [sflag:s8], $0x2000  }
0x90: {  	s11 =	rddreg [dreg:$0x5];
	[sflag:s8] =	ssyncset.done $0x0  }
0x91: {  	[sflag:s8] =	ssyncadd.s32 $0xFFFFE000;
	s5 =	sadd.s32 s14, s11  }
0x92: {  	[tilespmem:s21], [sflag:$0x9] =	stream.linear.gather [hbm4b:s5+s3], $0x100, $0x38;
	[tilespmem:$0x1C400] =	vst v63  }
0x93: {  	_ =	swait.ge [sflag:s16], $0x100  }
0x94: {  	[sflag:s16] =	ssyncset.done $0x0  }
0x95: {  	[sflag:s16] =	ssyncadd.s32 $0xFFFFFF00  }
0x96: {  	[tilespmem:s22], [sflag:$0x3] =	stream.indirect.gather [hbm4b:s4+s17], $0x80, s21, s17, $0xb8;
	[tilespmem:$0x1C400] =	vst v63  }
0x97: {  	_ =	swait.ge [sflag:s23], $0x2000  }
0x98: {  	[sflag:s23] =	ssyncset.done $0x0  }
0x99: {  	[sflag:s23] =	ssyncadd.s32 $0xFFFFE000  }
0x9a: {  	[spmem:s2] =	stream.indirect.scatter.add.f32 [tilespmem:s18], [sflag:$0x5], $0x80, s24, s17, $0xb8;
	[tilespmem:$0x1C400] =	vst v63  }
0x9b: {  	_ =	swait.ge [sflag:s9], $0x2000  }
0x9c: {  	s12 =	rddreg [dreg:$0x4];
	[sflag:s9] =	ssyncset.done $0x0  }
0x9d: {  	[sflag:s9] =	ssyncadd.s32 $0xFFFFE000;
	s5 =	sadd.s32 s14, s12  }
0x9e: {  	[tilespmem:s25], [sflag:$0x9] =	stream.linear.gather [hbm4b:s5+s3], $0x100, $0x38;
	[tilespmem:$0x1C400] =	vst v63  }
0x9f: {  	_ =	swait.ge [sflag:s16], $0x100  }
0xa0: {  	p1 =	sne.s32 s13, $0x1280;
	[sflag:s16] =	ssyncset.done $0x0  }
.Ltmp0:
0xa1: {  	[sflag:s16] =	ssyncadd.s32 $0xFFFFFF00;
	(pc) =	sbr.rel @p1 .LBB2_2-.Ltmp0, $4  }
0xa2: {  	[tilespmem:s26], [sflag:$0x4] =	stream.indirect.gather [hbm4b:s4+s17], $0x80, s25, s17, $0xb8;
	[tilespmem:$0x1C400] =	vst v63  }
0xa3: {  	_ =	swait.ge [sflag:s28], $0x2000  }
0xa4: {  	[sflag:s28] =	ssyncset.done $0x0  }
0xa5: {  	s13 =	sadd.s32 $0x80, s13;
	[sflag:s28] =	ssyncadd.s32 $0xFFFFE000  }
0xa6: {  	[spmem:s2] =	stream.indirect.scatter.add.f32 [tilespmem:s20], [sflag:$0x6], $0x80, s29, s17, $0xb8;
	[tilespmem:$0x1C400] =	vst v63  }
0xa7: {  	_ =	swait.ge [sflag:s31], $0x2000  }
0xa8: {  	[sflag:s31] =	ssyncset.done $0x0  }
0xa9: {  	[sflag:s31] =	ssyncadd.s32 $0xFFFFE000  }
0xaa: {  	[spmem:s2] =	stream.indirect.scatter.add.f32 [tilespmem:s22], [sflag:$0x7], $0x80, s0, s17, $0xb8;
	[tilespmem:$0x1C400] =	vst v63  }
0xab: {  	_ =	swait.ge [sflag:s6], $0x2000  }
0xac: {  	[sflag:s6] =	ssyncset.done $0x0  }
0xad: {  	[sflag:s6] =	ssyncadd.s32 $0xFFFFE000  }
0xae: {  	[spmem:s2] =	stream.indirect.scatter.add.f32 [tilespmem:s26], [sflag:$0x8], $0x80, s7, s17, $0xb8;
	[tilespmem:$0x1C400] =	vst v63  }
0xaf: {  	_ =	swait.ge [sflag:s30], $0x2000  }
0xb0: {  	[sflag:s30] =	ssyncset.done $0x0  }
0xb1: {  	[sflag:s30] =	ssyncadd.s32 $0xFFFFE000  }
0xb2: {  	_ =	swait.ge [sflag:s1], $0x2000  }
0xb3: {  	[sflag:s1] =	ssyncset.done $0x0  }
0xb4: {  	[sflag:s1] =	ssyncadd.s32 $0xFFFFE000  }
0xb5: {  	_ =	swait.ge [sflag:s8], $0x2000  }
0xb6: {  	[sflag:s8] =	ssyncset.done $0x0  }
0xb7: {  	[sflag:s8] =	ssyncadd.s32 $0xFFFFE000  }
0xb8: {  	_ =	swait.ge [sflag:s9], $0x2000  }
0xb9: {  	s5 =	simm.s32 @!p0 $0x0;
	[sflag:s9] =	ssyncset.done $0x0  }
0xba: {  	s13 =	simm.s32 @!p0 $0x9;
	s11 =	rddreg [dreg:$0xd];
	[sflag:s9] =	ssyncadd.s32 $0xFFFFE000  }
0xbb: {  	[tilespmem:s5], [sflag:$0x9] =	stream.linear.gather @!p0 [hbm4b:s11+s5], $0x100, $0x38;
	[tilespmem:$0x1C400] =	vst v63  }
0xbc: {  	_ =	swait.ge @!p0 [sflag:s13], $0x100  }
0xbd: {  	s14 =	simm.s32 @!p0 $0x40;
	[sflag:s13] =	ssyncset.done @!p0 $0x0  }
0xbe: {  	s12 =	simm.s32 @!p0 $0x1;
	s11 =	simm.s32 @!p0 $0x400;
	[sflag:s13] =	ssyncadd.s32 @!p0 $0xFFFFFF00  }
0xbf: {  	[tilespmem:s11], [sflag:$0x1] =	stream.indirect.gather @!p0 [hbm4b:s4+s14], $0x80, s5, s14, $0xb8;
	[tilespmem:$0x1C400] =	vst v63  }
0xc0: {  	_ =	swait.ge @!p0 [sflag:s12], $0x2000  }
0xc1: {  	[sflag:s12] =	ssyncset.done @!p0 $0x0  }
0xc2: {  	[sflag:s12] =	ssyncadd.s32 @!p0 $0xFFFFE000;
	s12 =	simm.s32 @!p0 $0x80  }
0xc3: {  	[spmem:s2] =	stream.indirect.scatter.add.f32 @!p0 [tilespmem:s11], [sflag:$0x9], $0x80, s12, s14, $0xb8;
	[tilespmem:$0x1C400] =	vst v63  }
0xc4: {  	_ =	swait.ge @!p0 [sflag:s13], $0x2000  }
0xc5: {  	[sflag:s13] =	ssyncset.done @!p0 $0x0  }
0xc6: {  	s11 =	simm.s32 @!p0 $0x100;
	s12 =	rddreg [dreg:$0xe];
	[sflag:s13] =	ssyncadd.s32 @!p0 $0xFFFFE000  }
0xc7: {  	[tilespmem:s11], [sflag:$0x9] =	stream.linear.gather @!p0 [hbm4b:s12+s5], $0x100, $0x38;
	[tilespmem:$0x1C400] =	vst v63  }
0xc8: {  	_ =	swait.ge @!p0 [sflag:s13], $0x100  }
0xc9: {  	[sflag:s13] =	ssyncset.done @!p0 $0x0  }
0xca: {  	s5 =	simm.s32 @!p0 $0x2400;
	[sflag:s13] =	ssyncadd.s32 @!p0 $0xFFFFFF00  }
0xcb: {  	[tilespmem:s5], [sflag:$0x2] =	stream.indirect.gather @!p0 [hbm4b:s4+s14], $0x80, s11, s14, $0xb8;
	[tilespmem:$0x1C400] =	vst v63  }
0xcc: {  	s11 =	simm.s32 @!p0 $0x2  }
0xcd: {  	_ =	swait.ge @!p0 [sflag:s11], $0x2000  }
0xce: {  	[sflag:s11] =	ssyncset.done @!p0 $0x0  }
0xcf: {  	[sflag:s11] =	ssyncadd.s32 @!p0 $0xFFFFE000;
	s11 =	simm.s32 @!p0 $0x180  }
0xd0: {  	[spmem:s2] =	stream.indirect.scatter.add.f32 @!p0 [tilespmem:s5], [sflag:$0x9], $0x80, s11, s14, $0xb8;
	[tilespmem:$0x1C400] =	vst v63  }
0xd1: {  	_ =	swait.ge @!p0 [sflag:s13], $0x2000  }
0xd2: {  	[sflag:s13] =	ssyncset.done @!p0 $0x0  }
0xd3: {  	[sflag:s13] =	ssyncadd.s32 @!p0 $0xFFFFE000  }
0xd4: {  	[bflag:$0x0] =	sbarrier.arrive $0xFFFF  }
0xd5: {  	s11 =	rddreg [dreg:$0xf]  }
0xd6: {  	s12 =	rddreg [dreg:$0x11]  }
0xd7: {  	s13 =	rddreg [dreg:$0x12]  }
0xd8: {  	[hbm:s11], [sflag:s12] =	dma.local [spmem:s13], $0x2800  }
0xd9: {  	_ =	swait.ge [sflag:s16], $0x2800  }
0xda: {  	s10 =	sadd.s32 $0x1, s10;
	s14 =	rddreg [dreg:$0x10]  }
0xdb: {  	p1 =	sne.s32 s10, s14  }
.Ltmp1:
0xdc: {  	_ = 	snop;
	(pc) =	sbr.rel @p1 .LBB2_1-.Ltmp1, $3  }
0xdd: {  	_ =	sdelay $0x1  }
0xde: {  	[sflag:s16] =	ssyncset.done $0x0  }
0xdf: {  	[sflag:s16] =	ssyncadd.s32 $0xFFFFD800  }
0xe0: {  	_ =	sfence.sel $0x180000  }
0xe1: {  	[bflag:$0x0] =	sbarrier.arrive $0xFFFF  }
0xe2: {  	_ =	strace $0x9000004A  }
0xe3: {  	s0 =	stileid.u32;
	[bflag:$0x2] =	sbarrier.arrive $0xFFFF  }
0xe4: {  	p0 =	sne.s32 s0, $0x0;
	s0 =	rddreg [dreg:$0x3]  }
0xe5: {  	s0 =	sadd.s32 @!p0 $0x100000, s0  }
0xe6: {  	[sflag:s0] =	ssyncadd.tile.s32 @!p0 $0x1;
	_ =	shalt  }
.Lfunc_end2:
_tile_overlayer_lowered:
.L_overlay_start_2:
0xe7: {  	(tag) =	ssettag $0x2  }
0xe8: {  	s0 =	rddreg [dreg:$0x0];
	s2 =	stileid.u32  }
0xe9: {  	s1 =	rddreg [dreg:$0x1];
	p0 =	sne.s32 s2, $0x0  }
0xea: {  	s3 =	rddreg [dreg:$0x2];
	[bflag:$0x3] =	sbarrier.arrive $0xFFFF;
	s2 =	simm.s32 @!p0 $0x1C09  }
0xeb: {  	[timem:s3], [sflag:s2] =	dma.local @!p0 [hbm:s0], s1  }
0xec: {  	s0 =	simm.s32 @!p0 $0x9  }
0xed: {  	_ =	swait.ge @!p0 [sflag:s0], s1  }
0xee: {  	s1 =	ssub.s32 @!p0 $0x0, s1;
	[sflag:s0] =	ssyncset.done @!p0 $0x0  }
0xef: {  	[sflag:s0] =	ssyncadd.s32 @!p0 s1  }
0xf0: {  	[bflag:$0x3] =	sbarrier.arrive $0xFFFF  }
0xf1: {  	_ =	shalt  }

// kernel: kernel.15.cloned.1.call-start
scs
__scs_entry_jumppad:
0x0: {  	(pc) =	sbr.rel $0x88, $3  }
0x1: {  	(tag) =	ssettag $0x0;
	lr =	simm.s32 $0x1  }
0x2: {  	[smem:$0x3F9B] =	sst lr;
	_ =	strace $0xD0000000  }
0x3: {  	_ = 	snop  }
0x4: {  	_ = 	snop  }
0x5: {  	_ = 	snop  }
0x6: {  	_ = 	snop  }
0x7: {  	_ = 	snop  }
__scs_overlays_trampoline_lowered:
0x8: {  	[smem:$0x3FAA] =	sst s0  }
0x9: {  	[smem:$0x3FAB] =	sst s1  }
0xa: {  	[smem:$0x3FAC] =	sst s2  }
0xb: {  	[smem:$0x3FAD] =	sst s3  }
0xc: {  	[smem:$0x3FAE] =	sst s4  }
0xd: {  	[smem:$0x3FAF] =	sst s5  }
0xe: {  	[smem:$0x3FB0] =	sst s6  }
0xf: {  	[smem:$0x3FB1] =	sst s7  }
0x10: {  	[smem:$0x3FB2] =	sst s8  }
0x11: {  	[smem:$0x3FB3] =	sst s9;
	s0 =	simm.s32 @!p0 $0x0  }
0x12: {  	s1 =	sld [smem:$0x3F99];
	s0 =	simm.s32 @p0 $0x1  }
0x13: {  	[smem:$0x3FB4] =	sst s0;
	s0 =	simm.s32 @!p1 $0x0  }
0x14: {  	s2 =	sld [smem:$0x3F98];
	s0 =	simm.s32 @p1 $0x1  }
0x15: {  	[smem:$0x3FB5] =	sst s0;
	s0 =	simm.s32 @!p2 $0x0  }
0x16: {  	s3 =	sld [smem:$0x3FDB];
	s0 =	simm.s32 @p2 $0x1  }
0x17: {  	s4 =	simm.s32 $0x1BF5;
	[smem:$0x3FB7] =	sst s0  }
0x18: {  	s0 =	sld [smem:$0x3F9A];
	_ =	swait.ge [sflag:s4], $0x0  }
0x19: {  	s7 =	sld [smem:$0x3F9B]  }
0x1a: {  	s8 =	sadd.s32 $0xFFFFE003, lr  }
0x1b: {  	s9 =	sadd.s32 $0xFFFFFEF7, lr;
	s5 =	simm.s32 $0xFFFFFFFF;
	p2 =	slt.u32 s8, $0xFFFFF086  }
0x1c: {  	p1 =	slt.u32 s9, $0xF7A;
	s5 =	simm.s32 @!p2 $0x0  }
0x1d: {  	s5 =	simm.s32 @p1 $0x1;
	p0 =	seq.s32 s7, s2  }
0x1e: {  	s7 =	smul.u32 @!p0 $0xF7A, s2;
	p2 =	seq.s32 @!p0 s5, $0x0  }
0x1f: {  	s9 =	smul.u32 $0xF7A, s1;
	s8 =	simm.s32 @!p0 $0x1BF5;
	p2 =	por !p2, p0  }
0x20: {  	[sflag:s8] =	ssyncset.s32 @!p0 $0xFFFFF086;
	s6 =	sadd.s32 @!p0 s3, s7;
	s7 =	simm.s32 @!p0 $0x108  }
0x21: {  	s3 =	sadd.s32 s3, s9;
	s6 =	sadd.s32 @!p0 $0x88, s6;
	s7 =	simm.s32 @p2 $0x1082  }
0x22: {  	[simem:s7], [sflag:s8] =	dma.local @!p0 [hbm:s6], $0xF7A  }
0x23: {  	s9 =	sor.u32 $0xD0000000, s2;
	s6 =	simm.s32 $0x108;
	_ =	swait.ge @!p0 [sflag:s8], $0x0  }
0x24: {  	s3 =	sadd.s32 $0x88, s3;
	s6 =	simm.s32 @!p1 $0x1082;
	[sflag:s4] =	ssyncset.s32 $0xFFFFF086  }
0x25: {  	[simem:s6], [sflag:s4] =	dma.local [hbm:s3], $0xF7A  }
0x26: {  	[smem:$0x3F9B] =	sst s1;
	(tag) =	ssettag s2;
	_ =	strace s9  }
0x27: {  	s1 =	sld [smem:$0x3FAB]  }
0x28: {  	s2 =	sld [smem:$0x3FAC]  }
0x29: {  	s4 =	sld [smem:$0x3FAE]  }
0x2a: {  	p0 =	seq.s32 s5, $0x0;
	s5 =	sld [smem:$0x3FAF]  }
0x2b: {  	s6 =	sld [smem:$0x3FB0]  }
0x2c: {  	s7 =	sld [smem:$0x3FB1]  }
0x2d: {  	s3 =	simm.s32 $0x108;
	s8 =	sld [smem:$0x3FB2]  }
0x2e: {  	s3 =	simm.s32 @!p0 $0x1082;
	s9 =	sld [smem:$0x3FB3]  }
0x2f: {  	lr =	sadd.s32 s0, s3;
	s0 =	sld [smem:$0x3FAA]  }
0x30: {  	s3 =	sld [smem:$0x3FAD]  }
0x31: {  	[smem:$0x3FB6] =	sst s10  }
0x32: {  	s10 =	sld [smem:$0x3FB4];
	_ =	sdelay $0x3  }
0x33: {  	p0 =	seq.s32 s10, $0x1;
	s10 =	sld [smem:$0x3FB6];
	_ =	sdelay $0x3  }
0x34: {  	[smem:$0x3FB6] =	sst s10  }
0x35: {  	s10 =	sld [smem:$0x3FB5];
	_ =	sdelay $0x3  }
0x36: {  	p1 =	seq.s32 s10, $0x1;
	s10 =	sld [smem:$0x3FB6];
	_ =	sdelay $0x3  }
0x37: {  	[smem:$0x3FB6] =	sst s10  }
0x38: {  	s10 =	sld [smem:$0x3FB7]  }
0x39: {  	_ = 	snop;
	(pc) =	sbr.ind lr, $3  }
0x3a: {  	_ = 	snop  }
0x3b: {  	_ = 	snop  }
0x3c: {  	p2 =	seq.s32 s10, $0x1;
	s10 =	sld [smem:$0x3FB6]  }
0x3d: {  	_ =	shalt  }
0x3e: {  	_ =	shalt  }
0x3f: {  	_ =	shalt  }
0x40: {  	_ =	shalt  }
0x41: {  	_ =	shalt  }
0x42: {  	_ =	shalt  }
0x43: {  	_ =	shalt  }
0x44: {  	_ =	shalt  }
0x45: {  	_ =	shalt  }
0x46: {  	_ =	shalt  }
0x47: {  	_ =	shalt  }
0x48: {  	_ =	shalt  }
0x49: {  	_ =	shalt  }
0x4a: {  	_ =	shalt  }
0x4b: {  	_ =	shalt  }
0x4c: {  	_ =	shalt  }
0x4d: {  	_ =	shalt  }
0x4e: {  	_ =	shalt  }
0x4f: {  	_ =	shalt  }
0x50: {  	_ =	shalt  }
0x51: {  	_ =	shalt  }
0x52: {  	_ =	shalt  }
0x53: {  	_ =	shalt  }
0x54: {  	_ =	shalt  }
0x55: {  	_ =	shalt  }
0x56: {  	_ =	shalt  }
0x57: {  	_ =	shalt  }
0x58: {  	_ =	shalt  }
0x59: {  	_ =	shalt  }
0x5a: {  	_ =	shalt  }
0x5b: {  	_ =	shalt  }
0x5c: {  	_ =	shalt  }
0x5d: {  	_ =	shalt  }
0x5e: {  	_ =	shalt  }
0x5f: {  	_ =	shalt  }
0x60: {  	_ =	shalt  }
0x61: {  	_ =	shalt  }
0x62: {  	_ =	shalt  }
0x63: {  	_ =	shalt  }
0x64: {  	_ =	shalt  }
0x65: {  	_ =	shalt  }
0x66: {  	_ =	shalt  }
0x67: {  	_ =	shalt  }
0x68: {  	_ =	shalt  }
0x69: {  	_ =	shalt  }
0x6a: {  	_ =	shalt  }
0x6b: {  	_ =	shalt  }
0x6c: {  	_ =	shalt  }
0x6d: {  	_ =	shalt  }
0x6e: {  	_ =	shalt  }
0x6f: {  	_ =	shalt  }
0x70: {  	_ =	shalt  }
0x71: {  	_ =	shalt  }
0x72: {  	_ =	shalt  }
0x73: {  	_ =	shalt  }
0x74: {  	_ =	shalt  }
0x75: {  	_ =	shalt  }
0x76: {  	_ =	shalt  }
0x77: {  	_ =	shalt  }
0x78: {  	_ =	shalt  }
0x79: {  	_ =	shalt  }
0x7a: {  	_ =	shalt  }
0x7b: {  	_ =	shalt  }
0x7c: {  	_ =	shalt  }
0x7d: {  	_ =	shalt  }
0x7e: {  	_ =	shalt  }
0x7f: {  	_ =	shalt  }
0x80: {  	_ =	shalt  }
0x81: {  	_ =	shalt  }
0x82: {  	_ =	shalt  }
0x83: {  	_ =	shalt  }
0x84: {  	_ =	shalt  }
0x85: {  	_ =	shalt  }
0x86: {  	_ =	shalt  }
0x87: {  	_ =	shalt  }
.Lfunc_end0:
.L_simem_size_0:
called_computation.2_lowered:
.L_overlay_start_0:
0x88: {  	s2 =	sld [smem:$0x3FD9]  }
0x89: {  	s3 =	sld [smem:$0x3FFE];
	_ =	sdelay $0x1  }
0x8a: {  	s1 =	srdreg.scid  }
0x8b: {  	s0 =	sand.u32 $0x1, s1  }
0x8c: {  	s17 =	sshll.u32 s0, $0xA;
	s2 =	sadd.s32 s3, s2  }
0x8d: {  	s2 =	sadd.s32 s2, s17  }
0x8e: {  	[smem:$0x3FC2] =	sst s2  }
0x8f: {  	_ = 	snop  }
0x90: {  	s2 =	sld [smem:$0x3FD0];
	(tm) =	ssettm $0x1  }
0x91: {  	s18 =	sld [smem:$0x3FFB];
	_ =	sdelay $0x3  }
0x92: {  	_ =	strace s18  }
0x93: {  	s3 =	sld [smem:$0x3FFC];
	_ =	sdelay $0x3  }
0x94: {  	_ =	strace s3  }
0x95: {  	s3 =	sld [smem:$0x3FFD];
	_ =	sdelay $0x3  }
0x96: {  	_ =	strace s3  }
0x97: {  	_ =	strace $0x8FFFFFFF  }
0x98: {  	s19 =	sld [smem:$0x3FDB];
	_ =	sdelay $0x1  }
0x99: {  	s4 =	simm.s32 $_scs_section_size  }
0x9a: {  	s5 =	simm.s32 $_size__tile_overlayer_lowered;
	s6 =	simm.s32 $_tile_overlayer_lowered  }
0x9b: {  	s22 =	simm.s32 $0x1BFF;
	s21 =	sshll.u32 s6, $0x1;
	s3 =	sadd.s32 s4, s19  }
0x9c: {  	s7 =	simm.s32 $0x0;
	s20 =	sshll.u32 s5, $0x1;
	s5 =	sadd.s32 s21, s3  }
0x9d: {  	[timem:s7], [sflag:s22] =	dma.local [hbm:s5], s20  }
0x9e: {  	_ =	swait.ge [sflag:s22], s20  }
0x9f: {  	s4 =	ssub.s32 $0x0, s20;
	[sflag:s22] =	ssyncset.done $0x0  }
0xa0: {  	[sflag:s22] =	ssyncadd.s32 s4;
	_ =	sdelay $0x1  }
0xa1: {  	s23 =	simm.s32 $0x1B8B  }
0xa2: {  	_ =	swait.ge [sflag:s23], $0x1  }
0xa3: {  	[sflag:s23] =	ssyncset.done $0x0  }
0xa4: {  	s25 =	simm.s32 $0x1B8E;
	s24 =	sld [smem:$0x3FFE];
	[sflag:s23] =	ssyncadd.s32 $0xFFFFFFFF  }
0xa5: {  	s26 =	simm.s32 $execute0_lowered;
	[smem:$0x3FD2] =	sst s25  }
0xa6: {  	s5 =	sshll.u32 s26, $0x1;
	_ =	strace $0x8000004C;
	[dreg:$0x1] =	wrdreg $0xFFFFFFFF  }
0xa7: {  	s28 =	simm.s32 $_size_execute0_lowered;
	s3 =	sadd.s32 s3, s5;
	[dreg:$0x0] =	wrdreg $0x0  }
0xa8: {  	s5 =	sshll.u32 s28, $0x1;
	[dreg:$0x2] =	wrdreg s3  }
0xa9: {  	[dreg:$0x3] =	wrdreg s5  }
0xaa: {  	[dreg:$0x4] =	wrdreg $0xC0  }
0xab: {  	_ =	task [dreg:s7], $0x5FFFF  }
0xac: {  	[dreg:$0x1] =	wrdreg $0xFFFFFFFF  }
0xad: {  	[dreg:$0x0] =	wrdreg $0x60  }
0xae: {  	[dreg:$0x2] =	wrdreg s24  }
0xaf: {  	[dreg:$0x3] =	wrdreg s2  }
0xb0: {  	[dreg:$0x4] =	wrdreg $0x84000  }
0xb1: {  	[dreg:$0x5] =	wrdreg $0x9  }
0xb2: {  	_ =	task.clear_ibuf [dreg:s7], $0x6FFFF;
	_ =	strace $0x9000004C  }
0xb3: {  	s29 =	simm.s32 $0x9;
	_ =	strace $0x8000004E  }
0xb4: {  	_ =	swait.ge [sflag:s29], $0x1  }
0xb5: {  	[sflag:s29] =	ssyncadd.s32 $0xFFFFFFFF  }
0xb6: {  	_ =	strace $0x9000004E  }
0xb7: {  	_ =	sfence  }
0xb8: {  	s30 =	sld [smem:$0x0];
	_ =	sdelay $0x2  }
0xb9: {  	s31 =	sshll.u32 s1, $0xD;
	s1 =	sshrl.u32 s1, $0x2  }
0xba: {  	s3 =	sand.u32 $0x4000, s31;
	s1 =	sadd.s32 s1, s30  }
0xbb: {  	s0 =	sor.u32 s3, s0;
	s1 =	sshll.u32 s1, $0x11  }
0xbc: {  	s0 =	sor.u32 s1, s0  }
0xbd: {  	s0 =	sadd.s32 $0x8F2B, s0  }
0xbe: {  	[sflag:s0] =	ssyncadd.remote.s32 $0x1  }
0xbf: {  	_ =	sfence.sel $0xFFFF  }
0xc0: {  	[dreg:$0x0] =	wrdreg $0xFFFFFFFF;
	(pc) =	sbr.abs _section_cstart, $3  }
0xc1: {  	[dreg:$0x1] =	wrdreg $0xFFFFFFFF  }
0xc2: {  	_ =	task.clear_ibuf [dreg:s7], $0x2FFFF;
	_ =	strace $0x9FFFFFFF  }
0xc3: {  	(tm) =	ssettm $0x7FFFFFFF  }
tec
execute0_lowered:
.L_overlay_start_1:
0x0: {  	(tag) =	ssettag $0x1  }
0x1: {  	s0 =	rddreg [dreg:$0x0]  }
0x2: {  	s1 =	rddreg [dreg:$0x1]  }
0x3: {  	s2 =	rddreg [dreg:$0x2]  }
0x4: {  	s3 =	simm.s32 $0x0;
	s13 =	stileid.u32;
	s4 =	srdreg.scid  }
0x5: {  	s28 =	simm.s32 $0x2;
	s29 =	simm.s32 $0x180;
	s30 =	simm.s32 $0x5  }
0x6: {  	s31 =	simm.s32 $0x3;
	[smem:$0x7FF] =	sst s3;
	s5 =	smul.u32 $0x14000, s13  }
0x7: {  	s6 =	sand.u32 $0x1, s4;
	s4 =	sadd.s32 $0x2800, s0;
	s10 =	smul.u32 $0x138, s13  }
0x8: {  	s9 =	sshll.u32 s13, $0x1;
	s12 =	smul.u32 $0x50000, s13;
	s15 =	sadd.s32 $0x20, s1  }
0x9: {  	p0 =	sgt.u32 s13, $0x1;
	_ =	strace $0x8000004D;
	s7 =	smul.u32 $0x140000, s6  }
0xa: {  	s25 =	sor.u32 s6, s9;
	s26 =	ssub.s32 $0x2, s6;
	s6 =	smul.u32 $0x9C, s6  }
0xb: {  	s8 =	sshrl.u32 s5, $0x3;
	s9 =	smul.u32 $0x9C, s25;
	s11 =	sshrl.u32 s26, $0x1  }
0xc: {  	s12 =	sshrl.u32 s12, $0x2;
	s8 =	sadd.s32 s8, s0;
	s5 =	sadd.s32 s5, s7  }
0xd: {  	s7 =	smin.u32 s25, $0x4;
	s11 =	ssub.s32 s26, s11;
	s6 =	sadd.s32 s6, s10  }
0xe: {  	s17 =	sadd.s32 s12, s2;
	s10 =	simm.s32 $0x0;
	s5 =	sshrl.u32 s5, $0x3  }
0xf: {  	s7 =	sshll.u32 s7, $0x1;
	[dreg:$0x9] =	wrdreg s17;
	s18 =	sadd.s32 $0x2A800, s8  }
0x10: {  	s26 =	smax.u32 s11, $0x1;
	s17 =	simm.s32 $0x40;
	s8 =	simm.s32 $0x7  }
0x11: {  	s0 =	sadd.s32 s5, s0;
	s9 =	sadd.s32 s9, s7;
	[dreg:$0xa] =	wrdreg s18  }
0x12: {  	s6 =	sadd.s32 s7, s6;
	[dreg:$0x10] =	wrdreg s26;
	s18 =	simm.s32 $0x400  }
0x13: {  	s26 =	simm.s32 $0x6400;
	s9 =	sshll.u32 s9, $0x5;
	s0 =	sadd.s32 $0x52800, s0  }
0x14: {  	s7 =	simm.s32 $0x380;
	s16 =	sadd.s32 s9, s15;
	[dreg:$0xf] =	wrdreg s0  }
0x15: {  	s6 =	sshll.u32 s6, $0x5;
	s14 =	sadd.s32 s1, s9;
	[dreg:$0x8] =	wrdreg s16  }
0x16: {  	s20 =	sadd.s32 s15, s6;
	s19 =	sadd.s32 $0x40, s14;
	[dreg:$0x7] =	wrdreg s14  }
0x17: {  	s1 =	sadd.s32 s1, s6;
	s21 =	sadd.s32 $0x60, s14;
	[dreg:$0xb] =	wrdreg s19  }
0x18: {  	s0 =	simm.s32 $0x280;
	s23 =	sadd.s32 $0x1380, s14;
	[dreg:$0xc] =	wrdreg s21  }
0x19: {  	s6 =	simm.s32 $0x4;
	s22 =	sadd.s32 $0xC0, s20;
	[dreg:$0xd] =	wrdreg s23  }
0x1a: {  	s9 =	simm.s32 $0x8;
	s5 =	sadd.s32 $0x13A0, s14;
	[dreg:$0x4] =	wrdreg s22  }
0x1b: {  	s24 =	sadd.s32 $0xC0, s1;
	s25 =	sadd.s32 $0x80, s20;
	[dreg:$0xe] =	wrdreg s5  }
0x1c: {  	s15 =	sadd.s32 $0x80, s1;
	s16 =	simm.s32 $0x9;
	[dreg:$0x5] =	wrdreg s24  }
0x1d: {  	s20 =	simm.s32 $0x2400;
	s1 =	simm.s32 $0x6;
	[dreg:$0x6] =	wrdreg s25  }
0x1e: {  	s19 =	simm.s32 $0x100;
	s21 =	simm.s32 $0x200;
	s22 =	simm.s32 $0x4400  }
0x1f: {  	s23 =	simm.s32 $0x1;
	s24 =	simm.s32 $0x80;
	s25 =	simm.s32 $0x300  }
.LBB2_1:
0x20: {  	s5 =	rddreg [dreg:$0x7]  }
0x21: {  	[tilespmem:s3], [sflag:$0x9] =	stream.linear.gather [hbm4b:s5+s3], $0x100, $0x38;
	[tilespmem:$0x1C400] =	vst v63  }
0x22: {  	_ =	swait.ge [sflag:s16], $0x100  }
0x23: {  	[sflag:s16] =	ssyncset.done $0x0  }
0x24: {  	[sflag:s16] =	ssyncadd.s32 $0xFFFFFF00  }
0x25: {  	[tilespmem:s18], [sflag:$0x1] =	stream.indirect.gather [hbm4b:s4+s17], $0x80, s3, s17, $0xb8;
	[tilespmem:$0x1C400] =	vst v63  }
0x26: {  	s11 =	rddreg [dreg:$0x8]  }
0x27: {  	[tilespmem:s19], [sflag:$0x9] =	stream.linear.gather [hbm4b:s11+s3], $0x100, $0x38;
	[tilespmem:$0x1C400] =	vst v63  }
0x28: {  	s12 =	stileid.u32;
	_ =	swait.ge [sflag:s16], $0x100  }
0x29: {  	s11 =	sshll.u32 s12, $0x6;
	s13 =	rddreg [dreg:$0x9]  }
0x2a: {  	s11 =	sor.u32 $0x1C09, s11;
	[sflag:s16] =	ssyncset.done $0x0;
	s14 =	rddreg [dreg:$0xa]  }
0x2b: {  	[dreg:$0x11] =	wrdreg s11;
	[sflag:s16] =	ssyncadd.s32 $0xFFFFFF00;
	s12 =	sshrl.u32 s13, $0x3  }
0x2c: {  	[tilespmem:s20], [sflag:$0x2] =	stream.indirect.gather [hbm4b:s4+s17], $0x80, s19, s17, $0xb8;
	[tilespmem:$0x1C400] =	vst v63  }
0x2d: {  	[dreg:$0x12] =	wrdreg s12  }
0x2e: {  	[spmem:s12], [sflag:s11] =	dma.local [hbm:s14], $0x2800  }
0x2f: {  	_ =	swait.ge [sflag:s16], $0x2800  }
0x30: {  	[sflag:s16] =	ssyncset.done $0x0  }
0x31: {  	[sflag:s16] =	ssyncadd.s32 $0xFFFFD800  }
0x32: {  	[bflag:$0x0] =	sbarrier.arrive $0xFFFF  }
0x33: {  	s13 =	rddreg [dreg:$0xb]  }
0x34: {  	[tilespmem:s21], [sflag:$0x9] =	stream.linear.gather [hbm4b:s13+s3], $0x100, $0x38;
	[tilespmem:$0x1C400] =	vst v63  }
0x35: {  	_ =	swait.ge [sflag:s16], $0x100  }
0x36: {  	[sflag:s16] =	ssyncset.done $0x0  }
0x37: {  	[sflag:s16] =	ssyncadd.s32 $0xFFFFFF00  }
0x38: {  	[tilespmem:s22], [sflag:$0x3] =	stream.indirect.gather [hbm4b:s4+s17], $0x80, s21, s17, $0xb8;
	[tilespmem:$0x1C400] =	vst v63  }
0x39: {  	_ =	swait.ge [sflag:s23], $0x2000  }
0x3a: {  	[sflag:s23] =	ssyncset.done $0x0  }
0x3b: {  	[sflag:s23] =	ssyncadd.s32 $0xFFFFE000  }
0x3c: {  	[spmem:s2] =	stream.indirect.scatter.add.f32 [tilespmem:s18], [sflag:$0x5], $0x80, s24, s17, $0xb8;
	[tilespmem:$0x1C400] =	vst v63  }
0x3d: {  	s14 =	rddreg [dreg:$0xc]  }
0x3e: {  	[tilespmem:s25], [sflag:$0x9] =	stream.linear.gather [hbm4b:s14+s3], $0x100, $0x38;
	[tilespmem:$0x1C400] =	vst v63  }
0x3f: {  	_ =	swait.ge [sflag:s16], $0x100  }
0x40: {  	[sflag:s16] =	ssyncset.done $0x0  }
0x41: {  	[sflag:s16] =	ssyncadd.s32 $0xFFFFFF00  }
0x42: {  	[tilespmem:s26], [sflag:$0x4] =	stream.indirect.gather [hbm4b:s4+s17], $0x80, s25, s17, $0xb8;
	[tilespmem:$0x1C400] =	vst v63  }
0x43: {  	_ =	swait.ge [sflag:s28], $0x2000  }
0x44: {  	[sflag:s28] =	ssyncset.done $0x0  }
0x45: {  	[sflag:s28] =	ssyncadd.s32 $0xFFFFE000  }
0x46: {  	[spmem:s2] =	stream.indirect.scatter.add.f32 [tilespmem:s20], [sflag:$0x6], $0x80, s29, s17, $0xb8;
	[tilespmem:$0x1C400] =	vst v63  }
0x47: {  	_ =	swait.ge [sflag:s30], $0x2000  }
0x48: {  	[sflag:s30] =	ssyncset.done $0x0  }
0x49: {  	s13 =	sadd.s32 $0x0, s15;
	[sflag:s30] =	ssyncadd.s32 $0xFFFFE000  }
0x4a: {  	[tilespmem:s3], [sflag:$0x9] =	stream.linear.gather [hbm4b:s13+s3], $0x100, $0x38;
	[tilespmem:$0x1C400] =	vst v63  }
0x4b: {  	_ =	swait.ge [sflag:s16], $0x100  }
0x4c: {  	[sflag:s16] =	ssyncset.done $0x0  }
0x4d: {  	[sflag:s16] =	ssyncadd.s32 $0xFFFFFF00  }
0x4e: {  	[tilespmem:s18], [sflag:$0x1] =	stream.indirect.gather [hbm4b:s4+s17], $0x80, s3, s17, $0xb8;
	[tilespmem:$0x1C400] =	vst v63  }
0x4f: {  	_ =	swait.ge [sflag:s31], $0x2000  }
0x50: {  	[sflag:s31] =	ssyncset.done $0x0  }
0x51: {  	[sflag:s31] =	ssyncadd.s32 $0xFFFFE000  }
0x52: {  	[spmem:s2] =	stream.indirect.scatter.add.f32 [tilespmem:s22], [sflag:$0x7], $0x80, s0, s17, $0xb8;
	[tilespmem:$0x1C400] =	vst v63  }
0x53: {  	_ =	swait.ge [sflag:s1], $0x2000  }
0x54: {  	s11 =	rddreg [dreg:$0x6];
	[sflag:s1] =	ssyncset.done $0x0  }
0x55: {  	[sflag:s1] =	ssyncadd.s32 $0xFFFFE000;
	s13 =	sadd.s32 $0x0, s11  }
0x56: {  	[tilespmem:s19], [sflag:$0x9] =	stream.linear.gather [hbm4b:s13+s3], $0x100, $0x38;
	[tilespmem:$0x1C400] =	vst v63  }
0x57: {  	_ =	swait.ge [sflag:s16], $0x100  }
0x58: {  	[sflag:s16] =	ssyncset.done $0x0  }
0x59: {  	[sflag:s16] =	ssyncadd.s32 $0xFFFFFF00  }
0x5a: {  	[tilespmem:s20], [sflag:$0x2] =	stream.indirect.gather [hbm4b:s4+s17], $0x80, s19, s17, $0xb8;
	[tilespmem:$0x1C400] =	vst v63  }
0x5b: {  	_ =	swait.ge [sflag:s6], $0x2000  }
0x5c: {  	[sflag:s6] =	ssyncset.done $0x0  }
0x5d: {  	[sflag:s6] =	ssyncadd.s32 $0xFFFFE000  }
0x5e: {  	[spmem:s2] =	stream.indirect.scatter.add.f32 [tilespmem:s26], [sflag:$0x8], $0x80, s7, s17, $0xb8;
	[tilespmem:$0x1C400] =	vst v63  }
0x5f: {  	_ =	swait.ge [sflag:s8], $0x2000  }
0x60: {  	s12 =	rddreg [dreg:$0x5];
	[sflag:s8] =	ssyncset.done $0x0  }
0x61: {  	[sflag:s8] =	ssyncadd.s32 $0xFFFFE000;
	s13 =	sadd.s32 $0x0, s12  }
0x62: {  	[tilespmem:s21], [sflag:$0x9] =	stream.linear.gather [hbm4b:s13+s3], $0x100, $0x38;
	[tilespmem:$0x1C400] =	vst v63  }
0x63: {  	_ =	swait.ge [sflag:s16], $0x100  }
0x64: {  	[sflag:s16] =	ssyncset.done $0x0  }
0x65: {  	[sflag:s16] =	ssyncadd.s32 $0xFFFFFF00  }
0x66: {  	[tilespmem:s22], [sflag:$0x3] =	stream.indirect.gather [hbm4b:s4+s17], $0x80, s21, s17, $0xb8;
	[tilespmem:$0x1C400] =	vst v63  }
0x67: {  	_ =	swait.ge [sflag:s23], $0x2000  }
0x68: {  	[sflag:s23] =	ssyncset.done $0x0  }
0x69: {  	[sflag:s23] =	ssyncadd.s32 $0xFFFFE000  }
0x6a: {  	[spmem:s2] =	stream.indirect.scatter.add.f32 [tilespmem:s18], [sflag:$0x5], $0x80, s24, s17, $0xb8;
	[tilespmem:$0x1C400] =	vst v63  }
0x6b: {  	_ =	swait.ge [sflag:s9], $0x2000  }
0x6c: {  	s14 =	rddreg [dreg:$0x4];
	[sflag:s9] =	ssyncset.done $0x0  }
0x6d: {  	[sflag:s9] =	ssyncadd.s32 $0xFFFFE000;
	s13 =	sadd.s32 $0x0, s14  }
0x6e: {  	[tilespmem:s25], [sflag:$0x9] =	stream.linear.gather [hbm4b:s13+s3], $0x100, $0x38;
	[tilespmem:$0x1C400] =	vst v63  }
0x6f: {  	_ =	swait.ge [sflag:s16], $0x100  }
0x70: {  	[sflag:s16] =	ssyncset.done $0x0  }
0x71: {  	[sflag:s16] =	ssyncadd.s32 $0xFFFFFF00  }
0x72: {  	[tilespmem:s26], [sflag:$0x4] =	stream.indirect.gather [hbm4b:s4+s17], $0x80, s25, s17, $0xb8;
	[tilespmem:$0x1C400] =	vst v63  }
0x73: {  	_ =	swait.ge [sflag:s28], $0x2000  }
0x74: {  	[sflag:s28] =	ssyncset.done $0x0  }
0x75: {  	s13 =	simm.s32 $0x80;
	[sflag:s28] =	ssyncadd.s32 $0xFFFFE000  }
.LBB2_2:
0x76: {  	[spmem:s2] =	stream.indirect.scatter.add.f32 [tilespmem:s20], [sflag:$0x6], $0x80, s29, s17, $0xb8;
	[tilespmem:$0x1C400] =	vst v63  }
0x77: {  	_ =	swait.ge [sflag:s30], $0x2000  }
0x78: {  	s14 =	smov.u32 s13;
	[sflag:s30] =	ssyncset.done $0x0  }
0x79: {  	s5 =	sadd.s32 s14, s15;
	[sflag:s30] =	ssyncadd.s32 $0xFFFFE000  }
0x7a: {  	[tilespmem:s3], [sflag:$0x9] =	stream.linear.gather [hbm4b:s5+s3], $0x100, $0x38;
	[tilespmem:$0x1C400] =	vst v63  }
0x7b: {  	_ =	swait.ge [sflag:s16], $0x100  }
0x7c: {  	[sflag:s16] =	ssyncset.done $0x0  }
0x7d: {  	[sflag:s16] =	ssyncadd.s32 $0xFFFFFF00  }
0x7e: {  	[tilespmem:s18], [sflag:$0x1] =	stream.indirect.gather [hbm4b:s4+s17], $0x80, s3, s17, $0xb8;
	[tilespmem:$0x1C400] =	vst v63  }
0x7f: {  	_ =	swait.ge [sflag:s31], $0x2000  }
0x80: {  	[sflag:s31] =	ssyncset.done $0x0  }
0x81: {  	[sflag:s31] =	ssyncadd.s32 $0xFFFFE000  }
0x82: {  	[spmem:s2] =	stream.indirect.scatter.add.f32 [tilespmem:s22], [sflag:$0x7], $0x80, s0, s17, $0xb8;
	[tilespmem:$0x1C400] =	vst v63  }
0x83: {  	_ =	swait.ge [sflag:s1], $0x2000  }
0x84: {  	s12 =	rddreg [dreg:$0x6];
	[sflag:s1] =	ssyncset.done $0x0  }
0x85: {  	[sflag:s1] =	ssyncadd.s32 $0xFFFFE000;
	s5 =	sadd.s32 s14, s12  }
0x86: {  	[tilespmem:s19], [sflag:$0x9] =	stream.linear.gather [hbm4b:s5+s3], $0x100, $0x38;
	[tilespmem:$0x1C400] =	vst v63  }
0x87: {  	_ =	swait.ge [sflag:s16], $0x100  }
0x88: {  	[sflag:s16] =	ssyncset.done $0x0  }
0x89: {  	[sflag:s16] =	ssyncadd.s32 $0xFFFFFF00  }
0x8a: {  	[tilespmem:s20], [sflag:$0x2] =	stream.indirect.gather [hbm4b:s4+s17], $0x80, s19, s17, $0xb8;
	[tilespmem:$0x1C400] =	vst v63  }
0x8b: {  	_ =	swait.ge [sflag:s6], $0x2000  }
0x8c: {  	[sflag:s6] =	ssyncset.done $0x0  }
0x8d: {  	[sflag:s6] =	ssyncadd.s32 $0xFFFFE000  }
0x8e: {  	[spmem:s2] =	stream.indirect.scatter.add.f32 [tilespmem:s26], [sflag:$0x8], $0x80, s7, s17, $0xb8;
	[tilespmem:$0x1C400] =	vst v63  }
0x8f: {  	_ =	swait.ge [sflag:s8], $0x2000  }
0x90: {  	s11 =	rddreg [dreg:$0x5];
	[sflag:s8] =	ssyncset.done $0x0  }
0x91: {  	[sflag:s8] =	ssyncadd.s32 $0xFFFFE000;
	s5 =	sadd.s32 s14, s11  }
0x92: {  	[tilespmem:s21], [sflag:$0x9] =	stream.linear.gather [hbm4b:s5+s3], $0x100, $0x38;
	[tilespmem:$0x1C400] =	vst v63  }
0x93: {  	_ =	swait.ge [sflag:s16], $0x100  }
0x94: {  	[sflag:s16] =	ssyncset.done $0x0  }
0x95: {  	[sflag:s16] =	ssyncadd.s32 $0xFFFFFF00  }
0x96: {  	[tilespmem:s22], [sflag:$0x3] =	stream.indirect.gather [hbm4b:s4+s17], $0x80, s21, s17, $0xb8;
	[tilespmem:$0x1C400] =	vst v63  }
0x97: {  	_ =	swait.ge [sflag:s23], $0x2000  }
0x98: {  	[sflag:s23] =	ssyncset.done $0x0  }
0x99: {  	[sflag:s23] =	ssyncadd.s32 $0xFFFFE000  }
0x9a: {  	[spmem:s2] =	stream.indirect.scatter.add.f32 [tilespmem:s18], [sflag:$0x5], $0x80, s24, s17, $0xb8;
	[tilespmem:$0x1C400] =	vst v63  }
0x9b: {  	_ =	swait.ge [sflag:s9], $0x2000  }
0x9c: {  	s12 =	rddreg [dreg:$0x4];
	[sflag:s9] =	ssyncset.done $0x0  }
0x9d: {  	[sflag:s9] =	ssyncadd.s32 $0xFFFFE000;
	s5 =	sadd.s32 s14, s12  }
0x9e: {  	[tilespmem:s25], [sflag:$0x9] =	stream.linear.gather [hbm4b:s5+s3], $0x100, $0x38;
	[tilespmem:$0x1C400] =	vst v63  }
0x9f: {  	_ =	swait.ge [sflag:s16], $0x100  }
0xa0: {  	p1 =	sne.s32 s13, $0x1280;
	[sflag:s16] =	ssyncset.done $0x0  }
.Ltmp0:
0xa1: {  	[sflag:s16] =	ssyncadd.s32 $0xFFFFFF00;
	(pc) =	sbr.rel @p1 .LBB2_2-.Ltmp0, $4  }
0xa2: {  	[tilespmem:s26], [sflag:$0x4] =	stream.indirect.gather [hbm4b:s4+s17], $0x80, s25, s17, $0xb8;
	[tilespmem:$0x1C400] =	vst v63  }
0xa3: {  	_ =	swait.ge [sflag:s28], $0x2000  }
0xa4: {  	[sflag:s28] =	ssyncset.done $0x0  }
0xa5: {  	s13 =	sadd.s32 $0x80, s13;
	[sflag:s28] =	ssyncadd.s32 $0xFFFFE000  }
0xa6: {  	[spmem:s2] =	stream.indirect.scatter.add.f32 [tilespmem:s20], [sflag:$0x6], $0x80, s29, s17, $0xb8;
	[tilespmem:$0x1C400] =	vst v63  }
0xa7: {  	_ =	swait.ge [sflag:s31], $0x2000  }
0xa8: {  	[sflag:s31] =	ssyncset.done $0x0  }
0xa9: {  	[sflag:s31] =	ssyncadd.s32 $0xFFFFE000  }
0xaa: {  	[spmem:s2] =	stream.indirect.scatter.add.f32 [tilespmem:s22], [sflag:$0x7], $0x80, s0, s17, $0xb8;
	[tilespmem:$0x1C400] =	vst v63  }
0xab: {  	_ =	swait.ge [sflag:s6], $0x2000  }
0xac: {  	[sflag:s6] =	ssyncset.done $0x0  }
0xad: {  	[sflag:s6] =	ssyncadd.s32 $0xFFFFE000  }
0xae: {  	[spmem:s2] =	stream.indirect.scatter.add.f32 [tilespmem:s26], [sflag:$0x8], $0x80, s7, s17, $0xb8;
	[tilespmem:$0x1C400] =	vst v63  }
0xaf: {  	_ =	swait.ge [sflag:s30], $0x2000  }
0xb0: {  	[sflag:s30] =	ssyncset.done $0x0  }
0xb1: {  	[sflag:s30] =	ssyncadd.s32 $0xFFFFE000  }
0xb2: {  	_ =	swait.ge [sflag:s1], $0x2000  }
0xb3: {  	[sflag:s1] =	ssyncset.done $0x0  }
0xb4: {  	[sflag:s1] =	ssyncadd.s32 $0xFFFFE000  }
0xb5: {  	_ =	swait.ge [sflag:s8], $0x2000  }
0xb6: {  	[sflag:s8] =	ssyncset.done $0x0  }
0xb7: {  	[sflag:s8] =	ssyncadd.s32 $0xFFFFE000  }
0xb8: {  	_ =	swait.ge [sflag:s9], $0x2000  }
0xb9: {  	s5 =	simm.s32 @!p0 $0x0;
	[sflag:s9] =	ssyncset.done $0x0  }
0xba: {  	s13 =	simm.s32 @!p0 $0x9;
	s11 =	rddreg [dreg:$0xd];
	[sflag:s9] =	ssyncadd.s32 $0xFFFFE000  }
0xbb: {  	[tilespmem:s5], [sflag:$0x9] =	stream.linear.gather @!p0 [hbm4b:s11+s5], $0x100, $0x38;
	[tilespmem:$0x1C400] =	vst v63  }
0xbc: {  	_ =	swait.ge @!p0 [sflag:s13], $0x100  }
0xbd: {  	s14 =	simm.s32 @!p0 $0x40;
	[sflag:s13] =	ssyncset.done @!p0 $0x0  }
0xbe: {  	s12 =	simm.s32 @!p0 $0x1;
	s11 =	simm.s32 @!p0 $0x400;
	[sflag:s13] =	ssyncadd.s32 @!p0 $0xFFFFFF00  }
0xbf: {  	[tilespmem:s11], [sflag:$0x1] =	stream.indirect.gather @!p0 [hbm4b:s4+s14], $0x80, s5, s14, $0xb8;
	[tilespmem:$0x1C400] =	vst v63  }
0xc0: {  	_ =	swait.ge @!p0 [sflag:s12], $0x2000  }
0xc1: {  	[sflag:s12] =	ssyncset.done @!p0 $0x0  }
0xc2: {  	[sflag:s12] =	ssyncadd.s32 @!p0 $0xFFFFE000;
	s12 =	simm.s32 @!p0 $0x80  }
0xc3: {  	[spmem:s2] =	stream.indirect.scatter.add.f32 @!p0 [tilespmem:s11], [sflag:$0x9], $0x80, s12, s14, $0xb8;
	[tilespmem:$0x1C400] =	vst v63  }
0xc4: {  	_ =	swait.ge @!p0 [sflag:s13], $0x2000  }
0xc5: {  	[sflag:s13] =	ssyncset.done @!p0 $0x0  }
0xc6: {  	s11 =	simm.s32 @!p0 $0x100;
	s12 =	rddreg [dreg:$0xe];
	[sflag:s13] =	ssyncadd.s32 @!p0 $0xFFFFE000  }
0xc7: {  	[tilespmem:s11], [sflag:$0x9] =	stream.linear.gather @!p0 [hbm4b:s12+s5], $0x100, $0x38;
	[tilespmem:$0x1C400] =	vst v63  }
0xc8: {  	_ =	swait.ge @!p0 [sflag:s13], $0x100  }
0xc9: {  	[sflag:s13] =	ssyncset.done @!p0 $0x0  }
0xca: {  	s5 =	simm.s32 @!p0 $0x2400;
	[sflag:s13] =	ssyncadd.s32 @!p0 $0xFFFFFF00  }
0xcb: {  	[tilespmem:s5], [sflag:$0x2] =	stream.indirect.gather @!p0 [hbm4b:s4+s14], $0x80, s11, s14, $0xb8;
	[tilespmem:$0x1C400] =	vst v63  }
0xcc: {  	s11 =	simm.s32 @!p0 $0x2  }
0xcd: {  	_ =	swait.ge @!p0 [sflag:s11], $0x2000  }
0xce: {  	[sflag:s11] =	ssyncset.done @!p0 $0x0  }
0xcf: {  	[sflag:s11] =	ssyncadd.s32 @!p0 $0xFFFFE000;
	s11 =	simm.s32 @!p0 $0x180  }
0xd0: {  	[spmem:s2] =	stream.indirect.scatter.add.f32 @!p0 [tilespmem:s5], [sflag:$0x9], $0x80, s11, s14, $0xb8;
	[tilespmem:$0x1C400] =	vst v63  }
0xd1: {  	_ =	swait.ge @!p0 [sflag:s13], $0x2000  }
0xd2: {  	[sflag:s13] =	ssyncset.done @!p0 $0x0  }
0xd3: {  	[sflag:s13] =	ssyncadd.s32 @!p0 $0xFFFFE000  }
0xd4: {  	[bflag:$0x0] =	sbarrier.arrive $0xFFFF  }
0xd5: {  	s11 =	rddreg [dreg:$0xf]  }
0xd6: {  	s12 =	rddreg [dreg:$0x11]  }
0xd7: {  	s13 =	rddreg [dreg:$0x12]  }
0xd8: {  	[hbm:s11], [sflag:s12] =	dma.local [spmem:s13], $0x2800  }
0xd9: {  	_ =	swait.ge [sflag:s16], $0x2800  }
0xda: {  	s10 =	sadd.s32 $0x1, s10;
	s14 =	rddreg [dreg:$0x10]  }
0xdb: {  	p1 =	sne.s32 s10, s14  }
.Ltmp1:
0xdc: {  	_ = 	snop;
	(pc) =	sbr.rel @p1 .LBB2_1-.Ltmp1, $3  }
0xdd: {  	_ =	sdelay $0x1  }
0xde: {  	[sflag:s16] =	ssyncset.done $0x0  }
0xdf: {  	[sflag:s16] =	ssyncadd.s32 $0xFFFFD800  }
0xe0: {  	_ =	sfence.sel $0x180000  }
0xe1: {  	[bflag:$0x0] =	sbarrier.arrive $0xFFFF  }
0xe2: {  	_ =	strace $0x9000004D  }
0xe3: {  	s0 =	stileid.u32;
	[bflag:$0x2] =	sbarrier.arrive $0xFFFF  }
0xe4: {  	p0 =	sne.s32 s0, $0x0;
	s0 =	rddreg [dreg:$0x3]  }
0xe5: {  	s0 =	sadd.s32 @!p0 $0x100000, s0  }
0xe6: {  	[sflag:s0] =	ssyncadd.tile.s32 @!p0 $0x1;
	_ =	shalt  }
.Lfunc_end2:
_tile_overlayer_lowered:
.L_overlay_start_2:
0xe7: {  	(tag) =	ssettag $0x2  }
0xe8: {  	s0 =	rddreg [dreg:$0x0];
	s2 =	stileid.u32  }
0xe9: {  	s1 =	rddreg [dreg:$0x1];
	p0 =	sne.s32 s2, $0x0  }
0xea: {  	s3 =	rddreg [dreg:$0x2];
	[bflag:$0x3] =	sbarrier.arrive $0xFFFF;
	s2 =	simm.s32 @!p0 $0x1C09  }
0xeb: {  	[timem:s3], [sflag:s2] =	dma.local @!p0 [hbm:s0], s1  }
0xec: {  	s0 =	simm.s32 @!p0 $0x9  }
0xed: {  	_ =	swait.ge @!p0 [sflag:s0], s1  }
0xee: {  	s1 =	ssub.s32 @!p0 $0x0, s1;
	[sflag:s0] =	ssyncset.done @!p0 $0x0  }
0xef: {  	[sflag:s0] =	ssyncadd.s32 @!p0 s1  }
0xf0: {  	[bflag:$0x3] =	sbarrier.arrive $0xFFFF  }
0xf1: {  	_ =	shalt  }

// kernel: kernel.9.cloned.1.call-start
scs
__scs_entry_jumppad:
0x0: {  	(pc) =	sbr.rel $0x88, $3  }
0x1: {  	(tag) =	ssettag $0x0;
	lr =	simm.s32 $0x1  }
0x2: {  	[smem:$0x3F9B] =	sst lr;
	_ =	strace $0xD0000000  }
0x3: {  	_ = 	snop  }
0x4: {  	_ = 	snop  }
0x5: {  	_ = 	snop  }
0x6: {  	_ = 	snop  }
0x7: {  	_ = 	snop  }
__scs_overlays_trampoline_lowered:
0x8: {  	[smem:$0x3FAA] =	sst s0  }
0x9: {  	[smem:$0x3FAB] =	sst s1  }
0xa: {  	[smem:$0x3FAC] =	sst s2  }
0xb: {  	[smem:$0x3FAD] =	sst s3  }
0xc: {  	[smem:$0x3FAE] =	sst s4  }
0xd: {  	[smem:$0x3FAF] =	sst s5  }
0xe: {  	[smem:$0x3FB0] =	sst s6  }
0xf: {  	[smem:$0x3FB1] =	sst s7  }
0x10: {  	[smem:$0x3FB2] =	sst s8  }
0x11: {  	[smem:$0x3FB3] =	sst s9;
	s0 =	simm.s32 @!p0 $0x0  }
0x12: {  	s1 =	sld [smem:$0x3F99];
	s0 =	simm.s32 @p0 $0x1  }
0x13: {  	[smem:$0x3FB4] =	sst s0;
	s0 =	simm.s32 @!p1 $0x0  }
0x14: {  	s2 =	sld [smem:$0x3F98];
	s0 =	simm.s32 @p1 $0x1  }
0x15: {  	[smem:$0x3FB5] =	sst s0;
	s0 =	simm.s32 @!p2 $0x0  }
0x16: {  	s3 =	sld [smem:$0x3FDB];
	s0 =	simm.s32 @p2 $0x1  }
0x17: {  	s4 =	simm.s32 $0x1BF5;
	[smem:$0x3FB7] =	sst s0  }
0x18: {  	s0 =	sld [smem:$0x3F9A];
	_ =	swait.ge [sflag:s4], $0x0  }
0x19: {  	s7 =	sld [smem:$0x3F9B]  }
0x1a: {  	s8 =	sadd.s32 $0xFFFFE003, lr  }
0x1b: {  	s9 =	sadd.s32 $0xFFFFFEF7, lr;
	s5 =	simm.s32 $0xFFFFFFFF;
	p2 =	slt.u32 s8, $0xFFFFF086  }
0x1c: {  	p1 =	slt.u32 s9, $0xF7A;
	s5 =	simm.s32 @!p2 $0x0  }
0x1d: {  	s5 =	simm.s32 @p1 $0x1;
	p0 =	seq.s32 s7, s2  }
0x1e: {  	s7 =	smul.u32 @!p0 $0xF7A, s2;
	p2 =	seq.s32 @!p0 s5, $0x0  }
0x1f: {  	s9 =	smul.u32 $0xF7A, s1;
	s8 =	simm.s32 @!p0 $0x1BF5;
	p2 =	por !p2, p0  }
0x20: {  	[sflag:s8] =	ssyncset.s32 @!p0 $0xFFFFF086;
	s6 =	sadd.s32 @!p0 s3, s7;
	s7 =	simm.s32 @!p0 $0x108  }
0x21: {  	s3 =	sadd.s32 s3, s9;
	s6 =	sadd.s32 @!p0 $0x88, s6;
	s7 =	simm.s32 @p2 $0x1082  }
0x22: {  	[simem:s7], [sflag:s8] =	dma.local @!p0 [hbm:s6], $0xF7A  }
0x23: {  	s9 =	sor.u32 $0xD0000000, s2;
	s6 =	simm.s32 $0x108;
	_ =	swait.ge @!p0 [sflag:s8], $0x0  }
0x24: {  	s3 =	sadd.s32 $0x88, s3;
	s6 =	simm.s32 @!p1 $0x1082;
	[sflag:s4] =	ssyncset.s32 $0xFFFFF086  }
0x25: {  	[simem:s6], [sflag:s4] =	dma.local [hbm:s3], $0xF7A  }
0x26: {  	[smem:$0x3F9B] =	sst s1;
	(tag) =	ssettag s2;
	_ =	strace s9  }
0x27: {  	s1 =	sld [smem:$0x3FAB]  }
0x28: {  	s2 =	sld [smem:$0x3FAC]  }
0x29: {  	s4 =	sld [smem:$0x3FAE]  }
0x2a: {  	p0 =	seq.s32 s5, $0x0;
	s5 =	sld [smem:$0x3FAF]  }
0x2b: {  	s6 =	sld [smem:$0x3FB0]  }
0x2c: {  	s7 =	sld [smem:$0x3FB1]  }
0x2d: {  	s3 =	simm.s32 $0x108;
	s8 =	sld [smem:$0x3FB2]  }
0x2e: {  	s3 =	simm.s32 @!p0 $0x1082;
	s9 =	sld [smem:$0x3FB3]  }
0x2f: {  	lr =	sadd.s32 s0, s3;
	s0 =	sld [smem:$0x3FAA]  }
0x30: {  	s3 =	sld [smem:$0x3FAD]  }
0x31: {  	[smem:$0x3FB6] =	sst s10  }
0x32: {  	s10 =	sld [smem:$0x3FB4];
	_ =	sdelay $0x3  }
0x33: {  	p0 =	seq.s32 s10, $0x1;
	s10 =	sld [smem:$0x3FB6];
	_ =	sdelay $0x3  }
0x34: {  	[smem:$0x3FB6] =	sst s10  }
0x35: {  	s10 =	sld [smem:$0x3FB5];
	_ =	sdelay $0x3  }
0x36: {  	p1 =	seq.s32 s10, $0x1;
	s10 =	sld [smem:$0x3FB6];
	_ =	sdelay $0x3  }
0x37: {  	[smem:$0x3FB6] =	sst s10  }
0x38: {  	s10 =	sld [smem:$0x3FB7]  }
0x39: {  	_ = 	snop;
	(pc) =	sbr.ind lr, $3  }
0x3a: {  	_ = 	snop  }
0x3b: {  	_ = 	snop  }
0x3c: {  	p2 =	seq.s32 s10, $0x1;
	s10 =	sld [smem:$0x3FB6]  }
0x3d: {  	_ =	shalt  }
0x3e: {  	_ =	shalt  }
0x3f: {  	_ =	shalt  }
0x40: {  	_ =	shalt  }
0x41: {  	_ =	shalt  }
0x42: {  	_ =	shalt  }
0x43: {  	_ =	shalt  }
0x44: {  	_ =	shalt  }
0x45: {  	_ =	shalt  }
0x46: {  	_ =	shalt  }
0x47: {  	_ =	shalt  }
0x48: {  	_ =	shalt  }
0x49: {  	_ =	shalt  }
0x4a: {  	_ =	shalt  }
0x4b: {  	_ =	shalt  }
0x4c: {  	_ =	shalt  }
0x4d: {  	_ =	shalt  }
0x4e: {  	_ =	shalt  }
0x4f: {  	_ =	shalt  }
0x50: {  	_ =	shalt  }
0x51: {  	_ =	shalt  }
0x52: {  	_ =	shalt  }
0x53: {  	_ =	shalt  }
0x54: {  	_ =	shalt  }
0x55: {  	_ =	shalt  }
0x56: {  	_ =	shalt  }
0x57: {  	_ =	shalt  }
0x58: {  	_ =	shalt  }
0x59: {  	_ =	shalt  }
0x5a: {  	_ =	shalt  }
0x5b: {  	_ =	shalt  }
0x5c: {  	_ =	shalt  }
0x5d: {  	_ =	shalt  }
0x5e: {  	_ =	shalt  }
0x5f: {  	_ =	shalt  }
0x60: {  	_ =	shalt  }
0x61: {  	_ =	shalt  }
0x62: {  	_ =	shalt  }
0x63: {  	_ =	shalt  }
0x64: {  	_ =	shalt  }
0x65: {  	_ =	shalt  }
0x66: {  	_ =	shalt  }
0x67: {  	_ =	shalt  }
0x68: {  	_ =	shalt  }
0x69: {  	_ =	shalt  }
0x6a: {  	_ =	shalt  }
0x6b: {  	_ =	shalt  }
0x6c: {  	_ =	shalt  }
0x6d: {  	_ =	shalt  }
0x6e: {  	_ =	shalt  }
0x6f: {  	_ =	shalt  }
0x70: {  	_ =	shalt  }
0x71: {  	_ =	shalt  }
0x72: {  	_ =	shalt  }
0x73: {  	_ =	shalt  }
0x74: {  	_ =	shalt  }
0x75: {  	_ =	shalt  }
0x76: {  	_ =	shalt  }
0x77: {  	_ =	shalt  }
0x78: {  	_ =	shalt  }
0x79: {  	_ =	shalt  }
0x7a: {  	_ =	shalt  }
0x7b: {  	_ =	shalt  }
0x7c: {  	_ =	shalt  }
0x7d: {  	_ =	shalt  }
0x7e: {  	_ =	shalt  }
0x7f: {  	_ =	shalt  }
0x80: {  	_ =	shalt  }
0x81: {  	_ =	shalt  }
0x82: {  	_ =	shalt  }
0x83: {  	_ =	shalt  }
0x84: {  	_ =	shalt  }
0x85: {  	_ =	shalt  }
0x86: {  	_ =	shalt  }
0x87: {  	_ =	shalt  }
.Lfunc_end0:
.L_simem_size_0:
called_computation_lowered:
.L_overlay_start_0:
0x88: {  	s2 =	sld [smem:$0x3FD9]  }
0x89: {  	s3 =	sld [smem:$0x3FFE];
	_ =	sdelay $0x1  }
0x8a: {  	s1 =	srdreg.scid  }
0x8b: {  	s0 =	sand.u32 $0x1, s1  }
0x8c: {  	s17 =	sshll.u32 s0, $0xA;
	s2 =	sadd.s32 s3, s2  }
0x8d: {  	s2 =	sadd.s32 s2, s17  }
0x8e: {  	[smem:$0x3FC2] =	sst s2  }
0x8f: {  	_ = 	snop  }
0x90: {  	s2 =	sld [smem:$0x3FC8];
	(tm) =	ssettm $0x1  }
0x91: {  	s18 =	sld [smem:$0x3FFB];
	_ =	sdelay $0x3  }
0x92: {  	_ =	strace s18  }
0x93: {  	s3 =	sld [smem:$0x3FFC];
	_ =	sdelay $0x3  }
0x94: {  	_ =	strace s3  }
0x95: {  	s3 =	sld [smem:$0x3FFD];
	_ =	sdelay $0x3  }
0x96: {  	_ =	strace s3  }
0x97: {  	_ =	strace $0x8FFFFFFF  }
0x98: {  	s19 =	sld [smem:$0x3FDB];
	_ =	sdelay $0x1  }
0x99: {  	s4 =	simm.s32 $_scs_section_size  }
0x9a: {  	s5 =	simm.s32 $_size__tile_overlayer_lowered;
	s6 =	simm.s32 $_tile_overlayer_lowered  }
0x9b: {  	s22 =	simm.s32 $0x1BFF;
	s21 =	sshll.u32 s6, $0x1;
	s3 =	sadd.s32 s4, s19  }
0x9c: {  	s7 =	simm.s32 $0x0;
	s20 =	sshll.u32 s5, $0x1;
	s5 =	sadd.s32 s21, s3  }
0x9d: {  	[timem:s7], [sflag:s22] =	dma.local [hbm:s5], s20  }
0x9e: {  	_ =	swait.ge [sflag:s22], s20  }
0x9f: {  	s4 =	ssub.s32 $0x0, s20;
	[sflag:s22] =	ssyncset.done $0x0  }
0xa0: {  	[sflag:s22] =	ssyncadd.s32 s4;
	_ =	sdelay $0x1  }
0xa1: {  	s23 =	simm.s32 $0x1B8B  }
0xa2: {  	_ =	swait.ge [sflag:s23], $0x1  }
0xa3: {  	[sflag:s23] =	ssyncset.done $0x0  }
0xa4: {  	s25 =	simm.s32 $0x1B8E;
	s24 =	sld [smem:$0x3FFE];
	[sflag:s23] =	ssyncadd.s32 $0xFFFFFFFF  }
0xa5: {  	s26 =	simm.s32 $execute0_lowered;
	[smem:$0x3FD2] =	sst s25  }
0xa6: {  	s5 =	sshll.u32 s26, $0x1;
	_ =	strace $0x80000046;
	[dreg:$0x1] =	wrdreg $0xFFFFFFFF  }
0xa7: {  	s28 =	simm.s32 $_size_execute0_lowered;
	s3 =	sadd.s32 s3, s5;
	[dreg:$0x0] =	wrdreg $0x0  }
0xa8: {  	s5 =	sshll.u32 s28, $0x1;
	[dreg:$0x2] =	wrdreg s3  }
0xa9: {  	[dreg:$0x3] =	wrdreg s5  }
0xaa: {  	[dreg:$0x4] =	wrdreg $0xC0  }
0xab: {  	_ =	task [dreg:s7], $0x5FFFF  }
0xac: {  	[dreg:$0x1] =	wrdreg $0xFFFFFFFF  }
0xad: {  	[dreg:$0x0] =	wrdreg $0x60  }
0xae: {  	[dreg:$0x2] =	wrdreg s2  }
0xaf: {  	[dreg:$0x3] =	wrdreg s24  }
0xb0: {  	[dreg:$0x4] =	wrdreg $0x9  }
0xb1: {  	_ =	task.clear_ibuf [dreg:s7], $0x5FFFF;
	_ =	strace $0x90000046  }
0xb2: {  	s29 =	simm.s32 $0x9;
	_ =	strace $0x80000048  }
0xb3: {  	_ =	swait.ge [sflag:s29], $0x1  }
0xb4: {  	[sflag:s29] =	ssyncadd.s32 $0xFFFFFFFF  }
0xb5: {  	_ =	strace $0x90000048  }
0xb6: {  	_ =	sfence  }
0xb7: {  	s30 =	sld [smem:$0x0];
	_ =	sdelay $0x2  }
0xb8: {  	s31 =	sshll.u32 s1, $0xD;
	s1 =	sshrl.u32 s1, $0x2  }
0xb9: {  	s3 =	sand.u32 $0x4000, s31;
	s1 =	sadd.s32 s1, s30  }
0xba: {  	s0 =	sor.u32 s3, s0;
	s1 =	sshll.u32 s1, $0x11  }
0xbb: {  	s0 =	sor.u32 s1, s0  }
0xbc: {  	s0 =	sadd.s32 $0x8F2B, s0  }
0xbd: {  	[sflag:s0] =	ssyncadd.remote.s32 $0x1  }
0xbe: {  	_ =	sfence.sel $0xFFFF  }
0xbf: {  	[dreg:$0x0] =	wrdreg $0xFFFFFFFF;
	(pc) =	sbr.abs _section_cstart, $3  }
0xc0: {  	[dreg:$0x1] =	wrdreg $0xFFFFFFFF  }
0xc1: {  	_ =	task.clear_ibuf [dreg:s7], $0x2FFFF;
	_ =	strace $0x9FFFFFFF  }
0xc2: {  	(tm) =	ssettm $0x7FFFFFFF  }
0xc3: {  	_ =	shalt  }
tec
execute0_lowered:
.L_overlay_start_1:
0x0: {  	(tag) =	ssettag $0x1  }
0x1: {  	s1 =	srdreg.scid;
	s4 =	rddreg [dreg:$0x0]  }
0x2: {  	s0 =	stileid.u32;
	s6 =	rddreg [dreg:$0x1];
	s2 =	simm.s32 $0x0  }
0x3: {  	s13 =	simm.s32 $0x1;
	s3 =	sand.u32 $0x1, s1;
	s28 =	sshll.u32 s0, $0x1  }
0x4: {  	s14 =	simm.s32 $0xD00;
	s1 =	rddreg [dreg:$0x2];
	s5 =	sor.u32 s3, s28  }
0x5: {  	s15 =	simm.s32 $0x0;
	[smem:$0x7FF] =	sst s2;
	s7 =	smul.u32 $0x4E, s5  }
0x6: {  	s29 =	ssub.s32 $0x2, s3;
	s8 =	smin.u32 s5, $0x4;
	s5 =	smul.u32 $0x2800, s5  }
0x7: {  	p0 =	sgt.u32 s0, $0x1;
	_ =	strace $0x80000047;
	s31 =	sshrl.u32 s29, $0x1  }
0x8: {  	s12 =	ssub.s32 s29, s31;
	s7 =	sadd.s32 s8, s7;
	s5 =	sshrl.u32 s5, $0x3  }
0x9: {  	s12 =	smax.u32 s12, $0x1;
	s30 =	sshll.u32 s7, $0x5;
	s11 =	sadd.s32 s5, s6  }
0xa: {  	s3 =	sadd.s32 s4, s30;
	s10 =	sadd.s32 $0x2800, s11;
	s11 =	sadd.s32 $0x2A80, s11  }
0xb: {  	s4 =	sadd.s32 $0x1A0, s3;
	s5 =	sadd.s32 $0x340, s3;
	s6 =	sadd.s32 $0x4E0, s3  }
0xc: {  	v0 =	vimm.f32 $0.0e+00;
	v1 =	vimm.f32 $1.000000000e+00;
	s7 =	sadd.s32 $0x680, s3;
	s8 =	sadd.s32 $0x820, s3;
	s9 =	sadd.s32 $0x9C0, s3  }
.LBB2_1:
0xd: {  	s16 =	simm.s32 $0x40;
	s17 =	simm.s32 $0x0  }
.LBB2_2:
0xe: {  	p1 =	sne.s32 s16, $0x4FC0;
	[tilespmem:s17+$0xD00] =	vst v0;
	s17 =	smov.u32 s16;
	s16 =	sadd.s32 $0x40, s16  }
.Ltmp0:
0xf: {  	(pc) =	sbr.rel @p1 .LBB2_2-.Ltmp0, $2  }
0x10: {  	_ =	sdelay $0x2  }
0x11: {  	s17 =	sshra.s32 s17, $0x2  }
0x12: {  	[tilespmem:s17+$0xD00] =	vst v0  }
0x13: {  	[tilespmem:s2], [sflag:$0x1] =	stream.linear.gather [hbm4b:s3+s2], $0xD00, $0x38;
	[tilespmem:$0x2100] =	vst v63  }
0x14: {  	_ =	swait.ge [sflag:s13], $0xD00  }
0x15: {  	[sflag:s13] =	ssyncset.done $0x0  }
0x16: {  	s16 =	simm.s32 $0x3C0;
	[sflag:s13] =	ssyncadd.s32 $0xFFFFF300  }
.LBB2_4:
0x17: {  	s17 =	sshra.s32 s16, $0x2  }
0x18: {  	v2 =	vld [tilespmem:s17+$0xFFFFFF90];
	_ =	sdelay $0x4  }
0x19: {  	vm0 =	vlt.u32 v2, $0x1400;
	_ =	sdelay $0x5  }
0x1a: {  	[tilespmem:v2+s14+$0x0] =	vst.idx.add.f32.msk vm0, v1  }
0x1b: {  	v2 =	vld [tilespmem:s17+$0xFFFFFFA0];
	_ =	sdelay $0x4  }
0x1c: {  	vm9 =	vlt.u32 v2, $0x1400;
	_ =	sdelay $0x5  }
0x1d: {  	[tilespmem:v2+s14+$0x0] =	vst.idx.add.f32.msk vm9, v1  }
0x1e: {  	v2 =	vld [tilespmem:s17+$0xFFFFFFB0];
	_ =	sdelay $0x4  }
0x1f: {  	vm10 =	vlt.u32 v2, $0x1400;
	_ =	sdelay $0x5  }
0x20: {  	[tilespmem:v2+s14+$0x0] =	vst.idx.add.f32.msk vm10, v1  }
0x21: {  	v2 =	vld [tilespmem:s17+$0xFFFFFFC0];
	_ =	sdelay $0x4  }
0x22: {  	vm11 =	vlt.u32 v2, $0x1400;
	_ =	sdelay $0x5  }
0x23: {  	[tilespmem:v2+s14+$0x0] =	vst.idx.add.f32.msk vm11, v1  }
0x24: {  	v2 =	vld [tilespmem:s17+$0xFFFFFFD0];
	_ =	sdelay $0x4  }
0x25: {  	vm12 =	vlt.u32 v2, $0x1400;
	_ =	sdelay $0x5  }
0x26: {  	[tilespmem:v2+s14+$0x0] =	vst.idx.add.f32.msk vm12, v1  }
0x27: {  	v2 =	vld [tilespmem:s17+$0xFFFFFFE0];
	_ =	sdelay $0x4  }
0x28: {  	vm13 =	vlt.u32 v2, $0x1400;
	_ =	sdelay $0x5  }
0x29: {  	[tilespmem:v2+s14+$0x0] =	vst.idx.add.f32.msk vm13, v1  }
0x2a: {  	v2 =	vld [tilespmem:s17+$0xFFFFFFF0];
	_ =	sdelay $0x4  }
0x2b: {  	vm14 =	vlt.u32 v2, $0x1400;
	_ =	sdelay $0x5  }
0x2c: {  	[tilespmem:v2+s14+$0x0] =	vst.idx.add.f32.msk vm14, v1  }
0x2d: {  	v2 =	vld [tilespmem:s17+$0x0];
	_ =	sdelay $0x4  }
0x2e: {  	vm15 =	vlt.u32 v2, $0x1400  }
0x2f: {  	p1 =	sne.s32 s16, $0x33C0  }
.Ltmp1:
0x30: {  	_ = 	snop;
	(pc) =	sbr.rel @p1 .LBB2_4-.Ltmp1, $2  }
0x31: {  	_ =	sdelay $0x2  }
0x32: {  	s16 =	sadd.s32 $0x400, s16;
	[tilespmem:v2+s14+$0x0] =	vst.idx.add.f32.msk vm15, v1  }
0x33: {  	[tilespmem:s2], [sflag:$0x1] =	stream.linear.gather [hbm4b:s4+s2], $0xD00, $0x38;
	[tilespmem:$0x2100] =	vst v63  }
0x34: {  	_ =	swait.ge [sflag:s13], $0xD00  }
0x35: {  	[sflag:s13] =	ssyncset.done $0x0  }
0x36: {  	s16 =	simm.s32 $0x3C0;
	[sflag:s13] =	ssyncadd.s32 $0xFFFFF300  }
.LBB2_6:
0x37: {  	s17 =	sshra.s32 s16, $0x2  }
0x38: {  	v2 =	vld [tilespmem:s17+$0xFFFFFF90];
	_ =	sdelay $0x4  }
0x39: {  	vm0 =	vlt.u32 v2, $0x1400;
	_ =	sdelay $0x5  }
0x3a: {  	[tilespmem:v2+s14+$0x0] =	vst.idx.add.f32.msk vm0, v1  }
0x3b: {  	v2 =	vld [tilespmem:s17+$0xFFFFFFA0];
	_ =	sdelay $0x4  }
0x3c: {  	vm9 =	vlt.u32 v2, $0x1400;
	_ =	sdelay $0x5  }
0x3d: {  	[tilespmem:v2+s14+$0x0] =	vst.idx.add.f32.msk vm9, v1  }
0x3e: {  	v2 =	vld [tilespmem:s17+$0xFFFFFFB0];
	_ =	sdelay $0x4  }
0x3f: {  	vm10 =	vlt.u32 v2, $0x1400;
	_ =	sdelay $0x5  }
0x40: {  	[tilespmem:v2+s14+$0x0] =	vst.idx.add.f32.msk vm10, v1  }
0x41: {  	v2 =	vld [tilespmem:s17+$0xFFFFFFC0];
	_ =	sdelay $0x4  }
0x42: {  	vm11 =	vlt.u32 v2, $0x1400;
	_ =	sdelay $0x5  }
0x43: {  	[tilespmem:v2+s14+$0x0] =	vst.idx.add.f32.msk vm11, v1  }
0x44: {  	v2 =	vld [tilespmem:s17+$0xFFFFFFD0];
	_ =	sdelay $0x4  }
0x45: {  	vm12 =	vlt.u32 v2, $0x1400;
	_ =	sdelay $0x5  }
0x46: {  	[tilespmem:v2+s14+$0x0] =	vst.idx.add.f32.msk vm12, v1  }
0x47: {  	v2 =	vld [tilespmem:s17+$0xFFFFFFE0];
	_ =	sdelay $0x4  }
0x48: {  	vm13 =	vlt.u32 v2, $0x1400;
	_ =	sdelay $0x5  }
0x49: {  	[tilespmem:v2+s14+$0x0] =	vst.idx.add.f32.msk vm13, v1  }
0x4a: {  	v2 =	vld [tilespmem:s17+$0xFFFFFFF0];
	_ =	sdelay $0x4  }
0x4b: {  	vm14 =	vlt.u32 v2, $0x1400;
	_ =	sdelay $0x5  }
0x4c: {  	[tilespmem:v2+s14+$0x0] =	vst.idx.add.f32.msk vm14, v1  }
0x4d: {  	v2 =	vld [tilespmem:s17+$0x0];
	_ =	sdelay $0x4  }
0x4e: {  	vm15 =	vlt.u32 v2, $0x1400  }
0x4f: {  	p1 =	sne.s32 s16, $0x33C0  }
.Ltmp2:
0x50: {  	_ = 	snop;
	(pc) =	sbr.rel @p1 .LBB2_6-.Ltmp2, $2  }
0x51: {  	_ =	sdelay $0x2  }
0x52: {  	s16 =	sadd.s32 $0x400, s16;
	[tilespmem:v2+s14+$0x0] =	vst.idx.add.f32.msk vm15, v1  }
0x53: {  	[tilespmem:s2], [sflag:$0x1] =	stream.linear.gather [hbm4b:s5+s2], $0xD00, $0x38;
	[tilespmem:$0x2100] =	vst v63  }
0x54: {  	_ =	swait.ge [sflag:s13], $0xD00  }
0x55: {  	[sflag:s13] =	ssyncset.done $0x0  }
0x56: {  	s16 =	simm.s32 $0x3C0;
	[sflag:s13] =	ssyncadd.s32 $0xFFFFF300  }
.LBB2_8:
0x57: {  	s17 =	sshra.s32 s16, $0x2  }
0x58: {  	v2 =	vld [tilespmem:s17+$0xFFFFFF90];
	_ =	sdelay $0x4  }
0x59: {  	vm0 =	vlt.u32 v2, $0x1400;
	_ =	sdelay $0x5  }
0x5a: {  	[tilespmem:v2+s14+$0x0] =	vst.idx.add.f32.msk vm0, v1  }
0x5b: {  	v2 =	vld [tilespmem:s17+$0xFFFFFFA0];
	_ =	sdelay $0x4  }
0x5c: {  	vm9 =	vlt.u32 v2, $0x1400;
	_ =	sdelay $0x5  }
0x5d: {  	[tilespmem:v2+s14+$0x0] =	vst.idx.add.f32.msk vm9, v1  }
0x5e: {  	v2 =	vld [tilespmem:s17+$0xFFFFFFB0];
	_ =	sdelay $0x4  }
0x5f: {  	vm10 =	vlt.u32 v2, $0x1400;
	_ =	sdelay $0x5  }
0x60: {  	[tilespmem:v2+s14+$0x0] =	vst.idx.add.f32.msk vm10, v1  }
0x61: {  	v2 =	vld [tilespmem:s17+$0xFFFFFFC0];
	_ =	sdelay $0x4  }
0x62: {  	vm11 =	vlt.u32 v2, $0x1400;
	_ =	sdelay $0x5  }
0x63: {  	[tilespmem:v2+s14+$0x0] =	vst.idx.add.f32.msk vm11, v1  }
0x64: {  	v2 =	vld [tilespmem:s17+$0xFFFFFFD0];
	_ =	sdelay $0x4  }
0x65: {  	vm12 =	vlt.u32 v2, $0x1400;
	_ =	sdelay $0x5  }
0x66: {  	[tilespmem:v2+s14+$0x0] =	vst.idx.add.f32.msk vm12, v1  }
0x67: {  	v2 =	vld [tilespmem:s17+$0xFFFFFFE0];
	_ =	sdelay $0x4  }
0x68: {  	vm13 =	vlt.u32 v2, $0x1400;
	_ =	sdelay $0x5  }
0x69: {  	[tilespmem:v2+s14+$0x0] =	vst.idx.add.f32.msk vm13, v1  }
0x6a: {  	v2 =	vld [tilespmem:s17+$0xFFFFFFF0];
	_ =	sdelay $0x4  }
0x6b: {  	vm14 =	vlt.u32 v2, $0x1400;
	_ =	sdelay $0x5  }
0x6c: {  	[tilespmem:v2+s14+$0x0] =	vst.idx.add.f32.msk vm14, v1  }
0x6d: {  	v2 =	vld [tilespmem:s17+$0x0];
	_ =	sdelay $0x4  }
0x6e: {  	vm15 =	vlt.u32 v2, $0x1400  }
0x6f: {  	p1 =	sne.s32 s16, $0x33C0  }
.Ltmp3:
0x70: {  	_ = 	snop;
	(pc) =	sbr.rel @p1 .LBB2_8-.Ltmp3, $2  }
0x71: {  	_ =	sdelay $0x2  }
0x72: {  	s16 =	sadd.s32 $0x400, s16;
	[tilespmem:v2+s14+$0x0] =	vst.idx.add.f32.msk vm15, v1  }
0x73: {  	[tilespmem:s2], [sflag:$0x1] =	stream.linear.gather [hbm4b:s6+s2], $0xD00, $0x38;
	[tilespmem:$0x2100] =	vst v63  }
0x74: {  	_ =	swait.ge [sflag:s13], $0xD00  }
0x75: {  	[sflag:s13] =	ssyncset.done $0x0  }
0x76: {  	s16 =	simm.s32 $0x3C0;
	[sflag:s13] =	ssyncadd.s32 $0xFFFFF300  }
.LBB2_10:
0x77: {  	s17 =	sshra.s32 s16, $0x2  }
0x78: {  	v2 =	vld [tilespmem:s17+$0xFFFFFF90];
	_ =	sdelay $0x4  }
0x79: {  	vm0 =	vlt.u32 v2, $0x1400;
	_ =	sdelay $0x5  }
0x7a: {  	[tilespmem:v2+s14+$0x0] =	vst.idx.add.f32.msk vm0, v1  }
0x7b: {  	v2 =	vld [tilespmem:s17+$0xFFFFFFA0];
	_ =	sdelay $0x4  }
0x7c: {  	vm9 =	vlt.u32 v2, $0x1400;
	_ =	sdelay $0x5  }
0x7d: {  	[tilespmem:v2+s14+$0x0] =	vst.idx.add.f32.msk vm9, v1  }
0x7e: {  	v2 =	vld [tilespmem:s17+$0xFFFFFFB0];
	_ =	sdelay $0x4  }
0x7f: {  	vm10 =	vlt.u32 v2, $0x1400;
	_ =	sdelay $0x5  }
0x80: {  	[tilespmem:v2+s14+$0x0] =	vst.idx.add.f32.msk vm10, v1  }
0x81: {  	v2 =	vld [tilespmem:s17+$0xFFFFFFC0];
	_ =	sdelay $0x4  }
0x82: {  	vm11 =	vlt.u32 v2, $0x1400;
	_ =	sdelay $0x5  }
0x83: {  	[tilespmem:v2+s14+$0x0] =	vst.idx.add.f32.msk vm11, v1  }
0x84: {  	v2 =	vld [tilespmem:s17+$0xFFFFFFD0];
	_ =	sdelay $0x4  }
0x85: {  	vm12 =	vlt.u32 v2, $0x1400;
	_ =	sdelay $0x5  }
0x86: {  	[tilespmem:v2+s14+$0x0] =	vst.idx.add.f32.msk vm12, v1  }
0x87: {  	v2 =	vld [tilespmem:s17+$0xFFFFFFE0];
	_ =	sdelay $0x4  }
0x88: {  	vm13 =	vlt.u32 v2, $0x1400;
	_ =	sdelay $0x5  }
0x89: {  	[tilespmem:v2+s14+$0x0] =	vst.idx.add.f32.msk vm13, v1  }
0x8a: {  	v2 =	vld [tilespmem:s17+$0xFFFFFFF0];
	_ =	sdelay $0x4  }
0x8b: {  	vm14 =	vlt.u32 v2, $0x1400;
	_ =	sdelay $0x5  }
0x8c: {  	[tilespmem:v2+s14+$0x0] =	vst.idx.add.f32.msk vm14, v1  }
0x8d: {  	v2 =	vld [tilespmem:s17+$0x0];
	_ =	sdelay $0x4  }
0x8e: {  	vm15 =	vlt.u32 v2, $0x1400  }
0x8f: {  	p1 =	sne.s32 s16, $0x33C0  }
.Ltmp4:
0x90: {  	_ = 	snop;
	(pc) =	sbr.rel @p1 .LBB2_10-.Ltmp4, $2  }
0x91: {  	_ =	sdelay $0x2  }
0x92: {  	s16 =	sadd.s32 $0x400, s16;
	[tilespmem:v2+s14+$0x0] =	vst.idx.add.f32.msk vm15, v1  }
0x93: {  	[tilespmem:s2], [sflag:$0x1] =	stream.linear.gather [hbm4b:s7+s2], $0xD00, $0x38;
	[tilespmem:$0x2100] =	vst v63  }
0x94: {  	_ =	swait.ge [sflag:s13], $0xD00  }
0x95: {  	[sflag:s13] =	ssyncset.done $0x0  }
0x96: {  	s16 =	simm.s32 $0x3C0;
	[sflag:s13] =	ssyncadd.s32 $0xFFFFF300  }
.LBB2_12:
0x97: {  	s17 =	sshra.s32 s16, $0x2  }
0x98: {  	v2 =	vld [tilespmem:s17+$0xFFFFFF90];
	_ =	sdelay $0x4  }
0x99: {  	vm0 =	vlt.u32 v2, $0x1400;
	_ =	sdelay $0x5  }
0x9a: {  	[tilespmem:v2+s14+$0x0] =	vst.idx.add.f32.msk vm0, v1  }
0x9b: {  	v2 =	vld [tilespmem:s17+$0xFFFFFFA0];
	_ =	sdelay $0x4  }
0x9c: {  	vm9 =	vlt.u32 v2, $0x1400;
	_ =	sdelay $0x5  }
0x9d: {  	[tilespmem:v2+s14+$0x0] =	vst.idx.add.f32.msk vm9, v1  }
0x9e: {  	v2 =	vld [tilespmem:s17+$0xFFFFFFB0];
	_ =	sdelay $0x4  }
0x9f: {  	vm10 =	vlt.u32 v2, $0x1400;
	_ =	sdelay $0x5  }
0xa0: {  	[tilespmem:v2+s14+$0x0] =	vst.idx.add.f32.msk vm10, v1  }
0xa1: {  	v2 =	vld [tilespmem:s17+$0xFFFFFFC0];
	_ =	sdelay $0x4  }
0xa2: {  	vm11 =	vlt.u32 v2, $0x1400;
	_ =	sdelay $0x5  }
0xa3: {  	[tilespmem:v2+s14+$0x0] =	vst.idx.add.f32.msk vm11, v1  }
0xa4: {  	v2 =	vld [tilespmem:s17+$0xFFFFFFD0];
	_ =	sdelay $0x4  }
0xa5: {  	vm12 =	vlt.u32 v2, $0x1400;
	_ =	sdelay $0x5  }
0xa6: {  	[tilespmem:v2+s14+$0x0] =	vst.idx.add.f32.msk vm12, v1  }
0xa7: {  	v2 =	vld [tilespmem:s17+$0xFFFFFFE0];
	_ =	sdelay $0x4  }
0xa8: {  	vm13 =	vlt.u32 v2, $0x1400;
	_ =	sdelay $0x5  }
0xa9: {  	[tilespmem:v2+s14+$0x0] =	vst.idx.add.f32.msk vm13, v1  }
0xaa: {  	v2 =	vld [tilespmem:s17+$0xFFFFFFF0];
	_ =	sdelay $0x4  }
0xab: {  	vm14 =	vlt.u32 v2, $0x1400;
	_ =	sdelay $0x5  }
0xac: {  	[tilespmem:v2+s14+$0x0] =	vst.idx.add.f32.msk vm14, v1  }
0xad: {  	v2 =	vld [tilespmem:s17+$0x0];
	_ =	sdelay $0x4  }
0xae: {  	vm15 =	vlt.u32 v2, $0x1400  }
0xaf: {  	p1 =	sne.s32 s16, $0x33C0  }
.Ltmp5:
0xb0: {  	_ = 	snop;
	(pc) =	sbr.rel @p1 .LBB2_12-.Ltmp5, $2  }
0xb1: {  	_ =	sdelay $0x2  }
0xb2: {  	s16 =	sadd.s32 $0x400, s16;
	[tilespmem:v2+s14+$0x0] =	vst.idx.add.f32.msk vm15, v1  }
0xb3: {  	[tilespmem:s2], [sflag:$0x1] =	stream.linear.gather [hbm4b:s8+s2], $0xD00, $0x38;
	[tilespmem:$0x2100] =	vst v63  }
0xb4: {  	_ =	swait.ge [sflag:s13], $0xD00  }
0xb5: {  	[sflag:s13] =	ssyncset.done $0x0  }
0xb6: {  	s16 =	simm.s32 $0x3C0;
	[sflag:s13] =	ssyncadd.s32 $0xFFFFF300  }
.LBB2_14:
0xb7: {  	s17 =	sshra.s32 s16, $0x2  }
0xb8: {  	v2 =	vld [tilespmem:s17+$0xFFFFFF90];
	_ =	sdelay $0x4  }
0xb9: {  	vm0 =	vlt.u32 v2, $0x1400;
	_ =	sdelay $0x5  }
0xba: {  	[tilespmem:v2+s14+$0x0] =	vst.idx.add.f32.msk vm0, v1  }
0xbb: {  	v2 =	vld [tilespmem:s17+$0xFFFFFFA0];
	_ =	sdelay $0x4  }
0xbc: {  	vm9 =	vlt.u32 v2, $0x1400;
	_ =	sdelay $0x5  }
0xbd: {  	[tilespmem:v2+s14+$0x0] =	vst.idx.add.f32.msk vm9, v1  }
0xbe: {  	v2 =	vld [tilespmem:s17+$0xFFFFFFB0];
	_ =	sdelay $0x4  }
0xbf: {  	vm10 =	vlt.u32 v2, $0x1400;
	_ =	sdelay $0x5  }
0xc0: {  	[tilespmem:v2+s14+$0x0] =	vst.idx.add.f32.msk vm10, v1  }
0xc1: {  	v2 =	vld [tilespmem:s17+$0xFFFFFFC0];
	_ =	sdelay $0x4  }
0xc2: {  	vm11 =	vlt.u32 v2, $0x1400;
	_ =	sdelay $0x5  }
0xc3: {  	[tilespmem:v2+s14+$0x0] =	vst.idx.add.f32.msk vm11, v1  }
0xc4: {  	v2 =	vld [tilespmem:s17+$0xFFFFFFD0];
	_ =	sdelay $0x4  }
0xc5: {  	vm12 =	vlt.u32 v2, $0x1400;
	_ =	sdelay $0x5  }
0xc6: {  	[tilespmem:v2+s14+$0x0] =	vst.idx.add.f32.msk vm12, v1  }
0xc7: {  	v2 =	vld [tilespmem:s17+$0xFFFFFFE0];
	_ =	sdelay $0x4  }
0xc8: {  	vm13 =	vlt.u32 v2, $0x1400;
	_ =	sdelay $0x5  }
0xc9: {  	[tilespmem:v2+s14+$0x0] =	vst.idx.add.f32.msk vm13, v1  }
0xca: {  	v2 =	vld [tilespmem:s17+$0xFFFFFFF0];
	_ =	sdelay $0x4  }
0xcb: {  	vm14 =	vlt.u32 v2, $0x1400;
	_ =	sdelay $0x5  }
0xcc: {  	[tilespmem:v2+s14+$0x0] =	vst.idx.add.f32.msk vm14, v1  }
0xcd: {  	v2 =	vld [tilespmem:s17+$0x0];
	_ =	sdelay $0x4  }
0xce: {  	vm15 =	vlt.u32 v2, $0x1400  }
0xcf: {  	p1 =	sne.s32 s16, $0x33C0  }
.Ltmp6:
0xd0: {  	_ = 	snop;
	(pc) =	sbr.rel @p1 .LBB2_14-.Ltmp6, $2  }
0xd1: {  	_ =	sdelay $0x2  }
0xd2: {  	s16 =	sadd.s32 $0x400, s16;
	[tilespmem:v2+s14+$0x0] =	vst.idx.add.f32.msk vm15, v1  }
0xd3: {  	s16 =	simm.s32 @!p0 $0x0  }
0xd4: {  	[tilespmem:s16], [sflag:$0x1] =	stream.linear.gather @!p0 [hbm4b:s9+s16], $0x100, $0x38;
	[tilespmem:$0x2100] =	vst v63  }
0xd5: {  	s16 =	simm.s32 @!p0 $0x1  }
0xd6: {  	_ =	swait.ge @!p0 [sflag:s16], $0x100  }
0xd7: {  	[sflag:s16] =	ssyncset.done @!p0 $0x0  }
0xd8: {  	[sflag:s16] =	ssyncadd.s32 @!p0 $0xFFFFFF00  }
0xd9: {  	v2 =	vld @!p0 [tilespmem:$0x80];
	_ =	sdelay $0x4  }
0xda: {  	vm0 =	vlt.u32 @!p0 v2, $0x1400;
	_ =	sdelay $0x4  }
0xdb: {  	v3 =	vimm.f32 @!p0 $1.000000000e+00;
	s16 =	simm.s32 @!p0 $0xD00  }
0xdc: {  	[tilespmem:v2+s16+$0x0] =	vst.idx.add.f32.msk @!p0 vm0, v3  }
0xdd: {  	v2 =	vld @!p0 [tilespmem:$0x90];
	_ =	sdelay $0x4  }
0xde: {  	vm0 =	vlt.u32 @!p0 v2, $0x1400;
	_ =	sdelay $0x5  }
0xdf: {  	[tilespmem:v2+s16+$0x0] =	vst.idx.add.f32.msk @!p0 vm0, v3  }
0xe0: {  	v2 =	vld @!p0 [tilespmem:$0xA0];
	_ =	sdelay $0x4  }
0xe1: {  	vm0 =	vlt.u32 @!p0 v2, $0x1400;
	_ =	sdelay $0x5  }
0xe2: {  	[tilespmem:v2+s16+$0x0] =	vst.idx.add.f32.msk @!p0 vm0, v3  }
0xe3: {  	v2 =	vld @!p0 [tilespmem:$0xB0];
	_ =	sdelay $0x4  }
0xe4: {  	vm0 =	vlt.u32 @!p0 v2, $0x1400;
	_ =	sdelay $0x5  }
0xe5: {  	[tilespmem:v2+s16+$0x0] =	vst.idx.add.f32.msk @!p0 vm0, v3  }
0xe6: {  	v2 =	vld @!p0 [tilespmem:$0xC0];
	_ =	sdelay $0x4  }
0xe7: {  	vm0 =	vlt.u32 @!p0 v2, $0x1400;
	_ =	sdelay $0x5  }
0xe8: {  	[tilespmem:v2+s16+$0x0] =	vst.idx.add.f32.msk @!p0 vm0, v3  }
0xe9: {  	v2 =	vld @!p0 [tilespmem:$0xD0];
	_ =	sdelay $0x4  }
0xea: {  	vm0 =	vlt.u32 @!p0 v2, $0x1400;
	_ =	sdelay $0x5  }
0xeb: {  	[tilespmem:v2+s16+$0x0] =	vst.idx.add.f32.msk @!p0 vm0, v3  }
0xec: {  	v2 =	vld @!p0 [tilespmem:$0xE0];
	_ =	sdelay $0x4  }
0xed: {  	vm0 =	vlt.u32 @!p0 v2, $0x1400;
	_ =	sdelay $0x5  }
0xee: {  	[tilespmem:v2+s16+$0x0] =	vst.idx.add.f32.msk @!p0 vm0, v3  }
0xef: {  	v2 =	vld @!p0 [tilespmem:$0xF0];
	_ =	sdelay $0x4  }
0xf0: {  	vm0 =	vlt.u32 @!p0 v2, $0x1400;
	_ =	sdelay $0x5  }
0xf1: {  	s31 =	simm.s32 $0x0;
	[tilespmem:v2+s16+$0x0] =	vst.idx.add.f32.msk @!p0 vm0, v3  }
0xf2: {  	[hbm4b:s10+s31] =	stream.linear.scatter [tilespmem:s14], [sflag:$0x1], $0x1400, $0x38;
	[tilespmem:$0x2100] =	vst v63  }
0xf3: {  	_ =	swait.ge [sflag:s13], $0x1400  }
0xf4: {  	[sflag:s13] =	ssyncset.done $0x0  }
0xf5: {  	s17 =	simm.s32 $0x0;
	s16 =	simm.s32 $0x40;
	[sflag:s13] =	ssyncadd.s32 $0xFFFFEC00  }
.LBB2_16:
0xf6: {  	p1 =	sne.s32 s16, $0x4FC0;
	[tilespmem:s17+$0xD00] =	vst v0;
	s17 =	smov.u32 s16;
	s16 =	sadd.s32 $0x40, s16  }
.Ltmp7:
0xf7: {  	(pc) =	sbr.rel @p1 .LBB2_16-.Ltmp7, $2  }
0xf8: {  	_ =	sdelay $0x2  }
0xf9: {  	s17 =	sshra.s32 s17, $0x2  }
0xfa: {  	[tilespmem:s17+$0xD00] =	vst v0  }
0xfb: {  	[tilespmem:s2], [sflag:$0x1] =	stream.linear.gather [hbm4b:s3+s2], $0xD00, $0x38;
	[tilespmem:$0x2100] =	vst v63  }
0xfc: {  	_ =	swait.ge [sflag:s13], $0xD00  }
0xfd: {  	[sflag:s13] =	ssyncset.done $0x0  }
0xfe: {  	s16 =	simm.s32 $0x3C0;
	[sflag:s13] =	ssyncadd.s32 $0xFFFFF300  }
.LBB2_18:
0xff: {  	s17 =	sshra.s32 s16, $0x2  }
0x100: {  	v2 =	vld [tilespmem:s17+$0xFFFFFF90];
	_ =	sdelay $0x4  }
0x101: {  	v2 =	vadd.s32 $0xFFFFEC00, v2  }
0x102: {  	vm0 =	vlt.u32 v2, $0x1400;
	_ =	sdelay $0x5  }
0x103: {  	[tilespmem:v2+s14+$0x0] =	vst.idx.add.f32.msk vm0, v1  }
0x104: {  	v2 =	vld [tilespmem:s17+$0xFFFFFFA0];
	_ =	sdelay $0x4  }
0x105: {  	v2 =	vadd.s32 $0xFFFFEC00, v2  }
0x106: {  	vm9 =	vlt.u32 v2, $0x1400;
	_ =	sdelay $0x5  }
0x107: {  	[tilespmem:v2+s14+$0x0] =	vst.idx.add.f32.msk vm9, v1  }
0x108: {  	v2 =	vld [tilespmem:s17+$0xFFFFFFB0];
	_ =	sdelay $0x4  }
0x109: {  	v2 =	vadd.s32 $0xFFFFEC00, v2  }
0x10a: {  	vm10 =	vlt.u32 v2, $0x1400;
	_ =	sdelay $0x5  }
0x10b: {  	[tilespmem:v2+s14+$0x0] =	vst.idx.add.f32.msk vm10, v1  }
0x10c: {  	v2 =	vld [tilespmem:s17+$0xFFFFFFC0];
	_ =	sdelay $0x4  }
0x10d: {  	v2 =	vadd.s32 $0xFFFFEC00, v2  }
0x10e: {  	vm11 =	vlt.u32 v2, $0x1400;
	_ =	sdelay $0x5  }
0x10f: {  	[tilespmem:v2+s14+$0x0] =	vst.idx.add.f32.msk vm11, v1  }
0x110: {  	v2 =	vld [tilespmem:s17+$0xFFFFFFD0];
	_ =	sdelay $0x4  }
0x111: {  	v2 =	vadd.s32 $0xFFFFEC00, v2  }
0x112: {  	vm12 =	vlt.u32 v2, $0x1400;
	_ =	sdelay $0x5  }
0x113: {  	[tilespmem:v2+s14+$0x0] =	vst.idx.add.f32.msk vm12, v1  }
0x114: {  	v2 =	vld [tilespmem:s17+$0xFFFFFFE0];
	_ =	sdelay $0x4  }
0x115: {  	v2 =	vadd.s32 $0xFFFFEC00, v2  }
0x116: {  	vm13 =	vlt.u32 v2, $0x1400;
	_ =	sdelay $0x5  }
0x117: {  	[tilespmem:v2+s14+$0x0] =	vst.idx.add.f32.msk vm13, v1  }
0x118: {  	v2 =	vld [tilespmem:s17+$0xFFFFFFF0];
	_ =	sdelay $0x4  }
0x119: {  	v2 =	vadd.s32 $0xFFFFEC00, v2  }
0x11a: {  	vm14 =	vlt.u32 v2, $0x1400;
	_ =	sdelay $0x5  }
0x11b: {  	[tilespmem:v2+s14+$0x0] =	vst.idx.add.f32.msk vm14, v1  }
0x11c: {  	v2 =	vld [tilespmem:s17+$0x0];
	_ =	sdelay $0x4  }
0x11d: {  	v2 =	vadd.s32 $0xFFFFEC00, v2  }
0x11e: {  	vm15 =	vlt.u32 v2, $0x1400  }
0x11f: {  	p1 =	sne.s32 s16, $0x33C0  }
.Ltmp8:
0x120: {  	_ = 	snop;
	(pc) =	sbr.rel @p1 .LBB2_18-.Ltmp8, $2  }
0x121: {  	_ =	sdelay $0x2  }
0x122: {  	s16 =	sadd.s32 $0x400, s16;
	[tilespmem:v2+s14+$0x0] =	vst.idx.add.f32.msk vm15, v1  }
0x123: {  	[tilespmem:s2], [sflag:$0x1] =	stream.linear.gather [hbm4b:s4+s2], $0xD00, $0x38;
	[tilespmem:$0x2100] =	vst v63  }
0x124: {  	_ =	swait.ge [sflag:s13], $0xD00  }
0x125: {  	[sflag:s13] =	ssyncset.done $0x0  }
0x126: {  	s16 =	simm.s32 $0x3C0;
	[sflag:s13] =	ssyncadd.s32 $0xFFFFF300  }
.LBB2_20:
0x127: {  	s17 =	sshra.s32 s16, $0x2  }
0x128: {  	v2 =	vld [tilespmem:s17+$0xFFFFFF90];
	_ =	sdelay $0x4  }
0x129: {  	v2 =	vadd.s32 $0xFFFFEC00, v2  }
0x12a: {  	vm0 =	vlt.u32 v2, $0x1400;
	_ =	sdelay $0x5  }
0x12b: {  	[tilespmem:v2+s14+$0x0] =	vst.idx.add.f32.msk vm0, v1  }
0x12c: {  	v2 =	vld [tilespmem:s17+$0xFFFFFFA0];
	_ =	sdelay $0x4  }
0x12d: {  	v2 =	vadd.s32 $0xFFFFEC00, v2  }
0x12e: {  	vm9 =	vlt.u32 v2, $0x1400;
	_ =	sdelay $0x5  }
0x12f: {  	[tilespmem:v2+s14+$0x0] =	vst.idx.add.f32.msk vm9, v1  }
0x130: {  	v2 =	vld [tilespmem:s17+$0xFFFFFFB0];
	_ =	sdelay $0x4  }
0x131: {  	v2 =	vadd.s32 $0xFFFFEC00, v2  }
0x132: {  	vm10 =	vlt.u32 v2, $0x1400;
	_ =	sdelay $0x5  }
0x133: {  	[tilespmem:v2+s14+$0x0] =	vst.idx.add.f32.msk vm10, v1  }
0x134: {  	v2 =	vld [tilespmem:s17+$0xFFFFFFC0];
	_ =	sdelay $0x4  }
0x135: {  	v2 =	vadd.s32 $0xFFFFEC00, v2  }
0x136: {  	vm11 =	vlt.u32 v2, $0x1400;
	_ =	sdelay $0x5  }
0x137: {  	[tilespmem:v2+s14+$0x0] =	vst.idx.add.f32.msk vm11, v1  }
0x138: {  	v2 =	vld [tilespmem:s17+$0xFFFFFFD0];
	_ =	sdelay $0x4  }
0x139: {  	v2 =	vadd.s32 $0xFFFFEC00, v2  }
0x13a: {  	vm12 =	vlt.u32 v2, $0x1400;
	_ =	sdelay $0x5  }
0x13b: {  	[tilespmem:v2+s14+$0x0] =	vst.idx.add.f32.msk vm12, v1  }
0x13c: {  	v2 =	vld [tilespmem:s17+$0xFFFFFFE0];
	_ =	sdelay $0x4  }
0x13d: {  	v2 =	vadd.s32 $0xFFFFEC00, v2  }
0x13e: {  	vm13 =	vlt.u32 v2, $0x1400;
	_ =	sdelay $0x5  }
0x13f: {  	[tilespmem:v2+s14+$0x0] =	vst.idx.add.f32.msk vm13, v1  }
0x140: {  	v2 =	vld [tilespmem:s17+$0xFFFFFFF0];
	_ =	sdelay $0x4  }
0x141: {  	v2 =	vadd.s32 $0xFFFFEC00, v2  }
0x142: {  	vm14 =	vlt.u32 v2, $0x1400;
	_ =	sdelay $0x5  }
0x143: {  	[tilespmem:v2+s14+$0x0] =	vst.idx.add.f32.msk vm14, v1  }
0x144: {  	v2 =	vld [tilespmem:s17+$0x0];
	_ =	sdelay $0x4  }
0x145: {  	v2 =	vadd.s32 $0xFFFFEC00, v2  }
0x146: {  	vm15 =	vlt.u32 v2, $0x1400  }
0x147: {  	p1 =	sne.s32 s16, $0x33C0  }
.Ltmp9:
0x148: {  	_ = 	snop;
	(pc) =	sbr.rel @p1 .LBB2_20-.Ltmp9, $2  }
0x149: {  	_ =	sdelay $0x2  }
0x14a: {  	s16 =	sadd.s32 $0x400, s16;
	[tilespmem:v2+s14+$0x0] =	vst.idx.add.f32.msk vm15, v1  }
0x14b: {  	[tilespmem:s2], [sflag:$0x1] =	stream.linear.gather [hbm4b:s5+s2], $0xD00, $0x38;
	[tilespmem:$0x2100] =	vst v63  }
0x14c: {  	_ =	swait.ge [sflag:s13], $0xD00  }
0x14d: {  	[sflag:s13] =	ssyncset.done $0x0  }
0x14e: {  	s16 =	simm.s32 $0x3C0;
	[sflag:s13] =	ssyncadd.s32 $0xFFFFF300  }
.LBB2_22:
0x14f: {  	s17 =	sshra.s32 s16, $0x2  }
0x150: {  	v2 =	vld [tilespmem:s17+$0xFFFFFF90];
	_ =	sdelay $0x4  }
0x151: {  	v2 =	vadd.s32 $0xFFFFEC00, v2  }
0x152: {  	vm0 =	vlt.u32 v2, $0x1400;
	_ =	sdelay $0x5  }
0x153: {  	[tilespmem:v2+s14+$0x0] =	vst.idx.add.f32.msk vm0, v1  }
0x154: {  	v2 =	vld [tilespmem:s17+$0xFFFFFFA0];
	_ =	sdelay $0x4  }
0x155: {  	v2 =	vadd.s32 $0xFFFFEC00, v2  }
0x156: {  	vm9 =	vlt.u32 v2, $0x1400;
	_ =	sdelay $0x5  }
0x157: {  	[tilespmem:v2+s14+$0x0] =	vst.idx.add.f32.msk vm9, v1  }
0x158: {  	v2 =	vld [tilespmem:s17+$0xFFFFFFB0];
	_ =	sdelay $0x4  }
0x159: {  	v2 =	vadd.s32 $0xFFFFEC00, v2  }
0x15a: {  	vm10 =	vlt.u32 v2, $0x1400;
	_ =	sdelay $0x5  }
0x15b: {  	[tilespmem:v2+s14+$0x0] =	vst.idx.add.f32.msk vm10, v1  }
0x15c: {  	v2 =	vld [tilespmem:s17+$0xFFFFFFC0];
	_ =	sdelay $0x4  }
0x15d: {  	v2 =	vadd.s32 $0xFFFFEC00, v2  }
0x15e: {  	vm11 =	vlt.u32 v2, $0x1400;
	_ =	sdelay $0x5  }
0x15f: {  	[tilespmem:v2+s14+$0x0] =	vst.idx.add.f32.msk vm11, v1  }
0x160: {  	v2 =	vld [tilespmem:s17+$0xFFFFFFD0];
	_ =	sdelay $0x4  }
0x161: {  	v2 =	vadd.s32 $0xFFFFEC00, v2  }
0x162: {  	vm12 =	vlt.u32 v2, $0x1400;
	_ =	sdelay $0x5  }
0x163: {  	[tilespmem:v2+s14+$0x0] =	vst.idx.add.f32.msk vm12, v1  }
0x164: {  	v2 =	vld [tilespmem:s17+$0xFFFFFFE0];
	_ =	sdelay $0x4  }
0x165: {  	v2 =	vadd.s32 $0xFFFFEC00, v2  }
0x166: {  	vm13 =	vlt.u32 v2, $0x1400;
	_ =	sdelay $0x5  }
0x167: {  	[tilespmem:v2+s14+$0x0] =	vst.idx.add.f32.msk vm13, v1  }
0x168: {  	v2 =	vld [tilespmem:s17+$0xFFFFFFF0];
	_ =	sdelay $0x4  }
0x169: {  	v2 =	vadd.s32 $0xFFFFEC00, v2  }
0x16a: {  	vm14 =	vlt.u32 v2, $0x1400;
	_ =	sdelay $0x5  }
0x16b: {  	[tilespmem:v2+s14+$0x0] =	vst.idx.add.f32.msk vm14, v1  }
0x16c: {  	v2 =	vld [tilespmem:s17+$0x0];
	_ =	sdelay $0x4  }
0x16d: {  	v2 =	vadd.s32 $0xFFFFEC00, v2  }
0x16e: {  	vm15 =	vlt.u32 v2, $0x1400  }
0x16f: {  	p1 =	sne.s32 s16, $0x33C0  }
.Ltmp10:
0x170: {  	_ = 	snop;
	(pc) =	sbr.rel @p1 .LBB2_22-.Ltmp10, $2  }
0x171: {  	_ =	sdelay $0x2  }
0x172: {  	s16 =	sadd.s32 $0x400, s16;
	[tilespmem:v2+s14+$0x0] =	vst.idx.add.f32.msk vm15, v1  }
0x173: {  	[tilespmem:s2], [sflag:$0x1] =	stream.linear.gather [hbm4b:s6+s2], $0xD00, $0x38;
	[tilespmem:$0x2100] =	vst v63  }
0x174: {  	_ =	swait.ge [sflag:s13], $0xD00  }
0x175: {  	[sflag:s13] =	ssyncset.done $0x0  }
0x176: {  	s16 =	simm.s32 $0x3C0;
	[sflag:s13] =	ssyncadd.s32 $0xFFFFF300  }
.LBB2_24:
0x177: {  	s17 =	sshra.s32 s16, $0x2  }
0x178: {  	v2 =	vld [tilespmem:s17+$0xFFFFFF90];
	_ =	sdelay $0x4  }
0x179: {  	v2 =	vadd.s32 $0xFFFFEC00, v2  }
0x17a: {  	vm0 =	vlt.u32 v2, $0x1400;
	_ =	sdelay $0x5  }
0x17b: {  	[tilespmem:v2+s14+$0x0] =	vst.idx.add.f32.msk vm0, v1  }
0x17c: {  	v2 =	vld [tilespmem:s17+$0xFFFFFFA0];
	_ =	sdelay $0x4  }
0x17d: {  	v2 =	vadd.s32 $0xFFFFEC00, v2  }
0x17e: {  	vm9 =	vlt.u32 v2, $0x1400;
	_ =	sdelay $0x5  }
0x17f: {  	[tilespmem:v2+s14+$0x0] =	vst.idx.add.f32.msk vm9, v1  }
0x180: {  	v2 =	vld [tilespmem:s17+$0xFFFFFFB0];
	_ =	sdelay $0x4  }
0x181: {  	v2 =	vadd.s32 $0xFFFFEC00, v2  }
0x182: {  	vm10 =	vlt.u32 v2, $0x1400;
	_ =	sdelay $0x5  }
0x183: {  	[tilespmem:v2+s14+$0x0] =	vst.idx.add.f32.msk vm10, v1  }
0x184: {  	v2 =	vld [tilespmem:s17+$0xFFFFFFC0];
	_ =	sdelay $0x4  }
0x185: {  	v2 =	vadd.s32 $0xFFFFEC00, v2  }
0x186: {  	vm11 =	vlt.u32 v2, $0x1400;
	_ =	sdelay $0x5  }
0x187: {  	[tilespmem:v2+s14+$0x0] =	vst.idx.add.f32.msk vm11, v1  }
0x188: {  	v2 =	vld [tilespmem:s17+$0xFFFFFFD0];
	_ =	sdelay $0x4  }
0x189: {  	v2 =	vadd.s32 $0xFFFFEC00, v2  }
0x18a: {  	vm12 =	vlt.u32 v2, $0x1400;
	_ =	sdelay $0x5  }
0x18b: {  	[tilespmem:v2+s14+$0x0] =	vst.idx.add.f32.msk vm12, v1  }
0x18c: {  	v2 =	vld [tilespmem:s17+$0xFFFFFFE0];
	_ =	sdelay $0x4  }
0x18d: {  	v2 =	vadd.s32 $0xFFFFEC00, v2  }
0x18e: {  	vm13 =	vlt.u32 v2, $0x1400;
	_ =	sdelay $0x5  }
0x18f: {  	[tilespmem:v2+s14+$0x0] =	vst.idx.add.f32.msk vm13, v1  }
0x190: {  	v2 =	vld [tilespmem:s17+$0xFFFFFFF0];
	_ =	sdelay $0x4  }
0x191: {  	v2 =	vadd.s32 $0xFFFFEC00, v2  }
0x192: {  	vm14 =	vlt.u32 v2, $0x1400;
	_ =	sdelay $0x5  }
0x193: {  	[tilespmem:v2+s14+$0x0] =	vst.idx.add.f32.msk vm14, v1  }
0x194: {  	v2 =	vld [tilespmem:s17+$0x0];
	_ =	sdelay $0x4  }
0x195: {  	v2 =	vadd.s32 $0xFFFFEC00, v2  }
0x196: {  	vm15 =	vlt.u32 v2, $0x1400  }
0x197: {  	p1 =	sne.s32 s16, $0x33C0  }
.Ltmp11:
0x198: {  	_ = 	snop;
	(pc) =	sbr.rel @p1 .LBB2_24-.Ltmp11, $2  }
0x199: {  	_ =	sdelay $0x2  }
0x19a: {  	s16 =	sadd.s32 $0x400, s16;
	[tilespmem:v2+s14+$0x0] =	vst.idx.add.f32.msk vm15, v1  }
0x19b: {  	[tilespmem:s2], [sflag:$0x1] =	stream.linear.gather [hbm4b:s7+s2], $0xD00, $0x38;
	[tilespmem:$0x2100] =	vst v63  }
0x19c: {  	_ =	swait.ge [sflag:s13], $0xD00  }
0x19d: {  	[sflag:s13] =	ssyncset.done $0x0  }
0x19e: {  	s16 =	simm.s32 $0x3C0;
	[sflag:s13] =	ssyncadd.s32 $0xFFFFF300  }
.LBB2_26:
0x19f: {  	s17 =	sshra.s32 s16, $0x2  }
0x1a0: {  	v2 =	vld [tilespmem:s17+$0xFFFFFF90];
	_ =	sdelay $0x4  }
0x1a1: {  	v2 =	vadd.s32 $0xFFFFEC00, v2  }
0x1a2: {  	vm0 =	vlt.u32 v2, $0x1400;
	_ =	sdelay $0x5  }
0x1a3: {  	[tilespmem:v2+s14+$0x0] =	vst.idx.add.f32.msk vm0, v1  }
0x1a4: {  	v2 =	vld [tilespmem:s17+$0xFFFFFFA0];
	_ =	sdelay $0x4  }
0x1a5: {  	v2 =	vadd.s32 $0xFFFFEC00, v2  }
0x1a6: {  	vm9 =	vlt.u32 v2, $0x1400;
	_ =	sdelay $0x5  }
0x1a7: {  	[tilespmem:v2+s14+$0x0] =	vst.idx.add.f32.msk vm9, v1  }
0x1a8: {  	v2 =	vld [tilespmem:s17+$0xFFFFFFB0];
	_ =	sdelay $0x4  }
0x1a9: {  	v2 =	vadd.s32 $0xFFFFEC00, v2  }
0x1aa: {  	vm10 =	vlt.u32 v2, $0x1400;
	_ =	sdelay $0x5  }
0x1ab: {  	[tilespmem:v2+s14+$0x0] =	vst.idx.add.f32.msk vm10, v1  }
0x1ac: {  	v2 =	vld [tilespmem:s17+$0xFFFFFFC0];
	_ =	sdelay $0x4  }
0x1ad: {  	v2 =	vadd.s32 $0xFFFFEC00, v2  }
0x1ae: {  	vm11 =	vlt.u32 v2, $0x1400;
	_ =	sdelay $0x5  }
0x1af: {  	[tilespmem:v2+s14+$0x0] =	vst.idx.add.f32.msk vm11, v1  }
0x1b0: {  	v2 =	vld [tilespmem:s17+$0xFFFFFFD0];
	_ =	sdelay $0x4  }
0x1b1: {  	v2 =	vadd.s32 $0xFFFFEC00, v2  }
0x1b2: {  	vm12 =	vlt.u32 v2, $0x1400;
	_ =	sdelay $0x5  }
0x1b3: {  	[tilespmem:v2+s14+$0x0] =	vst.idx.add.f32.msk vm12, v1  }
0x1b4: {  	v2 =	vld [tilespmem:s17+$0xFFFFFFE0];
	_ =	sdelay $0x4  }
0x1b5: {  	v2 =	vadd.s32 $0xFFFFEC00, v2  }
0x1b6: {  	vm13 =	vlt.u32 v2, $0x1400;
	_ =	sdelay $0x5  }
0x1b7: {  	[tilespmem:v2+s14+$0x0] =	vst.idx.add.f32.msk vm13, v1  }
0x1b8: {  	v2 =	vld [tilespmem:s17+$0xFFFFFFF0];
	_ =	sdelay $0x4  }
0x1b9: {  	v2 =	vadd.s32 $0xFFFFEC00, v2  }
0x1ba: {  	vm14 =	vlt.u32 v2, $0x1400;
	_ =	sdelay $0x5  }
0x1bb: {  	[tilespmem:v2+s14+$0x0] =	vst.idx.add.f32.msk vm14, v1  }
0x1bc: {  	v2 =	vld [tilespmem:s17+$0x0];
	_ =	sdelay $0x4  }
0x1bd: {  	v2 =	vadd.s32 $0xFFFFEC00, v2  }
0x1be: {  	vm15 =	vlt.u32 v2, $0x1400  }
0x1bf: {  	p1 =	sne.s32 s16, $0x33C0  }
.Ltmp12:
0x1c0: {  	_ = 	snop;
	(pc) =	sbr.rel @p1 .LBB2_26-.Ltmp12, $2  }
0x1c1: {  	_ =	sdelay $0x2  }
0x1c2: {  	s16 =	sadd.s32 $0x400, s16;
	[tilespmem:v2+s14+$0x0] =	vst.idx.add.f32.msk vm15, v1  }
0x1c3: {  	[tilespmem:s2], [sflag:$0x1] =	stream.linear.gather [hbm4b:s8+s2], $0xD00, $0x38;
	[tilespmem:$0x2100] =	vst v63  }
0x1c4: {  	_ =	swait.ge [sflag:s13], $0xD00  }
0x1c5: {  	[sflag:s13] =	ssyncset.done $0x0  }
0x1c6: {  	s16 =	simm.s32 $0x3C0;
	[sflag:s13] =	ssyncadd.s32 $0xFFFFF300  }
.LBB2_28:
0x1c7: {  	s17 =	sshra.s32 s16, $0x2  }
0x1c8: {  	v2 =	vld [tilespmem:s17+$0xFFFFFF90];
	_ =	sdelay $0x4  }
0x1c9: {  	v2 =	vadd.s32 $0xFFFFEC00, v2  }
0x1ca: {  	vm0 =	vlt.u32 v2, $0x1400;
	_ =	sdelay $0x5  }
0x1cb: {  	[tilespmem:v2+s14+$0x0] =	vst.idx.add.f32.msk vm0, v1  }
0x1cc: {  	v2 =	vld [tilespmem:s17+$0xFFFFFFA0];
	_ =	sdelay $0x4  }
0x1cd: {  	v2 =	vadd.s32 $0xFFFFEC00, v2  }
0x1ce: {  	vm9 =	vlt.u32 v2, $0x1400;
	_ =	sdelay $0x5  }
0x1cf: {  	[tilespmem:v2+s14+$0x0] =	vst.idx.add.f32.msk vm9, v1  }
0x1d0: {  	v2 =	vld [tilespmem:s17+$0xFFFFFFB0];
	_ =	sdelay $0x4  }
0x1d1: {  	v2 =	vadd.s32 $0xFFFFEC00, v2  }
0x1d2: {  	vm10 =	vlt.u32 v2, $0x1400;
	_ =	sdelay $0x5  }
0x1d3: {  	[tilespmem:v2+s14+$0x0] =	vst.idx.add.f32.msk vm10, v1  }
0x1d4: {  	v2 =	vld [tilespmem:s17+$0xFFFFFFC0];
	_ =	sdelay $0x4  }
0x1d5: {  	v2 =	vadd.s32 $0xFFFFEC00, v2  }
0x1d6: {  	vm11 =	vlt.u32 v2, $0x1400;
	_ =	sdelay $0x5  }
0x1d7: {  	[tilespmem:v2+s14+$0x0] =	vst.idx.add.f32.msk vm11, v1  }
0x1d8: {  	v2 =	vld [tilespmem:s17+$0xFFFFFFD0];
	_ =	sdelay $0x4  }
0x1d9: {  	v2 =	vadd.s32 $0xFFFFEC00, v2  }
0x1da: {  	vm12 =	vlt.u32 v2, $0x1400;
	_ =	sdelay $0x5  }
0x1db: {  	[tilespmem:v2+s14+$0x0] =	vst.idx.add.f32.msk vm12, v1  }
0x1dc: {  	v2 =	vld [tilespmem:s17+$0xFFFFFFE0];
	_ =	sdelay $0x4  }
0x1dd: {  	v2 =	vadd.s32 $0xFFFFEC00, v2  }
0x1de: {  	vm13 =	vlt.u32 v2, $0x1400;
	_ =	sdelay $0x5  }
0x1df: {  	[tilespmem:v2+s14+$0x0] =	vst.idx.add.f32.msk vm13, v1  }
0x1e0: {  	v2 =	vld [tilespmem:s17+$0xFFFFFFF0];
	_ =	sdelay $0x4  }
0x1e1: {  	v2 =	vadd.s32 $0xFFFFEC00, v2  }
0x1e2: {  	vm14 =	vlt.u32 v2, $0x1400;
	_ =	sdelay $0x5  }
0x1e3: {  	[tilespmem:v2+s14+$0x0] =	vst.idx.add.f32.msk vm14, v1  }
0x1e4: {  	v2 =	vld [tilespmem:s17+$0x0];
	_ =	sdelay $0x4  }
0x1e5: {  	v2 =	vadd.s32 $0xFFFFEC00, v2  }
0x1e6: {  	vm15 =	vlt.u32 v2, $0x1400  }
0x1e7: {  	p1 =	sne.s32 s16, $0x33C0  }
.Ltmp13:
0x1e8: {  	_ = 	snop;
	(pc) =	sbr.rel @p1 .LBB2_28-.Ltmp13, $2  }
0x1e9: {  	_ =	sdelay $0x2  }
0x1ea: {  	s16 =	sadd.s32 $0x400, s16;
	[tilespmem:v2+s14+$0x0] =	vst.idx.add.f32.msk vm15, v1  }
0x1eb: {  	s16 =	simm.s32 @!p0 $0x0  }
0x1ec: {  	[tilespmem:s16], [sflag:$0x1] =	stream.linear.gather @!p0 [hbm4b:s9+s16], $0x100, $0x38;
	[tilespmem:$0x2100] =	vst v63  }
0x1ed: {  	s16 =	simm.s32 @!p0 $0x1  }
0x1ee: {  	_ =	swait.ge @!p0 [sflag:s16], $0x100  }
0x1ef: {  	[sflag:s16] =	ssyncset.done @!p0 $0x0  }
0x1f0: {  	[sflag:s16] =	ssyncadd.s32 @!p0 $0xFFFFFF00  }
0x1f1: {  	v2 =	vld @!p0 [tilespmem:$0x80];
	_ =	sdelay $0x4  }
0x1f2: {  	v2 =	vadd.s32 @!p0 $0xFFFFEC00, v2  }
0x1f3: {  	vm0 =	vlt.u32 @!p0 v2, $0x1400;
	_ =	sdelay $0x4  }
0x1f4: {  	v3 =	vimm.f32 @!p0 $1.000000000e+00;
	s16 =	simm.s32 @!p0 $0xD00  }
0x1f5: {  	[tilespmem:v2+s16+$0x0] =	vst.idx.add.f32.msk @!p0 vm0, v3  }
0x1f6: {  	v2 =	vld @!p0 [tilespmem:$0x90];
	_ =	sdelay $0x4  }
0x1f7: {  	v2 =	vadd.s32 @!p0 $0xFFFFEC00, v2  }
0x1f8: {  	vm0 =	vlt.u32 @!p0 v2, $0x1400;
	_ =	sdelay $0x5  }
0x1f9: {  	[tilespmem:v2+s16+$0x0] =	vst.idx.add.f32.msk @!p0 vm0, v3  }
0x1fa: {  	v2 =	vld @!p0 [tilespmem:$0xA0];
	_ =	sdelay $0x4  }
0x1fb: {  	v2 =	vadd.s32 @!p0 $0xFFFFEC00, v2  }
0x1fc: {  	vm0 =	vlt.u32 @!p0 v2, $0x1400;
	_ =	sdelay $0x5  }
0x1fd: {  	[tilespmem:v2+s16+$0x0] =	vst.idx.add.f32.msk @!p0 vm0, v3  }
0x1fe: {  	v2 =	vld @!p0 [tilespmem:$0xB0];
	_ =	sdelay $0x4  }
0x1ff: {  	v2 =	vadd.s32 @!p0 $0xFFFFEC00, v2  }
0x200: {  	vm0 =	vlt.u32 @!p0 v2, $0x1400;
	_ =	sdelay $0x5  }
0x201: {  	[tilespmem:v2+s16+$0x0] =	vst.idx.add.f32.msk @!p0 vm0, v3  }
0x202: {  	v2 =	vld @!p0 [tilespmem:$0xC0];
	_ =	sdelay $0x4  }
0x203: {  	v2 =	vadd.s32 @!p0 $0xFFFFEC00, v2  }
0x204: {  	vm0 =	vlt.u32 @!p0 v2, $0x1400;
	_ =	sdelay $0x5  }
0x205: {  	[tilespmem:v2+s16+$0x0] =	vst.idx.add.f32.msk @!p0 vm0, v3  }
0x206: {  	v2 =	vld @!p0 [tilespmem:$0xD0];
	_ =	sdelay $0x4  }
0x207: {  	v2 =	vadd.s32 @!p0 $0xFFFFEC00, v2  }
0x208: {  	vm0 =	vlt.u32 @!p0 v2, $0x1400;
	_ =	sdelay $0x5  }
0x209: {  	[tilespmem:v2+s16+$0x0] =	vst.idx.add.f32.msk @!p0 vm0, v3  }
0x20a: {  	v2 =	vld @!p0 [tilespmem:$0xE0];
	_ =	sdelay $0x4  }
0x20b: {  	v2 =	vadd.s32 @!p0 $0xFFFFEC00, v2  }
0x20c: {  	vm0 =	vlt.u32 @!p0 v2, $0x1400;
	_ =	sdelay $0x5  }
0x20d: {  	[tilespmem:v2+s16+$0x0] =	vst.idx.add.f32.msk @!p0 vm0, v3  }
0x20e: {  	v2 =	vld @!p0 [tilespmem:$0xF0];
	_ =	sdelay $0x4  }
0x20f: {  	v2 =	vadd.s32 @!p0 $0xFFFFEC00, v2  }
0x210: {  	vm0 =	vlt.u32 @!p0 v2, $0x1400;
	_ =	sdelay $0x3  }
0x211: {  	s15 =	sadd.s32 $0x1, s15  }
0x212: {  	p1 =	sne.s32 s15, s12  }
.Ltmp14:
0x213: {  	[tilespmem:v2+s16+$0x0] =	vst.idx.add.f32.msk @!p0 vm0, v3;
	(pc) =	sbr.rel @p1 .LBB2_1-.Ltmp14, $4  }
0x214: {  	[hbm4b:s11+s2] =	stream.linear.scatter [tilespmem:s14], [sflag:$0x1], $0x1400, $0x38;
	[tilespmem:$0x2100] =	vst v63  }
0x215: {  	_ =	swait.ge [sflag:s13], $0x1400  }
0x216: {  	[sflag:s13] =	ssyncset.done $0x0  }
0x217: {  	[sflag:s13] =	ssyncadd.s32 $0xFFFFEC00  }
0x218: {  	_ =	sfence.sel $0x180000  }
0x219: {  	[bflag:$0x0] =	sbarrier.arrive $0xFFFF  }
0x21a: {  	p0 =	sne.s32 s0, $0x0;
	_ =	strace $0x90000047  }
0x21b: {  	s0 =	sadd.s32 @!p0 $0x100000, s1;
	[bflag:$0x2] =	sbarrier.arrive $0xFFFF  }
0x21c: {  	[sflag:s0] =	ssyncadd.tile.s32 @!p0 $0x1;
	_ =	shalt  }
.Lfunc_end2:
_tile_overlayer_lowered:
.L_overlay_start_2:
0x21d: {  	(tag) =	ssettag $0x2  }
0x21e: {  	s0 =	rddreg [dreg:$0x0];
	s2 =	stileid.u32  }
0x21f: {  	s1 =	rddreg [dreg:$0x1];
	p0 =	sne.s32 s2, $0x0  }
0x220: {  	s3 =	rddreg [dreg:$0x2];
	[bflag:$0x3] =	sbarrier.arrive $0xFFFF;
	s2 =	simm.s32 @!p0 $0x1C01  }
0x221: {  	[timem:s3], [sflag:s2] =	dma.local @!p0 [hbm:s0], s1  }
0x222: {  	s0 =	simm.s32 @!p0 $0x1  }
0x223: {  	_ =	swait.ge @!p0 [sflag:s0], s1  }
0x224: {  	s1 =	ssub.s32 @!p0 $0x0, s1;
	[sflag:s0] =	ssyncset.done @!p0 $0x0  }
0x225: {  	[sflag:s0] =	ssyncadd.s32 @!p0 s1  }
0x226: {  	[bflag:$0x3] =	sbarrier.arrive $0xFFFF  }
0x227: {  	_ =	shalt  }

</sc_bundles>
